<compile_context>
chip_gen: v7x
topology: tpu7x:2x2x1
jax: 0.10.2.dev20260603
libtpu: 0.0.44.dev20260713+nightly
codegen_flags: <defaults>
</compile_context>

<pallas_src>
import functools

import jax
import jax.numpy as jnp
from jax import lax
from jax.experimental import pallas as pl
from jax.experimental.pallas import tpu as pltpu
from jax.experimental.pallas import tpu_sc as plsc

H, W = 2048, 2048
N = H * W
K = N // 4
JMAX = N - 1

NC, NS, LANES = 2, 16, 16
NW = NC * NS
PER_W = N // NW
ROWS_W = PER_W // W
CH = 16384
CHR = CH // W
VPR = W // LANES
NCHUNK = PER_W // CH
NPAIR = NCHUNK // 2

NB = 4096
NB5 = 16

ROWS_BLK = 128
GRID = H // ROWS_BLK

_f32 = jnp.float32
_i32 = jnp.int32


def _t1_body(x_ref, s_ref):
    @pl.when(pl.program_id(0) == 0)
    def _():
        s_ref[0, 0] = 0.0

    s_ref[0, 0] += jnp.sum(jax.nn.sigmoid(5.0 * x_ref[...]))


def _t1(logits):
    return pl.pallas_call(
        _t1_body,
        grid=(GRID,),
        in_specs=[pl.BlockSpec((ROWS_BLK, W), lambda i: (i, 0))],
        out_specs=pl.BlockSpec((1, 1), lambda i: (0, 0),
                               memory_space=pltpu.MemorySpace.SMEM),
        out_shape=jax.ShapeDtypeStruct((1, 1), _f32),
    )(logits)


def _t2_body(l_ref, t_ref, s_ref, renorm_ref, key_ref):
    xbar = s_ref[0, 0] * (1.0 / N)
    sparsity = jnp.float32(K / N)
    r = sparsity / xbar
    beta = (1.0 - sparsity) / (1.0 - xbar)
    prob = jax.nn.sigmoid(5.0 * l_ref[...])
    renorm = jnp.where(r <= 1.0, prob * r, 1.0 - (1.0 - prob) * beta)
    renorm_ref[...] = renorm
    sm = jax.nn.sigmoid(12.0 * (renorm - t_ref[...]))
    key_ref[...] = lax.bitcast_convert_type(sm, _i32)


def _t2(logits, thresh, xsum):
    return pl.pallas_call(
        _t2_body,
        grid=(GRID,),
        in_specs=[
            pl.BlockSpec((ROWS_BLK, W), lambda i: (i, 0)),
            pl.BlockSpec((ROWS_BLK, W), lambda i: (i, 0)),
            pl.BlockSpec((1, 1), lambda i: (0, 0),
                         memory_space=pltpu.MemorySpace.SMEM),
        ],
        out_specs=[
            pl.BlockSpec((ROWS_BLK, W), lambda i: (i, 0)),
            pl.BlockSpec((ROWS_BLK, W), lambda i: (i, 0)),
        ],
        out_shape=[
            jax.ShapeDtypeStruct((H, W), _f32),
            jax.ShapeDtypeStruct((H, W), _i32),
        ],
    )(logits, thresh, xsum)


def _sc_level(level, nb):
    mesh = plsc.VectorSubcoreMesh(core_axis_name="c", subcore_axis_name="s")

    def body(*args):
        if level == 1:
            keys_hbm, hist_hbm, kbuf0, kbuf1, hist, red, sem0, sem1 = args
            sbuf = None
        else:
            (keys_hbm, state_hbm, hist_hbm, kbuf0, kbuf1, sbuf, hist, red,
             sem0, sem1) = args
        wid = lax.axis_index("s") * NC + lax.axis_index("c")
        base = wid * PER_W
        lane = lax.iota(_i32, LANES)
        ones = jnp.ones((LANES,), _i32)

        if level > 1:
            pltpu.sync_copy(state_hbm, sbuf)
            sv = sbuf[pl.ds(0, LANES)]
            p1 = sv[0]
            p2 = sv[1]
            p3 = sv[2]
            p4 = sv[3]
            q2 = (p1 << 12) | p2
            v_full = (q2 << 6) | (p3 >> 6)
            j18 = ((p3 & 0x3F) << 12) | p4

        @plsc.parallel_loop(0, (LANES * nb) // LANES, unroll=8)
        def zero_body(i):
            hist[pl.ds(i * LANES, LANES)] = jnp.zeros((LANES,), _i32)

        lane_nb = lane * nb
        jconst = (JMAX - base) - lane

        def process(cbuf, c):
            @plsc.parallel_loop(0, CH // LANES, unroll=8)
            def vec_body(v):
                kv = cbuf[v // VPR, pl.ds((v % VPR) * LANES, LANES)]
                jdx = jconst - (c * CH + v * LANES)
                if level == 1:
                    bucket = kv >> 18
                    pred = None
                elif level == 2:
                    bucket = (kv >> 6) & 0xFFF
                    pred = (kv >> 18) == p1
                elif level == 3:
                    bucket = ((kv & 0x3F) << 6) | (jdx >> 16)
                    pred = (kv >> 6) == q2
                elif level == 4:
                    bucket = (jdx >> 4) & 0xFFF
                    pred = (kv == v_full) & ((jdx >> 16) == (p3 & 0x3F))
                else:
                    bucket = jdx & 0xF
                    pred = (kv == v_full) & ((jdx >> 4) == j18)
                plsc.addupdate_scatter(hist, [lane_nb + bucket], ones,
                                       mask=pred)

        rbase = wid * ROWS_W
        pltpu.async_copy(keys_hbm.at[pl.ds(rbase, CHR)], kbuf0, sem0)

        def pair_body(p, _):
            c0 = p * 2
            pltpu.async_copy(
                keys_hbm.at[pl.ds(rbase + (c0 + 1) * CHR, CHR)], kbuf1, sem1)
            pltpu.make_async_copy(
                keys_hbm.at[pl.ds(rbase + c0 * CHR, CHR)], kbuf0, sem0).wait()
            process(kbuf0, c0)

            @pl.when(p + 1 < NPAIR)
            def _():
                pltpu.async_copy(
                    keys_hbm.at[pl.ds(rbase + (c0 + 2) * CHR, CHR)], kbuf0,
                    sem0)

            pltpu.make_async_copy(
                keys_hbm.at[pl.ds(rbase + (c0 + 1) * CHR, CHR)], kbuf1,
                sem1).wait()
            process(kbuf1, c0 + 1)
            return 0

        lax.fori_loop(0, NPAIR, pair_body, 0)

        @plsc.parallel_loop(0, nb // LANES, unroll=2)
        def red_body(g):
            acc = hist[pl.ds(g * LANES, LANES)]
            for l in range(1, LANES):
                acc = acc + hist[pl.ds(l * nb + g * LANES, LANES)]
            red[0, pl.ds(g * LANES, LANES)] = acc
        pltpu.sync_copy(red, hist_hbm.at[pl.ds(wid, 1)])

    scratch = [
        pltpu.VMEM((CHR, W), _i32),
        pltpu.VMEM((CHR, W), _i32),
        pltpu.VMEM((LANES * nb,), _i32),
        pltpu.VMEM((1, nb), _i32),
        pltpu.SemaphoreType.DMA,
        pltpu.SemaphoreType.DMA,
    ]
    if level > 1:
        scratch.insert(2, pltpu.VMEM((128,), _i32))
    return pl.kernel(
        body,
        out_type=jax.ShapeDtypeStruct((NW, nb), _i32),
        mesh=mesh,
        scratch_types=scratch,
        compiler_params=pltpu.CompilerParams(needs_layout_passes=False,
                                             disable_bounds_checks=True),
    )


def _merge_body(slot, bits, nb, is_l3, hist_ref, sin_ref, sout_ref):
    krem = sin_ref[5]
    acc = jnp.sum(hist_ref[...], axis=0, keepdims=True)
    bid = lax.broadcasted_iota(_i32, (1, nb), 1)
    cand = jnp.int32(0)
    for bit in reversed(range(bits)):
        t = cand | (1 << bit)
        c = jnp.sum(jnp.where(bid >= t, acc, 0))
        cand = jnp.where(c >= krem, t, cand)
    gt = jnp.sum(jnp.where(bid > cand, acc, 0))
    krem_new = krem - gt
    for j in range(8):
        sout_ref[j] = sin_ref[j]
    sout_ref[slot] = cand
    sout_ref[5] = krem_new
    if is_l3:
        e_cnt = jnp.sum(jnp.where(bid == cand, acc, 0))
        sout_ref[3] = 0
        sout_ref[4] = 0
        sout_ref[7] = (e_cnt > krem_new).astype(_i32)


def _merge(hist, state, slot, bits, nb, is_l3=False):
    return pl.pallas_call(
        functools.partial(_merge_body, slot, bits, nb, is_l3),
        in_specs=[
            pl.BlockSpec(memory_space=pltpu.MemorySpace.VMEM),
            pl.BlockSpec(memory_space=pltpu.MemorySpace.SMEM),
        ],
        out_specs=pl.BlockSpec(memory_space=pltpu.MemorySpace.SMEM),
        out_shape=jax.ShapeDtypeStruct((128,), _i32),
    )(hist, state)


def _t3_body(k_ref, s_ref, o_ref):
    p1 = s_ref[0]
    p2 = s_ref[1]
    p3 = s_ref[2]
    p4 = s_ref[3]
    p5 = s_ref[4]
    v_full = (((p1 << 12) | p2) << 6) | (p3 >> 6)
    j_thr = ((p3 & 0x3F) << 16) | (p4 << 4) | p5
    i0 = pl.program_id(0)
    r = lax.broadcasted_iota(_i32, (ROWS_BLK, W), 0) + i0 * ROWS_BLK
    c = lax.broadcasted_iota(_i32, (ROWS_BLK, W), 1)
    jdx = JMAX - (r * W + c)
    kv = k_ref[...]
    sel = (kv > v_full) | ((kv == v_full) & (jdx >= j_thr))
    o_ref[...] = sel.astype(_f32)


def _t3(keys2d, state):
    return pl.pallas_call(
        _t3_body,
        grid=(GRID,),
        in_specs=[
            pl.BlockSpec((ROWS_BLK, W), lambda i: (i, 0)),
            pl.BlockSpec((128,), lambda i: (0,),
                         memory_space=pltpu.MemorySpace.SMEM),
        ],
        out_specs=pl.BlockSpec((ROWS_BLK, W), lambda i: (i, 0)),
        out_shape=jax.ShapeDtypeStruct((H, W), _f32),
    )(keys2d, state)


@functools.lru_cache(maxsize=None)
def _sc(level, nb):
    return _sc_level(level, nb)


def kernel(x, prob_mask_logits, thresh):
    del x
    xsum = _t1(prob_mask_logits)
    renorm, keys2d = _t2(prob_mask_logits, thresh, xsum)

    state0 = jnp.zeros((128,), _i32).at[5].set(K)
    s1 = _merge(_sc(1, NB)(keys2d), state0, slot=0, bits=12, nb=NB)
    s2 = _merge(_sc(2, NB)(keys2d, s1), s1, slot=1, bits=12, nb=NB)
    s3 = _merge(_sc(3, NB)(keys2d, s2), s2, slot=2, bits=12, nb=NB,
                is_l3=True)

    def tie_path(args):
        kf, s = args
        s4 = _merge(_sc(4, NB)(kf, s), s, slot=3, bits=12, nb=NB)
        s5 = _merge(_sc(5, NB5)(kf, s4), s4, slot=4, bits=4, nb=NB5)
        return s5

    sfin = lax.cond(s3[7] > 0, tie_path, lambda a: a[1], (keys2d, s3))
    hard = _t3(keys2d, sfin)
    return hard, renorm

# --- scband reference (transcript-rebuilt; emitter-appended) ---
"""Pipeline reference for scband-create-sample-matrix-3470333575907 (READ-ONLY COPY).

The authoritative reference and input builder live on the scoring server;
editing this copy changes nothing except your own understanding.
"""

import jax, jax.numpy as jnp
import numpy as np

H, W = 2048, 2048
COMP = 4
MUX_OUT = (H * W) // COMP
SPARSITY = MUX_OUT / float(H * W)


def setup_inputs(seed: int = 0) -> dict:
    key = jax.random.key(seed)
    k1, k2, k3 = jax.random.split(key, 3)
    # x is the layer's nominal input tensor (unused by the computation, as in the original call())
    x = jax.random.normal(k1, (1, H, W, 1), dtype=jnp.float32)
    # prob_mask_logits stands in for the hdf5-loaded 'logit_weights' parameter
    prob_mask_logits = jax.random.normal(k2, (H, W), dtype=jnp.float32)
    # thresh stands in for np.random.uniform(0,1,(H,W)) drawn inside call()
    thresh = jax.random.uniform(k3, (H, W), dtype=jnp.float32)
    return {"x": x, "prob_mask_logits": prob_mask_logits, "thresh": thresh}


def reference(x, prob_mask_logits, thresh):
    # prob_mask = sigmoid(5 * logits)
    prob_mask = jax.nn.sigmoid(5.0 * prob_mask_logits)
    xbar = jnp.mean(prob_mask)
    r = SPARSITY / xbar
    beta = (1.0 - SPARSITY) / (1.0 - xbar)
    # renormMask = prob_mask * r if r <= 1 else 1 - (1 - prob_mask) * beta
    renorm_mask = jnp.where(r <= 1.0, prob_mask * r, 1.0 - (1.0 - prob_mask) * beta)
    sample_mask = jax.nn.sigmoid(12.0 * (renorm_mask - thresh))
    # largest_indices: top mux_out entries of the flattened sampleMask
    flat = sample_mask.reshape(-1)
    _, top_idx = jax.lax.top_k(flat, MUX_OUT)
    hard_samples = jnp.zeros((H * W,), dtype=prob_mask.dtype).at[top_idx].set(1.0)
    hard_samples = hard_samples.reshape(H, W)
    return (hard_samples, renorm_mask)

if __name__ == "__main__":
    import jax
    _d = setup_inputs()
    print(jax.jit(kernel)(*tuple(_d.values())))

</pallas_src>

<mosaic_0001>
#map = affine_map<(d0, d1) -> (0, 0)>
#map1 = affine_map<(d0, d1) -> (0)>
module attributes {stable_mosaic.version = 14 : i64} {
  func.func @body(%arg0: i32, %arg1: i32, %arg2: memref<2048x2048xi32, #tpu.memory_space<hbm>>, %arg3: memref<128xi32, #tpu.memory_space<hbm>>, %arg4: memref<32x4096xi32, #tpu.memory_space<hbm>>, %arg5: memref<8x2048xi32, #tpu.memory_space<vmem>>, %arg6: memref<8x2048xi32, #tpu.memory_space<vmem>>, %arg7: memref<128xi32, #tpu.memory_space<vmem>>, %arg8: memref<65536xi32, #tpu.memory_space<vmem>>, %arg9: memref<1x4096xi32, #tpu.memory_space<vmem>>, %arg10: memref<!tpu.dma_semaphore, #tpu.memory_space<semaphore_mem>>, %arg11: memref<!tpu.dma_semaphore, #tpu.memory_space<semaphore_mem>>) attributes {dimension_semantics = [#tpu.dimension_semantics<core_parallel>, #tpu.dimension_semantics<subcore_parallel>], iteration_bounds = array<i64: 2, 16>, scalar_prefetch = 0 : i64, scratch_operands = 7 : i64, tpu.core_type = #tpu.core_type<sc_vector_subcore>, window_params = [{transform_indices = #map}, {transform_indices = #map1}, {transform_indices = #map}]} {
    %mul3A = arith.constant 2 : i32
    %mul3A_0 = arith.muli %arg1, %mul3A : i32
    %add3A = arith.addi %mul3A_0, %arg0 : i32
    %mul3A_1 = arith.constant 131072 : i32
    %mul3A_2 = arith.muli %add3A, %mul3A_1 : i32
    %iota3A = tpu.iota {dimensions = array<i32: 0>} : vector<16xi32>
    %broadcast_in_dim3A = arith.constant 1 : i32
    %broadcast_in_dim3A_3 = vector.broadcast %broadcast_in_dim3A : i32 to vector<16xi32>
    "tpu.region"() ({
      %run_scoped3A = tpu.sem_alloc : memref<!tpu.dma_semaphore, #tpu.memory_space<semaphore_mem>>
      tpu.enqueue_dma source(%arg3 : memref<128xi32, #tpu.memory_space<hbm>>) target(%arg7 : memref<128xi32, #tpu.memory_space<vmem>>) target_semaphore(%run_scoped3A : memref<!tpu.dma_semaphore, #tpu.memory_space<semaphore_mem>>)
      tpu.wait_dma2 semaphore(%run_scoped3A : memref<!tpu.dma_semaphore, #tpu.memory_space<semaphore_mem>>) src(%arg3 : memref<128xi32, #tpu.memory_space<hbm>>) dst(%arg7 : memref<128xi32, #tpu.memory_space<vmem>>)
      tpu.yield
    }) : () -> ()
    %get3A = arith.constant 0 : index
    %get3A_4 = tpu.vector_load %arg7[%get3A] {strides = array<i32>} : memref<128xi32, #tpu.memory_space<vmem>>, vector<16xi32>,
    %slice3A = vector.extract_strided_slice %get3A_4 {offsets = [0], sizes = [1], strides = [1]} : vector<16xi32> to vector<1xi32>
    %squeeze3A = vector.extract %slice3A[0] : i32 from vector<1xi32>
    %slice3A_5 = vector.extract_strided_slice %get3A_4 {offsets = [1], sizes = [1], strides = [1]} : vector<16xi32> to vector<1xi32>
    %squeeze3A_6 = vector.extract %slice3A_5[0] : i32 from vector<1xi32>
    %slice3A_7 = vector.extract_strided_slice %get3A_4 {offsets = [2], sizes = [1], strides = [1]} : vector<16xi32> to vector<1xi32>
    %squeeze3A_8 = vector.extract %slice3A_7[0] : i32 from vector<1xi32>
    %slice3A_9 = vector.extract_strided_slice %get3A_4 {offsets = [3], sizes = [1], strides = [1]} : vector<16xi32> to vector<1xi32>
    %squeeze3A_10 = vector.extract %slice3A_9[0] : i32 from vector<1xi32>
    %shift_left3A = arith.constant 12 : i32
    %shift_left3A_11 = arith.shli %squeeze3A, %shift_left3A : i32
    %or3A = arith.ori %shift_left3A_11, %squeeze3A_6 : i32
    %shift_left3A_12 = arith.constant 6 : i32
    %shift_left3A_13 = arith.shli %or3A, %shift_left3A_12 : i32
    %shift_right_arithmetic3A = arith.constant 6 : i32
    %shift_right_arithmetic3A_14 = arith.shrsi %squeeze3A_8, %shift_right_arithmetic3A : i32
    %or3A_15 = arith.ori %shift_left3A_13, %shift_right_arithmetic3A_14 : i32
    %and3A = arith.constant 63 : i32
    %and3A_16 = arith.andi %squeeze3A_8, %and3A : i32
    %shift_left3A_17 = arith.constant 12 : i32
    %shift_left3A_18 = arith.shli %and3A_16, %shift_left3A_17 : i32
    %or3A_19 = arith.ori %shift_left3A_18, %squeeze3A_10 : i32
    %parallel_loop3A = arith.constant 0 : i32
    %parallel_loop3A_20 = arith.constant 4096 : i32
    %parallel_loop3A_21 = arith.constant 1 : i32
    scf.for %parallel_loop3A_42 = %parallel_loop3A to %parallel_loop3A_20 step %parallel_loop3A_21  : i32 {
      %parallel_loop3A_43 = arith.constant 0 : i32
      %parallel_loop3A_44 = vector.broadcast %parallel_loop3A_43 : i32 to vector<16xi32>
      %parallel_loop3A_45 = arith.constant 16 : i32
      %parallel_loop3A_46 = arith.muli %parallel_loop3A_42, %parallel_loop3A_45 : i32
      %parallel_loop3A_47 = arith.index_cast %parallel_loop3A_46 : i32 to index
      %parallel_loop3A_48 = tpu.vector_load %arg8[%parallel_loop3A_47] {strides = array<i32>} : memref<65536xi32, #tpu.memory_space<vmem>>, vector<16xi32>,
      tpu.vector_store %arg8[%parallel_loop3A_47], %parallel_loop3A_44 {strides = array<i32>} : memref<65536xi32, #tpu.memory_space<vmem>>, vector<16xi32>,
    } {sc.loop_unroll_factor = 8 : i64, sc.parallel_access}
    %mul3A_22 = arith.constant 4096 : i32
    %mul3A_23 = vector.broadcast %mul3A_22 : i32 to vector<16xi32>
    %mul3A_24 = arith.muli %iota3A, %mul3A_23 : vector<16xi32>
    %sub3A = arith.constant 4194303 : i32
    %sub3A_25 = arith.subi %sub3A, %mul3A_2 : i32
    %sub3A_26 = vector.broadcast %sub3A_25 : i32 to vector<16xi32>
    %sub3A_27 = arith.subi %sub3A_26, %iota3A : vector<16xi32>
    %mul3A_28 = arith.constant 64 : i32
    %mul3A_29 = arith.muli %add3A, %mul3A_28 : i32
    %dma_start3A = arith.constant 0 : i32
    %dma_start3A_30 = tpu.memref_slice %arg2[%mul3A_29, %dma_start3A] : memref<2048x2048xi32, #tpu.memory_space<hbm>> -> memref<8x2048xi32, #tpu.memory_space<hbm>>
    %dma_start3A_31 = arith.constant 0 : i32
    %dma_start3A_32 = tpu.memref_slice %arg2[%mul3A_29, %dma_start3A_31] : memref<2048x2048xi32, #tpu.memory_space<hbm>> -> memref<8x2048xi32, #tpu.memory_space<hbm>>
    tpu.enqueue_dma source(%dma_start3A_32 : memref<8x2048xi32, #tpu.memory_space<hbm>>) target(%arg5 : memref<8x2048xi32, #tpu.memory_space<vmem>>) target_semaphore(%arg10 : memref<!tpu.dma_semaphore, #tpu.memory_space<semaphore_mem>>)
    %scan3A = arith.constant 0 : i32
    %scan3A_33 = arith.constant 0 : i32
    %scan3A_34 = arith.constant 4 : i32
    %scan3A_35 = arith.addi %scan3A_33, %scan3A_34 : i32
    %scan3A_36 = arith.constant 1 : i32
    %scan3A_37 = scf.for %scan3A_42 = %scan3A_33 to %scan3A_35 step %scan3A_36 iter_args(%scan3A_43 = %scan3A) -> (i32)  : i32 {
      %mul3A_44 = arith.constant 2 : i32
      %mul3A_45 = arith.muli %scan3A_42, %mul3A_44 : i32
      %add3A_46 = arith.constant 1 : i32
      %add3A_47 = arith.addi %mul3A_45, %add3A_46 : i32
      %mul3A_48 = arith.constant 8 : i32
      %mul3A_49 = arith.muli %add3A_47, %mul3A_48 : i32
      %add3A_50 = arith.addi %mul3A_29, %mul3A_49 : i32
      %dma_start3A_51 = arith.constant 0 : i32
      %dma_start3A_52 = tpu.memref_slice %arg2[%add3A_50, %dma_start3A_51] : memref<2048x2048xi32, #tpu.memory_space<hbm>> -> memref<8x2048xi32, #tpu.memory_space<hbm>>
      %dma_start3A_53 = arith.constant 0 : i32
      %dma_start3A_54 = tpu.memref_slice %arg2[%add3A_50, %dma_start3A_53] : memref<2048x2048xi32, #tpu.memory_space<hbm>> -> memref<8x2048xi32, #tpu.memory_space<hbm>>
      tpu.enqueue_dma source(%dma_start3A_54 : memref<8x2048xi32, #tpu.memory_space<hbm>>) target(%arg6 : memref<8x2048xi32, #tpu.memory_space<vmem>>) target_semaphore(%arg11 : memref<!tpu.dma_semaphore, #tpu.memory_space<semaphore_mem>>)
      %mul3A_55 = arith.constant 8 : i32
      %mul3A_56 = arith.muli %mul3A_45, %mul3A_55 : i32
      %add3A_57 = arith.addi %mul3A_29, %mul3A_56 : i32
      %dma_wait3A = arith.constant 0 : i32
      %dma_wait3A_58 = tpu.memref_slice %arg2[%add3A_57, %dma_wait3A] : memref<2048x2048xi32, #tpu.memory_space<hbm>> -> memref<8x2048xi32, #tpu.memory_space<hbm>>
      %dma_wait3A_59 = arith.constant 0 : i32
      %dma_wait3A_60 = tpu.memref_slice %arg2[%add3A_57, %dma_wait3A_59] : memref<2048x2048xi32, #tpu.memory_space<hbm>> -> memref<8x2048xi32, #tpu.memory_space<hbm>>
      tpu.wait_dma2 semaphore(%arg10 : memref<!tpu.dma_semaphore, #tpu.memory_space<semaphore_mem>>) src(%dma_wait3A_60 : memref<8x2048xi32, #tpu.memory_space<hbm>>) dst(%arg5 : memref<8x2048xi32, #tpu.memory_space<vmem>>)
      %parallel_loop3A_61 = arith.constant 0 : i32
      %parallel_loop3A_62 = arith.constant 1024 : i32
      %parallel_loop3A_63 = arith.constant 1 : i32
      scf.for %parallel_loop3A_83 = %parallel_loop3A_61 to %parallel_loop3A_62 step %parallel_loop3A_63  : i32 {
        %parallel_loop3A_84 = arith.constant 128 : i32
        %parallel_loop3A_85 = arith.divsi %parallel_loop3A_83, %parallel_loop3A_84 : i32
        %parallel_loop3A_86 = arith.constant 0 : i32
        %parallel_loop3A_87 = arith.cmpi sgt, %parallel_loop3A_83, %parallel_loop3A_86 : i32
        %parallel_loop3A_88 = arith.extui %parallel_loop3A_87 : i1 to i32
        %parallel_loop3A_89 = arith.constant 0 : i32
        %parallel_loop3A_90 = arith.cmpi slt, %parallel_loop3A_83, %parallel_loop3A_89 : i32
        %parallel_loop3A_91 = arith.extui %parallel_loop3A_90 : i1 to i32
        %parallel_loop3A_92 = arith.subi %parallel_loop3A_88, %parallel_loop3A_91 : i32
        %parallel_loop3A_93 = arith.constant 0 : i32
        %parallel_loop3A_94 = arith.cmpi sgt, %parallel_loop3A_84, %parallel_loop3A_93 : i32
        %parallel_loop3A_95 = arith.extui %parallel_loop3A_94 : i1 to i32
        %parallel_loop3A_96 = arith.constant 0 : i32
        %parallel_loop3A_97 = arith.cmpi slt, %parallel_loop3A_84, %parallel_loop3A_96 : i32
        %parallel_loop3A_98 = arith.extui %parallel_loop3A_97 : i1 to i32
        %parallel_loop3A_99 = arith.subi %parallel_loop3A_95, %parallel_loop3A_98 : i32
        %parallel_loop3A_100 = arith.cmpi ne, %parallel_loop3A_92, %parallel_loop3A_99 : i32
        %parallel_loop3A_101 = arith.remsi %parallel_loop3A_83, %parallel_loop3A_84 : i32
        %parallel_loop3A_102 = arith.constant 0 : i32
        %parallel_loop3A_103 = arith.cmpi ne, %parallel_loop3A_101, %parallel_loop3A_102 : i32
        %parallel_loop3A_104 = arith.andi %parallel_loop3A_100, %parallel_loop3A_103 : i1
        %parallel_loop3A_105 = arith.constant 1 : i32
        %parallel_loop3A_106 = arith.subi %parallel_loop3A_85, %parallel_loop3A_105 : i32
        %parallel_loop3A_107 = arith.select %parallel_loop3A_104, %parallel_loop3A_106, %parallel_loop3A_85 : i32
        %parallel_loop3A_108 = arith.constant 128 : i32
        %parallel_loop3A_109 = arith.constant 0 : i32
        %parallel_loop3A_110 = arith.cmpi eq, %parallel_loop3A_108, %parallel_loop3A_109 : i32
        %parallel_loop3A_111 = arith.constant 1 : i32
        %parallel_loop3A_112 = arith.select %parallel_loop3A_110, %parallel_loop3A_111, %parallel_loop3A_108 : i32
        %parallel_loop3A_113 = arith.remsi %parallel_loop3A_83, %parallel_loop3A_112 : i32
        %parallel_loop3A_114 = arith.constant 0 : i32
        %parallel_loop3A_115 = arith.cmpi ne, %parallel_loop3A_113, %parallel_loop3A_114 : i32
        %parallel_loop3A_116 = arith.constant 0 : i32
        %parallel_loop3A_117 = arith.cmpi slt, %parallel_loop3A_113, %parallel_loop3A_116 : i32
        %parallel_loop3A_118 = arith.constant 0 : i32
        %parallel_loop3A_119 = arith.cmpi slt, %parallel_loop3A_112, %parallel_loop3A_118 : i32
        %parallel_loop3A_120 = arith.xori %parallel_loop3A_117, %parallel_loop3A_119 : i1
        %parallel_loop3A_121 = arith.andi %parallel_loop3A_120, %parallel_loop3A_115 : i1
        %parallel_loop3A_122 = arith.addi %parallel_loop3A_113, %parallel_loop3A_112 : i32
        %parallel_loop3A_123 = arith.select %parallel_loop3A_121, %parallel_loop3A_122, %parallel_loop3A_113 : i32
        %parallel_loop3A_124 = arith.constant 16 : i32
        %parallel_loop3A_125 = arith.muli %parallel_loop3A_123, %parallel_loop3A_124 : i32
        %parallel_loop3A_126 = arith.index_cast %parallel_loop3A_107 : i32 to index
        %parallel_loop3A_127 = arith.index_cast %parallel_loop3A_125 : i32 to index
        %parallel_loop3A_128 = tpu.vector_load %arg5[%parallel_loop3A_126, %parallel_loop3A_127] {strides = array<i32>} : memref<8x2048xi32, #tpu.memory_space<vmem>>, vector<16xi32>,
        %parallel_loop3A_129 = arith.constant 16384 : i32
        %parallel_loop3A_130 = arith.muli %mul3A_45, %parallel_loop3A_129 : i32
        %parallel_loop3A_131 = arith.constant 16 : i32
        %parallel_loop3A_132 = arith.muli %parallel_loop3A_83, %parallel_loop3A_131 : i32
        %parallel_loop3A_133 = arith.addi %parallel_loop3A_130, %parallel_loop3A_132 : i32
        %parallel_loop3A_134 = vector.broadcast %parallel_loop3A_133 : i32 to vector<16xi32>
        %parallel_loop3A_135 = arith.subi %sub3A_27, %parallel_loop3A_134 : vector<16xi32>
        %parallel_loop3A_136 = arith.constant 6 : i32
        %parallel_loop3A_137 = vector.broadcast %parallel_loop3A_136 : i32 to vector<16xi32>
        %parallel_loop3A_138 = arith.shrsi %parallel_loop3A_128, %parallel_loop3A_137 : vector<16xi32>
        %parallel_loop3A_139 = arith.constant 4095 : i32
        %parallel_loop3A_140 = vector.broadcast %parallel_loop3A_139 : i32 to vector<16xi32>
        %parallel_loop3A_141 = arith.andi %parallel_loop3A_138, %parallel_loop3A_140 : vector<16xi32>
        %parallel_loop3A_142 = arith.constant 18 : i32
        %parallel_loop3A_143 = vector.broadcast %parallel_loop3A_142 : i32 to vector<16xi32>
        %parallel_loop3A_144 = arith.shrsi %parallel_loop3A_128, %parallel_loop3A_143 : vector<16xi32>
        %parallel_loop3A_145 = vector.broadcast %squeeze3A : i32 to vector<16xi32>
        %parallel_loop3A_146 = arith.cmpi eq, %parallel_loop3A_144, %parallel_loop3A_145 : vector<16xi32>
        %parallel_loop3A_147 = arith.addi %mul3A_24, %parallel_loop3A_141 : vector<16xi32>
        tpu.vector_store_idx %arg8[%parallel_loop3A_147], %broadcast_in_dim3A_3 masked %parallel_loop3A_146 {add = true} : memref<65536xi32, #tpu.memory_space<vmem>>[vector<16xi32>], vector<16xi32>, vector<16xi1>
      } {sc.loop_unroll_factor = 8 : i64, sc.parallel_access}
      %add3A_64 = arith.constant 1 : i32
      %add3A_65 = arith.addi %scan3A_42, %add3A_64 : i32
      %lt3A = arith.constant 4 : i32
      %lt3A_66 = arith.cmpi slt, %add3A_65, %lt3A : i32
      %convert_element_type3A = arith.extui %lt3A_66 : i1 to i32
      %cond3A = arith.constant 0 : i32
      %cond3A_67 = arith.cmpi ne, %convert_element_type3A, %cond3A : i32
      scf.if %cond3A_67 {
        %add3A_83 = arith.constant 2 : i32
        %add3A_84 = arith.addi %mul3A_45, %add3A_83 : i32
        %mul3A_85 = arith.constant 8 : i32
        %mul3A_86 = arith.muli %add3A_84, %mul3A_85 : i32
        %add3A_87 = arith.addi %mul3A_29, %mul3A_86 : i32
        %dma_start3A_88 = arith.constant 0 : i32
        %dma_start3A_89 = tpu.memref_slice %arg2[%add3A_87, %dma_start3A_88] : memref<2048x2048xi32, #tpu.memory_space<hbm>> -> memref<8x2048xi32, #tpu.memory_space<hbm>>
        %dma_start3A_90 = arith.constant 0 : i32
        %dma_start3A_91 = tpu.memref_slice %arg2[%add3A_87, %dma_start3A_90] : memref<2048x2048xi32, #tpu.memory_space<hbm>> -> memref<8x2048xi32, #tpu.memory_space<hbm>>
        tpu.enqueue_dma source(%dma_start3A_91 : memref<8x2048xi32, #tpu.memory_space<hbm>>) target(%arg5 : memref<8x2048xi32, #tpu.memory_space<vmem>>) target_semaphore(%arg10 : memref<!tpu.dma_semaphore, #tpu.memory_space<semaphore_mem>>)
      } else {
      }
      %add3A_68 = arith.constant 1 : i32
      %add3A_69 = arith.addi %mul3A_45, %add3A_68 : i32
      %mul3A_70 = arith.constant 8 : i32
      %mul3A_71 = arith.muli %add3A_69, %mul3A_70 : i32
      %add3A_72 = arith.addi %mul3A_29, %mul3A_71 : i32
      %dma_wait3A_73 = arith.constant 0 : i32
      %dma_wait3A_74 = tpu.memref_slice %arg2[%add3A_72, %dma_wait3A_73] : memref<2048x2048xi32, #tpu.memory_space<hbm>> -> memref<8x2048xi32, #tpu.memory_space<hbm>>
      %dma_wait3A_75 = arith.constant 0 : i32
      %dma_wait3A_76 = tpu.memref_slice %arg2[%add3A_72, %dma_wait3A_75] : memref<2048x2048xi32, #tpu.memory_space<hbm>> -> memref<8x2048xi32, #tpu.memory_space<hbm>>
      tpu.wait_dma2 semaphore(%arg11 : memref<!tpu.dma_semaphore, #tpu.memory_space<semaphore_mem>>) src(%dma_wait3A_76 : memref<8x2048xi32, #tpu.memory_space<hbm>>) dst(%arg6 : memref<8x2048xi32, #tpu.memory_space<vmem>>)
      %add3A_77 = arith.constant 1 : i32
      %add3A_78 = arith.addi %mul3A_45, %add3A_77 : i32
      %parallel_loop3A_79 = arith.constant 0 : i32
      %parallel_loop3A_80 = arith.constant 1024 : i32
      %parallel_loop3A_81 = arith.constant 1 : i32
      scf.for %parallel_loop3A_83 = %parallel_loop3A_79 to %parallel_loop3A_80 step %parallel_loop3A_81  : i32 {
        %parallel_loop3A_84 = arith.constant 128 : i32
        %parallel_loop3A_85 = arith.divsi %parallel_loop3A_83, %parallel_loop3A_84 : i32
        %parallel_loop3A_86 = arith.constant 0 : i32
        %parallel_loop3A_87 = arith.cmpi sgt, %parallel_loop3A_83, %parallel_loop3A_86 : i32
        %parallel_loop3A_88 = arith.extui %parallel_loop3A_87 : i1 to i32
        %parallel_loop3A_89 = arith.constant 0 : i32
        %parallel_loop3A_90 = arith.cmpi slt, %parallel_loop3A_83, %parallel_loop3A_89 : i32
        %parallel_loop3A_91 = arith.extui %parallel_loop3A_90 : i1 to i32
        %parallel_loop3A_92 = arith.subi %parallel_loop3A_88, %parallel_loop3A_91 : i32
        %parallel_loop3A_93 = arith.constant 0 : i32
        %parallel_loop3A_94 = arith.cmpi sgt, %parallel_loop3A_84, %parallel_loop3A_93 : i32
        %parallel_loop3A_95 = arith.extui %parallel_loop3A_94 : i1 to i32
        %parallel_loop3A_96 = arith.constant 0 : i32
        %parallel_loop3A_97 = arith.cmpi slt, %parallel_loop3A_84, %parallel_loop3A_96 : i32
        %parallel_loop3A_98 = arith.extui %parallel_loop3A_97 : i1 to i32
        %parallel_loop3A_99 = arith.subi %parallel_loop3A_95, %parallel_loop3A_98 : i32
        %parallel_loop3A_100 = arith.cmpi ne, %parallel_loop3A_92, %parallel_loop3A_99 : i32
        %parallel_loop3A_101 = arith.remsi %parallel_loop3A_83, %parallel_loop3A_84 : i32
        %parallel_loop3A_102 = arith.constant 0 : i32
        %parallel_loop3A_103 = arith.cmpi ne, %parallel_loop3A_101, %parallel_loop3A_102 : i32
        %parallel_loop3A_104 = arith.andi %parallel_loop3A_100, %parallel_loop3A_103 : i1
        %parallel_loop3A_105 = arith.constant 1 : i32
        %parallel_loop3A_106 = arith.subi %parallel_loop3A_85, %parallel_loop3A_105 : i32
        %parallel_loop3A_107 = arith.select %parallel_loop3A_104, %parallel_loop3A_106, %parallel_loop3A_85 : i32
        %parallel_loop3A_108 = arith.constant 128 : i32
        %parallel_loop3A_109 = arith.constant 0 : i32
        %parallel_loop3A_110 = arith.cmpi eq, %parallel_loop3A_108, %parallel_loop3A_109 : i32
        %parallel_loop3A_111 = arith.constant 1 : i32
        %parallel_loop3A_112 = arith.select %parallel_loop3A_110, %parallel_loop3A_111, %parallel_loop3A_108 : i32
        %parallel_loop3A_113 = arith.remsi %parallel_loop3A_83, %parallel_loop3A_112 : i32
        %parallel_loop3A_114 = arith.constant 0 : i32
        %parallel_loop3A_115 = arith.cmpi ne, %parallel_loop3A_113, %parallel_loop3A_114 : i32
        %parallel_loop3A_116 = arith.constant 0 : i32
        %parallel_loop3A_117 = arith.cmpi slt, %parallel_loop3A_113, %parallel_loop3A_116 : i32
        %parallel_loop3A_118 = arith.constant 0 : i32
        %parallel_loop3A_119 = arith.cmpi slt, %parallel_loop3A_112, %parallel_loop3A_118 : i32
        %parallel_loop3A_120 = arith.xori %parallel_loop3A_117, %parallel_loop3A_119 : i1
        %parallel_loop3A_121 = arith.andi %parallel_loop3A_120, %parallel_loop3A_115 : i1
        %parallel_loop3A_122 = arith.addi %parallel_loop3A_113, %parallel_loop3A_112 : i32
        %parallel_loop3A_123 = arith.select %parallel_loop3A_121, %parallel_loop3A_122, %parallel_loop3A_113 : i32
        %parallel_loop3A_124 = arith.constant 16 : i32
        %parallel_loop3A_125 = arith.muli %parallel_loop3A_123, %parallel_loop3A_124 : i32
        %parallel_loop3A_126 = arith.index_cast %parallel_loop3A_107 : i32 to index
        %parallel_loop3A_127 = arith.index_cast %parallel_loop3A_125 : i32 to index
        %parallel_loop3A_128 = tpu.vector_load %arg6[%parallel_loop3A_126, %parallel_loop3A_127] {strides = array<i32>} : memref<8x2048xi32, #tpu.memory_space<vmem>>, vector<16xi32>,
        %parallel_loop3A_129 = arith.constant 16384 : i32
        %parallel_loop3A_130 = arith.muli %add3A_78, %parallel_loop3A_129 : i32
        %parallel_loop3A_131 = arith.constant 16 : i32
        %parallel_loop3A_132 = arith.muli %parallel_loop3A_83, %parallel_loop3A_131 : i32
        %parallel_loop3A_133 = arith.addi %parallel_loop3A_130, %parallel_loop3A_132 : i32
        %parallel_loop3A_134 = vector.broadcast %parallel_loop3A_133 : i32 to vector<16xi32>
        %parallel_loop3A_135 = arith.subi %sub3A_27, %parallel_loop3A_134 : vector<16xi32>
        %parallel_loop3A_136 = arith.constant 6 : i32
        %parallel_loop3A_137 = vector.broadcast %parallel_loop3A_136 : i32 to vector<16xi32>
        %parallel_loop3A_138 = arith.shrsi %parallel_loop3A_128, %parallel_loop3A_137 : vector<16xi32>
        %parallel_loop3A_139 = arith.constant 4095 : i32
        %parallel_loop3A_140 = vector.broadcast %parallel_loop3A_139 : i32 to vector<16xi32>
        %parallel_loop3A_141 = arith.andi %parallel_loop3A_138, %parallel_loop3A_140 : vector<16xi32>
        %parallel_loop3A_142 = arith.constant 18 : i32
        %parallel_loop3A_143 = vector.broadcast %parallel_loop3A_142 : i32 to vector<16xi32>
        %parallel_loop3A_144 = arith.shrsi %parallel_loop3A_128, %parallel_loop3A_143 : vector<16xi32>
        %parallel_loop3A_145 = vector.broadcast %squeeze3A : i32 to vector<16xi32>
        %parallel_loop3A_146 = arith.cmpi eq, %parallel_loop3A_144, %parallel_loop3A_145 : vector<16xi32>
        %parallel_loop3A_147 = arith.addi %mul3A_24, %parallel_loop3A_141 : vector<16xi32>
        tpu.vector_store_idx %arg8[%parallel_loop3A_147], %broadcast_in_dim3A_3 masked %parallel_loop3A_146 {add = true} : memref<65536xi32, #tpu.memory_space<vmem>>[vector<16xi32>], vector<16xi32>, vector<16xi1>
      } {sc.loop_unroll_factor = 8 : i64, sc.parallel_access}
      %scan3A_82 = arith.constant 0 : i32
      scf.yield %scan3A_82 : i32
    }
    %scan3A_38 = arith.constant 4 : i32
    %parallel_loop3A_39 = arith.constant 0 : i32
    %parallel_loop3A_40 = arith.constant 256 : i32
    %parallel_loop3A_41 = arith.constant 1 : i32
    scf.for %parallel_loop3A_42 = %parallel_loop3A_39 to %parallel_loop3A_40 step %parallel_loop3A_41  : i32 {
      %parallel_loop3A_43 = arith.constant 16 : i32
      %parallel_loop3A_44 = arith.muli %parallel_loop3A_42, %parallel_loop3A_43 : i32
      %parallel_loop3A_45 = arith.index_cast %parallel_loop3A_44 : i32 to index
      %parallel_loop3A_46 = tpu.vector_load %arg8[%parallel_loop3A_45] {strides = array<i32>} : memref<65536xi32, #tpu.memory_space<vmem>>, vector<16xi32>,
      %parallel_loop3A_47 = arith.constant 16 : i32
      %parallel_loop3A_48 = arith.muli %parallel_loop3A_42, %parallel_loop3A_47 : i32
      %parallel_loop3A_49 = arith.constant 4096 : i32
      %parallel_loop3A_50 = arith.addi %parallel_loop3A_49, %parallel_loop3A_48 : i32
      %parallel_loop3A_51 = arith.index_cast %parallel_loop3A_50 : i32 to index
      %parallel_loop3A_52 = tpu.vector_load %arg8[%parallel_loop3A_51] {strides = array<i32>} : memref<65536xi32, #tpu.memory_space<vmem>>, vector<16xi32>,
      %parallel_loop3A_53 = arith.addi %parallel_loop3A_46, %parallel_loop3A_52 : vector<16xi32>
      %parallel_loop3A_54 = arith.constant 16 : i32
      %parallel_loop3A_55 = arith.muli %parallel_loop3A_42, %parallel_loop3A_54 : i32
      %parallel_loop3A_56 = arith.constant 8192 : i32
      %parallel_loop3A_57 = arith.addi %parallel_loop3A_56, %parallel_loop3A_55 : i32
      %parallel_loop3A_58 = arith.index_cast %parallel_loop3A_57 : i32 to index
      %parallel_loop3A_59 = tpu.vector_load %arg8[%parallel_loop3A_58] {strides = array<i32>} : memref<65536xi32, #tpu.memory_space<vmem>>, vector<16xi32>,
      %parallel_loop3A_60 = arith.addi %parallel_loop3A_53, %parallel_loop3A_59 : vector<16xi32>
      %parallel_loop3A_61 = arith.constant 16 : i32
      %parallel_loop3A_62 = arith.muli %parallel_loop3A_42, %parallel_loop3A_61 : i32
      %parallel_loop3A_63 = arith.constant 12288 : i32
      %parallel_loop3A_64 = arith.addi %parallel_loop3A_63, %parallel_loop3A_62 : i32
      %parallel_loop3A_65 = arith.index_cast %parallel_loop3A_64 : i32 to index
      %parallel_loop3A_66 = tpu.vector_load %arg8[%parallel_loop3A_65] {strides = array<i32>} : memref<65536xi32, #tpu.memory_space<vmem>>, vector<16xi32>,
      %parallel_loop3A_67 = arith.addi %parallel_loop3A_60, %parallel_loop3A_66 : vector<16xi32>
      %parallel_loop3A_68 = arith.constant 16 : i32
      %parallel_loop3A_69 = arith.muli %parallel_loop3A_42, %parallel_loop3A_68 : i32
      %parallel_loop3A_70 = arith.constant 16384 : i32
      %parallel_loop3A_71 = arith.addi %parallel_loop3A_70, %parallel_loop3A_69 : i32
      %parallel_loop3A_72 = arith.index_cast %parallel_loop3A_71 : i32 to index
      %parallel_loop3A_73 = tpu.vector_load %arg8[%parallel_loop3A_72] {strides = array<i32>} : memref<65536xi32, #tpu.memory_space<vmem>>, vector<16xi32>,
      %parallel_loop3A_74 = arith.addi %parallel_loop3A_67, %parallel_loop3A_73 : vector<16xi32>
      %parallel_loop3A_75 = arith.constant 16 : i32
      %parallel_loop3A_76 = arith.muli %parallel_loop3A_42, %parallel_loop3A_75 : i32
      %parallel_loop3A_77 = arith.constant 20480 : i32
      %parallel_loop3A_78 = arith.addi %parallel_loop3A_77, %parallel_loop3A_76 : i32
      %parallel_loop3A_79 = arith.index_cast %parallel_loop3A_78 : i32 to index
      %parallel_loop3A_80 = tpu.vector_load %arg8[%parallel_loop3A_79] {strides = array<i32>} : memref<65536xi32, #tpu.memory_space<vmem>>, vector<16xi32>,
      %parallel_loop3A_81 = arith.addi %parallel_loop3A_74, %parallel_loop3A_80 : vector<16xi32>
      %parallel_loop3A_82 = arith.constant 16 : i32
      %parallel_loop3A_83 = arith.muli %parallel_loop3A_42, %parallel_loop3A_82 : i32
      %parallel_loop3A_84 = arith.constant 24576 : i32
      %parallel_loop3A_85 = arith.addi %parallel_loop3A_84, %parallel_loop3A_83 : i32
      %parallel_loop3A_86 = arith.index_cast %parallel_loop3A_85 : i32 to index
      %parallel_loop3A_87 = tpu.vector_load %arg8[%parallel_loop3A_86] {strides = array<i32>} : memref<65536xi32, #tpu.memory_space<vmem>>, vector<16xi32>,
      %parallel_loop3A_88 = arith.addi %parallel_loop3A_81, %parallel_loop3A_87 : vector<16xi32>
      %parallel_loop3A_89 = arith.constant 16 : i32
      %parallel_loop3A_90 = arith.muli %parallel_loop3A_42, %parallel_loop3A_89 : i32
      %parallel_loop3A_91 = arith.constant 28672 : i32
      %parallel_loop3A_92 = arith.addi %parallel_loop3A_91, %parallel_loop3A_90 : i32
      %parallel_loop3A_93 = arith.index_cast %parallel_loop3A_92 : i32 to index
      %parallel_loop3A_94 = tpu.vector_load %arg8[%parallel_loop3A_93] {strides = array<i32>} : memref<65536xi32, #tpu.memory_space<vmem>>, vector<16xi32>,
      %parallel_loop3A_95 = arith.addi %parallel_loop3A_88, %parallel_loop3A_94 : vector<16xi32>
      %parallel_loop3A_96 = arith.constant 16 : i32
      %parallel_loop3A_97 = arith.muli %parallel_loop3A_42, %parallel_loop3A_96 : i32
      %parallel_loop3A_98 = arith.constant 32768 : i32
      %parallel_loop3A_99 = arith.addi %parallel_loop3A_98, %parallel_loop3A_97 : i32
      %parallel_loop3A_100 = arith.index_cast %parallel_loop3A_99 : i32 to index
      %parallel_loop3A_101 = tpu.vector_load %arg8[%parallel_loop3A_100] {strides = array<i32>} : memref<65536xi32, #tpu.memory_space<vmem>>, vector<16xi32>,
      %parallel_loop3A_102 = arith.addi %parallel_loop3A_95, %parallel_loop3A_101 : vector<16xi32>
      %parallel_loop3A_103 = arith.constant 16 : i32
      %parallel_loop3A_104 = arith.muli %parallel_loop3A_42, %parallel_loop3A_103 : i32
      %parallel_loop3A_105 = arith.constant 36864 : i32
      %parallel_loop3A_106 = arith.addi %parallel_loop3A_105, %parallel_loop3A_104 : i32
      %parallel_loop3A_107 = arith.index_cast %parallel_loop3A_106 : i32 to index
      %parallel_loop3A_108 = tpu.vector_load %arg8[%parallel_loop3A_107] {strides = array<i32>} : memref<65536xi32, #tpu.memory_space<vmem>>, vector<16xi32>,
      %parallel_loop3A_109 = arith.addi %parallel_loop3A_102, %parallel_loop3A_108 : vector<16xi32>
      %parallel_loop3A_110 = arith.constant 16 : i32
      %parallel_loop3A_111 = arith.muli %parallel_loop3A_42, %parallel_loop3A_110 : i32
      %parallel_loop3A_112 = arith.constant 40960 : i32
      %parallel_loop3A_113 = arith.addi %parallel_loop3A_112, %parallel_loop3A_111 : i32
      %parallel_loop3A_114 = arith.index_cast %parallel_loop3A_113 : i32 to index
      %parallel_loop3A_115 = tpu.vector_load %arg8[%parallel_loop3A_114] {strides = array<i32>} : memref<65536xi32, #tpu.memory_space<vmem>>, vector<16xi32>,
      %parallel_loop3A_116 = arith.addi %parallel_loop3A_109, %parallel_loop3A_115 : vector<16xi32>
      %parallel_loop3A_117 = arith.constant 16 : i32
      %parallel_loop3A_118 = arith.muli %parallel_loop3A_42, %parallel_loop3A_117 : i32
      %parallel_loop3A_119 = arith.constant 45056 : i32
      %parallel_loop3A_120 = arith.addi %parallel_loop3A_119, %parallel_loop3A_118 : i32
      %parallel_loop3A_121 = arith.index_cast %parallel_loop3A_120 : i32 to index
      %parallel_loop3A_122 = tpu.vector_load %arg8[%parallel_loop3A_121] {strides = array<i32>} : memref<65536xi32, #tpu.memory_space<vmem>>, vector<16xi32>,
      %parallel_loop3A_123 = arith.addi %parallel_loop3A_116, %parallel_loop3A_122 : vector<16xi32>
      %parallel_loop3A_124 = arith.constant 16 : i32
      %parallel_loop3A_125 = arith.muli %parallel_loop3A_42, %parallel_loop3A_124 : i32
      %parallel_loop3A_126 = arith.constant 49152 : i32
      %parallel_loop3A_127 = arith.addi %parallel_loop3A_126, %parallel_loop3A_125 : i32
      %parallel_loop3A_128 = arith.index_cast %parallel_loop3A_127 : i32 to index
      %parallel_loop3A_129 = tpu.vector_load %arg8[%parallel_loop3A_128] {strides = array<i32>} : memref<65536xi32, #tpu.memory_space<vmem>>, vector<16xi32>,
      %parallel_loop3A_130 = arith.addi %parallel_loop3A_123, %parallel_loop3A_129 : vector<16xi32>
      %parallel_loop3A_131 = arith.constant 16 : i32
      %parallel_loop3A_132 = arith.muli %parallel_loop3A_42, %parallel_loop3A_131 : i32
      %parallel_loop3A_133 = arith.constant 53248 : i32
      %parallel_loop3A_134 = arith.addi %parallel_loop3A_133, %parallel_loop3A_132 : i32
      %parallel_loop3A_135 = arith.index_cast %parallel_loop3A_134 : i32 to index
      %parallel_loop3A_136 = tpu.vector_load %arg8[%parallel_loop3A_135] {strides = array<i32>} : memref<65536xi32, #tpu.memory_space<vmem>>, vector<16xi32>,
      %parallel_loop3A_137 = arith.addi %parallel_loop3A_130, %parallel_loop3A_136 : vector<16xi32>
      %parallel_loop3A_138 = arith.constant 16 : i32
      %parallel_loop3A_139 = arith.muli %parallel_loop3A_42, %parallel_loop3A_138 : i32
      %parallel_loop3A_140 = arith.constant 57344 : i32
      %parallel_loop3A_141 = arith.addi %parallel_loop3A_140, %parallel_loop3A_139 : i32
      %parallel_loop3A_142 = arith.index_cast %parallel_loop3A_141 : i32 to index
      %parallel_loop3A_143 = tpu.vector_load %arg8[%parallel_loop3A_142] {strides = array<i32>} : memref<65536xi32, #tpu.memory_space<vmem>>, vector<16xi32>,
      %parallel_loop3A_144 = arith.addi %parallel_loop3A_137, %parallel_loop3A_143 : vector<16xi32>
      %parallel_loop3A_145 = arith.constant 16 : i32
      %parallel_loop3A_146 = arith.muli %parallel_loop3A_42, %parallel_loop3A_145 : i32
      %parallel_loop3A_147 = arith.constant 61440 : i32
      %parallel_loop3A_148 = arith.addi %parallel_loop3A_147, %parallel_loop3A_146 : i32
      %parallel_loop3A_149 = arith.index_cast %parallel_loop3A_148 : i32 to index
      %parallel_loop3A_150 = tpu.vector_load %arg8[%parallel_loop3A_149] {strides = array<i32>} : memref<65536xi32, #tpu.memory_space<vmem>>, vector<16xi32>,
      %parallel_loop3A_151 = arith.addi %parallel_loop3A_144, %parallel_loop3A_150 : vector<16xi32>
      %parallel_loop3A_152 = arith.constant 16 : i32
      %parallel_loop3A_153 = arith.muli %parallel_loop3A_42, %parallel_loop3A_152 : i32
      %parallel_loop3A_154 = arith.constant 0 : i32
      %parallel_loop3A_155 = arith.index_cast %parallel_loop3A_154 : i32 to index
      %parallel_loop3A_156 = arith.index_cast %parallel_loop3A_153 : i32 to index
      %parallel_loop3A_157 = tpu.vector_load %arg9[%parallel_loop3A_155, %parallel_loop3A_156] {strides = array<i32>} : memref<1x4096xi32, #tpu.memory_space<vmem>>, vector<16xi32>,
      tpu.vector_store %arg9[%parallel_loop3A_155, %parallel_loop3A_156], %parallel_loop3A_151 {strides = array<i32>} : memref<1x4096xi32, #tpu.memory_space<vmem>>, vector<16xi32>,
    } {sc.loop_unroll_factor = 2 : i64, sc.parallel_access}
    "tpu.region"() ({
      %run_scoped3A = tpu.sem_alloc : memref<!tpu.dma_semaphore, #tpu.memory_space<semaphore_mem>>
      %dma_start3A_42 = arith.constant 0 : i32
      %dma_start3A_43 = tpu.memref_slice %arg4[%add3A, %dma_start3A_42] : memref<32x4096xi32, #tpu.memory_space<hbm>> -> memref<1x4096xi32, #tpu.memory_space<hbm>>
      %dma_start3A_44 = arith.constant 0 : i32
      %dma_start3A_45 = tpu.memref_slice %arg4[%add3A, %dma_start3A_44] : memref<32x4096xi32, #tpu.memory_space<hbm>> -> memref<1x4096xi32, #tpu.memory_space<hbm>>
      tpu.enqueue_dma source(%arg9 : memref<1x4096xi32, #tpu.memory_space<vmem>>) target(%dma_start3A_45 : memref<1x4096xi32, #tpu.memory_space<hbm>>) target_semaphore(%run_scoped3A : memref<!tpu.dma_semaphore, #tpu.memory_space<semaphore_mem>>)
      %dma_wait3A = arith.constant 0 : i32
      %dma_wait3A_46 = tpu.memref_slice %arg4[%add3A, %dma_wait3A] : memref<32x4096xi32, #tpu.memory_space<hbm>> -> memref<1x4096xi32, #tpu.memory_space<hbm>>
      %dma_wait3A_47 = arith.constant 0 : i32
      %dma_wait3A_48 = tpu.memref_slice %arg4[%add3A, %dma_wait3A_47] : memref<32x4096xi32, #tpu.memory_space<hbm>> -> memref<1x4096xi32, #tpu.memory_space<hbm>>
      tpu.wait_dma2 semaphore(%run_scoped3A : memref<!tpu.dma_semaphore, #tpu.memory_space<semaphore_mem>>) src(%arg9 : memref<1x4096xi32, #tpu.memory_space<vmem>>) dst(%dma_wait3A_48 : memref<1x4096xi32, #tpu.memory_space<hbm>>)
      tpu.yield
    }) : () -> ()
    return
  }
}

#map = affine_map<(d0, d1) -> (0, 0)>
#map1 = affine_map<(d0, d1) -> (0)>
module attributes {stable_mosaic.version = 14 : i64} {
  func.func @body(%arg0: i32, %arg1: i32, %arg2: memref<2048x2048xi32, #tpu.memory_space<hbm>>, %arg3: memref<128xi32, #tpu.memory_space<hbm>>, %arg4: memref<32x4096xi32, #tpu.memory_space<hbm>>, %arg5: memref<8x2048xi32, #tpu.memory_space<vmem>>, %arg6: memref<8x2048xi32, #tpu.memory_space<vmem>>, %arg7: memref<128xi32, #tpu.memory_space<vmem>>, %arg8: memref<65536xi32, #tpu.memory_space<vmem>>, %arg9: memref<1x4096xi32, #tpu.memory_space<vmem>>, %arg10: memref<!tpu.dma_semaphore, #tpu.memory_space<semaphore_mem>>, %arg11: memref<!tpu.dma_semaphore, #tpu.memory_space<semaphore_mem>>) attributes {dimension_semantics = [#tpu.dimension_semantics<core_parallel>, #tpu.dimension_semantics<subcore_parallel>], iteration_bounds = array<i64: 2, 16>, scalar_prefetch = 0 : i64, scratch_operands = 7 : i64, tpu.core_type = #tpu.core_type<sc_vector_subcore>, window_params = [{transform_indices = #map}, {transform_indices = #map1}, {transform_indices = #map}]} {
    %mul3A = arith.constant 2 : i32
    %mul3A_0 = arith.muli %arg1, %mul3A : i32
    %add3A = arith.addi %mul3A_0, %arg0 : i32
    %mul3A_1 = arith.constant 131072 : i32
    %mul3A_2 = arith.muli %add3A, %mul3A_1 : i32
    %iota3A = tpu.iota {dimensions = array<i32: 0>} : vector<16xi32>
    %broadcast_in_dim3A = arith.constant 1 : i32
    %broadcast_in_dim3A_3 = vector.broadcast %broadcast_in_dim3A : i32 to vector<16xi32>
    "tpu.region"() ({
      %run_scoped3A = tpu.sem_alloc : memref<!tpu.dma_semaphore, #tpu.memory_space<semaphore_mem>>
      tpu.enqueue_dma source(%arg3 : memref<128xi32, #tpu.memory_space<hbm>>) target(%arg7 : memref<128xi32, #tpu.memory_space<vmem>>) target_semaphore(%run_scoped3A : memref<!tpu.dma_semaphore, #tpu.memory_space<semaphore_mem>>)
      tpu.wait_dma2 semaphore(%run_scoped3A : memref<!tpu.dma_semaphore, #tpu.memory_space<semaphore_mem>>) src(%arg3 : memref<128xi32, #tpu.memory_space<hbm>>) dst(%arg7 : memref<128xi32, #tpu.memory_space<vmem>>)
      tpu.yield
    }) : () -> ()
    %get3A = arith.constant 0 : index
    %get3A_4 = tpu.vector_load %arg7[%get3A] {strides = array<i32>} : memref<128xi32, #tpu.memory_space<vmem>>, vector<16xi32>,
    %slice3A = vector.extract_strided_slice %get3A_4 {offsets = [0], sizes = [1], strides = [1]} : vector<16xi32> to vector<1xi32>
    %squeeze3A = vector.extract %slice3A[0] : i32 from vector<1xi32>
    %slice3A_5 = vector.extract_strided_slice %get3A_4 {offsets = [1], sizes = [1], strides = [1]} : vector<16xi32> to vector<1xi32>
    %squeeze3A_6 = vector.extract %slice3A_5[0] : i32 from vector<1xi32>
    %slice3A_7 = vector.extract_strided_slice %get3A_4 {offsets = [2], sizes = [1], strides = [1]} : vector<16xi32> to vector<1xi32>
    %squeeze3A_8 = vector.extract %slice3A_7[0] : i32 from vector<1xi32>
    %slice3A_9 = vector.extract_strided_slice %get3A_4 {offsets = [3], sizes = [1], strides = [1]} : vector<16xi32> to vector<1xi32>
    %squeeze3A_10 = vector.extract %slice3A_9[0] : i32 from vector<1xi32>
    %shift_left3A = arith.constant 12 : i32
    %shift_left3A_11 = arith.shli %squeeze3A, %shift_left3A : i32
    %or3A = arith.ori %shift_left3A_11, %squeeze3A_6 : i32
    %shift_left3A_12 = arith.constant 6 : i32
    %shift_left3A_13 = arith.shli %or3A, %shift_left3A_12 : i32
    %shift_right_arithmetic3A = arith.constant 6 : i32
    %shift_right_arithmetic3A_14 = arith.shrsi %squeeze3A_8, %shift_right_arithmetic3A : i32
    %or3A_15 = arith.ori %shift_left3A_13, %shift_right_arithmetic3A_14 : i32
    %and3A = arith.constant 63 : i32
    %and3A_16 = arith.andi %squeeze3A_8, %and3A : i32
    %shift_left3A_17 = arith.constant 12 : i32
    %shift_left3A_18 = arith.shli %and3A_16, %shift_left3A_17 : i32
    %or3A_19 = arith.ori %shift_left3A_18, %squeeze3A_10 : i32
    %parallel_loop3A = arith.constant 0 : i32
    %parallel_loop3A_20 = arith.constant 4096 : i32
    %parallel_loop3A_21 = arith.constant 1 : i32
    scf.for %parallel_loop3A_42 = %parallel_loop3A to %parallel_loop3A_20 step %parallel_loop3A_21  : i32 {
      %parallel_loop3A_43 = arith.constant 0 : i32
      %parallel_loop3A_44 = vector.broadcast %parallel_loop3A_43 : i32 to vector<16xi32>
      %parallel_loop3A_45 = arith.constant 16 : i32
      %parallel_loop3A_46 = arith.muli %parallel_loop3A_42, %parallel_loop3A_45 : i32
      %parallel_loop3A_47 = arith.index_cast %parallel_loop3A_46 : i32 to index
      %parallel_loop3A_48 = tpu.vector_load %arg8[%parallel_loop3A_47] {strides = array<i32>} : memref<65536xi32, #tpu.memory_space<vmem>>, vector<16xi32>,
      tpu.vector_store %arg8[%parallel_loop3A_47], %parallel_loop3A_44 {strides = array<i32>} : memref<65536xi32, #tpu.memory_space<vmem>>, vector<16xi32>,
    } {sc.loop_unroll_factor = 8 : i64, sc.parallel_access}
    %mul3A_22 = arith.constant 4096 : i32
    %mul3A_23 = vector.broadcast %mul3A_22 : i32 to vector<16xi32>
    %mul3A_24 = arith.muli %iota3A, %mul3A_23 : vector<16xi32>
    %sub3A = arith.constant 4194303 : i32
    %sub3A_25 = arith.subi %sub3A, %mul3A_2 : i32
    %sub3A_26 = vector.broadcast %sub3A_25 : i32 to vector<16xi32>
    %sub3A_27 = arith.subi %sub3A_26, %iota3A : vector<16xi32>
    %mul3A_28 = arith.constant 64 : i32
    %mul3A_29 = arith.muli %add3A, %mul3A_28 : i32
    %dma_start3A = arith.constant 0 : i32
    %dma_start3A_30 = tpu.memref_slice %arg2[%mul3A_29, %dma_start3A] : memref<2048x2048xi32, #tpu.memory_space<hbm>> -> memref<8x2048xi32, #tpu.memory_space<hbm>>
    %dma_start3A_31 = arith.constant 0 : i32
    %dma_start3A_32 = tpu.memref_slice %arg2[%mul3A_29, %dma_start3A_31] : memref<2048x2048xi32, #tpu.memory_space<hbm>> -> memref<8x2048xi32, #tpu.memory_space<hbm>>
    tpu.enqueue_dma source(%dma_start3A_32 : memref<8x2048xi32, #tpu.memory_space<hbm>>) target(%arg5 : memref<8x2048xi32, #tpu.memory_space<vmem>>) target_semaphore(%arg10 : memref<!tpu.dma_semaphore, #tpu.memory_space<semaphore_mem>>)
    %scan3A = arith.constant 0 : i32
    %scan3A_33 = arith.constant 0 : i32
    %scan3A_34 = arith.constant 4 : i32
    %scan3A_35 = arith.addi %scan3A_33, %scan3A_34 : i32
    %scan3A_36 = arith.constant 1 : i32
    %scan3A_37 = scf.for %scan3A_42 = %scan3A_33 to %scan3A_35 step %scan3A_36 iter_args(%scan3A_43 = %scan3A) -> (i32)  : i32 {
      %mul3A_44 = arith.constant 2 : i32
      %mul3A_45 = arith.muli %scan3A_42, %mul3A_44 : i32
      %add3A_46 = arith.constant 1 : i32
      %add3A_47 = arith.addi %mul3A_45, %add3A_46 : i32
      %mul3A_48 = arith.constant 8 : i32
      %mul3A_49 = arith.muli %add3A_47, %mul3A_48 : i32
      %add3A_50 = arith.addi %mul3A_29, %mul3A_49 : i32
      %dma_start3A_51 = arith.constant 0 : i32
      %dma_start3A_52 = tpu.memref_slice %arg2[%add3A_50, %dma_start3A_51] : memref<2048x2048xi32, #tpu.memory_space<hbm>> -> memref<8x2048xi32, #tpu.memory_space<hbm>>
      %dma_start3A_53 = arith.constant 0 : i32
      %dma_start3A_54 = tpu.memref_slice %arg2[%add3A_50, %dma_start3A_53] : memref<2048x2048xi32, #tpu.memory_space<hbm>> -> memref<8x2048xi32, #tpu.memory_space<hbm>>
      tpu.enqueue_dma source(%dma_start3A_54 : memref<8x2048xi32, #tpu.memory_space<hbm>>) target(%arg6 : memref<8x2048xi32, #tpu.memory_space<vmem>>) target_semaphore(%arg11 : memref<!tpu.dma_semaphore, #tpu.memory_space<semaphore_mem>>)
      %mul3A_55 = arith.constant 8 : i32
      %mul3A_56 = arith.muli %mul3A_45, %mul3A_55 : i32
      %add3A_57 = arith.addi %mul3A_29, %mul3A_56 : i32
      %dma_wait3A = arith.constant 0 : i32
      %dma_wait3A_58 = tpu.memref_slice %arg2[%add3A_57, %dma_wait3A] : memref<2048x2048xi32, #tpu.memory_space<hbm>> -> memref<8x2048xi32, #tpu.memory_space<hbm>>
      %dma_wait3A_59 = arith.constant 0 : i32
      %dma_wait3A_60 = tpu.memref_slice %arg2[%add3A_57, %dma_wait3A_59] : memref<2048x2048xi32, #tpu.memory_space<hbm>> -> memref<8x2048xi32, #tpu.memory_space<hbm>>
      tpu.wait_dma2 semaphore(%arg10 : memref<!tpu.dma_semaphore, #tpu.memory_space<semaphore_mem>>) src(%dma_wait3A_60 : memref<8x2048xi32, #tpu.memory_space<hbm>>) dst(%arg5 : memref<8x2048xi32, #tpu.memory_space<vmem>>)
      %parallel_loop3A_61 = arith.constant 0 : i32
      %parallel_loop3A_62 = arith.constant 1024 : i32
      %parallel_loop3A_63 = arith.constant 1 : i32
      scf.for %parallel_loop3A_83 = %parallel_loop3A_61 to %parallel_loop3A_62 step %parallel_loop3A_63  : i32 {
        %parallel_loop3A_84 = arith.constant 128 : i32
        %parallel_loop3A_85 = arith.divsi %parallel_loop3A_83, %parallel_loop3A_84 : i32
        %parallel_loop3A_86 = arith.constant 0 : i32
        %parallel_loop3A_87 = arith.cmpi sgt, %parallel_loop3A_83, %parallel_loop3A_86 : i32
        %parallel_loop3A_88 = arith.extui %parallel_loop3A_87 : i1 to i32
        %parallel_loop3A_89 = arith.constant 0 : i32
        %parallel_loop3A_90 = arith.cmpi slt, %parallel_loop3A_83, %parallel_loop3A_89 : i32
        %parallel_loop3A_91 = arith.extui %parallel_loop3A_90 : i1 to i32
        %parallel_loop3A_92 = arith.subi %parallel_loop3A_88, %parallel_loop3A_91 : i32
        %parallel_loop3A_93 = arith.constant 0 : i32
        %parallel_loop3A_94 = arith.cmpi sgt, %parallel_loop3A_84, %parallel_loop3A_93 : i32
        %parallel_loop3A_95 = arith.extui %parallel_loop3A_94 : i1 to i32
        %parallel_loop3A_96 = arith.constant 0 : i32
        %parallel_loop3A_97 = arith.cmpi slt, %parallel_loop3A_84, %parallel_loop3A_96 : i32
        %parallel_loop3A_98 = arith.extui %parallel_loop3A_97 : i1 to i32
        %parallel_loop3A_99 = arith.subi %parallel_loop3A_95, %parallel_loop3A_98 : i32
        %parallel_loop3A_100 = arith.cmpi ne, %parallel_loop3A_92, %parallel_loop3A_99 : i32
        %parallel_loop3A_101 = arith.remsi %parallel_loop3A_83, %parallel_loop3A_84 : i32
        %parallel_loop3A_102 = arith.constant 0 : i32
        %parallel_loop3A_103 = arith.cmpi ne, %parallel_loop3A_101, %parallel_loop3A_102 : i32
        %parallel_loop3A_104 = arith.andi %parallel_loop3A_100, %parallel_loop3A_103 : i1
        %parallel_loop3A_105 = arith.constant 1 : i32
        %parallel_loop3A_106 = arith.subi %parallel_loop3A_85, %parallel_loop3A_105 : i32
        %parallel_loop3A_107 = arith.select %parallel_loop3A_104, %parallel_loop3A_106, %parallel_loop3A_85 : i32
        %parallel_loop3A_108 = arith.constant 128 : i32
        %parallel_loop3A_109 = arith.constant 0 : i32
        %parallel_loop3A_110 = arith.cmpi eq, %parallel_loop3A_108, %parallel_loop3A_109 : i32
        %parallel_loop3A_111 = arith.constant 1 : i32
        %parallel_loop3A_112 = arith.select %parallel_loop3A_110, %parallel_loop3A_111, %parallel_loop3A_108 : i32
        %parallel_loop3A_113 = arith.remsi %parallel_loop3A_83, %parallel_loop3A_112 : i32
        %parallel_loop3A_114 = arith.constant 0 : i32
        %parallel_loop3A_115 = arith.cmpi ne, %parallel_loop3A_113, %parallel_loop3A_114 : i32
        %parallel_loop3A_116 = arith.constant 0 : i32
        %parallel_loop3A_117 = arith.cmpi slt, %parallel_loop3A_113, %parallel_loop3A_116 : i32
        %parallel_loop3A_118 = arith.constant 0 : i32
        %parallel_loop3A_119 = arith.cmpi slt, %parallel_loop3A_112, %parallel_loop3A_118 : i32
        %parallel_loop3A_120 = arith.xori %parallel_loop3A_117, %parallel_loop3A_119 : i1
        %parallel_loop3A_121 = arith.andi %parallel_loop3A_120, %parallel_loop3A_115 : i1
        %parallel_loop3A_122 = arith.addi %parallel_loop3A_113, %parallel_loop3A_112 : i32
        %parallel_loop3A_123 = arith.select %parallel_loop3A_121, %parallel_loop3A_122, %parallel_loop3A_113 : i32
        %parallel_loop3A_124 = arith.constant 16 : i32
        %parallel_loop3A_125 = arith.muli %parallel_loop3A_123, %parallel_loop3A_124 : i32
        %parallel_loop3A_126 = arith.index_cast %parallel_loop3A_107 : i32 to index
        %parallel_loop3A_127 = arith.index_cast %parallel_loop3A_125 : i32 to index
        %parallel_loop3A_128 = tpu.vector_load %arg5[%parallel_loop3A_126, %parallel_loop3A_127] {strides = array<i32>} : memref<8x2048xi32, #tpu.memory_space<vmem>>, vector<16xi32>,
        %parallel_loop3A_129 = arith.constant 16384 : i32
        %parallel_loop3A_130 = arith.muli %mul3A_45, %parallel_loop3A_129 : i32
        %parallel_loop3A_131 = arith.constant 16 : i32
        %parallel_loop3A_132 = arith.muli %parallel_loop3A_83, %parallel_loop3A_131 : i32
        %parallel_loop3A_133 = arith.addi %parallel_loop3A_130, %parallel_loop3A_132 : i32
        %parallel_loop3A_134 = vector.broadcast %parallel_loop3A_133 : i32 to vector<16xi32>
        %parallel_loop3A_135 = arith.subi %sub3A_27, %parallel_loop3A_134 : vector<16xi32>
        %parallel_loop3A_136 = arith.constant 4 : i32
        %parallel_loop3A_137 = vector.broadcast %parallel_loop3A_136 : i32 to vector<16xi32>
        %parallel_loop3A_138 = arith.shrsi %parallel_loop3A_135, %parallel_loop3A_137 : vector<16xi32>
        %parallel_loop3A_139 = arith.constant 4095 : i32
        %parallel_loop3A_140 = vector.broadcast %parallel_loop3A_139 : i32 to vector<16xi32>
        %parallel_loop3A_141 = arith.andi %parallel_loop3A_138, %parallel_loop3A_140 : vector<16xi32>
        %parallel_loop3A_142 = vector.broadcast %or3A_15 : i32 to vector<16xi32>
        %parallel_loop3A_143 = arith.cmpi eq, %parallel_loop3A_128, %parallel_loop3A_142 : vector<16xi32>
        %parallel_loop3A_144 = arith.constant 16 : i32
        %parallel_loop3A_145 = vector.broadcast %parallel_loop3A_144 : i32 to vector<16xi32>
        %parallel_loop3A_146 = arith.shrsi %parallel_loop3A_135, %parallel_loop3A_145 : vector<16xi32>
        %parallel_loop3A_147 = arith.constant 63 : i32
        %parallel_loop3A_148 = arith.andi %squeeze3A_8, %parallel_loop3A_147 : i32
        %parallel_loop3A_149 = vector.broadcast %parallel_loop3A_148 : i32 to vector<16xi32>
        %parallel_loop3A_150 = arith.cmpi eq, %parallel_loop3A_146, %parallel_loop3A_149 : vector<16xi32>
        %parallel_loop3A_151 = arith.andi %parallel_loop3A_143, %parallel_loop3A_150 : vector<16xi1>
        %parallel_loop3A_152 = arith.addi %mul3A_24, %parallel_loop3A_141 : vector<16xi32>
        tpu.vector_store_idx %arg8[%parallel_loop3A_152], %broadcast_in_dim3A_3 masked %parallel_loop3A_151 {add = true} : memref<65536xi32, #tpu.memory_space<vmem>>[vector<16xi32>], vector<16xi32>, vector<16xi1>
      } {sc.loop_unroll_factor = 8 : i64, sc.parallel_access}
      %add3A_64 = arith.constant 1 : i32
      %add3A_65 = arith.addi %scan3A_42, %add3A_64 : i32
      %lt3A = arith.constant 4 : i32
      %lt3A_66 = arith.cmpi slt, %add3A_65, %lt3A : i32
      %convert_element_type3A = arith.extui %lt3A_66 : i1 to i32
      %cond3A = arith.constant 0 : i32
      %cond3A_67 = arith.cmpi ne, %convert_element_type3A, %cond3A : i32
      scf.if %cond3A_67 {
        %add3A_83 = arith.constant 2 : i32
        %add3A_84 = arith.addi %mul3A_45, %add3A_83 : i32
        %mul3A_85 = arith.constant 8 : i32
        %mul3A_86 = arith.muli %add3A_84, %mul3A_85 : i32
        %add3A_87 = arith.addi %mul3A_29, %mul3A_86 : i32
        %dma_start3A_88 = arith.constant 0 : i32
        %dma_start3A_89 = tpu.memref_slice %arg2[%add3A_87, %dma_start3A_88] : memref<2048x2048xi32, #tpu.memory_space<hbm>> -> memref<8x2048xi32, #tpu.memory_space<hbm>>
        %dma_start3A_90 = arith.constant 0 : i32
        %dma_start3A_91 = tpu.memref_slice %arg2[%add3A_87, %dma_start3A_90] : memref<2048x2048xi32, #tpu.memory_space<hbm>> -> memref<8x2048xi32, #tpu.memory_space<hbm>>
        tpu.enqueue_dma source(%dma_start3A_91 : memref<8x2048xi32, #tpu.memory_space<hbm>>) target(%arg5 : memref<8x2048xi32, #tpu.memory_space<vmem>>) target_semaphore(%arg10 : memref<!tpu.dma_semaphore, #tpu.memory_space<semaphore_mem>>)
      } else {
      }
      %add3A_68 = arith.constant 1 : i32
      %add3A_69 = arith.addi %mul3A_45, %add3A_68 : i32
      %mul3A_70 = arith.constant 8 : i32
      %mul3A_71 = arith.muli %add3A_69, %mul3A_70 : i32
      %add3A_72 = arith.addi %mul3A_29, %mul3A_71 : i32
      %dma_wait3A_73 = arith.constant 0 : i32
      %dma_wait3A_74 = tpu.memref_slice %arg2[%add3A_72, %dma_wait3A_73] : memref<2048x2048xi32, #tpu.memory_space<hbm>> -> memref<8x2048xi32, #tpu.memory_space<hbm>>
      %dma_wait3A_75 = arith.constant 0 : i32
      %dma_wait3A_76 = tpu.memref_slice %arg2[%add3A_72, %dma_wait3A_75] : memref<2048x2048xi32, #tpu.memory_space<hbm>> -> memref<8x2048xi32, #tpu.memory_space<hbm>>
      tpu.wait_dma2 semaphore(%arg11 : memref<!tpu.dma_semaphore, #tpu.memory_space<semaphore_mem>>) src(%dma_wait3A_76 : memref<8x2048xi32, #tpu.memory_space<hbm>>) dst(%arg6 : memref<8x2048xi32, #tpu.memory_space<vmem>>)
      %add3A_77 = arith.constant 1 : i32
      %add3A_78 = arith.addi %mul3A_45, %add3A_77 : i32
      %parallel_loop3A_79 = arith.constant 0 : i32
      %parallel_loop3A_80 = arith.constant 1024 : i32
      %parallel_loop3A_81 = arith.constant 1 : i32
      scf.for %parallel_loop3A_83 = %parallel_loop3A_79 to %parallel_loop3A_80 step %parallel_loop3A_81  : i32 {
        %parallel_loop3A_84 = arith.constant 128 : i32
        %parallel_loop3A_85 = arith.divsi %parallel_loop3A_83, %parallel_loop3A_84 : i32
        %parallel_loop3A_86 = arith.constant 0 : i32
        %parallel_loop3A_87 = arith.cmpi sgt, %parallel_loop3A_83, %parallel_loop3A_86 : i32
        %parallel_loop3A_88 = arith.extui %parallel_loop3A_87 : i1 to i32
        %parallel_loop3A_89 = arith.constant 0 : i32
        %parallel_loop3A_90 = arith.cmpi slt, %parallel_loop3A_83, %parallel_loop3A_89 : i32
        %parallel_loop3A_91 = arith.extui %parallel_loop3A_90 : i1 to i32
        %parallel_loop3A_92 = arith.subi %parallel_loop3A_88, %parallel_loop3A_91 : i32
        %parallel_loop3A_93 = arith.constant 0 : i32
        %parallel_loop3A_94 = arith.cmpi sgt, %parallel_loop3A_84, %parallel_loop3A_93 : i32
        %parallel_loop3A_95 = arith.extui %parallel_loop3A_94 : i1 to i32
        %parallel_loop3A_96 = arith.constant 0 : i32
        %parallel_loop3A_97 = arith.cmpi slt, %parallel_loop3A_84, %parallel_loop3A_96 : i32
        %parallel_loop3A_98 = arith.extui %parallel_loop3A_97 : i1 to i32
        %parallel_loop3A_99 = arith.subi %parallel_loop3A_95, %parallel_loop3A_98 : i32
        %parallel_loop3A_100 = arith.cmpi ne, %parallel_loop3A_92, %parallel_loop3A_99 : i32
        %parallel_loop3A_101 = arith.remsi %parallel_loop3A_83, %parallel_loop3A_84 : i32
        %parallel_loop3A_102 = arith.constant 0 : i32
        %parallel_loop3A_103 = arith.cmpi ne, %parallel_loop3A_101, %parallel_loop3A_102 : i32
        %parallel_loop3A_104 = arith.andi %parallel_loop3A_100, %parallel_loop3A_103 : i1
        %parallel_loop3A_105 = arith.constant 1 : i32
        %parallel_loop3A_106 = arith.subi %parallel_loop3A_85, %parallel_loop3A_105 : i32
        %parallel_loop3A_107 = arith.select %parallel_loop3A_104, %parallel_loop3A_106, %parallel_loop3A_85 : i32
        %parallel_loop3A_108 = arith.constant 128 : i32
        %parallel_loop3A_109 = arith.constant 0 : i32
        %parallel_loop3A_110 = arith.cmpi eq, %parallel_loop3A_108, %parallel_loop3A_109 : i32
        %parallel_loop3A_111 = arith.constant 1 : i32
        %parallel_loop3A_112 = arith.select %parallel_loop3A_110, %parallel_loop3A_111, %parallel_loop3A_108 : i32
        %parallel_loop3A_113 = arith.remsi %parallel_loop3A_83, %parallel_loop3A_112 : i32
        %parallel_loop3A_114 = arith.constant 0 : i32
        %parallel_loop3A_115 = arith.cmpi ne, %parallel_loop3A_113, %parallel_loop3A_114 : i32
        %parallel_loop3A_116 = arith.constant 0 : i32
        %parallel_loop3A_117 = arith.cmpi slt, %parallel_loop3A_113, %parallel_loop3A_116 : i32
        %parallel_loop3A_118 = arith.constant 0 : i32
        %parallel_loop3A_119 = arith.cmpi slt, %parallel_loop3A_112, %parallel_loop3A_118 : i32
        %parallel_loop3A_120 = arith.xori %parallel_loop3A_117, %parallel_loop3A_119 : i1
        %parallel_loop3A_121 = arith.andi %parallel_loop3A_120, %parallel_loop3A_115 : i1
        %parallel_loop3A_122 = arith.addi %parallel_loop3A_113, %parallel_loop3A_112 : i32
        %parallel_loop3A_123 = arith.select %parallel_loop3A_121, %parallel_loop3A_122, %parallel_loop3A_113 : i32
        %parallel_loop3A_124 = arith.constant 16 : i32
        %parallel_loop3A_125 = arith.muli %parallel_loop3A_123, %parallel_loop3A_124 : i32
        %parallel_loop3A_126 = arith.index_cast %parallel_loop3A_107 : i32 to index
        %parallel_loop3A_127 = arith.index_cast %parallel_loop3A_125 : i32 to index
        %parallel_loop3A_128 = tpu.vector_load %arg6[%parallel_loop3A_126, %parallel_loop3A_127] {strides = array<i32>} : memref<8x2048xi32, #tpu.memory_space<vmem>>, vector<16xi32>,
        %parallel_loop3A_129 = arith.constant 16384 : i32
        %parallel_loop3A_130 = arith.muli %add3A_78, %parallel_loop3A_129 : i32
        %parallel_loop3A_131 = arith.constant 16 : i32
        %parallel_loop3A_132 = arith.muli %parallel_loop3A_83, %parallel_loop3A_131 : i32
        %parallel_loop3A_133 = arith.addi %parallel_loop3A_130, %parallel_loop3A_132 : i32
        %parallel_loop3A_134 = vector.broadcast %parallel_loop3A_133 : i32 to vector<16xi32>
        %parallel_loop3A_135 = arith.subi %sub3A_27, %parallel_loop3A_134 : vector<16xi32>
        %parallel_loop3A_136 = arith.constant 4 : i32
        %parallel_loop3A_137 = vector.broadcast %parallel_loop3A_136 : i32 to vector<16xi32>
        %parallel_loop3A_138 = arith.shrsi %parallel_loop3A_135, %parallel_loop3A_137 : vector<16xi32>
        %parallel_loop3A_139 = arith.constant 4095 : i32
        %parallel_loop3A_140 = vector.broadcast %parallel_loop3A_139 : i32 to vector<16xi32>
        %parallel_loop3A_141 = arith.andi %parallel_loop3A_138, %parallel_loop3A_140 : vector<16xi32>
        %parallel_loop3A_142 = vector.broadcast %or3A_15 : i32 to vector<16xi32>
        %parallel_loop3A_143 = arith.cmpi eq, %parallel_loop3A_128, %parallel_loop3A_142 : vector<16xi32>
        %parallel_loop3A_144 = arith.constant 16 : i32
        %parallel_loop3A_145 = vector.broadcast %parallel_loop3A_144 : i32 to vector<16xi32>
        %parallel_loop3A_146 = arith.shrsi %parallel_loop3A_135, %parallel_loop3A_145 : vector<16xi32>
        %parallel_loop3A_147 = arith.constant 63 : i32
        %parallel_loop3A_148 = arith.andi %squeeze3A_8, %parallel_loop3A_147 : i32
        %parallel_loop3A_149 = vector.broadcast %parallel_loop3A_148 : i32 to vector<16xi32>
        %parallel_loop3A_150 = arith.cmpi eq, %parallel_loop3A_146, %parallel_loop3A_149 : vector<16xi32>
        %parallel_loop3A_151 = arith.andi %parallel_loop3A_143, %parallel_loop3A_150 : vector<16xi1>
        %parallel_loop3A_152 = arith.addi %mul3A_24, %parallel_loop3A_141 : vector<16xi32>
        tpu.vector_store_idx %arg8[%parallel_loop3A_152], %broadcast_in_dim3A_3 masked %parallel_loop3A_151 {add = true} : memref<65536xi32, #tpu.memory_space<vmem>>[vector<16xi32>], vector<16xi32>, vector<16xi1>
      } {sc.loop_unroll_factor = 8 : i64, sc.parallel_access}
      %scan3A_82 = arith.constant 0 : i32
      scf.yield %scan3A_82 : i32
    }
    %scan3A_38 = arith.constant 4 : i32
    %parallel_loop3A_39 = arith.constant 0 : i32
    %parallel_loop3A_40 = arith.constant 256 : i32
    %parallel_loop3A_41 = arith.constant 1 : i32
    scf.for %parallel_loop3A_42 = %parallel_loop3A_39 to %parallel_loop3A_40 step %parallel_loop3A_41  : i32 {
      %parallel_loop3A_43 = arith.constant 16 : i32
      %parallel_loop3A_44 = arith.muli %parallel_loop3A_42, %parallel_loop3A_43 : i32
      %parallel_loop3A_45 = arith.index_cast %parallel_loop3A_44 : i32 to index
      %parallel_loop3A_46 = tpu.vector_load %arg8[%parallel_loop3A_45] {strides = array<i32>} : memref<65536xi32, #tpu.memory_space<vmem>>, vector<16xi32>,
      %parallel_loop3A_47 = arith.constant 16 : i32
      %parallel_loop3A_48 = arith.muli %parallel_loop3A_42, %parallel_loop3A_47 : i32
      %parallel_loop3A_49 = arith.constant 4096 : i32
      %parallel_loop3A_50 = arith.addi %parallel_loop3A_49, %parallel_loop3A_48 : i32
      %parallel_loop3A_51 = arith.index_cast %parallel_loop3A_50 : i32 to index
      %parallel_loop3A_52 = tpu.vector_load %arg8[%parallel_loop3A_51] {strides = array<i32>} : memref<65536xi32, #tpu.memory_space<vmem>>, vector<16xi32>,
      %parallel_loop3A_53 = arith.addi %parallel_loop3A_46, %parallel_loop3A_52 : vector<16xi32>
      %parallel_loop3A_54 = arith.constant 16 : i32
      %parallel_loop3A_55 = arith.muli %parallel_loop3A_42, %parallel_loop3A_54 : i32
      %parallel_loop3A_56 = arith.constant 8192 : i32
      %parallel_loop3A_57 = arith.addi %parallel_loop3A_56, %parallel_loop3A_55 : i32
      %parallel_loop3A_58 = arith.index_cast %parallel_loop3A_57 : i32 to index
      %parallel_loop3A_59 = tpu.vector_load %arg8[%parallel_loop3A_58] {strides = array<i32>} : memref<65536xi32, #tpu.memory_space<vmem>>, vector<16xi32>,
      %parallel_loop3A_60 = arith.addi %parallel_loop3A_53, %parallel_loop3A_59 : vector<16xi32>
      %parallel_loop3A_61 = arith.constant 16 : i32
      %parallel_loop3A_62 = arith.muli %parallel_loop3A_42, %parallel_loop3A_61 : i32
      %parallel_loop3A_63 = arith.constant 12288 : i32
      %parallel_loop3A_64 = arith.addi %parallel_loop3A_63, %parallel_loop3A_62 : i32
      %parallel_loop3A_65 = arith.index_cast %parallel_loop3A_64 : i32 to index
      %parallel_loop3A_66 = tpu.vector_load %arg8[%parallel_loop3A_65] {strides = array<i32>} : memref<65536xi32, #tpu.memory_space<vmem>>, vector<16xi32>,
      %parallel_loop3A_67 = arith.addi %parallel_loop3A_60, %parallel_loop3A_66 : vector<16xi32>
      %parallel_loop3A_68 = arith.constant 16 : i32
      %parallel_loop3A_69 = arith.muli %parallel_loop3A_42, %parallel_loop3A_68 : i32
      %parallel_loop3A_70 = arith.constant 16384 : i32
      %parallel_loop3A_71 = arith.addi %parallel_loop3A_70, %parallel_loop3A_69 : i32
      %parallel_loop3A_72 = arith.index_cast %parallel_loop3A_71 : i32 to index
      %parallel_loop3A_73 = tpu.vector_load %arg8[%parallel_loop3A_72] {strides = array<i32>} : memref<65536xi32, #tpu.memory_space<vmem>>, vector<16xi32>,
      %parallel_loop3A_74 = arith.addi %parallel_loop3A_67, %parallel_loop3A_73 : vector<16xi32>
      %parallel_loop3A_75 = arith.constant 16 : i32
      %parallel_loop3A_76 = arith.muli %parallel_loop3A_42, %parallel_loop3A_75 : i32
      %parallel_loop3A_77 = arith.constant 20480 : i32
      %parallel_loop3A_78 = arith.addi %parallel_loop3A_77, %parallel_loop3A_76 : i32
      %parallel_loop3A_79 = arith.index_cast %parallel_loop3A_78 : i32 to index
      %parallel_loop3A_80 = tpu.vector_load %arg8[%parallel_loop3A_79] {strides = array<i32>} : memref<65536xi32, #tpu.memory_space<vmem>>, vector<16xi32>,
      %parallel_loop3A_81 = arith.addi %parallel_loop3A_74, %parallel_loop3A_80 : vector<16xi32>
      %parallel_loop3A_82 = arith.constant 16 : i32
      %parallel_loop3A_83 = arith.muli %parallel_loop3A_42, %parallel_loop3A_82 : i32
      %parallel_loop3A_84 = arith.constant 24576 : i32
      %parallel_loop3A_85 = arith.addi %parallel_loop3A_84, %parallel_loop3A_83 : i32
      %parallel_loop3A_86 = arith.index_cast %parallel_loop3A_85 : i32 to index
      %parallel_loop3A_87 = tpu.vector_load %arg8[%parallel_loop3A_86] {strides = array<i32>} : memref<65536xi32, #tpu.memory_space<vmem>>, vector<16xi32>,
      %parallel_loop3A_88 = arith.addi %parallel_loop3A_81, %parallel_loop3A_87 : vector<16xi32>
      %parallel_loop3A_89 = arith.constant 16 : i32
      %parallel_loop3A_90 = arith.muli %parallel_loop3A_42, %parallel_loop3A_89 : i32
      %parallel_loop3A_91 = arith.constant 28672 : i32
      %parallel_loop3A_92 = arith.addi %parallel_loop3A_91, %parallel_loop3A_90 : i32
      %parallel_loop3A_93 = arith.index_cast %parallel_loop3A_92 : i32 to index
      %parallel_loop3A_94 = tpu.vector_load %arg8[%parallel_loop3A_93] {strides = array<i32>} : memref<65536xi32, #tpu.memory_space<vmem>>, vector<16xi32>,
      %parallel_loop3A_95 = arith.addi %parallel_loop3A_88, %parallel_loop3A_94 : vector<16xi32>
      %parallel_loop3A_96 = arith.constant 16 : i32
      %parallel_loop3A_97 = arith.muli %parallel_loop3A_42, %parallel_loop3A_96 : i32
      %parallel_loop3A_98 = arith.constant 32768 : i32
      %parallel_loop3A_99 = arith.addi %parallel_loop3A_98, %parallel_loop3A_97 : i32
      %parallel_loop3A_100 = arith.index_cast %parallel_loop3A_99 : i32 to index
      %parallel_loop3A_101 = tpu.vector_load %arg8[%parallel_loop3A_100] {strides = array<i32>} : memref<65536xi32, #tpu.memory_space<vmem>>, vector<16xi32>,
      %parallel_loop3A_102 = arith.addi %parallel_loop3A_95, %parallel_loop3A_101 : vector<16xi32>
      %parallel_loop3A_103 = arith.constant 16 : i32
      %parallel_loop3A_104 = arith.muli %parallel_loop3A_42, %parallel_loop3A_103 : i32
      %parallel_loop3A_105 = arith.constant 36864 : i32
      %parallel_loop3A_106 = arith.addi %parallel_loop3A_105, %parallel_loop3A_104 : i32
      %parallel_loop3A_107 = arith.index_cast %parallel_loop3A_106 : i32 to index
      %parallel_loop3A_108 = tpu.vector_load %arg8[%parallel_loop3A_107] {strides = array<i32>} : memref<65536xi32, #tpu.memory_space<vmem>>, vector<16xi32>,
      %parallel_loop3A_109 = arith.addi %parallel_loop3A_102, %parallel_loop3A_108 : vector<16xi32>
      %parallel_loop3A_110 = arith.constant 16 : i32
      %parallel_loop3A_111 = arith.muli %parallel_loop3A_42, %parallel_loop3A_110 : i32
      %parallel_loop3A_112 = arith.constant 40960 : i32
      %parallel_loop3A_113 = arith.addi %parallel_loop3A_112, %parallel_loop3A_111 : i32
      %parallel_loop3A_114 = arith.index_cast %parallel_loop3A_113 : i32 to index
      %parallel_loop3A_115 = tpu.vector_load %arg8[%parallel_loop3A_114] {strides = array<i32>} : memref<65536xi32, #tpu.memory_space<vmem>>, vector<16xi32>,
      %parallel_loop3A_116 = arith.addi %parallel_loop3A_109, %parallel_loop3A_115 : vector<16xi32>
      %parallel_loop3A_117 = arith.constant 16 : i32
      %parallel_loop3A_118 = arith.muli %parallel_loop3A_42, %parallel_loop3A_117 : i32
      %parallel_loop3A_119 = arith.constant 45056 : i32
      %parallel_loop3A_120 = arith.addi %parallel_loop3A_119, %parallel_loop3A_118 : i32
      %parallel_loop3A_121 = arith.index_cast %parallel_loop3A_120 : i32 to index
      %parallel_loop3A_122 = tpu.vector_load %arg8[%parallel_loop3A_121] {strides = array<i32>} : memref<65536xi32, #tpu.memory_space<vmem>>, vector<16xi32>,
      %parallel_loop3A_123 = arith.addi %parallel_loop3A_116, %parallel_loop3A_122 : vector<16xi32>
      %parallel_loop3A_124 = arith.constant 16 : i32
      %parallel_loop3A_125 = arith.muli %parallel_loop3A_42, %parallel_loop3A_124 : i32
      %parallel_loop3A_126 = arith.constant 49152 : i32
      %parallel_loop3A_127 = arith.addi %parallel_loop3A_126, %parallel_loop3A_125 : i32
      %parallel_loop3A_128 = arith.index_cast %parallel_loop3A_127 : i32 to index
      %parallel_loop3A_129 = tpu.vector_load %arg8[%parallel_loop3A_128] {strides = array<i32>} : memref<65536xi32, #tpu.memory_space<vmem>>, vector<16xi32>,
      %parallel_loop3A_130 = arith.addi %parallel_loop3A_123, %parallel_loop3A_129 : vector<16xi32>
      %parallel_loop3A_131 = arith.constant 16 : i32
      %parallel_loop3A_132 = arith.muli %parallel_loop3A_42, %parallel_loop3A_131 : i32
      %parallel_loop3A_133 = arith.constant 53248 : i32
      %parallel_loop3A_134 = arith.addi %parallel_loop3A_133, %parallel_loop3A_132 : i32
      %parallel_loop3A_135 = arith.index_cast %parallel_loop3A_134 : i32 to index
      %parallel_loop3A_136 = tpu.vector_load %arg8[%parallel_loop3A_135] {strides = array<i32>} : memref<65536xi32, #tpu.memory_space<vmem>>, vector<16xi32>,
      %parallel_loop3A_137 = arith.addi %parallel_loop3A_130, %parallel_loop3A_136 : vector<16xi32>
      %parallel_loop3A_138 = arith.constant 16 : i32
      %parallel_loop3A_139 = arith.muli %parallel_loop3A_42, %parallel_loop3A_138 : i32
      %parallel_loop3A_140 = arith.constant 57344 : i32
      %parallel_loop3A_141 = arith.addi %parallel_loop3A_140, %parallel_loop3A_139 : i32
      %parallel_loop3A_142 = arith.index_cast %parallel_loop3A_141 : i32 to index
      %parallel_loop3A_143 = tpu.vector_load %arg8[%parallel_loop3A_142] {strides = array<i32>} : memref<65536xi32, #tpu.memory_space<vmem>>, vector<16xi32>,
      %parallel_loop3A_144 = arith.addi %parallel_loop3A_137, %parallel_loop3A_143 : vector<16xi32>
      %parallel_loop3A_145 = arith.constant 16 : i32
      %parallel_loop3A_146 = arith.muli %parallel_loop3A_42, %parallel_loop3A_145 : i32
      %parallel_loop3A_147 = arith.constant 61440 : i32
      %parallel_loop3A_148 = arith.addi %parallel_loop3A_147, %parallel_loop3A_146 : i32
      %parallel_loop3A_149 = arith.index_cast %parallel_loop3A_148 : i32 to index
      %parallel_loop3A_150 = tpu.vector_load %arg8[%parallel_loop3A_149] {strides = array<i32>} : memref<65536xi32, #tpu.memory_space<vmem>>, vector<16xi32>,
      %parallel_loop3A_151 = arith.addi %parallel_loop3A_144, %parallel_loop3A_150 : vector<16xi32>
      %parallel_loop3A_152 = arith.constant 16 : i32
      %parallel_loop3A_153 = arith.muli %parallel_loop3A_42, %parallel_loop3A_152 : i32
      %parallel_loop3A_154 = arith.constant 0 : i32
      %parallel_loop3A_155 = arith.index_cast %parallel_loop3A_154 : i32 to index
      %parallel_loop3A_156 = arith.index_cast %parallel_loop3A_153 : i32 to index
      %parallel_loop3A_157 = tpu.vector_load %arg9[%parallel_loop3A_155, %parallel_loop3A_156] {strides = array<i32>} : memref<1x4096xi32, #tpu.memory_space<vmem>>, vector<16xi32>,
      tpu.vector_store %arg9[%parallel_loop3A_155, %parallel_loop3A_156], %parallel_loop3A_151 {strides = array<i32>} : memref<1x4096xi32, #tpu.memory_space<vmem>>, vector<16xi32>,
    } {sc.loop_unroll_factor = 2 : i64, sc.parallel_access}
    "tpu.region"() ({
      %run_scoped3A = tpu.sem_alloc : memref<!tpu.dma_semaphore, #tpu.memory_space<semaphore_mem>>
      %dma_start3A_42 = arith.constant 0 : i32
      %dma_start3A_43 = tpu.memref_slice %arg4[%add3A, %dma_start3A_42] : memref<32x4096xi32, #tpu.memory_space<hbm>> -> memref<1x4096xi32, #tpu.memory_space<hbm>>
      %dma_start3A_44 = arith.constant 0 : i32
      %dma_start3A_45 = tpu.memref_slice %arg4[%add3A, %dma_start3A_44] : memref<32x4096xi32, #tpu.memory_space<hbm>> -> memref<1x4096xi32, #tpu.memory_space<hbm>>
      tpu.enqueue_dma source(%arg9 : memref<1x4096xi32, #tpu.memory_space<vmem>>) target(%dma_start3A_45 : memref<1x4096xi32, #tpu.memory_space<hbm>>) target_semaphore(%run_scoped3A : memref<!tpu.dma_semaphore, #tpu.memory_space<semaphore_mem>>)
      %dma_wait3A = arith.constant 0 : i32
      %dma_wait3A_46 = tpu.memref_slice %arg4[%add3A, %dma_wait3A] : memref<32x4096xi32, #tpu.memory_space<hbm>> -> memref<1x4096xi32, #tpu.memory_space<hbm>>
      %dma_wait3A_47 = arith.constant 0 : i32
      %dma_wait3A_48 = tpu.memref_slice %arg4[%add3A, %dma_wait3A_47] : memref<32x4096xi32, #tpu.memory_space<hbm>> -> memref<1x4096xi32, #tpu.memory_space<hbm>>
      tpu.wait_dma2 semaphore(%run_scoped3A : memref<!tpu.dma_semaphore, #tpu.memory_space<semaphore_mem>>) src(%arg9 : memref<1x4096xi32, #tpu.memory_space<vmem>>) dst(%dma_wait3A_48 : memref<1x4096xi32, #tpu.memory_space<hbm>>)
      tpu.yield
    }) : () -> ()
    return
  }
}

#map = affine_map<(d0, d1) -> (0, 0)>
#map1 = affine_map<(d0, d1) -> (0)>
module attributes {stable_mosaic.version = 14 : i64} {
  func.func @body(%arg0: i32, %arg1: i32, %arg2: memref<2048x2048xi32, #tpu.memory_space<hbm>>, %arg3: memref<128xi32, #tpu.memory_space<hbm>>, %arg4: memref<32x16xi32, #tpu.memory_space<hbm>>, %arg5: memref<8x2048xi32, #tpu.memory_space<vmem>>, %arg6: memref<8x2048xi32, #tpu.memory_space<vmem>>, %arg7: memref<128xi32, #tpu.memory_space<vmem>>, %arg8: memref<256xi32, #tpu.memory_space<vmem>>, %arg9: memref<1x16xi32, #tpu.memory_space<vmem>>, %arg10: memref<!tpu.dma_semaphore, #tpu.memory_space<semaphore_mem>>, %arg11: memref<!tpu.dma_semaphore, #tpu.memory_space<semaphore_mem>>) attributes {dimension_semantics = [#tpu.dimension_semantics<core_parallel>, #tpu.dimension_semantics<subcore_parallel>], iteration_bounds = array<i64: 2, 16>, scalar_prefetch = 0 : i64, scratch_operands = 7 : i64, tpu.core_type = #tpu.core_type<sc_vector_subcore>, window_params = [{transform_indices = #map}, {transform_indices = #map1}, {transform_indices = #map}]} {
    %mul3A = arith.constant 2 : i32
    %mul3A_0 = arith.muli %arg1, %mul3A : i32
    %add3A = arith.addi %mul3A_0, %arg0 : i32
    %mul3A_1 = arith.constant 131072 : i32
    %mul3A_2 = arith.muli %add3A, %mul3A_1 : i32
    %iota3A = tpu.iota {dimensions = array<i32: 0>} : vector<16xi32>
    %broadcast_in_dim3A = arith.constant 1 : i32
    %broadcast_in_dim3A_3 = vector.broadcast %broadcast_in_dim3A : i32 to vector<16xi32>
    "tpu.region"() ({
      %run_scoped3A = tpu.sem_alloc : memref<!tpu.dma_semaphore, #tpu.memory_space<semaphore_mem>>
      tpu.enqueue_dma source(%arg3 : memref<128xi32, #tpu.memory_space<hbm>>) target(%arg7 : memref<128xi32, #tpu.memory_space<vmem>>) target_semaphore(%run_scoped3A : memref<!tpu.dma_semaphore, #tpu.memory_space<semaphore_mem>>)
      tpu.wait_dma2 semaphore(%run_scoped3A : memref<!tpu.dma_semaphore, #tpu.memory_space<semaphore_mem>>) src(%arg3 : memref<128xi32, #tpu.memory_space<hbm>>) dst(%arg7 : memref<128xi32, #tpu.memory_space<vmem>>)
      tpu.yield
    }) : () -> ()
    %get3A = arith.constant 0 : index
    %get3A_4 = tpu.vector_load %arg7[%get3A] {strides = array<i32>} : memref<128xi32, #tpu.memory_space<vmem>>, vector<16xi32>,
    %slice3A = vector.extract_strided_slice %get3A_4 {offsets = [0], sizes = [1], strides = [1]} : vector<16xi32> to vector<1xi32>
    %squeeze3A = vector.extract %slice3A[0] : i32 from vector<1xi32>
    %slice3A_5 = vector.extract_strided_slice %get3A_4 {offsets = [1], sizes = [1], strides = [1]} : vector<16xi32> to vector<1xi32>
    %squeeze3A_6 = vector.extract %slice3A_5[0] : i32 from vector<1xi32>
    %slice3A_7 = vector.extract_strided_slice %get3A_4 {offsets = [2], sizes = [1], strides = [1]} : vector<16xi32> to vector<1xi32>
    %squeeze3A_8 = vector.extract %slice3A_7[0] : i32 from vector<1xi32>
    %slice3A_9 = vector.extract_strided_slice %get3A_4 {offsets = [3], sizes = [1], strides = [1]} : vector<16xi32> to vector<1xi32>
    %squeeze3A_10 = vector.extract %slice3A_9[0] : i32 from vector<1xi32>
    %shift_left3A = arith.constant 12 : i32
    %shift_left3A_11 = arith.shli %squeeze3A, %shift_left3A : i32
    %or3A = arith.ori %shift_left3A_11, %squeeze3A_6 : i32
    %shift_left3A_12 = arith.constant 6 : i32
    %shift_left3A_13 = arith.shli %or3A, %shift_left3A_12 : i32
    %shift_right_arithmetic3A = arith.constant 6 : i32
    %shift_right_arithmetic3A_14 = arith.shrsi %squeeze3A_8, %shift_right_arithmetic3A : i32
    %or3A_15 = arith.ori %shift_left3A_13, %shift_right_arithmetic3A_14 : i32
    %and3A = arith.constant 63 : i32
    %and3A_16 = arith.andi %squeeze3A_8, %and3A : i32
    %shift_left3A_17 = arith.constant 12 : i32
    %shift_left3A_18 = arith.shli %and3A_16, %shift_left3A_17 : i32
    %or3A_19 = arith.ori %shift_left3A_18, %squeeze3A_10 : i32
    %parallel_loop3A = arith.constant 0 : i32
    %parallel_loop3A_20 = arith.constant 16 : i32
    %parallel_loop3A_21 = arith.constant 1 : i32
    scf.for %parallel_loop3A_42 = %parallel_loop3A to %parallel_loop3A_20 step %parallel_loop3A_21  : i32 {
      %parallel_loop3A_43 = arith.constant 0 : i32
      %parallel_loop3A_44 = vector.broadcast %parallel_loop3A_43 : i32 to vector<16xi32>
      %parallel_loop3A_45 = arith.constant 16 : i32
      %parallel_loop3A_46 = arith.muli %parallel_loop3A_42, %parallel_loop3A_45 : i32
      %parallel_loop3A_47 = arith.index_cast %parallel_loop3A_46 : i32 to index
      %parallel_loop3A_48 = tpu.vector_load %arg8[%parallel_loop3A_47] {strides = array<i32>} : memref<256xi32, #tpu.memory_space<vmem>>, vector<16xi32>,
      tpu.vector_store %arg8[%parallel_loop3A_47], %parallel_loop3A_44 {strides = array<i32>} : memref<256xi32, #tpu.memory_space<vmem>>, vector<16xi32>,
    } {sc.loop_unroll_factor = 8 : i64, sc.parallel_access}
    %mul3A_22 = arith.constant 16 : i32
    %mul3A_23 = vector.broadcast %mul3A_22 : i32 to vector<16xi32>
    %mul3A_24 = arith.muli %iota3A, %mul3A_23 : vector<16xi32>
    %sub3A = arith.constant 4194303 : i32
    %sub3A_25 = arith.subi %sub3A, %mul3A_2 : i32
    %sub3A_26 = vector.broadcast %sub3A_25 : i32 to vector<16xi32>
    %sub3A_27 = arith.subi %sub3A_26, %iota3A : vector<16xi32>
    %mul3A_28 = arith.constant 64 : i32
    %mul3A_29 = arith.muli %add3A, %mul3A_28 : i32
    %dma_start3A = arith.constant 0 : i32
    %dma_start3A_30 = tpu.memref_slice %arg2[%mul3A_29, %dma_start3A] : memref<2048x2048xi32, #tpu.memory_space<hbm>> -> memref<8x2048xi32, #tpu.memory_space<hbm>>
    %dma_start3A_31 = arith.constant 0 : i32
    %dma_start3A_32 = tpu.memref_slice %arg2[%mul3A_29, %dma_start3A_31] : memref<2048x2048xi32, #tpu.memory_space<hbm>> -> memref<8x2048xi32, #tpu.memory_space<hbm>>
    tpu.enqueue_dma source(%dma_start3A_32 : memref<8x2048xi32, #tpu.memory_space<hbm>>) target(%arg5 : memref<8x2048xi32, #tpu.memory_space<vmem>>) target_semaphore(%arg10 : memref<!tpu.dma_semaphore, #tpu.memory_space<semaphore_mem>>)
    %scan3A = arith.constant 0 : i32
    %scan3A_33 = arith.constant 0 : i32
    %scan3A_34 = arith.constant 4 : i32
    %scan3A_35 = arith.addi %scan3A_33, %scan3A_34 : i32
    %scan3A_36 = arith.constant 1 : i32
    %scan3A_37 = scf.for %scan3A_42 = %scan3A_33 to %scan3A_35 step %scan3A_36 iter_args(%scan3A_43 = %scan3A) -> (i32)  : i32 {
      %mul3A_44 = arith.constant 2 : i32
      %mul3A_45 = arith.muli %scan3A_42, %mul3A_44 : i32
      %add3A_46 = arith.constant 1 : i32
      %add3A_47 = arith.addi %mul3A_45, %add3A_46 : i32
      %mul3A_48 = arith.constant 8 : i32
      %mul3A_49 = arith.muli %add3A_47, %mul3A_48 : i32
      %add3A_50 = arith.addi %mul3A_29, %mul3A_49 : i32
      %dma_start3A_51 = arith.constant 0 : i32
      %dma_start3A_52 = tpu.memref_slice %arg2[%add3A_50, %dma_start3A_51] : memref<2048x2048xi32, #tpu.memory_space<hbm>> -> memref<8x2048xi32, #tpu.memory_space<hbm>>
      %dma_start3A_53 = arith.constant 0 : i32
      %dma_start3A_54 = tpu.memref_slice %arg2[%add3A_50, %dma_start3A_53] : memref<2048x2048xi32, #tpu.memory_space<hbm>> -> memref<8x2048xi32, #tpu.memory_space<hbm>>
      tpu.enqueue_dma source(%dma_start3A_54 : memref<8x2048xi32, #tpu.memory_space<hbm>>) target(%arg6 : memref<8x2048xi32, #tpu.memory_space<vmem>>) target_semaphore(%arg11 : memref<!tpu.dma_semaphore, #tpu.memory_space<semaphore_mem>>)
      %mul3A_55 = arith.constant 8 : i32
      %mul3A_56 = arith.muli %mul3A_45, %mul3A_55 : i32
      %add3A_57 = arith.addi %mul3A_29, %mul3A_56 : i32
      %dma_wait3A = arith.constant 0 : i32
      %dma_wait3A_58 = tpu.memref_slice %arg2[%add3A_57, %dma_wait3A] : memref<2048x2048xi32, #tpu.memory_space<hbm>> -> memref<8x2048xi32, #tpu.memory_space<hbm>>
      %dma_wait3A_59 = arith.constant 0 : i32
      %dma_wait3A_60 = tpu.memref_slice %arg2[%add3A_57, %dma_wait3A_59] : memref<2048x2048xi32, #tpu.memory_space<hbm>> -> memref<8x2048xi32, #tpu.memory_space<hbm>>
      tpu.wait_dma2 semaphore(%arg10 : memref<!tpu.dma_semaphore, #tpu.memory_space<semaphore_mem>>) src(%dma_wait3A_60 : memref<8x2048xi32, #tpu.memory_space<hbm>>) dst(%arg5 : memref<8x2048xi32, #tpu.memory_space<vmem>>)
      %parallel_loop3A_61 = arith.constant 0 : i32
      %parallel_loop3A_62 = arith.constant 1024 : i32
      %parallel_loop3A_63 = arith.constant 1 : i32
      scf.for %parallel_loop3A_83 = %parallel_loop3A_61 to %parallel_loop3A_62 step %parallel_loop3A_63  : i32 {
        %parallel_loop3A_84 = arith.constant 128 : i32
        %parallel_loop3A_85 = arith.divsi %parallel_loop3A_83, %parallel_loop3A_84 : i32
        %parallel_loop3A_86 = arith.constant 0 : i32
        %parallel_loop3A_87 = arith.cmpi sgt, %parallel_loop3A_83, %parallel_loop3A_86 : i32
        %parallel_loop3A_88 = arith.extui %parallel_loop3A_87 : i1 to i32
        %parallel_loop3A_89 = arith.constant 0 : i32
        %parallel_loop3A_90 = arith.cmpi slt, %parallel_loop3A_83, %parallel_loop3A_89 : i32
        %parallel_loop3A_91 = arith.extui %parallel_loop3A_90 : i1 to i32
        %parallel_loop3A_92 = arith.subi %parallel_loop3A_88, %parallel_loop3A_91 : i32
        %parallel_loop3A_93 = arith.constant 0 : i32
        %parallel_loop3A_94 = arith.cmpi sgt, %parallel_loop3A_84, %parallel_loop3A_93 : i32
        %parallel_loop3A_95 = arith.extui %parallel_loop3A_94 : i1 to i32
        %parallel_loop3A_96 = arith.constant 0 : i32
        %parallel_loop3A_97 = arith.cmpi slt, %parallel_loop3A_84, %parallel_loop3A_96 : i32
        %parallel_loop3A_98 = arith.extui %parallel_loop3A_97 : i1 to i32
        %parallel_loop3A_99 = arith.subi %parallel_loop3A_95, %parallel_loop3A_98 : i32
        %parallel_loop3A_100 = arith.cmpi ne, %parallel_loop3A_92, %parallel_loop3A_99 : i32
        %parallel_loop3A_101 = arith.remsi %parallel_loop3A_83, %parallel_loop3A_84 : i32
        %parallel_loop3A_102 = arith.constant 0 : i32
        %parallel_loop3A_103 = arith.cmpi ne, %parallel_loop3A_101, %parallel_loop3A_102 : i32
        %parallel_loop3A_104 = arith.andi %parallel_loop3A_100, %parallel_loop3A_103 : i1
        %parallel_loop3A_105 = arith.constant 1 : i32
        %parallel_loop3A_106 = arith.subi %parallel_loop3A_85, %parallel_loop3A_105 : i32
        %parallel_loop3A_107 = arith.select %parallel_loop3A_104, %parallel_loop3A_106, %parallel_loop3A_85 : i32
        %parallel_loop3A_108 = arith.constant 128 : i32
        %parallel_loop3A_109 = arith.constant 0 : i32
        %parallel_loop3A_110 = arith.cmpi eq, %parallel_loop3A_108, %parallel_loop3A_109 : i32
        %parallel_loop3A_111 = arith.constant 1 : i32
        %parallel_loop3A_112 = arith.select %parallel_loop3A_110, %parallel_loop3A_111, %parallel_loop3A_108 : i32
        %parallel_loop3A_113 = arith.remsi %parallel_loop3A_83, %parallel_loop3A_112 : i32
        %parallel_loop3A_114 = arith.constant 0 : i32
        %parallel_loop3A_115 = arith.cmpi ne, %parallel_loop3A_113, %parallel_loop3A_114 : i32
        %parallel_loop3A_116 = arith.constant 0 : i32
        %parallel_loop3A_117 = arith.cmpi slt, %parallel_loop3A_113, %parallel_loop3A_116 : i32
        %parallel_loop3A_118 = arith.constant 0 : i32
        %parallel_loop3A_119 = arith.cmpi slt, %parallel_loop3A_112, %parallel_loop3A_118 : i32
        %parallel_loop3A_120 = arith.xori %parallel_loop3A_117, %parallel_loop3A_119 : i1
        %parallel_loop3A_121 = arith.andi %parallel_loop3A_120, %parallel_loop3A_115 : i1
        %parallel_loop3A_122 = arith.addi %parallel_loop3A_113, %parallel_loop3A_112 : i32
        %parallel_loop3A_123 = arith.select %parallel_loop3A_121, %parallel_loop3A_122, %parallel_loop3A_113 : i32
        %parallel_loop3A_124 = arith.constant 16 : i32
        %parallel_loop3A_125 = arith.muli %parallel_loop3A_123, %parallel_loop3A_124 : i32
        %parallel_loop3A_126 = arith.index_cast %parallel_loop3A_107 : i32 to index
        %parallel_loop3A_127 = arith.index_cast %parallel_loop3A_125 : i32 to index
        %parallel_loop3A_128 = tpu.vector_load %arg5[%parallel_loop3A_126, %parallel_loop3A_127] {strides = array<i32>} : memref<8x2048xi32, #tpu.memory_space<vmem>>, vector<16xi32>,
        %parallel_loop3A_129 = arith.constant 16384 : i32
        %parallel_loop3A_130 = arith.muli %mul3A_45, %parallel_loop3A_129 : i32
        %parallel_loop3A_131 = arith.constant 16 : i32
        %parallel_loop3A_132 = arith.muli %parallel_loop3A_83, %parallel_loop3A_131 : i32
        %parallel_loop3A_133 = arith.addi %parallel_loop3A_130, %parallel_loop3A_132 : i32
        %parallel_loop3A_134 = vector.broadcast %parallel_loop3A_133 : i32 to vector<16xi32>
        %parallel_loop3A_135 = arith.subi %sub3A_27, %parallel_loop3A_134 : vector<16xi32>
        %parallel_loop3A_136 = arith.constant 15 : i32
        %parallel_loop3A_137 = vector.broadcast %parallel_loop3A_136 : i32 to vector<16xi32>
        %parallel_loop3A_138 = arith.andi %parallel_loop3A_135, %parallel_loop3A_137 : vector<16xi32>
        %parallel_loop3A_139 = vector.broadcast %or3A_15 : i32 to vector<16xi32>
        %parallel_loop3A_140 = arith.cmpi eq, %parallel_loop3A_128, %parallel_loop3A_139 : vector<16xi32>
        %parallel_loop3A_141 = arith.constant 4 : i32
        %parallel_loop3A_142 = vector.broadcast %parallel_loop3A_141 : i32 to vector<16xi32>
        %parallel_loop3A_143 = arith.shrsi %parallel_loop3A_135, %parallel_loop3A_142 : vector<16xi32>
        %parallel_loop3A_144 = vector.broadcast %or3A_19 : i32 to vector<16xi32>
        %parallel_loop3A_145 = arith.cmpi eq, %parallel_loop3A_143, %parallel_loop3A_144 : vector<16xi32>
        %parallel_loop3A_146 = arith.andi %parallel_loop3A_140, %parallel_loop3A_145 : vector<16xi1>
        %parallel_loop3A_147 = arith.addi %mul3A_24, %parallel_loop3A_138 : vector<16xi32>
        tpu.vector_store_idx %arg8[%parallel_loop3A_147], %broadcast_in_dim3A_3 masked %parallel_loop3A_146 {add = true} : memref<256xi32, #tpu.memory_space<vmem>>[vector<16xi32>], vector<16xi32>, vector<16xi1>
      } {sc.loop_unroll_factor = 8 : i64, sc.parallel_access}
      %add3A_64 = arith.constant 1 : i32
      %add3A_65 = arith.addi %scan3A_42, %add3A_64 : i32
      %lt3A = arith.constant 4 : i32
      %lt3A_66 = arith.cmpi slt, %add3A_65, %lt3A : i32
      %convert_element_type3A = arith.extui %lt3A_66 : i1 to i32
      %cond3A = arith.constant 0 : i32
      %cond3A_67 = arith.cmpi ne, %convert_element_type3A, %cond3A : i32
      scf.if %cond3A_67 {
        %add3A_83 = arith.constant 2 : i32
        %add3A_84 = arith.addi %mul3A_45, %add3A_83 : i32
        %mul3A_85 = arith.constant 8 : i32
        %mul3A_86 = arith.muli %add3A_84, %mul3A_85 : i32
        %add3A_87 = arith.addi %mul3A_29, %mul3A_86 : i32
        %dma_start3A_88 = arith.constant 0 : i32
        %dma_start3A_89 = tpu.memref_slice %arg2[%add3A_87, %dma_start3A_88] : memref<2048x2048xi32, #tpu.memory_space<hbm>> -> memref<8x2048xi32, #tpu.memory_space<hbm>>
        %dma_start3A_90 = arith.constant 0 : i32
        %dma_start3A_91 = tpu.memref_slice %arg2[%add3A_87, %dma_start3A_90] : memref<2048x2048xi32, #tpu.memory_space<hbm>> -> memref<8x2048xi32, #tpu.memory_space<hbm>>
        tpu.enqueue_dma source(%dma_start3A_91 : memref<8x2048xi32, #tpu.memory_space<hbm>>) target(%arg5 : memref<8x2048xi32, #tpu.memory_space<vmem>>) target_semaphore(%arg10 : memref<!tpu.dma_semaphore, #tpu.memory_space<semaphore_mem>>)
      } else {
      }
      %add3A_68 = arith.constant 1 : i32
      %add3A_69 = arith.addi %mul3A_45, %add3A_68 : i32
      %mul3A_70 = arith.constant 8 : i32
      %mul3A_71 = arith.muli %add3A_69, %mul3A_70 : i32
      %add3A_72 = arith.addi %mul3A_29, %mul3A_71 : i32
      %dma_wait3A_73 = arith.constant 0 : i32
      %dma_wait3A_74 = tpu.memref_slice %arg2[%add3A_72, %dma_wait3A_73] : memref<2048x2048xi32, #tpu.memory_space<hbm>> -> memref<8x2048xi32, #tpu.memory_space<hbm>>
      %dma_wait3A_75 = arith.constant 0 : i32
      %dma_wait3A_76 = tpu.memref_slice %arg2[%add3A_72, %dma_wait3A_75] : memref<2048x2048xi32, #tpu.memory_space<hbm>> -> memref<8x2048xi32, #tpu.memory_space<hbm>>
      tpu.wait_dma2 semaphore(%arg11 : memref<!tpu.dma_semaphore, #tpu.memory_space<semaphore_mem>>) src(%dma_wait3A_76 : memref<8x2048xi32, #tpu.memory_space<hbm>>) dst(%arg6 : memref<8x2048xi32, #tpu.memory_space<vmem>>)
      %add3A_77 = arith.constant 1 : i32
      %add3A_78 = arith.addi %mul3A_45, %add3A_77 : i32
      %parallel_loop3A_79 = arith.constant 0 : i32
      %parallel_loop3A_80 = arith.constant 1024 : i32
      %parallel_loop3A_81 = arith.constant 1 : i32
      scf.for %parallel_loop3A_83 = %parallel_loop3A_79 to %parallel_loop3A_80 step %parallel_loop3A_81  : i32 {
        %parallel_loop3A_84 = arith.constant 128 : i32
        %parallel_loop3A_85 = arith.divsi %parallel_loop3A_83, %parallel_loop3A_84 : i32
        %parallel_loop3A_86 = arith.constant 0 : i32
        %parallel_loop3A_87 = arith.cmpi sgt, %parallel_loop3A_83, %parallel_loop3A_86 : i32
        %parallel_loop3A_88 = arith.extui %parallel_loop3A_87 : i1 to i32
        %parallel_loop3A_89 = arith.constant 0 : i32
        %parallel_loop3A_90 = arith.cmpi slt, %parallel_loop3A_83, %parallel_loop3A_89 : i32
        %parallel_loop3A_91 = arith.extui %parallel_loop3A_90 : i1 to i32
        %parallel_loop3A_92 = arith.subi %parallel_loop3A_88, %parallel_loop3A_91 : i32
        %parallel_loop3A_93 = arith.constant 0 : i32
        %parallel_loop3A_94 = arith.cmpi sgt, %parallel_loop3A_84, %parallel_loop3A_93 : i32
        %parallel_loop3A_95 = arith.extui %parallel_loop3A_94 : i1 to i32
        %parallel_loop3A_96 = arith.constant 0 : i32
        %parallel_loop3A_97 = arith.cmpi slt, %parallel_loop3A_84, %parallel_loop3A_96 : i32
        %parallel_loop3A_98 = arith.extui %parallel_loop3A_97 : i1 to i32
        %parallel_loop3A_99 = arith.subi %parallel_loop3A_95, %parallel_loop3A_98 : i32
        %parallel_loop3A_100 = arith.cmpi ne, %parallel_loop3A_92, %parallel_loop3A_99 : i32
        %parallel_loop3A_101 = arith.remsi %parallel_loop3A_83, %parallel_loop3A_84 : i32
        %parallel_loop3A_102 = arith.constant 0 : i32
        %parallel_loop3A_103 = arith.cmpi ne, %parallel_loop3A_101, %parallel_loop3A_102 : i32
        %parallel_loop3A_104 = arith.andi %parallel_loop3A_100, %parallel_loop3A_103 : i1
        %parallel_loop3A_105 = arith.constant 1 : i32
        %parallel_loop3A_106 = arith.subi %parallel_loop3A_85, %parallel_loop3A_105 : i32
        %parallel_loop3A_107 = arith.select %parallel_loop3A_104, %parallel_loop3A_106, %parallel_loop3A_85 : i32
        %parallel_loop3A_108 = arith.constant 128 : i32
        %parallel_loop3A_109 = arith.constant 0 : i32
        %parallel_loop3A_110 = arith.cmpi eq, %parallel_loop3A_108, %parallel_loop3A_109 : i32
        %parallel_loop3A_111 = arith.constant 1 : i32
        %parallel_loop3A_112 = arith.select %parallel_loop3A_110, %parallel_loop3A_111, %parallel_loop3A_108 : i32
        %parallel_loop3A_113 = arith.remsi %parallel_loop3A_83, %parallel_loop3A_112 : i32
        %parallel_loop3A_114 = arith.constant 0 : i32
        %parallel_loop3A_115 = arith.cmpi ne, %parallel_loop3A_113, %parallel_loop3A_114 : i32
        %parallel_loop3A_116 = arith.constant 0 : i32
        %parallel_loop3A_117 = arith.cmpi slt, %parallel_loop3A_113, %parallel_loop3A_116 : i32
        %parallel_loop3A_118 = arith.constant 0 : i32
        %parallel_loop3A_119 = arith.cmpi slt, %parallel_loop3A_112, %parallel_loop3A_118 : i32
        %parallel_loop3A_120 = arith.xori %parallel_loop3A_117, %parallel_loop3A_119 : i1
        %parallel_loop3A_121 = arith.andi %parallel_loop3A_120, %parallel_loop3A_115 : i1
        %parallel_loop3A_122 = arith.addi %parallel_loop3A_113, %parallel_loop3A_112 : i32
        %parallel_loop3A_123 = arith.select %parallel_loop3A_121, %parallel_loop3A_122, %parallel_loop3A_113 : i32
        %parallel_loop3A_124 = arith.constant 16 : i32
        %parallel_loop3A_125 = arith.muli %parallel_loop3A_123, %parallel_loop3A_124 : i32
        %parallel_loop3A_126 = arith.index_cast %parallel_loop3A_107 : i32 to index
        %parallel_loop3A_127 = arith.index_cast %parallel_loop3A_125 : i32 to index
        %parallel_loop3A_128 = tpu.vector_load %arg6[%parallel_loop3A_126, %parallel_loop3A_127] {strides = array<i32>} : memref<8x2048xi32, #tpu.memory_space<vmem>>, vector<16xi32>,
        %parallel_loop3A_129 = arith.constant 16384 : i32
        %parallel_loop3A_130 = arith.muli %add3A_78, %parallel_loop3A_129 : i32
        %parallel_loop3A_131 = arith.constant 16 : i32
        %parallel_loop3A_132 = arith.muli %parallel_loop3A_83, %parallel_loop3A_131 : i32
        %parallel_loop3A_133 = arith.addi %parallel_loop3A_130, %parallel_loop3A_132 : i32
        %parallel_loop3A_134 = vector.broadcast %parallel_loop3A_133 : i32 to vector<16xi32>
        %parallel_loop3A_135 = arith.subi %sub3A_27, %parallel_loop3A_134 : vector<16xi32>
        %parallel_loop3A_136 = arith.constant 15 : i32
        %parallel_loop3A_137 = vector.broadcast %parallel_loop3A_136 : i32 to vector<16xi32>
        %parallel_loop3A_138 = arith.andi %parallel_loop3A_135, %parallel_loop3A_137 : vector<16xi32>
        %parallel_loop3A_139 = vector.broadcast %or3A_15 : i32 to vector<16xi32>
        %parallel_loop3A_140 = arith.cmpi eq, %parallel_loop3A_128, %parallel_loop3A_139 : vector<16xi32>
        %parallel_loop3A_141 = arith.constant 4 : i32
        %parallel_loop3A_142 = vector.broadcast %parallel_loop3A_141 : i32 to vector<16xi32>
        %parallel_loop3A_143 = arith.shrsi %parallel_loop3A_135, %parallel_loop3A_142 : vector<16xi32>
        %parallel_loop3A_144 = vector.broadcast %or3A_19 : i32 to vector<16xi32>
        %parallel_loop3A_145 = arith.cmpi eq, %parallel_loop3A_143, %parallel_loop3A_144 : vector<16xi32>
        %parallel_loop3A_146 = arith.andi %parallel_loop3A_140, %parallel_loop3A_145 : vector<16xi1>
        %parallel_loop3A_147 = arith.addi %mul3A_24, %parallel_loop3A_138 : vector<16xi32>
        tpu.vector_store_idx %arg8[%parallel_loop3A_147], %broadcast_in_dim3A_3 masked %parallel_loop3A_146 {add = true} : memref<256xi32, #tpu.memory_space<vmem>>[vector<16xi32>], vector<16xi32>, vector<16xi1>
      } {sc.loop_unroll_factor = 8 : i64, sc.parallel_access}
      %scan3A_82 = arith.constant 0 : i32
      scf.yield %scan3A_82 : i32
    }
    %scan3A_38 = arith.constant 4 : i32
    %parallel_loop3A_39 = arith.constant 0 : i32
    %parallel_loop3A_40 = arith.constant 1 : i32
    %parallel_loop3A_41 = arith.constant 1 : i32
    scf.for %parallel_loop3A_42 = %parallel_loop3A_39 to %parallel_loop3A_40 step %parallel_loop3A_41  : i32 {
      %parallel_loop3A_43 = arith.constant 16 : i32
      %parallel_loop3A_44 = arith.muli %parallel_loop3A_42, %parallel_loop3A_43 : i32
      %parallel_loop3A_45 = arith.index_cast %parallel_loop3A_44 : i32 to index
      %parallel_loop3A_46 = tpu.vector_load %arg8[%parallel_loop3A_45] {strides = array<i32>} : memref<256xi32, #tpu.memory_space<vmem>>, vector<16xi32>,
      %parallel_loop3A_47 = arith.constant 16 : i32
      %parallel_loop3A_48 = arith.muli %parallel_loop3A_42, %parallel_loop3A_47 : i32
      %parallel_loop3A_49 = arith.constant 16 : i32
      %parallel_loop3A_50 = arith.addi %parallel_loop3A_49, %parallel_loop3A_48 : i32
      %parallel_loop3A_51 = arith.index_cast %parallel_loop3A_50 : i32 to index
      %parallel_loop3A_52 = tpu.vector_load %arg8[%parallel_loop3A_51] {strides = array<i32>} : memref<256xi32, #tpu.memory_space<vmem>>, vector<16xi32>,
      %parallel_loop3A_53 = arith.addi %parallel_loop3A_46, %parallel_loop3A_52 : vector<16xi32>
      %parallel_loop3A_54 = arith.constant 16 : i32
      %parallel_loop3A_55 = arith.muli %parallel_loop3A_42, %parallel_loop3A_54 : i32
      %parallel_loop3A_56 = arith.constant 32 : i32
      %parallel_loop3A_57 = arith.addi %parallel_loop3A_56, %parallel_loop3A_55 : i32
      %parallel_loop3A_58 = arith.index_cast %parallel_loop3A_57 : i32 to index
      %parallel_loop3A_59 = tpu.vector_load %arg8[%parallel_loop3A_58] {strides = array<i32>} : memref<256xi32, #tpu.memory_space<vmem>>, vector<16xi32>,
      %parallel_loop3A_60 = arith.addi %parallel_loop3A_53, %parallel_loop3A_59 : vector<16xi32>
      %parallel_loop3A_61 = arith.constant 16 : i32
      %parallel_loop3A_62 = arith.muli %parallel_loop3A_42, %parallel_loop3A_61 : i32
      %parallel_loop3A_63 = arith.constant 48 : i32
      %parallel_loop3A_64 = arith.addi %parallel_loop3A_63, %parallel_loop3A_62 : i32
      %parallel_loop3A_65 = arith.index_cast %parallel_loop3A_64 : i32 to index
      %parallel_loop3A_66 = tpu.vector_load %arg8[%parallel_loop3A_65] {strides = array<i32>} : memref<256xi32, #tpu.memory_space<vmem>>, vector<16xi32>,
      %parallel_loop3A_67 = arith.addi %parallel_loop3A_60, %parallel_loop3A_66 : vector<16xi32>
      %parallel_loop3A_68 = arith.constant 16 : i32
      %parallel_loop3A_69 = arith.muli %parallel_loop3A_42, %parallel_loop3A_68 : i32
      %parallel_loop3A_70 = arith.constant 64 : i32
      %parallel_loop3A_71 = arith.addi %parallel_loop3A_70, %parallel_loop3A_69 : i32
      %parallel_loop3A_72 = arith.index_cast %parallel_loop3A_71 : i32 to index
      %parallel_loop3A_73 = tpu.vector_load %arg8[%parallel_loop3A_72] {strides = array<i32>} : memref<256xi32, #tpu.memory_space<vmem>>, vector<16xi32>,
      %parallel_loop3A_74 = arith.addi %parallel_loop3A_67, %parallel_loop3A_73 : vector<16xi32>
      %parallel_loop3A_75 = arith.constant 16 : i32
      %parallel_loop3A_76 = arith.muli %parallel_loop3A_42, %parallel_loop3A_75 : i32
      %parallel_loop3A_77 = arith.constant 80 : i32
      %parallel_loop3A_78 = arith.addi %parallel_loop3A_77, %parallel_loop3A_76 : i32
      %parallel_loop3A_79 = arith.index_cast %parallel_loop3A_78 : i32 to index
      %parallel_loop3A_80 = tpu.vector_load %arg8[%parallel_loop3A_79] {strides = array<i32>} : memref<256xi32, #tpu.memory_space<vmem>>, vector<16xi32>,
      %parallel_loop3A_81 = arith.addi %parallel_loop3A_74, %parallel_loop3A_80 : vector<16xi32>
      %parallel_loop3A_82 = arith.constant 16 : i32
      %parallel_loop3A_83 = arith.muli %parallel_loop3A_42, %parallel_loop3A_82 : i32
      %parallel_loop3A_84 = arith.constant 96 : i32
      %parallel_loop3A_85 = arith.addi %parallel_loop3A_84, %parallel_loop3A_83 : i32
      %parallel_loop3A_86 = arith.index_cast %parallel_loop3A_85 : i32 to index
      %parallel_loop3A_87 = tpu.vector_load %arg8[%parallel_loop3A_86] {strides = array<i32>} : memref<256xi32, #tpu.memory_space<vmem>>, vector<16xi32>,
      %parallel_loop3A_88 = arith.addi %parallel_loop3A_81, %parallel_loop3A_87 : vector<16xi32>
      %parallel_loop3A_89 = arith.constant 16 : i32
      %parallel_loop3A_90 = arith.muli %parallel_loop3A_42, %parallel_loop3A_89 : i32
      %parallel_loop3A_91 = arith.constant 112 : i32
      %parallel_loop3A_92 = arith.addi %parallel_loop3A_91, %parallel_loop3A_90 : i32
      %parallel_loop3A_93 = arith.index_cast %parallel_loop3A_92 : i32 to index
      %parallel_loop3A_94 = tpu.vector_load %arg8[%parallel_loop3A_93] {strides = array<i32>} : memref<256xi32, #tpu.memory_space<vmem>>, vector<16xi32>,
      %parallel_loop3A_95 = arith.addi %parallel_loop3A_88, %parallel_loop3A_94 : vector<16xi32>
      %parallel_loop3A_96 = arith.constant 16 : i32
      %parallel_loop3A_97 = arith.muli %parallel_loop3A_42, %parallel_loop3A_96 : i32
      %parallel_loop3A_98 = arith.constant 128 : i32
      %parallel_loop3A_99 = arith.addi %parallel_loop3A_98, %parallel_loop3A_97 : i32
      %parallel_loop3A_100 = arith.index_cast %parallel_loop3A_99 : i32 to index
      %parallel_loop3A_101 = tpu.vector_load %arg8[%parallel_loop3A_100] {strides = array<i32>} : memref<256xi32, #tpu.memory_space<vmem>>, vector<16xi32>,
      %parallel_loop3A_102 = arith.addi %parallel_loop3A_95, %parallel_loop3A_101 : vector<16xi32>
      %parallel_loop3A_103 = arith.constant 16 : i32
      %parallel_loop3A_104 = arith.muli %parallel_loop3A_42, %parallel_loop3A_103 : i32
      %parallel_loop3A_105 = arith.constant 144 : i32
      %parallel_loop3A_106 = arith.addi %parallel_loop3A_105, %parallel_loop3A_104 : i32
      %parallel_loop3A_107 = arith.index_cast %parallel_loop3A_106 : i32 to index
      %parallel_loop3A_108 = tpu.vector_load %arg8[%parallel_loop3A_107] {strides = array<i32>} : memref<256xi32, #tpu.memory_space<vmem>>, vector<16xi32>,
      %parallel_loop3A_109 = arith.addi %parallel_loop3A_102, %parallel_loop3A_108 : vector<16xi32>
      %parallel_loop3A_110 = arith.constant 16 : i32
      %parallel_loop3A_111 = arith.muli %parallel_loop3A_42, %parallel_loop3A_110 : i32
      %parallel_loop3A_112 = arith.constant 160 : i32
      %parallel_loop3A_113 = arith.addi %parallel_loop3A_112, %parallel_loop3A_111 : i32
      %parallel_loop3A_114 = arith.index_cast %parallel_loop3A_113 : i32 to index
      %parallel_loop3A_115 = tpu.vector_load %arg8[%parallel_loop3A_114] {strides = array<i32>} : memref<256xi32, #tpu.memory_space<vmem>>, vector<16xi32>,
      %parallel_loop3A_116 = arith.addi %parallel_loop3A_109, %parallel_loop3A_115 : vector<16xi32>
      %parallel_loop3A_117 = arith.constant 16 : i32
      %parallel_loop3A_118 = arith.muli %parallel_loop3A_42, %parallel_loop3A_117 : i32
      %parallel_loop3A_119 = arith.constant 176 : i32
      %parallel_loop3A_120 = arith.addi %parallel_loop3A_119, %parallel_loop3A_118 : i32
      %parallel_loop3A_121 = arith.index_cast %parallel_loop3A_120 : i32 to index
      %parallel_loop3A_122 = tpu.vector_load %arg8[%parallel_loop3A_121] {strides = array<i32>} : memref<256xi32, #tpu.memory_space<vmem>>, vector<16xi32>,
      %parallel_loop3A_123 = arith.addi %parallel_loop3A_116, %parallel_loop3A_122 : vector<16xi32>
      %parallel_loop3A_124 = arith.constant 16 : i32
      %parallel_loop3A_125 = arith.muli %parallel_loop3A_42, %parallel_loop3A_124 : i32
      %parallel_loop3A_126 = arith.constant 192 : i32
      %parallel_loop3A_127 = arith.addi %parallel_loop3A_126, %parallel_loop3A_125 : i32
      %parallel_loop3A_128 = arith.index_cast %parallel_loop3A_127 : i32 to index
      %parallel_loop3A_129 = tpu.vector_load %arg8[%parallel_loop3A_128] {strides = array<i32>} : memref<256xi32, #tpu.memory_space<vmem>>, vector<16xi32>,
      %parallel_loop3A_130 = arith.addi %parallel_loop3A_123, %parallel_loop3A_129 : vector<16xi32>
      %parallel_loop3A_131 = arith.constant 16 : i32
      %parallel_loop3A_132 = arith.muli %parallel_loop3A_42, %parallel_loop3A_131 : i32
      %parallel_loop3A_133 = arith.constant 208 : i32
      %parallel_loop3A_134 = arith.addi %parallel_loop3A_133, %parallel_loop3A_132 : i32
      %parallel_loop3A_135 = arith.index_cast %parallel_loop3A_134 : i32 to index
      %parallel_loop3A_136 = tpu.vector_load %arg8[%parallel_loop3A_135] {strides = array<i32>} : memref<256xi32, #tpu.memory_space<vmem>>, vector<16xi32>,
      %parallel_loop3A_137 = arith.addi %parallel_loop3A_130, %parallel_loop3A_136 : vector<16xi32>
      %parallel_loop3A_138 = arith.constant 16 : i32
      %parallel_loop3A_139 = arith.muli %parallel_loop3A_42, %parallel_loop3A_138 : i32
      %parallel_loop3A_140 = arith.constant 224 : i32
      %parallel_loop3A_141 = arith.addi %parallel_loop3A_140, %parallel_loop3A_139 : i32
      %parallel_loop3A_142 = arith.index_cast %parallel_loop3A_141 : i32 to index
      %parallel_loop3A_143 = tpu.vector_load %arg8[%parallel_loop3A_142] {strides = array<i32>} : memref<256xi32, #tpu.memory_space<vmem>>, vector<16xi32>,
      %parallel_loop3A_144 = arith.addi %parallel_loop3A_137, %parallel_loop3A_143 : vector<16xi32>
      %parallel_loop3A_145 = arith.constant 16 : i32
      %parallel_loop3A_146 = arith.muli %parallel_loop3A_42, %parallel_loop3A_145 : i32
      %parallel_loop3A_147 = arith.constant 240 : i32
      %parallel_loop3A_148 = arith.addi %parallel_loop3A_147, %parallel_loop3A_146 : i32
      %parallel_loop3A_149 = arith.index_cast %parallel_loop3A_148 : i32 to index
      %parallel_loop3A_150 = tpu.vector_load %arg8[%parallel_loop3A_149] {strides = array<i32>} : memref<256xi32, #tpu.memory_space<vmem>>, vector<16xi32>,
      %parallel_loop3A_151 = arith.addi %parallel_loop3A_144, %parallel_loop3A_150 : vector<16xi32>
      %parallel_loop3A_152 = arith.constant 16 : i32
      %parallel_loop3A_153 = arith.muli %parallel_loop3A_42, %parallel_loop3A_152 : i32
      %parallel_loop3A_154 = arith.constant 0 : i32
      %parallel_loop3A_155 = arith.index_cast %parallel_loop3A_154 : i32 to index
      %parallel_loop3A_156 = arith.index_cast %parallel_loop3A_153 : i32 to index
      %parallel_loop3A_157 = tpu.vector_load %arg9[%parallel_loop3A_155, %parallel_loop3A_156] {strides = array<i32>} : memref<1x16xi32, #tpu.memory_space<vmem>>, vector<16xi32>,
      tpu.vector_store %arg9[%parallel_loop3A_155, %parallel_loop3A_156], %parallel_loop3A_151 {strides = array<i32>} : memref<1x16xi32, #tpu.memory_space<vmem>>, vector<16xi32>,
    } {sc.loop_unroll_factor = 2 : i64, sc.parallel_access}
    "tpu.region"() ({
      %run_scoped3A = tpu.sem_alloc : memref<!tpu.dma_semaphore, #tpu.memory_space<semaphore_mem>>
      %dma_start3A_42 = arith.constant 0 : i32
      %dma_start3A_43 = tpu.memref_slice %arg4[%add3A, %dma_start3A_42] : memref<32x16xi32, #tpu.memory_space<hbm>> -> memref<1x16xi32, #tpu.memory_space<hbm>>
      %dma_start3A_44 = arith.constant 0 : i32
      %dma_start3A_45 = tpu.memref_slice %arg4[%add3A, %dma_start3A_44] : memref<32x16xi32, #tpu.memory_space<hbm>> -> memref<1x16xi32, #tpu.memory_space<hbm>>
      tpu.enqueue_dma source(%arg9 : memref<1x16xi32, #tpu.memory_space<vmem>>) target(%dma_start3A_45 : memref<1x16xi32, #tpu.memory_space<hbm>>) target_semaphore(%run_scoped3A : memref<!tpu.dma_semaphore, #tpu.memory_space<semaphore_mem>>)
      %dma_wait3A = arith.constant 0 : i32
      %dma_wait3A_46 = tpu.memref_slice %arg4[%add3A, %dma_wait3A] : memref<32x16xi32, #tpu.memory_space<hbm>> -> memref<1x16xi32, #tpu.memory_space<hbm>>
      %dma_wait3A_47 = arith.constant 0 : i32
      %dma_wait3A_48 = tpu.memref_slice %arg4[%add3A, %dma_wait3A_47] : memref<32x16xi32, #tpu.memory_space<hbm>> -> memref<1x16xi32, #tpu.memory_space<hbm>>
      tpu.wait_dma2 semaphore(%run_scoped3A : memref<!tpu.dma_semaphore, #tpu.memory_space<semaphore_mem>>) src(%arg9 : memref<1x16xi32, #tpu.memory_space<vmem>>) dst(%dma_wait3A_48 : memref<1x16xi32, #tpu.memory_space<hbm>>)
      tpu.yield
    }) : () -> ()
    return
  }
}

#map = affine_map<(d0, d1) -> (0, 0)>
module attributes {stable_mosaic.version = 14 : i64} {
  func.func @body(%arg0: i32, %arg1: i32, %arg2: memref<2048x2048xi32, #tpu.memory_space<hbm>>, %arg3: memref<32x4096xi32, #tpu.memory_space<hbm>>, %arg4: memref<8x2048xi32, #tpu.memory_space<vmem>>, %arg5: memref<8x2048xi32, #tpu.memory_space<vmem>>, %arg6: memref<65536xi32, #tpu.memory_space<vmem>>, %arg7: memref<1x4096xi32, #tpu.memory_space<vmem>>, %arg8: memref<!tpu.dma_semaphore, #tpu.memory_space<semaphore_mem>>, %arg9: memref<!tpu.dma_semaphore, #tpu.memory_space<semaphore_mem>>) attributes {dimension_semantics = [#tpu.dimension_semantics<core_parallel>, #tpu.dimension_semantics<subcore_parallel>], iteration_bounds = array<i64: 2, 16>, scalar_prefetch = 0 : i64, scratch_operands = 6 : i64, tpu.core_type = #tpu.core_type<sc_vector_subcore>, window_params = [{transform_indices = #map}, {transform_indices = #map}]} {
    %mul3A = arith.constant 2 : i32
    %mul3A_0 = arith.muli %arg1, %mul3A : i32
    %add3A = arith.addi %mul3A_0, %arg0 : i32
    %mul3A_1 = arith.constant 131072 : i32
    %mul3A_2 = arith.muli %add3A, %mul3A_1 : i32
    %iota3A = tpu.iota {dimensions = array<i32: 0>} : vector<16xi32>
    %broadcast_in_dim3A = arith.constant 1 : i32
    %broadcast_in_dim3A_3 = vector.broadcast %broadcast_in_dim3A : i32 to vector<16xi32>
    %parallel_loop3A = arith.constant 0 : i32
    %parallel_loop3A_4 = arith.constant 4096 : i32
    %parallel_loop3A_5 = arith.constant 1 : i32
    scf.for %parallel_loop3A_26 = %parallel_loop3A to %parallel_loop3A_4 step %parallel_loop3A_5  : i32 {
      %parallel_loop3A_27 = arith.constant 0 : i32
      %parallel_loop3A_28 = vector.broadcast %parallel_loop3A_27 : i32 to vector<16xi32>
      %parallel_loop3A_29 = arith.constant 16 : i32
      %parallel_loop3A_30 = arith.muli %parallel_loop3A_26, %parallel_loop3A_29 : i32
      %parallel_loop3A_31 = arith.index_cast %parallel_loop3A_30 : i32 to index
      %parallel_loop3A_32 = tpu.vector_load %arg6[%parallel_loop3A_31] {strides = array<i32>} : memref<65536xi32, #tpu.memory_space<vmem>>, vector<16xi32>,
      tpu.vector_store %arg6[%parallel_loop3A_31], %parallel_loop3A_28 {strides = array<i32>} : memref<65536xi32, #tpu.memory_space<vmem>>, vector<16xi32>,
    } {sc.loop_unroll_factor = 8 : i64, sc.parallel_access}
    %mul3A_6 = arith.constant 4096 : i32
    %mul3A_7 = vector.broadcast %mul3A_6 : i32 to vector<16xi32>
    %mul3A_8 = arith.muli %iota3A, %mul3A_7 : vector<16xi32>
    %sub3A = arith.constant 4194303 : i32
    %sub3A_9 = arith.subi %sub3A, %mul3A_2 : i32
    %sub3A_10 = vector.broadcast %sub3A_9 : i32 to vector<16xi32>
    %sub3A_11 = arith.subi %sub3A_10, %iota3A : vector<16xi32>
    %mul3A_12 = arith.constant 64 : i32
    %mul3A_13 = arith.muli %add3A, %mul3A_12 : i32
    %dma_start3A = arith.constant 0 : i32
    %dma_start3A_14 = tpu.memref_slice %arg2[%mul3A_13, %dma_start3A] : memref<2048x2048xi32, #tpu.memory_space<hbm>> -> memref<8x2048xi32, #tpu.memory_space<hbm>>
    %dma_start3A_15 = arith.constant 0 : i32
    %dma_start3A_16 = tpu.memref_slice %arg2[%mul3A_13, %dma_start3A_15] : memref<2048x2048xi32, #tpu.memory_space<hbm>> -> memref<8x2048xi32, #tpu.memory_space<hbm>>
    tpu.enqueue_dma source(%dma_start3A_16 : memref<8x2048xi32, #tpu.memory_space<hbm>>) target(%arg4 : memref<8x2048xi32, #tpu.memory_space<vmem>>) target_semaphore(%arg8 : memref<!tpu.dma_semaphore, #tpu.memory_space<semaphore_mem>>)
    %scan3A = arith.constant 0 : i32
    %scan3A_17 = arith.constant 0 : i32
    %scan3A_18 = arith.constant 4 : i32
    %scan3A_19 = arith.addi %scan3A_17, %scan3A_18 : i32
    %scan3A_20 = arith.constant 1 : i32
    %scan3A_21 = scf.for %scan3A_26 = %scan3A_17 to %scan3A_19 step %scan3A_20 iter_args(%scan3A_27 = %scan3A) -> (i32)  : i32 {
      %mul3A_28 = arith.constant 2 : i32
      %mul3A_29 = arith.muli %scan3A_26, %mul3A_28 : i32
      %add3A_30 = arith.constant 1 : i32
      %add3A_31 = arith.addi %mul3A_29, %add3A_30 : i32
      %mul3A_32 = arith.constant 8 : i32
      %mul3A_33 = arith.muli %add3A_31, %mul3A_32 : i32
      %add3A_34 = arith.addi %mul3A_13, %mul3A_33 : i32
      %dma_start3A_35 = arith.constant 0 : i32
      %dma_start3A_36 = tpu.memref_slice %arg2[%add3A_34, %dma_start3A_35] : memref<2048x2048xi32, #tpu.memory_space<hbm>> -> memref<8x2048xi32, #tpu.memory_space<hbm>>
      %dma_start3A_37 = arith.constant 0 : i32
      %dma_start3A_38 = tpu.memref_slice %arg2[%add3A_34, %dma_start3A_37] : memref<2048x2048xi32, #tpu.memory_space<hbm>> -> memref<8x2048xi32, #tpu.memory_space<hbm>>
      tpu.enqueue_dma source(%dma_start3A_38 : memref<8x2048xi32, #tpu.memory_space<hbm>>) target(%arg5 : memref<8x2048xi32, #tpu.memory_space<vmem>>) target_semaphore(%arg9 : memref<!tpu.dma_semaphore, #tpu.memory_space<semaphore_mem>>)
      %mul3A_39 = arith.constant 8 : i32
      %mul3A_40 = arith.muli %mul3A_29, %mul3A_39 : i32
      %add3A_41 = arith.addi %mul3A_13, %mul3A_40 : i32
      %dma_wait3A = arith.constant 0 : i32
      %dma_wait3A_42 = tpu.memref_slice %arg2[%add3A_41, %dma_wait3A] : memref<2048x2048xi32, #tpu.memory_space<hbm>> -> memref<8x2048xi32, #tpu.memory_space<hbm>>
      %dma_wait3A_43 = arith.constant 0 : i32
      %dma_wait3A_44 = tpu.memref_slice %arg2[%add3A_41, %dma_wait3A_43] : memref<2048x2048xi32, #tpu.memory_space<hbm>> -> memref<8x2048xi32, #tpu.memory_space<hbm>>
      tpu.wait_dma2 semaphore(%arg8 : memref<!tpu.dma_semaphore, #tpu.memory_space<semaphore_mem>>) src(%dma_wait3A_44 : memref<8x2048xi32, #tpu.memory_space<hbm>>) dst(%arg4 : memref<8x2048xi32, #tpu.memory_space<vmem>>)
      %parallel_loop3A_45 = arith.constant 0 : i32
      %parallel_loop3A_46 = arith.constant 1024 : i32
      %parallel_loop3A_47 = arith.constant 1 : i32
      scf.for %parallel_loop3A_67 = %parallel_loop3A_45 to %parallel_loop3A_46 step %parallel_loop3A_47  : i32 {
        %parallel_loop3A_68 = arith.constant 128 : i32
        %parallel_loop3A_69 = arith.divsi %parallel_loop3A_67, %parallel_loop3A_68 : i32
        %parallel_loop3A_70 = arith.constant 0 : i32
        %parallel_loop3A_71 = arith.cmpi sgt, %parallel_loop3A_67, %parallel_loop3A_70 : i32
        %parallel_loop3A_72 = arith.extui %parallel_loop3A_71 : i1 to i32
        %parallel_loop3A_73 = arith.constant 0 : i32
        %parallel_loop3A_74 = arith.cmpi slt, %parallel_loop3A_67, %parallel_loop3A_73 : i32
        %parallel_loop3A_75 = arith.extui %parallel_loop3A_74 : i1 to i32
        %parallel_loop3A_76 = arith.subi %parallel_loop3A_72, %parallel_loop3A_75 : i32
        %parallel_loop3A_77 = arith.constant 0 : i32
        %parallel_loop3A_78 = arith.cmpi sgt, %parallel_loop3A_68, %parallel_loop3A_77 : i32
        %parallel_loop3A_79 = arith.extui %parallel_loop3A_78 : i1 to i32
        %parallel_loop3A_80 = arith.constant 0 : i32
        %parallel_loop3A_81 = arith.cmpi slt, %parallel_loop3A_68, %parallel_loop3A_80 : i32
        %parallel_loop3A_82 = arith.extui %parallel_loop3A_81 : i1 to i32
        %parallel_loop3A_83 = arith.subi %parallel_loop3A_79, %parallel_loop3A_82 : i32
        %parallel_loop3A_84 = arith.cmpi ne, %parallel_loop3A_76, %parallel_loop3A_83 : i32
        %parallel_loop3A_85 = arith.remsi %parallel_loop3A_67, %parallel_loop3A_68 : i32
        %parallel_loop3A_86 = arith.constant 0 : i32
        %parallel_loop3A_87 = arith.cmpi ne, %parallel_loop3A_85, %parallel_loop3A_86 : i32
        %parallel_loop3A_88 = arith.andi %parallel_loop3A_84, %parallel_loop3A_87 : i1
        %parallel_loop3A_89 = arith.constant 1 : i32
        %parallel_loop3A_90 = arith.subi %parallel_loop3A_69, %parallel_loop3A_89 : i32
        %parallel_loop3A_91 = arith.select %parallel_loop3A_88, %parallel_loop3A_90, %parallel_loop3A_69 : i32
        %parallel_loop3A_92 = arith.constant 128 : i32
        %parallel_loop3A_93 = arith.constant 0 : i32
        %parallel_loop3A_94 = arith.cmpi eq, %parallel_loop3A_92, %parallel_loop3A_93 : i32
        %parallel_loop3A_95 = arith.constant 1 : i32
        %parallel_loop3A_96 = arith.select %parallel_loop3A_94, %parallel_loop3A_95, %parallel_loop3A_92 : i32
        %parallel_loop3A_97 = arith.remsi %parallel_loop3A_67, %parallel_loop3A_96 : i32
        %parallel_loop3A_98 = arith.constant 0 : i32
        %parallel_loop3A_99 = arith.cmpi ne, %parallel_loop3A_97, %parallel_loop3A_98 : i32
        %parallel_loop3A_100 = arith.constant 0 : i32
        %parallel_loop3A_101 = arith.cmpi slt, %parallel_loop3A_97, %parallel_loop3A_100 : i32
        %parallel_loop3A_102 = arith.constant 0 : i32
        %parallel_loop3A_103 = arith.cmpi slt, %parallel_loop3A_96, %parallel_loop3A_102 : i32
        %parallel_loop3A_104 = arith.xori %parallel_loop3A_101, %parallel_loop3A_103 : i1
        %parallel_loop3A_105 = arith.andi %parallel_loop3A_104, %parallel_loop3A_99 : i1
        %parallel_loop3A_106 = arith.addi %parallel_loop3A_97, %parallel_loop3A_96 : i32
        %parallel_loop3A_107 = arith.select %parallel_loop3A_105, %parallel_loop3A_106, %parallel_loop3A_97 : i32
        %parallel_loop3A_108 = arith.constant 16 : i32
        %parallel_loop3A_109 = arith.muli %parallel_loop3A_107, %parallel_loop3A_108 : i32
        %parallel_loop3A_110 = arith.index_cast %parallel_loop3A_91 : i32 to index
        %parallel_loop3A_111 = arith.index_cast %parallel_loop3A_109 : i32 to index
        %parallel_loop3A_112 = tpu.vector_load %arg4[%parallel_loop3A_110, %parallel_loop3A_111] {strides = array<i32>} : memref<8x2048xi32, #tpu.memory_space<vmem>>, vector<16xi32>,
        %parallel_loop3A_113 = arith.constant 16384 : i32
        %parallel_loop3A_114 = arith.muli %mul3A_29, %parallel_loop3A_113 : i32
        %parallel_loop3A_115 = arith.constant 16 : i32
        %parallel_loop3A_116 = arith.muli %parallel_loop3A_67, %parallel_loop3A_115 : i32
        %parallel_loop3A_117 = arith.addi %parallel_loop3A_114, %parallel_loop3A_116 : i32
        %parallel_loop3A_118 = vector.broadcast %parallel_loop3A_117 : i32 to vector<16xi32>
        %parallel_loop3A_119 = arith.subi %sub3A_11, %parallel_loop3A_118 : vector<16xi32>
        %parallel_loop3A_120 = arith.constant 18 : i32
        %parallel_loop3A_121 = vector.broadcast %parallel_loop3A_120 : i32 to vector<16xi32>
        %parallel_loop3A_122 = arith.shrsi %parallel_loop3A_112, %parallel_loop3A_121 : vector<16xi32>
        %parallel_loop3A_123 = arith.addi %mul3A_8, %parallel_loop3A_122 : vector<16xi32>
        tpu.vector_store_idx %arg6[%parallel_loop3A_123], %broadcast_in_dim3A_3 {add = true} : memref<65536xi32, #tpu.memory_space<vmem>>[vector<16xi32>], vector<16xi32>,
      } {sc.loop_unroll_factor = 8 : i64, sc.parallel_access}
      %add3A_48 = arith.constant 1 : i32
      %add3A_49 = arith.addi %scan3A_26, %add3A_48 : i32
      %lt3A = arith.constant 4 : i32
      %lt3A_50 = arith.cmpi slt, %add3A_49, %lt3A : i32
      %convert_element_type3A = arith.extui %lt3A_50 : i1 to i32
      %cond3A = arith.constant 0 : i32
      %cond3A_51 = arith.cmpi ne, %convert_element_type3A, %cond3A : i32
      scf.if %cond3A_51 {
        %add3A_67 = arith.constant 2 : i32
        %add3A_68 = arith.addi %mul3A_29, %add3A_67 : i32
        %mul3A_69 = arith.constant 8 : i32
        %mul3A_70 = arith.muli %add3A_68, %mul3A_69 : i32
        %add3A_71 = arith.addi %mul3A_13, %mul3A_70 : i32
        %dma_start3A_72 = arith.constant 0 : i32
        %dma_start3A_73 = tpu.memref_slice %arg2[%add3A_71, %dma_start3A_72] : memref<2048x2048xi32, #tpu.memory_space<hbm>> -> memref<8x2048xi32, #tpu.memory_space<hbm>>
        %dma_start3A_74 = arith.constant 0 : i32
        %dma_start3A_75 = tpu.memref_slice %arg2[%add3A_71, %dma_start3A_74] : memref<2048x2048xi32, #tpu.memory_space<hbm>> -> memref<8x2048xi32, #tpu.memory_space<hbm>>
        tpu.enqueue_dma source(%dma_start3A_75 : memref<8x2048xi32, #tpu.memory_space<hbm>>) target(%arg4 : memref<8x2048xi32, #tpu.memory_space<vmem>>) target_semaphore(%arg8 : memref<!tpu.dma_semaphore, #tpu.memory_space<semaphore_mem>>)
      } else {
      }
      %add3A_52 = arith.constant 1 : i32
      %add3A_53 = arith.addi %mul3A_29, %add3A_52 : i32
      %mul3A_54 = arith.constant 8 : i32
      %mul3A_55 = arith.muli %add3A_53, %mul3A_54 : i32
      %add3A_56 = arith.addi %mul3A_13, %mul3A_55 : i32
      %dma_wait3A_57 = arith.constant 0 : i32
      %dma_wait3A_58 = tpu.memref_slice %arg2[%add3A_56, %dma_wait3A_57] : memref<2048x2048xi32, #tpu.memory_space<hbm>> -> memref<8x2048xi32, #tpu.memory_space<hbm>>
      %dma_wait3A_59 = arith.constant 0 : i32
      %dma_wait3A_60 = tpu.memref_slice %arg2[%add3A_56, %dma_wait3A_59] : memref<2048x2048xi32, #tpu.memory_space<hbm>> -> memref<8x2048xi32, #tpu.memory_space<hbm>>
      tpu.wait_dma2 semaphore(%arg9 : memref<!tpu.dma_semaphore, #tpu.memory_space<semaphore_mem>>) src(%dma_wait3A_60 : memref<8x2048xi32, #tpu.memory_space<hbm>>) dst(%arg5 : memref<8x2048xi32, #tpu.memory_space<vmem>>)
      %add3A_61 = arith.constant 1 : i32
      %add3A_62 = arith.addi %mul3A_29, %add3A_61 : i32
      %parallel_loop3A_63 = arith.constant 0 : i32
      %parallel_loop3A_64 = arith.constant 1024 : i32
      %parallel_loop3A_65 = arith.constant 1 : i32
      scf.for %parallel_loop3A_67 = %parallel_loop3A_63 to %parallel_loop3A_64 step %parallel_loop3A_65  : i32 {
        %parallel_loop3A_68 = arith.constant 128 : i32
        %parallel_loop3A_69 = arith.divsi %parallel_loop3A_67, %parallel_loop3A_68 : i32
        %parallel_loop3A_70 = arith.constant 0 : i32
        %parallel_loop3A_71 = arith.cmpi sgt, %parallel_loop3A_67, %parallel_loop3A_70 : i32
        %parallel_loop3A_72 = arith.extui %parallel_loop3A_71 : i1 to i32
        %parallel_loop3A_73 = arith.constant 0 : i32
        %parallel_loop3A_74 = arith.cmpi slt, %parallel_loop3A_67, %parallel_loop3A_73 : i32
        %parallel_loop3A_75 = arith.extui %parallel_loop3A_74 : i1 to i32
        %parallel_loop3A_76 = arith.subi %parallel_loop3A_72, %parallel_loop3A_75 : i32
        %parallel_loop3A_77 = arith.constant 0 : i32
        %parallel_loop3A_78 = arith.cmpi sgt, %parallel_loop3A_68, %parallel_loop3A_77 : i32
        %parallel_loop3A_79 = arith.extui %parallel_loop3A_78 : i1 to i32
        %parallel_loop3A_80 = arith.constant 0 : i32
        %parallel_loop3A_81 = arith.cmpi slt, %parallel_loop3A_68, %parallel_loop3A_80 : i32
        %parallel_loop3A_82 = arith.extui %parallel_loop3A_81 : i1 to i32
        %parallel_loop3A_83 = arith.subi %parallel_loop3A_79, %parallel_loop3A_82 : i32
        %parallel_loop3A_84 = arith.cmpi ne, %parallel_loop3A_76, %parallel_loop3A_83 : i32
        %parallel_loop3A_85 = arith.remsi %parallel_loop3A_67, %parallel_loop3A_68 : i32
        %parallel_loop3A_86 = arith.constant 0 : i32
        %parallel_loop3A_87 = arith.cmpi ne, %parallel_loop3A_85, %parallel_loop3A_86 : i32
        %parallel_loop3A_88 = arith.andi %parallel_loop3A_84, %parallel_loop3A_87 : i1
        %parallel_loop3A_89 = arith.constant 1 : i32
        %parallel_loop3A_90 = arith.subi %parallel_loop3A_69, %parallel_loop3A_89 : i32
        %parallel_loop3A_91 = arith.select %parallel_loop3A_88, %parallel_loop3A_90, %parallel_loop3A_69 : i32
        %parallel_loop3A_92 = arith.constant 128 : i32
        %parallel_loop3A_93 = arith.constant 0 : i32
        %parallel_loop3A_94 = arith.cmpi eq, %parallel_loop3A_92, %parallel_loop3A_93 : i32
        %parallel_loop3A_95 = arith.constant 1 : i32
        %parallel_loop3A_96 = arith.select %parallel_loop3A_94, %parallel_loop3A_95, %parallel_loop3A_92 : i32
        %parallel_loop3A_97 = arith.remsi %parallel_loop3A_67, %parallel_loop3A_96 : i32
        %parallel_loop3A_98 = arith.constant 0 : i32
        %parallel_loop3A_99 = arith.cmpi ne, %parallel_loop3A_97, %parallel_loop3A_98 : i32
        %parallel_loop3A_100 = arith.constant 0 : i32
        %parallel_loop3A_101 = arith.cmpi slt, %parallel_loop3A_97, %parallel_loop3A_100 : i32
        %parallel_loop3A_102 = arith.constant 0 : i32
        %parallel_loop3A_103 = arith.cmpi slt, %parallel_loop3A_96, %parallel_loop3A_102 : i32
        %parallel_loop3A_104 = arith.xori %parallel_loop3A_101, %parallel_loop3A_103 : i1
        %parallel_loop3A_105 = arith.andi %parallel_loop3A_104, %parallel_loop3A_99 : i1
        %parallel_loop3A_106 = arith.addi %parallel_loop3A_97, %parallel_loop3A_96 : i32
        %parallel_loop3A_107 = arith.select %parallel_loop3A_105, %parallel_loop3A_106, %parallel_loop3A_97 : i32
        %parallel_loop3A_108 = arith.constant 16 : i32
        %parallel_loop3A_109 = arith.muli %parallel_loop3A_107, %parallel_loop3A_108 : i32
        %parallel_loop3A_110 = arith.index_cast %parallel_loop3A_91 : i32 to index
        %parallel_loop3A_111 = arith.index_cast %parallel_loop3A_109 : i32 to index
        %parallel_loop3A_112 = tpu.vector_load %arg5[%parallel_loop3A_110, %parallel_loop3A_111] {strides = array<i32>} : memref<8x2048xi32, #tpu.memory_space<vmem>>, vector<16xi32>,
        %parallel_loop3A_113 = arith.constant 16384 : i32
        %parallel_loop3A_114 = arith.muli %add3A_62, %parallel_loop3A_113 : i32
        %parallel_loop3A_115 = arith.constant 16 : i32
        %parallel_loop3A_116 = arith.muli %parallel_loop3A_67, %parallel_loop3A_115 : i32
        %parallel_loop3A_117 = arith.addi %parallel_loop3A_114, %parallel_loop3A_116 : i32
        %parallel_loop3A_118 = vector.broadcast %parallel_loop3A_117 : i32 to vector<16xi32>
        %parallel_loop3A_119 = arith.subi %sub3A_11, %parallel_loop3A_118 : vector<16xi32>
        %parallel_loop3A_120 = arith.constant 18 : i32
        %parallel_loop3A_121 = vector.broadcast %parallel_loop3A_120 : i32 to vector<16xi32>
        %parallel_loop3A_122 = arith.shrsi %parallel_loop3A_112, %parallel_loop3A_121 : vector<16xi32>
        %parallel_loop3A_123 = arith.addi %mul3A_8, %parallel_loop3A_122 : vector<16xi32>
        tpu.vector_store_idx %arg6[%parallel_loop3A_123], %broadcast_in_dim3A_3 {add = true} : memref<65536xi32, #tpu.memory_space<vmem>>[vector<16xi32>], vector<16xi32>,
      } {sc.loop_unroll_factor = 8 : i64, sc.parallel_access}
      %scan3A_66 = arith.constant 0 : i32
      scf.yield %scan3A_66 : i32
    }
    %scan3A_22 = arith.constant 4 : i32
    %parallel_loop3A_23 = arith.constant 0 : i32
    %parallel_loop3A_24 = arith.constant 256 : i32
    %parallel_loop3A_25 = arith.constant 1 : i32
    scf.for %parallel_loop3A_26 = %parallel_loop3A_23 to %parallel_loop3A_24 step %parallel_loop3A_25  : i32 {
      %parallel_loop3A_27 = arith.constant 16 : i32
      %parallel_loop3A_28 = arith.muli %parallel_loop3A_26, %parallel_loop3A_27 : i32
      %parallel_loop3A_29 = arith.index_cast %parallel_loop3A_28 : i32 to index
      %parallel_loop3A_30 = tpu.vector_load %arg6[%parallel_loop3A_29] {strides = array<i32>} : memref<65536xi32, #tpu.memory_space<vmem>>, vector<16xi32>,
      %parallel_loop3A_31 = arith.constant 16 : i32
      %parallel_loop3A_32 = arith.muli %parallel_loop3A_26, %parallel_loop3A_31 : i32
      %parallel_loop3A_33 = arith.constant 4096 : i32
      %parallel_loop3A_34 = arith.addi %parallel_loop3A_33, %parallel_loop3A_32 : i32
      %parallel_loop3A_35 = arith.index_cast %parallel_loop3A_34 : i32 to index
      %parallel_loop3A_36 = tpu.vector_load %arg6[%parallel_loop3A_35] {strides = array<i32>} : memref<65536xi32, #tpu.memory_space<vmem>>, vector<16xi32>,
      %parallel_loop3A_37 = arith.addi %parallel_loop3A_30, %parallel_loop3A_36 : vector<16xi32>
      %parallel_loop3A_38 = arith.constant 16 : i32
      %parallel_loop3A_39 = arith.muli %parallel_loop3A_26, %parallel_loop3A_38 : i32
      %parallel_loop3A_40 = arith.constant 8192 : i32
      %parallel_loop3A_41 = arith.addi %parallel_loop3A_40, %parallel_loop3A_39 : i32
      %parallel_loop3A_42 = arith.index_cast %parallel_loop3A_41 : i32 to index
      %parallel_loop3A_43 = tpu.vector_load %arg6[%parallel_loop3A_42] {strides = array<i32>} : memref<65536xi32, #tpu.memory_space<vmem>>, vector<16xi32>,
      %parallel_loop3A_44 = arith.addi %parallel_loop3A_37, %parallel_loop3A_43 : vector<16xi32>
      %parallel_loop3A_45 = arith.constant 16 : i32
      %parallel_loop3A_46 = arith.muli %parallel_loop3A_26, %parallel_loop3A_45 : i32
      %parallel_loop3A_47 = arith.constant 12288 : i32
      %parallel_loop3A_48 = arith.addi %parallel_loop3A_47, %parallel_loop3A_46 : i32
      %parallel_loop3A_49 = arith.index_cast %parallel_loop3A_48 : i32 to index
      %parallel_loop3A_50 = tpu.vector_load %arg6[%parallel_loop3A_49] {strides = array<i32>} : memref<65536xi32, #tpu.memory_space<vmem>>, vector<16xi32>,
      %parallel_loop3A_51 = arith.addi %parallel_loop3A_44, %parallel_loop3A_50 : vector<16xi32>
      %parallel_loop3A_52 = arith.constant 16 : i32
      %parallel_loop3A_53 = arith.muli %parallel_loop3A_26, %parallel_loop3A_52 : i32
      %parallel_loop3A_54 = arith.constant 16384 : i32
      %parallel_loop3A_55 = arith.addi %parallel_loop3A_54, %parallel_loop3A_53 : i32
      %parallel_loop3A_56 = arith.index_cast %parallel_loop3A_55 : i32 to index
      %parallel_loop3A_57 = tpu.vector_load %arg6[%parallel_loop3A_56] {strides = array<i32>} : memref<65536xi32, #tpu.memory_space<vmem>>, vector<16xi32>,
      %parallel_loop3A_58 = arith.addi %parallel_loop3A_51, %parallel_loop3A_57 : vector<16xi32>
      %parallel_loop3A_59 = arith.constant 16 : i32
      %parallel_loop3A_60 = arith.muli %parallel_loop3A_26, %parallel_loop3A_59 : i32
      %parallel_loop3A_61 = arith.constant 20480 : i32
      %parallel_loop3A_62 = arith.addi %parallel_loop3A_61, %parallel_loop3A_60 : i32
      %parallel_loop3A_63 = arith.index_cast %parallel_loop3A_62 : i32 to index
      %parallel_loop3A_64 = tpu.vector_load %arg6[%parallel_loop3A_63] {strides = array<i32>} : memref<65536xi32, #tpu.memory_space<vmem>>, vector<16xi32>,
      %parallel_loop3A_65 = arith.addi %parallel_loop3A_58, %parallel_loop3A_64 : vector<16xi32>
      %parallel_loop3A_66 = arith.constant 16 : i32
      %parallel_loop3A_67 = arith.muli %parallel_loop3A_26, %parallel_loop3A_66 : i32
      %parallel_loop3A_68 = arith.constant 24576 : i32
      %parallel_loop3A_69 = arith.addi %parallel_loop3A_68, %parallel_loop3A_67 : i32
      %parallel_loop3A_70 = arith.index_cast %parallel_loop3A_69 : i32 to index
      %parallel_loop3A_71 = tpu.vector_load %arg6[%parallel_loop3A_70] {strides = array<i32>} : memref<65536xi32, #tpu.memory_space<vmem>>, vector<16xi32>,
      %parallel_loop3A_72 = arith.addi %parallel_loop3A_65, %parallel_loop3A_71 : vector<16xi32>
      %parallel_loop3A_73 = arith.constant 16 : i32
      %parallel_loop3A_74 = arith.muli %parallel_loop3A_26, %parallel_loop3A_73 : i32
      %parallel_loop3A_75 = arith.constant 28672 : i32
      %parallel_loop3A_76 = arith.addi %parallel_loop3A_75, %parallel_loop3A_74 : i32
      %parallel_loop3A_77 = arith.index_cast %parallel_loop3A_76 : i32 to index
      %parallel_loop3A_78 = tpu.vector_load %arg6[%parallel_loop3A_77] {strides = array<i32>} : memref<65536xi32, #tpu.memory_space<vmem>>, vector<16xi32>,
      %parallel_loop3A_79 = arith.addi %parallel_loop3A_72, %parallel_loop3A_78 : vector<16xi32>
      %parallel_loop3A_80 = arith.constant 16 : i32
      %parallel_loop3A_81 = arith.muli %parallel_loop3A_26, %parallel_loop3A_80 : i32
      %parallel_loop3A_82 = arith.constant 32768 : i32
      %parallel_loop3A_83 = arith.addi %parallel_loop3A_82, %parallel_loop3A_81 : i32
      %parallel_loop3A_84 = arith.index_cast %parallel_loop3A_83 : i32 to index
      %parallel_loop3A_85 = tpu.vector_load %arg6[%parallel_loop3A_84] {strides = array<i32>} : memref<65536xi32, #tpu.memory_space<vmem>>, vector<16xi32>,
      %parallel_loop3A_86 = arith.addi %parallel_loop3A_79, %parallel_loop3A_85 : vector<16xi32>
      %parallel_loop3A_87 = arith.constant 16 : i32
      %parallel_loop3A_88 = arith.muli %parallel_loop3A_26, %parallel_loop3A_87 : i32
      %parallel_loop3A_89 = arith.constant 36864 : i32
      %parallel_loop3A_90 = arith.addi %parallel_loop3A_89, %parallel_loop3A_88 : i32
      %parallel_loop3A_91 = arith.index_cast %parallel_loop3A_90 : i32 to index
      %parallel_loop3A_92 = tpu.vector_load %arg6[%parallel_loop3A_91] {strides = array<i32>} : memref<65536xi32, #tpu.memory_space<vmem>>, vector<16xi32>,
      %parallel_loop3A_93 = arith.addi %parallel_loop3A_86, %parallel_loop3A_92 : vector<16xi32>
      %parallel_loop3A_94 = arith.constant 16 : i32
      %parallel_loop3A_95 = arith.muli %parallel_loop3A_26, %parallel_loop3A_94 : i32
      %parallel_loop3A_96 = arith.constant 40960 : i32
      %parallel_loop3A_97 = arith.addi %parallel_loop3A_96, %parallel_loop3A_95 : i32
      %parallel_loop3A_98 = arith.index_cast %parallel_loop3A_97 : i32 to index
      %parallel_loop3A_99 = tpu.vector_load %arg6[%parallel_loop3A_98] {strides = array<i32>} : memref<65536xi32, #tpu.memory_space<vmem>>, vector<16xi32>,
      %parallel_loop3A_100 = arith.addi %parallel_loop3A_93, %parallel_loop3A_99 : vector<16xi32>
      %parallel_loop3A_101 = arith.constant 16 : i32
      %parallel_loop3A_102 = arith.muli %parallel_loop3A_26, %parallel_loop3A_101 : i32
      %parallel_loop3A_103 = arith.constant 45056 : i32
      %parallel_loop3A_104 = arith.addi %parallel_loop3A_103, %parallel_loop3A_102 : i32
      %parallel_loop3A_105 = arith.index_cast %parallel_loop3A_104 : i32 to index
      %parallel_loop3A_106 = tpu.vector_load %arg6[%parallel_loop3A_105] {strides = array<i32>} : memref<65536xi32, #tpu.memory_space<vmem>>, vector<16xi32>,
      %parallel_loop3A_107 = arith.addi %parallel_loop3A_100, %parallel_loop3A_106 : vector<16xi32>
      %parallel_loop3A_108 = arith.constant 16 : i32
      %parallel_loop3A_109 = arith.muli %parallel_loop3A_26, %parallel_loop3A_108 : i32
      %parallel_loop3A_110 = arith.constant 49152 : i32
      %parallel_loop3A_111 = arith.addi %parallel_loop3A_110, %parallel_loop3A_109 : i32
      %parallel_loop3A_112 = arith.index_cast %parallel_loop3A_111 : i32 to index
      %parallel_loop3A_113 = tpu.vector_load %arg6[%parallel_loop3A_112] {strides = array<i32>} : memref<65536xi32, #tpu.memory_space<vmem>>, vector<16xi32>,
      %parallel_loop3A_114 = arith.addi %parallel_loop3A_107, %parallel_loop3A_113 : vector<16xi32>
      %parallel_loop3A_115 = arith.constant 16 : i32
      %parallel_loop3A_116 = arith.muli %parallel_loop3A_26, %parallel_loop3A_115 : i32
      %parallel_loop3A_117 = arith.constant 53248 : i32
      %parallel_loop3A_118 = arith.addi %parallel_loop3A_117, %parallel_loop3A_116 : i32
      %parallel_loop3A_119 = arith.index_cast %parallel_loop3A_118 : i32 to index
      %parallel_loop3A_120 = tpu.vector_load %arg6[%parallel_loop3A_119] {strides = array<i32>} : memref<65536xi32, #tpu.memory_space<vmem>>, vector<16xi32>,
      %parallel_loop3A_121 = arith.addi %parallel_loop3A_114, %parallel_loop3A_120 : vector<16xi32>
      %parallel_loop3A_122 = arith.constant 16 : i32
      %parallel_loop3A_123 = arith.muli %parallel_loop3A_26, %parallel_loop3A_122 : i32
      %parallel_loop3A_124 = arith.constant 57344 : i32
      %parallel_loop3A_125 = arith.addi %parallel_loop3A_124, %parallel_loop3A_123 : i32
      %parallel_loop3A_126 = arith.index_cast %parallel_loop3A_125 : i32 to index
      %parallel_loop3A_127 = tpu.vector_load %arg6[%parallel_loop3A_126] {strides = array<i32>} : memref<65536xi32, #tpu.memory_space<vmem>>, vector<16xi32>,
      %parallel_loop3A_128 = arith.addi %parallel_loop3A_121, %parallel_loop3A_127 : vector<16xi32>
      %parallel_loop3A_129 = arith.constant 16 : i32
      %parallel_loop3A_130 = arith.muli %parallel_loop3A_26, %parallel_loop3A_129 : i32
      %parallel_loop3A_131 = arith.constant 61440 : i32
      %parallel_loop3A_132 = arith.addi %parallel_loop3A_131, %parallel_loop3A_130 : i32
      %parallel_loop3A_133 = arith.index_cast %parallel_loop3A_132 : i32 to index
      %parallel_loop3A_134 = tpu.vector_load %arg6[%parallel_loop3A_133] {strides = array<i32>} : memref<65536xi32, #tpu.memory_space<vmem>>, vector<16xi32>,
      %parallel_loop3A_135 = arith.addi %parallel_loop3A_128, %parallel_loop3A_134 : vector<16xi32>
      %parallel_loop3A_136 = arith.constant 16 : i32
      %parallel_loop3A_137 = arith.muli %parallel_loop3A_26, %parallel_loop3A_136 : i32
      %parallel_loop3A_138 = arith.constant 0 : i32
      %parallel_loop3A_139 = arith.index_cast %parallel_loop3A_138 : i32 to index
      %parallel_loop3A_140 = arith.index_cast %parallel_loop3A_137 : i32 to index
      %parallel_loop3A_141 = tpu.vector_load %arg7[%parallel_loop3A_139, %parallel_loop3A_140] {strides = array<i32>} : memref<1x4096xi32, #tpu.memory_space<vmem>>, vector<16xi32>,
      tpu.vector_store %arg7[%parallel_loop3A_139, %parallel_loop3A_140], %parallel_loop3A_135 {strides = array<i32>} : memref<1x4096xi32, #tpu.memory_space<vmem>>, vector<16xi32>,
    } {sc.loop_unroll_factor = 2 : i64, sc.parallel_access}
    "tpu.region"() ({
      %run_scoped3A = tpu.sem_alloc : memref<!tpu.dma_semaphore, #tpu.memory_space<semaphore_mem>>
      %dma_start3A_26 = arith.constant 0 : i32
      %dma_start3A_27 = tpu.memref_slice %arg3[%add3A, %dma_start3A_26] : memref<32x4096xi32, #tpu.memory_space<hbm>> -> memref<1x4096xi32, #tpu.memory_space<hbm>>
      %dma_start3A_28 = arith.constant 0 : i32
      %dma_start3A_29 = tpu.memref_slice %arg3[%add3A, %dma_start3A_28] : memref<32x4096xi32, #tpu.memory_space<hbm>> -> memref<1x4096xi32, #tpu.memory_space<hbm>>
      tpu.enqueue_dma source(%arg7 : memref<1x4096xi32, #tpu.memory_space<vmem>>) target(%dma_start3A_29 : memref<1x4096xi32, #tpu.memory_space<hbm>>) target_semaphore(%run_scoped3A : memref<!tpu.dma_semaphore, #tpu.memory_space<semaphore_mem>>)
      %dma_wait3A = arith.constant 0 : i32
      %dma_wait3A_30 = tpu.memref_slice %arg3[%add3A, %dma_wait3A] : memref<32x4096xi32, #tpu.memory_space<hbm>> -> memref<1x4096xi32, #tpu.memory_space<hbm>>
      %dma_wait3A_31 = arith.constant 0 : i32
      %dma_wait3A_32 = tpu.memref_slice %arg3[%add3A, %dma_wait3A_31] : memref<32x4096xi32, #tpu.memory_space<hbm>> -> memref<1x4096xi32, #tpu.memory_space<hbm>>
      tpu.wait_dma2 semaphore(%run_scoped3A : memref<!tpu.dma_semaphore, #tpu.memory_space<semaphore_mem>>) src(%arg7 : memref<1x4096xi32, #tpu.memory_space<vmem>>) dst(%dma_wait3A_32 : memref<1x4096xi32, #tpu.memory_space<hbm>>)
      tpu.yield
    }) : () -> ()
    return
  }
}

#map = affine_map<(d0, d1) -> (0, 0)>
#map1 = affine_map<(d0, d1) -> (0)>
module attributes {stable_mosaic.version = 14 : i64} {
  func.func @body(%arg0: i32, %arg1: i32, %arg2: memref<2048x2048xi32, #tpu.memory_space<hbm>>, %arg3: memref<128xi32, #tpu.memory_space<hbm>>, %arg4: memref<32x4096xi32, #tpu.memory_space<hbm>>, %arg5: memref<8x2048xi32, #tpu.memory_space<vmem>>, %arg6: memref<8x2048xi32, #tpu.memory_space<vmem>>, %arg7: memref<128xi32, #tpu.memory_space<vmem>>, %arg8: memref<65536xi32, #tpu.memory_space<vmem>>, %arg9: memref<1x4096xi32, #tpu.memory_space<vmem>>, %arg10: memref<!tpu.dma_semaphore, #tpu.memory_space<semaphore_mem>>, %arg11: memref<!tpu.dma_semaphore, #tpu.memory_space<semaphore_mem>>) attributes {dimension_semantics = [#tpu.dimension_semantics<core_parallel>, #tpu.dimension_semantics<subcore_parallel>], iteration_bounds = array<i64: 2, 16>, scalar_prefetch = 0 : i64, scratch_operands = 7 : i64, tpu.core_type = #tpu.core_type<sc_vector_subcore>, window_params = [{transform_indices = #map}, {transform_indices = #map1}, {transform_indices = #map}]} {
    %mul3A = arith.constant 2 : i32
    %mul3A_0 = arith.muli %arg1, %mul3A : i32
    %add3A = arith.addi %mul3A_0, %arg0 : i32
    %mul3A_1 = arith.constant 131072 : i32
    %mul3A_2 = arith.muli %add3A, %mul3A_1 : i32
    %iota3A = tpu.iota {dimensions = array<i32: 0>} : vector<16xi32>
    %broadcast_in_dim3A = arith.constant 1 : i32
    %broadcast_in_dim3A_3 = vector.broadcast %broadcast_in_dim3A : i32 to vector<16xi32>
    "tpu.region"() ({
      %run_scoped3A = tpu.sem_alloc : memref<!tpu.dma_semaphore, #tpu.memory_space<semaphore_mem>>
      tpu.enqueue_dma source(%arg3 : memref<128xi32, #tpu.memory_space<hbm>>) target(%arg7 : memref<128xi32, #tpu.memory_space<vmem>>) target_semaphore(%run_scoped3A : memref<!tpu.dma_semaphore, #tpu.memory_space<semaphore_mem>>)
      tpu.wait_dma2 semaphore(%run_scoped3A : memref<!tpu.dma_semaphore, #tpu.memory_space<semaphore_mem>>) src(%arg3 : memref<128xi32, #tpu.memory_space<hbm>>) dst(%arg7 : memref<128xi32, #tpu.memory_space<vmem>>)
      tpu.yield
    }) : () -> ()
    %get3A = arith.constant 0 : index
    %get3A_4 = tpu.vector_load %arg7[%get3A] {strides = array<i32>} : memref<128xi32, #tpu.memory_space<vmem>>, vector<16xi32>,
    %slice3A = vector.extract_strided_slice %get3A_4 {offsets = [0], sizes = [1], strides = [1]} : vector<16xi32> to vector<1xi32>
    %squeeze3A = vector.extract %slice3A[0] : i32 from vector<1xi32>
    %slice3A_5 = vector.extract_strided_slice %get3A_4 {offsets = [1], sizes = [1], strides = [1]} : vector<16xi32> to vector<1xi32>
    %squeeze3A_6 = vector.extract %slice3A_5[0] : i32 from vector<1xi32>
    %slice3A_7 = vector.extract_strided_slice %get3A_4 {offsets = [2], sizes = [1], strides = [1]} : vector<16xi32> to vector<1xi32>
    %squeeze3A_8 = vector.extract %slice3A_7[0] : i32 from vector<1xi32>
    %slice3A_9 = vector.extract_strided_slice %get3A_4 {offsets = [3], sizes = [1], strides = [1]} : vector<16xi32> to vector<1xi32>
    %squeeze3A_10 = vector.extract %slice3A_9[0] : i32 from vector<1xi32>
    %shift_left3A = arith.constant 12 : i32
    %shift_left3A_11 = arith.shli %squeeze3A, %shift_left3A : i32
    %or3A = arith.ori %shift_left3A_11, %squeeze3A_6 : i32
    %shift_left3A_12 = arith.constant 6 : i32
    %shift_left3A_13 = arith.shli %or3A, %shift_left3A_12 : i32
    %shift_right_arithmetic3A = arith.constant 6 : i32
    %shift_right_arithmetic3A_14 = arith.shrsi %squeeze3A_8, %shift_right_arithmetic3A : i32
    %or3A_15 = arith.ori %shift_left3A_13, %shift_right_arithmetic3A_14 : i32
    %and3A = arith.constant 63 : i32
    %and3A_16 = arith.andi %squeeze3A_8, %and3A : i32
    %shift_left3A_17 = arith.constant 12 : i32
    %shift_left3A_18 = arith.shli %and3A_16, %shift_left3A_17 : i32
    %or3A_19 = arith.ori %shift_left3A_18, %squeeze3A_10 : i32
    %parallel_loop3A = arith.constant 0 : i32
    %parallel_loop3A_20 = arith.constant 4096 : i32
    %parallel_loop3A_21 = arith.constant 1 : i32
    scf.for %parallel_loop3A_42 = %parallel_loop3A to %parallel_loop3A_20 step %parallel_loop3A_21  : i32 {
      %parallel_loop3A_43 = arith.constant 0 : i32
      %parallel_loop3A_44 = vector.broadcast %parallel_loop3A_43 : i32 to vector<16xi32>
      %parallel_loop3A_45 = arith.constant 16 : i32
      %parallel_loop3A_46 = arith.muli %parallel_loop3A_42, %parallel_loop3A_45 : i32
      %parallel_loop3A_47 = arith.index_cast %parallel_loop3A_46 : i32 to index
      %parallel_loop3A_48 = tpu.vector_load %arg8[%parallel_loop3A_47] {strides = array<i32>} : memref<65536xi32, #tpu.memory_space<vmem>>, vector<16xi32>,
      tpu.vector_store %arg8[%parallel_loop3A_47], %parallel_loop3A_44 {strides = array<i32>} : memref<65536xi32, #tpu.memory_space<vmem>>, vector<16xi32>,
    } {sc.loop_unroll_factor = 8 : i64, sc.parallel_access}
    %mul3A_22 = arith.constant 4096 : i32
    %mul3A_23 = vector.broadcast %mul3A_22 : i32 to vector<16xi32>
    %mul3A_24 = arith.muli %iota3A, %mul3A_23 : vector<16xi32>
    %sub3A = arith.constant 4194303 : i32
    %sub3A_25 = arith.subi %sub3A, %mul3A_2 : i32
    %sub3A_26 = vector.broadcast %sub3A_25 : i32 to vector<16xi32>
    %sub3A_27 = arith.subi %sub3A_26, %iota3A : vector<16xi32>
    %mul3A_28 = arith.constant 64 : i32
    %mul3A_29 = arith.muli %add3A, %mul3A_28 : i32
    %dma_start3A = arith.constant 0 : i32
    %dma_start3A_30 = tpu.memref_slice %arg2[%mul3A_29, %dma_start3A] : memref<2048x2048xi32, #tpu.memory_space<hbm>> -> memref<8x2048xi32, #tpu.memory_space<hbm>>
    %dma_start3A_31 = arith.constant 0 : i32
    %dma_start3A_32 = tpu.memref_slice %arg2[%mul3A_29, %dma_start3A_31] : memref<2048x2048xi32, #tpu.memory_space<hbm>> -> memref<8x2048xi32, #tpu.memory_space<hbm>>
    tpu.enqueue_dma source(%dma_start3A_32 : memref<8x2048xi32, #tpu.memory_space<hbm>>) target(%arg5 : memref<8x2048xi32, #tpu.memory_space<vmem>>) target_semaphore(%arg10 : memref<!tpu.dma_semaphore, #tpu.memory_space<semaphore_mem>>)
    %scan3A = arith.constant 0 : i32
    %scan3A_33 = arith.constant 0 : i32
    %scan3A_34 = arith.constant 4 : i32
    %scan3A_35 = arith.addi %scan3A_33, %scan3A_34 : i32
    %scan3A_36 = arith.constant 1 : i32
    %scan3A_37 = scf.for %scan3A_42 = %scan3A_33 to %scan3A_35 step %scan3A_36 iter_args(%scan3A_43 = %scan3A) -> (i32)  : i32 {
      %mul3A_44 = arith.constant 2 : i32
      %mul3A_45 = arith.muli %scan3A_42, %mul3A_44 : i32
      %add3A_46 = arith.constant 1 : i32
      %add3A_47 = arith.addi %mul3A_45, %add3A_46 : i32
      %mul3A_48 = arith.constant 8 : i32
      %mul3A_49 = arith.muli %add3A_47, %mul3A_48 : i32
      %add3A_50 = arith.addi %mul3A_29, %mul3A_49 : i32
      %dma_start3A_51 = arith.constant 0 : i32
      %dma_start3A_52 = tpu.memref_slice %arg2[%add3A_50, %dma_start3A_51] : memref<2048x2048xi32, #tpu.memory_space<hbm>> -> memref<8x2048xi32, #tpu.memory_space<hbm>>
      %dma_start3A_53 = arith.constant 0 : i32
      %dma_start3A_54 = tpu.memref_slice %arg2[%add3A_50, %dma_start3A_53] : memref<2048x2048xi32, #tpu.memory_space<hbm>> -> memref<8x2048xi32, #tpu.memory_space<hbm>>
      tpu.enqueue_dma source(%dma_start3A_54 : memref<8x2048xi32, #tpu.memory_space<hbm>>) target(%arg6 : memref<8x2048xi32, #tpu.memory_space<vmem>>) target_semaphore(%arg11 : memref<!tpu.dma_semaphore, #tpu.memory_space<semaphore_mem>>)
      %mul3A_55 = arith.constant 8 : i32
      %mul3A_56 = arith.muli %mul3A_45, %mul3A_55 : i32
      %add3A_57 = arith.addi %mul3A_29, %mul3A_56 : i32
      %dma_wait3A = arith.constant 0 : i32
      %dma_wait3A_58 = tpu.memref_slice %arg2[%add3A_57, %dma_wait3A] : memref<2048x2048xi32, #tpu.memory_space<hbm>> -> memref<8x2048xi32, #tpu.memory_space<hbm>>
      %dma_wait3A_59 = arith.constant 0 : i32
      %dma_wait3A_60 = tpu.memref_slice %arg2[%add3A_57, %dma_wait3A_59] : memref<2048x2048xi32, #tpu.memory_space<hbm>> -> memref<8x2048xi32, #tpu.memory_space<hbm>>
      tpu.wait_dma2 semaphore(%arg10 : memref<!tpu.dma_semaphore, #tpu.memory_space<semaphore_mem>>) src(%dma_wait3A_60 : memref<8x2048xi32, #tpu.memory_space<hbm>>) dst(%arg5 : memref<8x2048xi32, #tpu.memory_space<vmem>>)
      %parallel_loop3A_61 = arith.constant 0 : i32
      %parallel_loop3A_62 = arith.constant 1024 : i32
      %parallel_loop3A_63 = arith.constant 1 : i32
      scf.for %parallel_loop3A_83 = %parallel_loop3A_61 to %parallel_loop3A_62 step %parallel_loop3A_63  : i32 {
        %parallel_loop3A_84 = arith.constant 128 : i32
        %parallel_loop3A_85 = arith.divsi %parallel_loop3A_83, %parallel_loop3A_84 : i32
        %parallel_loop3A_86 = arith.constant 0 : i32
        %parallel_loop3A_87 = arith.cmpi sgt, %parallel_loop3A_83, %parallel_loop3A_86 : i32
        %parallel_loop3A_88 = arith.extui %parallel_loop3A_87 : i1 to i32
        %parallel_loop3A_89 = arith.constant 0 : i32
        %parallel_loop3A_90 = arith.cmpi slt, %parallel_loop3A_83, %parallel_loop3A_89 : i32
        %parallel_loop3A_91 = arith.extui %parallel_loop3A_90 : i1 to i32
        %parallel_loop3A_92 = arith.subi %parallel_loop3A_88, %parallel_loop3A_91 : i32
        %parallel_loop3A_93 = arith.constant 0 : i32
        %parallel_loop3A_94 = arith.cmpi sgt, %parallel_loop3A_84, %parallel_loop3A_93 : i32
        %parallel_loop3A_95 = arith.extui %parallel_loop3A_94 : i1 to i32
        %parallel_loop3A_96 = arith.constant 0 : i32
        %parallel_loop3A_97 = arith.cmpi slt, %parallel_loop3A_84, %parallel_loop3A_96 : i32
        %parallel_loop3A_98 = arith.extui %parallel_loop3A_97 : i1 to i32
        %parallel_loop3A_99 = arith.subi %parallel_loop3A_95, %parallel_loop3A_98 : i32
        %parallel_loop3A_100 = arith.cmpi ne, %parallel_loop3A_92, %parallel_loop3A_99 : i32
        %parallel_loop3A_101 = arith.remsi %parallel_loop3A_83, %parallel_loop3A_84 : i32
        %parallel_loop3A_102 = arith.constant 0 : i32
        %parallel_loop3A_103 = arith.cmpi ne, %parallel_loop3A_101, %parallel_loop3A_102 : i32
        %parallel_loop3A_104 = arith.andi %parallel_loop3A_100, %parallel_loop3A_103 : i1
        %parallel_loop3A_105 = arith.constant 1 : i32
        %parallel_loop3A_106 = arith.subi %parallel_loop3A_85, %parallel_loop3A_105 : i32
        %parallel_loop3A_107 = arith.select %parallel_loop3A_104, %parallel_loop3A_106, %parallel_loop3A_85 : i32
        %parallel_loop3A_108 = arith.constant 128 : i32
        %parallel_loop3A_109 = arith.constant 0 : i32
        %parallel_loop3A_110 = arith.cmpi eq, %parallel_loop3A_108, %parallel_loop3A_109 : i32
        %parallel_loop3A_111 = arith.constant 1 : i32
        %parallel_loop3A_112 = arith.select %parallel_loop3A_110, %parallel_loop3A_111, %parallel_loop3A_108 : i32
        %parallel_loop3A_113 = arith.remsi %parallel_loop3A_83, %parallel_loop3A_112 : i32
        %parallel_loop3A_114 = arith.constant 0 : i32
        %parallel_loop3A_115 = arith.cmpi ne, %parallel_loop3A_113, %parallel_loop3A_114 : i32
        %parallel_loop3A_116 = arith.constant 0 : i32
        %parallel_loop3A_117 = arith.cmpi slt, %parallel_loop3A_113, %parallel_loop3A_116 : i32
        %parallel_loop3A_118 = arith.constant 0 : i32
        %parallel_loop3A_119 = arith.cmpi slt, %parallel_loop3A_112, %parallel_loop3A_118 : i32
        %parallel_loop3A_120 = arith.xori %parallel_loop3A_117, %parallel_loop3A_119 : i1
        %parallel_loop3A_121 = arith.andi %parallel_loop3A_120, %parallel_loop3A_115 : i1
        %parallel_loop3A_122 = arith.addi %parallel_loop3A_113, %parallel_loop3A_112 : i32
        %parallel_loop3A_123 = arith.select %parallel_loop3A_121, %parallel_loop3A_122, %parallel_loop3A_113 : i32
        %parallel_loop3A_124 = arith.constant 16 : i32
        %parallel_loop3A_125 = arith.muli %parallel_loop3A_123, %parallel_loop3A_124 : i32
        %parallel_loop3A_126 = arith.index_cast %parallel_loop3A_107 : i32 to index
        %parallel_loop3A_127 = arith.index_cast %parallel_loop3A_125 : i32 to index
        %parallel_loop3A_128 = tpu.vector_load %arg5[%parallel_loop3A_126, %parallel_loop3A_127] {strides = array<i32>} : memref<8x2048xi32, #tpu.memory_space<vmem>>, vector<16xi32>,
        %parallel_loop3A_129 = arith.constant 16384 : i32
        %parallel_loop3A_130 = arith.muli %mul3A_45, %parallel_loop3A_129 : i32
        %parallel_loop3A_131 = arith.constant 16 : i32
        %parallel_loop3A_132 = arith.muli %parallel_loop3A_83, %parallel_loop3A_131 : i32
        %parallel_loop3A_133 = arith.addi %parallel_loop3A_130, %parallel_loop3A_132 : i32
        %parallel_loop3A_134 = vector.broadcast %parallel_loop3A_133 : i32 to vector<16xi32>
        %parallel_loop3A_135 = arith.subi %sub3A_27, %parallel_loop3A_134 : vector<16xi32>
        %parallel_loop3A_136 = arith.constant 63 : i32
        %parallel_loop3A_137 = vector.broadcast %parallel_loop3A_136 : i32 to vector<16xi32>
        %parallel_loop3A_138 = arith.andi %parallel_loop3A_128, %parallel_loop3A_137 : vector<16xi32>
        %parallel_loop3A_139 = arith.constant 6 : i32
        %parallel_loop3A_140 = vector.broadcast %parallel_loop3A_139 : i32 to vector<16xi32>
        %parallel_loop3A_141 = arith.shli %parallel_loop3A_138, %parallel_loop3A_140 : vector<16xi32>
        %parallel_loop3A_142 = arith.constant 16 : i32
        %parallel_loop3A_143 = vector.broadcast %parallel_loop3A_142 : i32 to vector<16xi32>
        %parallel_loop3A_144 = arith.shrsi %parallel_loop3A_135, %parallel_loop3A_143 : vector<16xi32>
        %parallel_loop3A_145 = arith.ori %parallel_loop3A_141, %parallel_loop3A_144 : vector<16xi32>
        %parallel_loop3A_146 = arith.constant 6 : i32
        %parallel_loop3A_147 = vector.broadcast %parallel_loop3A_146 : i32 to vector<16xi32>
        %parallel_loop3A_148 = arith.shrsi %parallel_loop3A_128, %parallel_loop3A_147 : vector<16xi32>
        %parallel_loop3A_149 = vector.broadcast %or3A : i32 to vector<16xi32>
        %parallel_loop3A_150 = arith.cmpi eq, %parallel_loop3A_148, %parallel_loop3A_149 : vector<16xi32>
        %parallel_loop3A_151 = arith.addi %mul3A_24, %parallel_loop3A_145 : vector<16xi32>
        tpu.vector_store_idx %arg8[%parallel_loop3A_151], %broadcast_in_dim3A_3 masked %parallel_loop3A_150 {add = true} : memref<65536xi32, #tpu.memory_space<vmem>>[vector<16xi32>], vector<16xi32>, vector<16xi1>
      } {sc.loop_unroll_factor = 8 : i64, sc.parallel_access}
      %add3A_64 = arith.constant 1 : i32
      %add3A_65 = arith.addi %scan3A_42, %add3A_64 : i32
      %lt3A = arith.constant 4 : i32
      %lt3A_66 = arith.cmpi slt, %add3A_65, %lt3A : i32
      %convert_element_type3A = arith.extui %lt3A_66 : i1 to i32
      %cond3A = arith.constant 0 : i32
      %cond3A_67 = arith.cmpi ne, %convert_element_type3A, %cond3A : i32
      scf.if %cond3A_67 {
        %add3A_83 = arith.constant 2 : i32
        %add3A_84 = arith.addi %mul3A_45, %add3A_83 : i32
        %mul3A_85 = arith.constant 8 : i32
        %mul3A_86 = arith.muli %add3A_84, %mul3A_85 : i32
        %add3A_87 = arith.addi %mul3A_29, %mul3A_86 : i32
        %dma_start3A_88 = arith.constant 0 : i32
        %dma_start3A_89 = tpu.memref_slice %arg2[%add3A_87, %dma_start3A_88] : memref<2048x2048xi32, #tpu.memory_space<hbm>> -> memref<8x2048xi32, #tpu.memory_space<hbm>>
        %dma_start3A_90 = arith.constant 0 : i32
        %dma_start3A_91 = tpu.memref_slice %arg2[%add3A_87, %dma_start3A_90] : memref<2048x2048xi32, #tpu.memory_space<hbm>> -> memref<8x2048xi32, #tpu.memory_space<hbm>>
        tpu.enqueue_dma source(%dma_start3A_91 : memref<8x2048xi32, #tpu.memory_space<hbm>>) target(%arg5 : memref<8x2048xi32, #tpu.memory_space<vmem>>) target_semaphore(%arg10 : memref<!tpu.dma_semaphore, #tpu.memory_space<semaphore_mem>>)
      } else {
      }
      %add3A_68 = arith.constant 1 : i32
      %add3A_69 = arith.addi %mul3A_45, %add3A_68 : i32
      %mul3A_70 = arith.constant 8 : i32
      %mul3A_71 = arith.muli %add3A_69, %mul3A_70 : i32
      %add3A_72 = arith.addi %mul3A_29, %mul3A_71 : i32
      %dma_wait3A_73 = arith.constant 0 : i32
      %dma_wait3A_74 = tpu.memref_slice %arg2[%add3A_72, %dma_wait3A_73] : memref<2048x2048xi32, #tpu.memory_space<hbm>> -> memref<8x2048xi32, #tpu.memory_space<hbm>>
      %dma_wait3A_75 = arith.constant 0 : i32
      %dma_wait3A_76 = tpu.memref_slice %arg2[%add3A_72, %dma_wait3A_75] : memref<2048x2048xi32, #tpu.memory_space<hbm>> -> memref<8x2048xi32, #tpu.memory_space<hbm>>
      tpu.wait_dma2 semaphore(%arg11 : memref<!tpu.dma_semaphore, #tpu.memory_space<semaphore_mem>>) src(%dma_wait3A_76 : memref<8x2048xi32, #tpu.memory_space<hbm>>) dst(%arg6 : memref<8x2048xi32, #tpu.memory_space<vmem>>)
      %add3A_77 = arith.constant 1 : i32
      %add3A_78 = arith.addi %mul3A_45, %add3A_77 : i32
      %parallel_loop3A_79 = arith.constant 0 : i32
      %parallel_loop3A_80 = arith.constant 1024 : i32
      %parallel_loop3A_81 = arith.constant 1 : i32
      scf.for %parallel_loop3A_83 = %parallel_loop3A_79 to %parallel_loop3A_80 step %parallel_loop3A_81  : i32 {
        %parallel_loop3A_84 = arith.constant 128 : i32
        %parallel_loop3A_85 = arith.divsi %parallel_loop3A_83, %parallel_loop3A_84 : i32
        %parallel_loop3A_86 = arith.constant 0 : i32
        %parallel_loop3A_87 = arith.cmpi sgt, %parallel_loop3A_83, %parallel_loop3A_86 : i32
        %parallel_loop3A_88 = arith.extui %parallel_loop3A_87 : i1 to i32
        %parallel_loop3A_89 = arith.constant 0 : i32
        %parallel_loop3A_90 = arith.cmpi slt, %parallel_loop3A_83, %parallel_loop3A_89 : i32
        %parallel_loop3A_91 = arith.extui %parallel_loop3A_90 : i1 to i32
        %parallel_loop3A_92 = arith.subi %parallel_loop3A_88, %parallel_loop3A_91 : i32
        %parallel_loop3A_93 = arith.constant 0 : i32
        %parallel_loop3A_94 = arith.cmpi sgt, %parallel_loop3A_84, %parallel_loop3A_93 : i32
        %parallel_loop3A_95 = arith.extui %parallel_loop3A_94 : i1 to i32
        %parallel_loop3A_96 = arith.constant 0 : i32
        %parallel_loop3A_97 = arith.cmpi slt, %parallel_loop3A_84, %parallel_loop3A_96 : i32
        %parallel_loop3A_98 = arith.extui %parallel_loop3A_97 : i1 to i32
        %parallel_loop3A_99 = arith.subi %parallel_loop3A_95, %parallel_loop3A_98 : i32
        %parallel_loop3A_100 = arith.cmpi ne, %parallel_loop3A_92, %parallel_loop3A_99 : i32
        %parallel_loop3A_101 = arith.remsi %parallel_loop3A_83, %parallel_loop3A_84 : i32
        %parallel_loop3A_102 = arith.constant 0 : i32
        %parallel_loop3A_103 = arith.cmpi ne, %parallel_loop3A_101, %parallel_loop3A_102 : i32
        %parallel_loop3A_104 = arith.andi %parallel_loop3A_100, %parallel_loop3A_103 : i1
        %parallel_loop3A_105 = arith.constant 1 : i32
        %parallel_loop3A_106 = arith.subi %parallel_loop3A_85, %parallel_loop3A_105 : i32
        %parallel_loop3A_107 = arith.select %parallel_loop3A_104, %parallel_loop3A_106, %parallel_loop3A_85 : i32
        %parallel_loop3A_108 = arith.constant 128 : i32
        %parallel_loop3A_109 = arith.constant 0 : i32
        %parallel_loop3A_110 = arith.cmpi eq, %parallel_loop3A_108, %parallel_loop3A_109 : i32
        %parallel_loop3A_111 = arith.constant 1 : i32
        %parallel_loop3A_112 = arith.select %parallel_loop3A_110, %parallel_loop3A_111, %parallel_loop3A_108 : i32
        %parallel_loop3A_113 = arith.remsi %parallel_loop3A_83, %parallel_loop3A_112 : i32
        %parallel_loop3A_114 = arith.constant 0 : i32
        %parallel_loop3A_115 = arith.cmpi ne, %parallel_loop3A_113, %parallel_loop3A_114 : i32
        %parallel_loop3A_116 = arith.constant 0 : i32
        %parallel_loop3A_117 = arith.cmpi slt, %parallel_loop3A_113, %parallel_loop3A_116 : i32
        %parallel_loop3A_118 = arith.constant 0 : i32
        %parallel_loop3A_119 = arith.cmpi slt, %parallel_loop3A_112, %parallel_loop3A_118 : i32
        %parallel_loop3A_120 = arith.xori %parallel_loop3A_117, %parallel_loop3A_119 : i1
        %parallel_loop3A_121 = arith.andi %parallel_loop3A_120, %parallel_loop3A_115 : i1
        %parallel_loop3A_122 = arith.addi %parallel_loop3A_113, %parallel_loop3A_112 : i32
        %parallel_loop3A_123 = arith.select %parallel_loop3A_121, %parallel_loop3A_122, %parallel_loop3A_113 : i32
        %parallel_loop3A_124 = arith.constant 16 : i32
        %parallel_loop3A_125 = arith.muli %parallel_loop3A_123, %parallel_loop3A_124 : i32
        %parallel_loop3A_126 = arith.index_cast %parallel_loop3A_107 : i32 to index
        %parallel_loop3A_127 = arith.index_cast %parallel_loop3A_125 : i32 to index
        %parallel_loop3A_128 = tpu.vector_load %arg6[%parallel_loop3A_126, %parallel_loop3A_127] {strides = array<i32>} : memref<8x2048xi32, #tpu.memory_space<vmem>>, vector<16xi32>,
        %parallel_loop3A_129 = arith.constant 16384 : i32
        %parallel_loop3A_130 = arith.muli %add3A_78, %parallel_loop3A_129 : i32
        %parallel_loop3A_131 = arith.constant 16 : i32
        %parallel_loop3A_132 = arith.muli %parallel_loop3A_83, %parallel_loop3A_131 : i32
        %parallel_loop3A_133 = arith.addi %parallel_loop3A_130, %parallel_loop3A_132 : i32
        %parallel_loop3A_134 = vector.broadcast %parallel_loop3A_133 : i32 to vector<16xi32>
        %parallel_loop3A_135 = arith.subi %sub3A_27, %parallel_loop3A_134 : vector<16xi32>
        %parallel_loop3A_136 = arith.constant 63 : i32
        %parallel_loop3A_137 = vector.broadcast %parallel_loop3A_136 : i32 to vector<16xi32>
        %parallel_loop3A_138 = arith.andi %parallel_loop3A_128, %parallel_loop3A_137 : vector<16xi32>
        %parallel_loop3A_139 = arith.constant 6 : i32
        %parallel_loop3A_140 = vector.broadcast %parallel_loop3A_139 : i32 to vector<16xi32>
        %parallel_loop3A_141 = arith.shli %parallel_loop3A_138, %parallel_loop3A_140 : vector<16xi32>
        %parallel_loop3A_142 = arith.constant 16 : i32
        %parallel_loop3A_143 = vector.broadcast %parallel_loop3A_142 : i32 to vector<16xi32>
        %parallel_loop3A_144 = arith.shrsi %parallel_loop3A_135, %parallel_loop3A_143 : vector<16xi32>
        %parallel_loop3A_145 = arith.ori %parallel_loop3A_141, %parallel_loop3A_144 : vector<16xi32>
        %parallel_loop3A_146 = arith.constant 6 : i32
        %parallel_loop3A_147 = vector.broadcast %parallel_loop3A_146 : i32 to vector<16xi32>
        %parallel_loop3A_148 = arith.shrsi %parallel_loop3A_128, %parallel_loop3A_147 : vector<16xi32>
        %parallel_loop3A_149 = vector.broadcast %or3A : i32 to vector<16xi32>
        %parallel_loop3A_150 = arith.cmpi eq, %parallel_loop3A_148, %parallel_loop3A_149 : vector<16xi32>
        %parallel_loop3A_151 = arith.addi %mul3A_24, %parallel_loop3A_145 : vector<16xi32>
        tpu.vector_store_idx %arg8[%parallel_loop3A_151], %broadcast_in_dim3A_3 masked %parallel_loop3A_150 {add = true} : memref<65536xi32, #tpu.memory_space<vmem>>[vector<16xi32>], vector<16xi32>, vector<16xi1>
      } {sc.loop_unroll_factor = 8 : i64, sc.parallel_access}
      %scan3A_82 = arith.constant 0 : i32
      scf.yield %scan3A_82 : i32
    }
    %scan3A_38 = arith.constant 4 : i32
    %parallel_loop3A_39 = arith.constant 0 : i32
    %parallel_loop3A_40 = arith.constant 256 : i32
    %parallel_loop3A_41 = arith.constant 1 : i32
    scf.for %parallel_loop3A_42 = %parallel_loop3A_39 to %parallel_loop3A_40 step %parallel_loop3A_41  : i32 {
      %parallel_loop3A_43 = arith.constant 16 : i32
      %parallel_loop3A_44 = arith.muli %parallel_loop3A_42, %parallel_loop3A_43 : i32
      %parallel_loop3A_45 = arith.index_cast %parallel_loop3A_44 : i32 to index
      %parallel_loop3A_46 = tpu.vector_load %arg8[%parallel_loop3A_45] {strides = array<i32>} : memref<65536xi32, #tpu.memory_space<vmem>>, vector<16xi32>,
      %parallel_loop3A_47 = arith.constant 16 : i32
      %parallel_loop3A_48 = arith.muli %parallel_loop3A_42, %parallel_loop3A_47 : i32
      %parallel_loop3A_49 = arith.constant 4096 : i32
      %parallel_loop3A_50 = arith.addi %parallel_loop3A_49, %parallel_loop3A_48 : i32
      %parallel_loop3A_51 = arith.index_cast %parallel_loop3A_50 : i32 to index
      %parallel_loop3A_52 = tpu.vector_load %arg8[%parallel_loop3A_51] {strides = array<i32>} : memref<65536xi32, #tpu.memory_space<vmem>>, vector<16xi32>,
      %parallel_loop3A_53 = arith.addi %parallel_loop3A_46, %parallel_loop3A_52 : vector<16xi32>
      %parallel_loop3A_54 = arith.constant 16 : i32
      %parallel_loop3A_55 = arith.muli %parallel_loop3A_42, %parallel_loop3A_54 : i32
      %parallel_loop3A_56 = arith.constant 8192 : i32
      %parallel_loop3A_57 = arith.addi %parallel_loop3A_56, %parallel_loop3A_55 : i32
      %parallel_loop3A_58 = arith.index_cast %parallel_loop3A_57 : i32 to index
      %parallel_loop3A_59 = tpu.vector_load %arg8[%parallel_loop3A_58] {strides = array<i32>} : memref<65536xi32, #tpu.memory_space<vmem>>, vector<16xi32>,
      %parallel_loop3A_60 = arith.addi %parallel_loop3A_53, %parallel_loop3A_59 : vector<16xi32>
      %parallel_loop3A_61 = arith.constant 16 : i32
      %parallel_loop3A_62 = arith.muli %parallel_loop3A_42, %parallel_loop3A_61 : i32
      %parallel_loop3A_63 = arith.constant 12288 : i32
      %parallel_loop3A_64 = arith.addi %parallel_loop3A_63, %parallel_loop3A_62 : i32
      %parallel_loop3A_65 = arith.index_cast %parallel_loop3A_64 : i32 to index
      %parallel_loop3A_66 = tpu.vector_load %arg8[%parallel_loop3A_65] {strides = array<i32>} : memref<65536xi32, #tpu.memory_space<vmem>>, vector<16xi32>,
      %parallel_loop3A_67 = arith.addi %parallel_loop3A_60, %parallel_loop3A_66 : vector<16xi32>
      %parallel_loop3A_68 = arith.constant 16 : i32
      %parallel_loop3A_69 = arith.muli %parallel_loop3A_42, %parallel_loop3A_68 : i32
      %parallel_loop3A_70 = arith.constant 16384 : i32
      %parallel_loop3A_71 = arith.addi %parallel_loop3A_70, %parallel_loop3A_69 : i32
      %parallel_loop3A_72 = arith.index_cast %parallel_loop3A_71 : i32 to index
      %parallel_loop3A_73 = tpu.vector_load %arg8[%parallel_loop3A_72] {strides = array<i32>} : memref<65536xi32, #tpu.memory_space<vmem>>, vector<16xi32>,
      %parallel_loop3A_74 = arith.addi %parallel_loop3A_67, %parallel_loop3A_73 : vector<16xi32>
      %parallel_loop3A_75 = arith.constant 16 : i32
      %parallel_loop3A_76 = arith.muli %parallel_loop3A_42, %parallel_loop3A_75 : i32
      %parallel_loop3A_77 = arith.constant 20480 : i32
      %parallel_loop3A_78 = arith.addi %parallel_loop3A_77, %parallel_loop3A_76 : i32
      %parallel_loop3A_79 = arith.index_cast %parallel_loop3A_78 : i32 to index
      %parallel_loop3A_80 = tpu.vector_load %arg8[%parallel_loop3A_79] {strides = array<i32>} : memref<65536xi32, #tpu.memory_space<vmem>>, vector<16xi32>,
      %parallel_loop3A_81 = arith.addi %parallel_loop3A_74, %parallel_loop3A_80 : vector<16xi32>
      %parallel_loop3A_82 = arith.constant 16 : i32
      %parallel_loop3A_83 = arith.muli %parallel_loop3A_42, %parallel_loop3A_82 : i32
      %parallel_loop3A_84 = arith.constant 24576 : i32
      %parallel_loop3A_85 = arith.addi %parallel_loop3A_84, %parallel_loop3A_83 : i32
      %parallel_loop3A_86 = arith.index_cast %parallel_loop3A_85 : i32 to index
      %parallel_loop3A_87 = tpu.vector_load %arg8[%parallel_loop3A_86] {strides = array<i32>} : memref<65536xi32, #tpu.memory_space<vmem>>, vector<16xi32>,
      %parallel_loop3A_88 = arith.addi %parallel_loop3A_81, %parallel_loop3A_87 : vector<16xi32>
      %parallel_loop3A_89 = arith.constant 16 : i32
      %parallel_loop3A_90 = arith.muli %parallel_loop3A_42, %parallel_loop3A_89 : i32
      %parallel_loop3A_91 = arith.constant 28672 : i32
      %parallel_loop3A_92 = arith.addi %parallel_loop3A_91, %parallel_loop3A_90 : i32
      %parallel_loop3A_93 = arith.index_cast %parallel_loop3A_92 : i32 to index
      %parallel_loop3A_94 = tpu.vector_load %arg8[%parallel_loop3A_93] {strides = array<i32>} : memref<65536xi32, #tpu.memory_space<vmem>>, vector<16xi32>,
      %parallel_loop3A_95 = arith.addi %parallel_loop3A_88, %parallel_loop3A_94 : vector<16xi32>
      %parallel_loop3A_96 = arith.constant 16 : i32
      %parallel_loop3A_97 = arith.muli %parallel_loop3A_42, %parallel_loop3A_96 : i32
      %parallel_loop3A_98 = arith.constant 32768 : i32
      %parallel_loop3A_99 = arith.addi %parallel_loop3A_98, %parallel_loop3A_97 : i32
      %parallel_loop3A_100 = arith.index_cast %parallel_loop3A_99 : i32 to index
      %parallel_loop3A_101 = tpu.vector_load %arg8[%parallel_loop3A_100] {strides = array<i32>} : memref<65536xi32, #tpu.memory_space<vmem>>, vector<16xi32>,
      %parallel_loop3A_102 = arith.addi %parallel_loop3A_95, %parallel_loop3A_101 : vector<16xi32>
      %parallel_loop3A_103 = arith.constant 16 : i32
      %parallel_loop3A_104 = arith.muli %parallel_loop3A_42, %parallel_loop3A_103 : i32
      %parallel_loop3A_105 = arith.constant 36864 : i32
      %parallel_loop3A_106 = arith.addi %parallel_loop3A_105, %parallel_loop3A_104 : i32
      %parallel_loop3A_107 = arith.index_cast %parallel_loop3A_106 : i32 to index
      %parallel_loop3A_108 = tpu.vector_load %arg8[%parallel_loop3A_107] {strides = array<i32>} : memref<65536xi32, #tpu.memory_space<vmem>>, vector<16xi32>,
      %parallel_loop3A_109 = arith.addi %parallel_loop3A_102, %parallel_loop3A_108 : vector<16xi32>
      %parallel_loop3A_110 = arith.constant 16 : i32
      %parallel_loop3A_111 = arith.muli %parallel_loop3A_42, %parallel_loop3A_110 : i32
      %parallel_loop3A_112 = arith.constant 40960 : i32
      %parallel_loop3A_113 = arith.addi %parallel_loop3A_112, %parallel_loop3A_111 : i32
      %parallel_loop3A_114 = arith.index_cast %parallel_loop3A_113 : i32 to index
      %parallel_loop3A_115 = tpu.vector_load %arg8[%parallel_loop3A_114] {strides = array<i32>} : memref<65536xi32, #tpu.memory_space<vmem>>, vector<16xi32>,
      %parallel_loop3A_116 = arith.addi %parallel_loop3A_109, %parallel_loop3A_115 : vector<16xi32>
      %parallel_loop3A_117 = arith.constant 16 : i32
      %parallel_loop3A_118 = arith.muli %parallel_loop3A_42, %parallel_loop3A_117 : i32
      %parallel_loop3A_119 = arith.constant 45056 : i32
      %parallel_loop3A_120 = arith.addi %parallel_loop3A_119, %parallel_loop3A_118 : i32
      %parallel_loop3A_121 = arith.index_cast %parallel_loop3A_120 : i32 to index
      %parallel_loop3A_122 = tpu.vector_load %arg8[%parallel_loop3A_121] {strides = array<i32>} : memref<65536xi32, #tpu.memory_space<vmem>>, vector<16xi32>,
      %parallel_loop3A_123 = arith.addi %parallel_loop3A_116, %parallel_loop3A_122 : vector<16xi32>
      %parallel_loop3A_124 = arith.constant 16 : i32
      %parallel_loop3A_125 = arith.muli %parallel_loop3A_42, %parallel_loop3A_124 : i32
      %parallel_loop3A_126 = arith.constant 49152 : i32
      %parallel_loop3A_127 = arith.addi %parallel_loop3A_126, %parallel_loop3A_125 : i32
      %parallel_loop3A_128 = arith.index_cast %parallel_loop3A_127 : i32 to index
      %parallel_loop3A_129 = tpu.vector_load %arg8[%parallel_loop3A_128] {strides = array<i32>} : memref<65536xi32, #tpu.memory_space<vmem>>, vector<16xi32>,
      %parallel_loop3A_130 = arith.addi %parallel_loop3A_123, %parallel_loop3A_129 : vector<16xi32>
      %parallel_loop3A_131 = arith.constant 16 : i32
      %parallel_loop3A_132 = arith.muli %parallel_loop3A_42, %parallel_loop3A_131 : i32
      %parallel_loop3A_133 = arith.constant 53248 : i32
      %parallel_loop3A_134 = arith.addi %parallel_loop3A_133, %parallel_loop3A_132 : i32
      %parallel_loop3A_135 = arith.index_cast %parallel_loop3A_134 : i32 to index
      %parallel_loop3A_136 = tpu.vector_load %arg8[%parallel_loop3A_135] {strides = array<i32>} : memref<65536xi32, #tpu.memory_space<vmem>>, vector<16xi32>,
      %parallel_loop3A_137 = arith.addi %parallel_loop3A_130, %parallel_loop3A_136 : vector<16xi32>
      %parallel_loop3A_138 = arith.constant 16 : i32
      %parallel_loop3A_139 = arith.muli %parallel_loop3A_42, %parallel_loop3A_138 : i32
      %parallel_loop3A_140 = arith.constant 57344 : i32
      %parallel_loop3A_141 = arith.addi %parallel_loop3A_140, %parallel_loop3A_139 : i32
      %parallel_loop3A_142 = arith.index_cast %parallel_loop3A_141 : i32 to index
      %parallel_loop3A_143 = tpu.vector_load %arg8[%parallel_loop3A_142] {strides = array<i32>} : memref<65536xi32, #tpu.memory_space<vmem>>, vector<16xi32>,
      %parallel_loop3A_144 = arith.addi %parallel_loop3A_137, %parallel_loop3A_143 : vector<16xi32>
      %parallel_loop3A_145 = arith.constant 16 : i32
      %parallel_loop3A_146 = arith.muli %parallel_loop3A_42, %parallel_loop3A_145 : i32
      %parallel_loop3A_147 = arith.constant 61440 : i32
      %parallel_loop3A_148 = arith.addi %parallel_loop3A_147, %parallel_loop3A_146 : i32
      %parallel_loop3A_149 = arith.index_cast %parallel_loop3A_148 : i32 to index
      %parallel_loop3A_150 = tpu.vector_load %arg8[%parallel_loop3A_149] {strides = array<i32>} : memref<65536xi32, #tpu.memory_space<vmem>>, vector<16xi32>,
      %parallel_loop3A_151 = arith.addi %parallel_loop3A_144, %parallel_loop3A_150 : vector<16xi32>
      %parallel_loop3A_152 = arith.constant 16 : i32
      %parallel_loop3A_153 = arith.muli %parallel_loop3A_42, %parallel_loop3A_152 : i32
      %parallel_loop3A_154 = arith.constant 0 : i32
      %parallel_loop3A_155 = arith.index_cast %parallel_loop3A_154 : i32 to index
      %parallel_loop3A_156 = arith.index_cast %parallel_loop3A_153 : i32 to index
      %parallel_loop3A_157 = tpu.vector_load %arg9[%parallel_loop3A_155, %parallel_loop3A_156] {strides = array<i32>} : memref<1x4096xi32, #tpu.memory_space<vmem>>, vector<16xi32>,
      tpu.vector_store %arg9[%parallel_loop3A_155, %parallel_loop3A_156], %parallel_loop3A_151 {strides = array<i32>} : memref<1x4096xi32, #tpu.memory_space<vmem>>, vector<16xi32>,
    } {sc.loop_unroll_factor = 2 : i64, sc.parallel_access}
    "tpu.region"() ({
      %run_scoped3A = tpu.sem_alloc : memref<!tpu.dma_semaphore, #tpu.memory_space<semaphore_mem>>
      %dma_start3A_42 = arith.constant 0 : i32
      %dma_start3A_43 = tpu.memref_slice %arg4[%add3A, %dma_start3A_42] : memref<32x4096xi32, #tpu.memory_space<hbm>> -> memref<1x4096xi32, #tpu.memory_space<hbm>>
      %dma_start3A_44 = arith.constant 0 : i32
      %dma_start3A_45 = tpu.memref_slice %arg4[%add3A, %dma_start3A_44] : memref<32x4096xi32, #tpu.memory_space<hbm>> -> memref<1x4096xi32, #tpu.memory_space<hbm>>
      tpu.enqueue_dma source(%arg9 : memref<1x4096xi32, #tpu.memory_space<vmem>>) target(%dma_start3A_45 : memref<1x4096xi32, #tpu.memory_space<hbm>>) target_semaphore(%run_scoped3A : memref<!tpu.dma_semaphore, #tpu.memory_space<semaphore_mem>>)
      %dma_wait3A = arith.constant 0 : i32
      %dma_wait3A_46 = tpu.memref_slice %arg4[%add3A, %dma_wait3A] : memref<32x4096xi32, #tpu.memory_space<hbm>> -> memref<1x4096xi32, #tpu.memory_space<hbm>>
      %dma_wait3A_47 = arith.constant 0 : i32
      %dma_wait3A_48 = tpu.memref_slice %arg4[%add3A, %dma_wait3A_47] : memref<32x4096xi32, #tpu.memory_space<hbm>> -> memref<1x4096xi32, #tpu.memory_space<hbm>>
      tpu.wait_dma2 semaphore(%run_scoped3A : memref<!tpu.dma_semaphore, #tpu.memory_space<semaphore_mem>>) src(%arg9 : memref<1x4096xi32, #tpu.memory_space<vmem>>) dst(%dma_wait3A_48 : memref<1x4096xi32, #tpu.memory_space<hbm>>)
      tpu.yield
    }) : () -> ()
    return
  }
}

module attributes {stable_mosaic.version = 14 : i64} {
  func.func @_merge_body(%arg0: memref<32x4096xi32, #tpu.memory_space<vmem>>, %arg1: memref<128xi32, #tpu.memory_space<smem>>, %arg2: memref<128xi32, #tpu.memory_space<smem>>) attributes {dimension_semantics = [], scalar_prefetch = 0 : i64, scratch_operands = 0 : i64, tpu.core_type = #tpu.core_type<tc>} {
    %get3A = arith.constant 5 : index
    %get3A_0 = memref.load %arg1[%get3A] : memref<128xi32, #tpu.memory_space<smem>>
    %get3A_1 = arith.constant 0 : index
    %get3A_2 = arith.constant 0 : index
    %get3A_3 = vector.load %arg0[%get3A_1, %get3A_2] : memref<32x4096xi32, #tpu.memory_space<vmem>>, vector<32x4096xi32>
    %reduce_sum3A = arith.constant dense<0> : vector<4096xi32>
    %reduce_sum3A_4 = vector.multi_reduction <add>, %get3A_3, %reduce_sum3A [0] : vector<32x4096xi32> to vector<4096xi32>
    %broadcast_in_dim3A = vector.shape_cast %reduce_sum3A_4 : vector<4096xi32> to vector<1x4096xi32>
    %iota3A = tpu.iota {dimensions = array<i32: 1>} : vector<1x4096xi32>
    %or3A = arith.constant 0 : i32
    %or3A_5 = arith.constant 2048 : i32
    %or3A_6 = arith.ori %or3A, %or3A_5 : i32
    %ge3A = vector.broadcast %or3A_6 : i32 to vector<1x4096xi32>
    %ge3A_7 = arith.cmpi sge, %iota3A, %ge3A : vector<1x4096xi32>
    %jit3A = arith.constant 0 : i32
    %broadcast_in_dim3A_8 = vector.broadcast %jit3A : i32 to vector<1x4096xi32>
    %select_n3A = arith.select %ge3A_7, %broadcast_in_dim3A, %broadcast_in_dim3A_8 : vector<1x4096xi1>, vector<1x4096xi32>
    %reduce_sum3A_9 = vector.shape_cast %select_n3A : vector<1x4096xi32> to vector<1x1x4096xi32>
    %reduce_sum3A_10 = arith.constant dense<0> : vector<1xi32>
    %reduce_sum3A_11 = vector.multi_reduction <add>, %reduce_sum3A_9, %reduce_sum3A_10 [1, 2] : vector<1x1x4096xi32> to vector<1xi32>
    %reduce_sum3A_12 = vector.shape_cast %reduce_sum3A_11 : vector<1xi32> to vector<1x1x1xi32>
    %reduce_sum3A_13 = vector.extract %reduce_sum3A_12[0, 0, 0] : i32 from vector<1x1x1xi32>
    %ge3A_14 = arith.cmpi sge, %reduce_sum3A_13, %get3A_0 : i32
    %jit3A_15 = arith.constant 0 : i32
    %select_n3A_16 = arith.select %ge3A_14, %or3A_6, %jit3A_15 : i32
    %or3A_17 = arith.constant 1024 : i32
    %or3A_18 = arith.ori %select_n3A_16, %or3A_17 : i32
    %ge3A_19 = vector.broadcast %or3A_18 : i32 to vector<1x4096xi32>
    %ge3A_20 = arith.cmpi sge, %iota3A, %ge3A_19 : vector<1x4096xi32>
    %jit3A_21 = arith.constant 0 : i32
    %broadcast_in_dim3A_22 = vector.broadcast %jit3A_21 : i32 to vector<1x4096xi32>
    %select_n3A_23 = arith.select %ge3A_20, %broadcast_in_dim3A, %broadcast_in_dim3A_22 : vector<1x4096xi1>, vector<1x4096xi32>
    %reduce_sum3A_24 = vector.shape_cast %select_n3A_23 : vector<1x4096xi32> to vector<1x1x4096xi32>
    %reduce_sum3A_25 = arith.constant dense<0> : vector<1xi32>
    %reduce_sum3A_26 = vector.multi_reduction <add>, %reduce_sum3A_24, %reduce_sum3A_25 [1, 2] : vector<1x1x4096xi32> to vector<1xi32>
    %reduce_sum3A_27 = vector.shape_cast %reduce_sum3A_26 : vector<1xi32> to vector<1x1x1xi32>
    %reduce_sum3A_28 = vector.extract %reduce_sum3A_27[0, 0, 0] : i32 from vector<1x1x1xi32>
    %ge3A_29 = arith.cmpi sge, %reduce_sum3A_28, %get3A_0 : i32
    %select_n3A_30 = arith.select %ge3A_29, %or3A_18, %select_n3A_16 : i32
    %or3A_31 = arith.constant 512 : i32
    %or3A_32 = arith.ori %select_n3A_30, %or3A_31 : i32
    %ge3A_33 = vector.broadcast %or3A_32 : i32 to vector<1x4096xi32>
    %ge3A_34 = arith.cmpi sge, %iota3A, %ge3A_33 : vector<1x4096xi32>
    %jit3A_35 = arith.constant 0 : i32
    %broadcast_in_dim3A_36 = vector.broadcast %jit3A_35 : i32 to vector<1x4096xi32>
    %select_n3A_37 = arith.select %ge3A_34, %broadcast_in_dim3A, %broadcast_in_dim3A_36 : vector<1x4096xi1>, vector<1x4096xi32>
    %reduce_sum3A_38 = vector.shape_cast %select_n3A_37 : vector<1x4096xi32> to vector<1x1x4096xi32>
    %reduce_sum3A_39 = arith.constant dense<0> : vector<1xi32>
    %reduce_sum3A_40 = vector.multi_reduction <add>, %reduce_sum3A_38, %reduce_sum3A_39 [1, 2] : vector<1x1x4096xi32> to vector<1xi32>
    %reduce_sum3A_41 = vector.shape_cast %reduce_sum3A_40 : vector<1xi32> to vector<1x1x1xi32>
    %reduce_sum3A_42 = vector.extract %reduce_sum3A_41[0, 0, 0] : i32 from vector<1x1x1xi32>
    %ge3A_43 = arith.cmpi sge, %reduce_sum3A_42, %get3A_0 : i32
    %select_n3A_44 = arith.select %ge3A_43, %or3A_32, %select_n3A_30 : i32
    %or3A_45 = arith.constant 256 : i32
    %or3A_46 = arith.ori %select_n3A_44, %or3A_45 : i32
    %ge3A_47 = vector.broadcast %or3A_46 : i32 to vector<1x4096xi32>
    %ge3A_48 = arith.cmpi sge, %iota3A, %ge3A_47 : vector<1x4096xi32>
    %jit3A_49 = arith.constant 0 : i32
    %broadcast_in_dim3A_50 = vector.broadcast %jit3A_49 : i32 to vector<1x4096xi32>
    %select_n3A_51 = arith.select %ge3A_48, %broadcast_in_dim3A, %broadcast_in_dim3A_50 : vector<1x4096xi1>, vector<1x4096xi32>
    %reduce_sum3A_52 = vector.shape_cast %select_n3A_51 : vector<1x4096xi32> to vector<1x1x4096xi32>
    %reduce_sum3A_53 = arith.constant dense<0> : vector<1xi32>
    %reduce_sum3A_54 = vector.multi_reduction <add>, %reduce_sum3A_52, %reduce_sum3A_53 [1, 2] : vector<1x1x4096xi32> to vector<1xi32>
    %reduce_sum3A_55 = vector.shape_cast %reduce_sum3A_54 : vector<1xi32> to vector<1x1x1xi32>
    %reduce_sum3A_56 = vector.extract %reduce_sum3A_55[0, 0, 0] : i32 from vector<1x1x1xi32>
    %ge3A_57 = arith.cmpi sge, %reduce_sum3A_56, %get3A_0 : i32
    %select_n3A_58 = arith.select %ge3A_57, %or3A_46, %select_n3A_44 : i32
    %or3A_59 = arith.constant 128 : i32
    %or3A_60 = arith.ori %select_n3A_58, %or3A_59 : i32
    %ge3A_61 = vector.broadcast %or3A_60 : i32 to vector<1x4096xi32>
    %ge3A_62 = arith.cmpi sge, %iota3A, %ge3A_61 : vector<1x4096xi32>
    %jit3A_63 = arith.constant 0 : i32
    %broadcast_in_dim3A_64 = vector.broadcast %jit3A_63 : i32 to vector<1x4096xi32>
    %select_n3A_65 = arith.select %ge3A_62, %broadcast_in_dim3A, %broadcast_in_dim3A_64 : vector<1x4096xi1>, vector<1x4096xi32>
    %reduce_sum3A_66 = vector.shape_cast %select_n3A_65 : vector<1x4096xi32> to vector<1x1x4096xi32>
    %reduce_sum3A_67 = arith.constant dense<0> : vector<1xi32>
    %reduce_sum3A_68 = vector.multi_reduction <add>, %reduce_sum3A_66, %reduce_sum3A_67 [1, 2] : vector<1x1x4096xi32> to vector<1xi32>
    %reduce_sum3A_69 = vector.shape_cast %reduce_sum3A_68 : vector<1xi32> to vector<1x1x1xi32>
    %reduce_sum3A_70 = vector.extract %reduce_sum3A_69[0, 0, 0] : i32 from vector<1x1x1xi32>
    %ge3A_71 = arith.cmpi sge, %reduce_sum3A_70, %get3A_0 : i32
    %select_n3A_72 = arith.select %ge3A_71, %or3A_60, %select_n3A_58 : i32
    %or3A_73 = arith.constant 64 : i32
    %or3A_74 = arith.ori %select_n3A_72, %or3A_73 : i32
    %ge3A_75 = vector.broadcast %or3A_74 : i32 to vector<1x4096xi32>
    %ge3A_76 = arith.cmpi sge, %iota3A, %ge3A_75 : vector<1x4096xi32>
    %jit3A_77 = arith.constant 0 : i32
    %broadcast_in_dim3A_78 = vector.broadcast %jit3A_77 : i32 to vector<1x4096xi32>
    %select_n3A_79 = arith.select %ge3A_76, %broadcast_in_dim3A, %broadcast_in_dim3A_78 : vector<1x4096xi1>, vector<1x4096xi32>
    %reduce_sum3A_80 = vector.shape_cast %select_n3A_79 : vector<1x4096xi32> to vector<1x1x4096xi32>
    %reduce_sum3A_81 = arith.constant dense<0> : vector<1xi32>
    %reduce_sum3A_82 = vector.multi_reduction <add>, %reduce_sum3A_80, %reduce_sum3A_81 [1, 2] : vector<1x1x4096xi32> to vector<1xi32>
    %reduce_sum3A_83 = vector.shape_cast %reduce_sum3A_82 : vector<1xi32> to vector<1x1x1xi32>
    %reduce_sum3A_84 = vector.extract %reduce_sum3A_83[0, 0, 0] : i32 from vector<1x1x1xi32>
    %ge3A_85 = arith.cmpi sge, %reduce_sum3A_84, %get3A_0 : i32
    %select_n3A_86 = arith.select %ge3A_85, %or3A_74, %select_n3A_72 : i32
    %or3A_87 = arith.constant 32 : i32
    %or3A_88 = arith.ori %select_n3A_86, %or3A_87 : i32
    %ge3A_89 = vector.broadcast %or3A_88 : i32 to vector<1x4096xi32>
    %ge3A_90 = arith.cmpi sge, %iota3A, %ge3A_89 : vector<1x4096xi32>
    %jit3A_91 = arith.constant 0 : i32
    %broadcast_in_dim3A_92 = vector.broadcast %jit3A_91 : i32 to vector<1x4096xi32>
    %select_n3A_93 = arith.select %ge3A_90, %broadcast_in_dim3A, %broadcast_in_dim3A_92 : vector<1x4096xi1>, vector<1x4096xi32>
    %reduce_sum3A_94 = vector.shape_cast %select_n3A_93 : vector<1x4096xi32> to vector<1x1x4096xi32>
    %reduce_sum3A_95 = arith.constant dense<0> : vector<1xi32>
    %reduce_sum3A_96 = vector.multi_reduction <add>, %reduce_sum3A_94, %reduce_sum3A_95 [1, 2] : vector<1x1x4096xi32> to vector<1xi32>
    %reduce_sum3A_97 = vector.shape_cast %reduce_sum3A_96 : vector<1xi32> to vector<1x1x1xi32>
    %reduce_sum3A_98 = vector.extract %reduce_sum3A_97[0, 0, 0] : i32 from vector<1x1x1xi32>
    %ge3A_99 = arith.cmpi sge, %reduce_sum3A_98, %get3A_0 : i32
    %select_n3A_100 = arith.select %ge3A_99, %or3A_88, %select_n3A_86 : i32
    %or3A_101 = arith.constant 16 : i32
    %or3A_102 = arith.ori %select_n3A_100, %or3A_101 : i32
    %ge3A_103 = vector.broadcast %or3A_102 : i32 to vector<1x4096xi32>
    %ge3A_104 = arith.cmpi sge, %iota3A, %ge3A_103 : vector<1x4096xi32>
    %jit3A_105 = arith.constant 0 : i32
    %broadcast_in_dim3A_106 = vector.broadcast %jit3A_105 : i32 to vector<1x4096xi32>
    %select_n3A_107 = arith.select %ge3A_104, %broadcast_in_dim3A, %broadcast_in_dim3A_106 : vector<1x4096xi1>, vector<1x4096xi32>
    %reduce_sum3A_108 = vector.shape_cast %select_n3A_107 : vector<1x4096xi32> to vector<1x1x4096xi32>
    %reduce_sum3A_109 = arith.constant dense<0> : vector<1xi32>
    %reduce_sum3A_110 = vector.multi_reduction <add>, %reduce_sum3A_108, %reduce_sum3A_109 [1, 2] : vector<1x1x4096xi32> to vector<1xi32>
    %reduce_sum3A_111 = vector.shape_cast %reduce_sum3A_110 : vector<1xi32> to vector<1x1x1xi32>
    %reduce_sum3A_112 = vector.extract %reduce_sum3A_111[0, 0, 0] : i32 from vector<1x1x1xi32>
    %ge3A_113 = arith.cmpi sge, %reduce_sum3A_112, %get3A_0 : i32
    %select_n3A_114 = arith.select %ge3A_113, %or3A_102, %select_n3A_100 : i32
    %or3A_115 = arith.constant 8 : i32
    %or3A_116 = arith.ori %select_n3A_114, %or3A_115 : i32
    %ge3A_117 = vector.broadcast %or3A_116 : i32 to vector<1x4096xi32>
    %ge3A_118 = arith.cmpi sge, %iota3A, %ge3A_117 : vector<1x4096xi32>
    %jit3A_119 = arith.constant 0 : i32
    %broadcast_in_dim3A_120 = vector.broadcast %jit3A_119 : i32 to vector<1x4096xi32>
    %select_n3A_121 = arith.select %ge3A_118, %broadcast_in_dim3A, %broadcast_in_dim3A_120 : vector<1x4096xi1>, vector<1x4096xi32>
    %reduce_sum3A_122 = vector.shape_cast %select_n3A_121 : vector<1x4096xi32> to vector<1x1x4096xi32>
    %reduce_sum3A_123 = arith.constant dense<0> : vector<1xi32>
    %reduce_sum3A_124 = vector.multi_reduction <add>, %reduce_sum3A_122, %reduce_sum3A_123 [1, 2] : vector<1x1x4096xi32> to vector<1xi32>
    %reduce_sum3A_125 = vector.shape_cast %reduce_sum3A_124 : vector<1xi32> to vector<1x1x1xi32>
    %reduce_sum3A_126 = vector.extract %reduce_sum3A_125[0, 0, 0] : i32 from vector<1x1x1xi32>
    %ge3A_127 = arith.cmpi sge, %reduce_sum3A_126, %get3A_0 : i32
    %select_n3A_128 = arith.select %ge3A_127, %or3A_116, %select_n3A_114 : i32
    %or3A_129 = arith.constant 4 : i32
    %or3A_130 = arith.ori %select_n3A_128, %or3A_129 : i32
    %ge3A_131 = vector.broadcast %or3A_130 : i32 to vector<1x4096xi32>
    %ge3A_132 = arith.cmpi sge, %iota3A, %ge3A_131 : vector<1x4096xi32>
    %jit3A_133 = arith.constant 0 : i32
    %broadcast_in_dim3A_134 = vector.broadcast %jit3A_133 : i32 to vector<1x4096xi32>
    %select_n3A_135 = arith.select %ge3A_132, %broadcast_in_dim3A, %broadcast_in_dim3A_134 : vector<1x4096xi1>, vector<1x4096xi32>
    %reduce_sum3A_136 = vector.shape_cast %select_n3A_135 : vector<1x4096xi32> to vector<1x1x4096xi32>
    %reduce_sum3A_137 = arith.constant dense<0> : vector<1xi32>
    %reduce_sum3A_138 = vector.multi_reduction <add>, %reduce_sum3A_136, %reduce_sum3A_137 [1, 2] : vector<1x1x4096xi32> to vector<1xi32>
    %reduce_sum3A_139 = vector.shape_cast %reduce_sum3A_138 : vector<1xi32> to vector<1x1x1xi32>
    %reduce_sum3A_140 = vector.extract %reduce_sum3A_139[0, 0, 0] : i32 from vector<1x1x1xi32>
    %ge3A_141 = arith.cmpi sge, %reduce_sum3A_140, %get3A_0 : i32
    %select_n3A_142 = arith.select %ge3A_141, %or3A_130, %select_n3A_128 : i32
    %or3A_143 = arith.constant 2 : i32
    %or3A_144 = arith.ori %select_n3A_142, %or3A_143 : i32
    %ge3A_145 = vector.broadcast %or3A_144 : i32 to vector<1x4096xi32>
    %ge3A_146 = arith.cmpi sge, %iota3A, %ge3A_145 : vector<1x4096xi32>
    %jit3A_147 = arith.constant 0 : i32
    %broadcast_in_dim3A_148 = vector.broadcast %jit3A_147 : i32 to vector<1x4096xi32>
    %select_n3A_149 = arith.select %ge3A_146, %broadcast_in_dim3A, %broadcast_in_dim3A_148 : vector<1x4096xi1>, vector<1x4096xi32>
    %reduce_sum3A_150 = vector.shape_cast %select_n3A_149 : vector<1x4096xi32> to vector<1x1x4096xi32>
    %reduce_sum3A_151 = arith.constant dense<0> : vector<1xi32>
    %reduce_sum3A_152 = vector.multi_reduction <add>, %reduce_sum3A_150, %reduce_sum3A_151 [1, 2] : vector<1x1x4096xi32> to vector<1xi32>
    %reduce_sum3A_153 = vector.shape_cast %reduce_sum3A_152 : vector<1xi32> to vector<1x1x1xi32>
    %reduce_sum3A_154 = vector.extract %reduce_sum3A_153[0, 0, 0] : i32 from vector<1x1x1xi32>
    %ge3A_155 = arith.cmpi sge, %reduce_sum3A_154, %get3A_0 : i32
    %select_n3A_156 = arith.select %ge3A_155, %or3A_144, %select_n3A_142 : i32
    %or3A_157 = arith.constant 1 : i32
    %or3A_158 = arith.ori %select_n3A_156, %or3A_157 : i32
    %ge3A_159 = vector.broadcast %or3A_158 : i32 to vector<1x4096xi32>
    %ge3A_160 = arith.cmpi sge, %iota3A, %ge3A_159 : vector<1x4096xi32>
    %jit3A_161 = arith.constant 0 : i32
    %broadcast_in_dim3A_162 = vector.broadcast %jit3A_161 : i32 to vector<1x4096xi32>
    %select_n3A_163 = arith.select %ge3A_160, %broadcast_in_dim3A, %broadcast_in_dim3A_162 : vector<1x4096xi1>, vector<1x4096xi32>
    %reduce_sum3A_164 = vector.shape_cast %select_n3A_163 : vector<1x4096xi32> to vector<1x1x4096xi32>
    %reduce_sum3A_165 = arith.constant dense<0> : vector<1xi32>
    %reduce_sum3A_166 = vector.multi_reduction <add>, %reduce_sum3A_164, %reduce_sum3A_165 [1, 2] : vector<1x1x4096xi32> to vector<1xi32>
    %reduce_sum3A_167 = vector.shape_cast %reduce_sum3A_166 : vector<1xi32> to vector<1x1x1xi32>
    %reduce_sum3A_168 = vector.extract %reduce_sum3A_167[0, 0, 0] : i32 from vector<1x1x1xi32>
    %ge3A_169 = arith.cmpi sge, %reduce_sum3A_168, %get3A_0 : i32
    %select_n3A_170 = arith.select %ge3A_169, %or3A_158, %select_n3A_156 : i32
    %gt3A = vector.broadcast %select_n3A_170 : i32 to vector<1x4096xi32>
    %gt3A_171 = arith.cmpi sgt, %iota3A, %gt3A : vector<1x4096xi32>
    %jit3A_172 = arith.constant 0 : i32
    %broadcast_in_dim3A_173 = vector.broadcast %jit3A_172 : i32 to vector<1x4096xi32>
    %select_n3A_174 = arith.select %gt3A_171, %broadcast_in_dim3A, %broadcast_in_dim3A_173 : vector<1x4096xi1>, vector<1x4096xi32>
    %reduce_sum3A_175 = vector.shape_cast %select_n3A_174 : vector<1x4096xi32> to vector<1x1x4096xi32>
    %reduce_sum3A_176 = arith.constant dense<0> : vector<1xi32>
    %reduce_sum3A_177 = vector.multi_reduction <add>, %reduce_sum3A_175, %reduce_sum3A_176 [1, 2] : vector<1x1x4096xi32> to vector<1xi32>
    %reduce_sum3A_178 = vector.shape_cast %reduce_sum3A_177 : vector<1xi32> to vector<1x1x1xi32>
    %reduce_sum3A_179 = vector.extract %reduce_sum3A_178[0, 0, 0] : i32 from vector<1x1x1xi32>
    %sub3A = arith.subi %get3A_0, %reduce_sum3A_179 : i32
    %get3A_180 = arith.constant 0 : index
    %get3A_181 = memref.load %arg1[%get3A_180] : memref<128xi32, #tpu.memory_space<smem>>
    %swap3A = arith.constant 0 : index
    %swap3A_182 = memref.load %arg2[%swap3A] : memref<128xi32, #tpu.memory_space<smem>>
    memref.store %get3A_181, %arg2[%swap3A] : memref<128xi32, #tpu.memory_space<smem>>
    %get3A_183 = arith.constant 1 : index
    %get3A_184 = memref.load %arg1[%get3A_183] : memref<128xi32, #tpu.memory_space<smem>>
    %swap3A_185 = arith.constant 1 : index
    %swap3A_186 = memref.load %arg2[%swap3A_185] : memref<128xi32, #tpu.memory_space<smem>>
    memref.store %get3A_184, %arg2[%swap3A_185] : memref<128xi32, #tpu.memory_space<smem>>
    %get3A_187 = arith.constant 2 : index
    %get3A_188 = memref.load %arg1[%get3A_187] : memref<128xi32, #tpu.memory_space<smem>>
    %swap3A_189 = arith.constant 2 : index
    %swap3A_190 = memref.load %arg2[%swap3A_189] : memref<128xi32, #tpu.memory_space<smem>>
    memref.store %get3A_188, %arg2[%swap3A_189] : memref<128xi32, #tpu.memory_space<smem>>
    %get3A_191 = arith.constant 3 : index
    %get3A_192 = memref.load %arg1[%get3A_191] : memref<128xi32, #tpu.memory_space<smem>>
    %swap3A_193 = arith.constant 3 : index
    %swap3A_194 = memref.load %arg2[%swap3A_193] : memref<128xi32, #tpu.memory_space<smem>>
    memref.store %get3A_192, %arg2[%swap3A_193] : memref<128xi32, #tpu.memory_space<smem>>
    %get3A_195 = arith.constant 4 : index
    %get3A_196 = memref.load %arg1[%get3A_195] : memref<128xi32, #tpu.memory_space<smem>>
    %swap3A_197 = arith.constant 4 : index
    %swap3A_198 = memref.load %arg2[%swap3A_197] : memref<128xi32, #tpu.memory_space<smem>>
    memref.store %get3A_196, %arg2[%swap3A_197] : memref<128xi32, #tpu.memory_space<smem>>
    %get3A_199 = arith.constant 5 : index
    %get3A_200 = memref.load %arg1[%get3A_199] : memref<128xi32, #tpu.memory_space<smem>>
    %swap3A_201 = arith.constant 5 : index
    %swap3A_202 = memref.load %arg2[%swap3A_201] : memref<128xi32, #tpu.memory_space<smem>>
    memref.store %get3A_200, %arg2[%swap3A_201] : memref<128xi32, #tpu.memory_space<smem>>
    %get3A_203 = arith.constant 6 : index
    %get3A_204 = memref.load %arg1[%get3A_203] : memref<128xi32, #tpu.memory_space<smem>>
    %swap3A_205 = arith.constant 6 : index
    %swap3A_206 = memref.load %arg2[%swap3A_205] : memref<128xi32, #tpu.memory_space<smem>>
    memref.store %get3A_204, %arg2[%swap3A_205] : memref<128xi32, #tpu.memory_space<smem>>
    %get3A_207 = arith.constant 7 : index
    %get3A_208 = memref.load %arg1[%get3A_207] : memref<128xi32, #tpu.memory_space<smem>>
    %swap3A_209 = arith.constant 7 : index
    %swap3A_210 = memref.load %arg2[%swap3A_209] : memref<128xi32, #tpu.memory_space<smem>>
    memref.store %get3A_208, %arg2[%swap3A_209] : memref<128xi32, #tpu.memory_space<smem>>
    %swap3A_211 = arith.constant 1 : index
    %swap3A_212 = memref.load %arg2[%swap3A_211] : memref<128xi32, #tpu.memory_space<smem>>
    memref.store %select_n3A_170, %arg2[%swap3A_211] : memref<128xi32, #tpu.memory_space<smem>>
    %swap3A_213 = arith.constant 5 : index
    %swap3A_214 = memref.load %arg2[%swap3A_213] : memref<128xi32, #tpu.memory_space<smem>>
    memref.store %sub3A, %arg2[%swap3A_213] : memref<128xi32, #tpu.memory_space<smem>>
    return
  }
}

module attributes {stable_mosaic.version = 14 : i64} {
  func.func @_merge_body(%arg0: memref<32x4096xi32, #tpu.memory_space<vmem>>, %arg1: memref<128xi32, #tpu.memory_space<smem>>, %arg2: memref<128xi32, #tpu.memory_space<smem>>) attributes {dimension_semantics = [], scalar_prefetch = 0 : i64, scratch_operands = 0 : i64, tpu.core_type = #tpu.core_type<tc>} {
    %get3A = arith.constant 5 : index
    %get3A_0 = memref.load %arg1[%get3A] : memref<128xi32, #tpu.memory_space<smem>>
    %get3A_1 = arith.constant 0 : index
    %get3A_2 = arith.constant 0 : index
    %get3A_3 = vector.load %arg0[%get3A_1, %get3A_2] : memref<32x4096xi32, #tpu.memory_space<vmem>>, vector<32x4096xi32>
    %reduce_sum3A = arith.constant dense<0> : vector<4096xi32>
    %reduce_sum3A_4 = vector.multi_reduction <add>, %get3A_3, %reduce_sum3A [0] : vector<32x4096xi32> to vector<4096xi32>
    %broadcast_in_dim3A = vector.shape_cast %reduce_sum3A_4 : vector<4096xi32> to vector<1x4096xi32>
    %iota3A = tpu.iota {dimensions = array<i32: 1>} : vector<1x4096xi32>
    %or3A = arith.constant 0 : i32
    %or3A_5 = arith.constant 2048 : i32
    %or3A_6 = arith.ori %or3A, %or3A_5 : i32
    %ge3A = vector.broadcast %or3A_6 : i32 to vector<1x4096xi32>
    %ge3A_7 = arith.cmpi sge, %iota3A, %ge3A : vector<1x4096xi32>
    %jit3A = arith.constant 0 : i32
    %broadcast_in_dim3A_8 = vector.broadcast %jit3A : i32 to vector<1x4096xi32>
    %select_n3A = arith.select %ge3A_7, %broadcast_in_dim3A, %broadcast_in_dim3A_8 : vector<1x4096xi1>, vector<1x4096xi32>
    %reduce_sum3A_9 = vector.shape_cast %select_n3A : vector<1x4096xi32> to vector<1x1x4096xi32>
    %reduce_sum3A_10 = arith.constant dense<0> : vector<1xi32>
    %reduce_sum3A_11 = vector.multi_reduction <add>, %reduce_sum3A_9, %reduce_sum3A_10 [1, 2] : vector<1x1x4096xi32> to vector<1xi32>
    %reduce_sum3A_12 = vector.shape_cast %reduce_sum3A_11 : vector<1xi32> to vector<1x1x1xi32>
    %reduce_sum3A_13 = vector.extract %reduce_sum3A_12[0, 0, 0] : i32 from vector<1x1x1xi32>
    %ge3A_14 = arith.cmpi sge, %reduce_sum3A_13, %get3A_0 : i32
    %jit3A_15 = arith.constant 0 : i32
    %select_n3A_16 = arith.select %ge3A_14, %or3A_6, %jit3A_15 : i32
    %or3A_17 = arith.constant 1024 : i32
    %or3A_18 = arith.ori %select_n3A_16, %or3A_17 : i32
    %ge3A_19 = vector.broadcast %or3A_18 : i32 to vector<1x4096xi32>
    %ge3A_20 = arith.cmpi sge, %iota3A, %ge3A_19 : vector<1x4096xi32>
    %jit3A_21 = arith.constant 0 : i32
    %broadcast_in_dim3A_22 = vector.broadcast %jit3A_21 : i32 to vector<1x4096xi32>
    %select_n3A_23 = arith.select %ge3A_20, %broadcast_in_dim3A, %broadcast_in_dim3A_22 : vector<1x4096xi1>, vector<1x4096xi32>
    %reduce_sum3A_24 = vector.shape_cast %select_n3A_23 : vector<1x4096xi32> to vector<1x1x4096xi32>
    %reduce_sum3A_25 = arith.constant dense<0> : vector<1xi32>
    %reduce_sum3A_26 = vector.multi_reduction <add>, %reduce_sum3A_24, %reduce_sum3A_25 [1, 2] : vector<1x1x4096xi32> to vector<1xi32>
    %reduce_sum3A_27 = vector.shape_cast %reduce_sum3A_26 : vector<1xi32> to vector<1x1x1xi32>
    %reduce_sum3A_28 = vector.extract %reduce_sum3A_27[0, 0, 0] : i32 from vector<1x1x1xi32>
    %ge3A_29 = arith.cmpi sge, %reduce_sum3A_28, %get3A_0 : i32
    %select_n3A_30 = arith.select %ge3A_29, %or3A_18, %select_n3A_16 : i32
    %or3A_31 = arith.constant 512 : i32
    %or3A_32 = arith.ori %select_n3A_30, %or3A_31 : i32
    %ge3A_33 = vector.broadcast %or3A_32 : i32 to vector<1x4096xi32>
    %ge3A_34 = arith.cmpi sge, %iota3A, %ge3A_33 : vector<1x4096xi32>
    %jit3A_35 = arith.constant 0 : i32
    %broadcast_in_dim3A_36 = vector.broadcast %jit3A_35 : i32 to vector<1x4096xi32>
    %select_n3A_37 = arith.select %ge3A_34, %broadcast_in_dim3A, %broadcast_in_dim3A_36 : vector<1x4096xi1>, vector<1x4096xi32>
    %reduce_sum3A_38 = vector.shape_cast %select_n3A_37 : vector<1x4096xi32> to vector<1x1x4096xi32>
    %reduce_sum3A_39 = arith.constant dense<0> : vector<1xi32>
    %reduce_sum3A_40 = vector.multi_reduction <add>, %reduce_sum3A_38, %reduce_sum3A_39 [1, 2] : vector<1x1x4096xi32> to vector<1xi32>
    %reduce_sum3A_41 = vector.shape_cast %reduce_sum3A_40 : vector<1xi32> to vector<1x1x1xi32>
    %reduce_sum3A_42 = vector.extract %reduce_sum3A_41[0, 0, 0] : i32 from vector<1x1x1xi32>
    %ge3A_43 = arith.cmpi sge, %reduce_sum3A_42, %get3A_0 : i32
    %select_n3A_44 = arith.select %ge3A_43, %or3A_32, %select_n3A_30 : i32
    %or3A_45 = arith.constant 256 : i32
    %or3A_46 = arith.ori %select_n3A_44, %or3A_45 : i32
    %ge3A_47 = vector.broadcast %or3A_46 : i32 to vector<1x4096xi32>
    %ge3A_48 = arith.cmpi sge, %iota3A, %ge3A_47 : vector<1x4096xi32>
    %jit3A_49 = arith.constant 0 : i32
    %broadcast_in_dim3A_50 = vector.broadcast %jit3A_49 : i32 to vector<1x4096xi32>
    %select_n3A_51 = arith.select %ge3A_48, %broadcast_in_dim3A, %broadcast_in_dim3A_50 : vector<1x4096xi1>, vector<1x4096xi32>
    %reduce_sum3A_52 = vector.shape_cast %select_n3A_51 : vector<1x4096xi32> to vector<1x1x4096xi32>
    %reduce_sum3A_53 = arith.constant dense<0> : vector<1xi32>
    %reduce_sum3A_54 = vector.multi_reduction <add>, %reduce_sum3A_52, %reduce_sum3A_53 [1, 2] : vector<1x1x4096xi32> to vector<1xi32>
    %reduce_sum3A_55 = vector.shape_cast %reduce_sum3A_54 : vector<1xi32> to vector<1x1x1xi32>
    %reduce_sum3A_56 = vector.extract %reduce_sum3A_55[0, 0, 0] : i32 from vector<1x1x1xi32>
    %ge3A_57 = arith.cmpi sge, %reduce_sum3A_56, %get3A_0 : i32
    %select_n3A_58 = arith.select %ge3A_57, %or3A_46, %select_n3A_44 : i32
    %or3A_59 = arith.constant 128 : i32
    %or3A_60 = arith.ori %select_n3A_58, %or3A_59 : i32
    %ge3A_61 = vector.broadcast %or3A_60 : i32 to vector<1x4096xi32>
    %ge3A_62 = arith.cmpi sge, %iota3A, %ge3A_61 : vector<1x4096xi32>
    %jit3A_63 = arith.constant 0 : i32
    %broadcast_in_dim3A_64 = vector.broadcast %jit3A_63 : i32 to vector<1x4096xi32>
    %select_n3A_65 = arith.select %ge3A_62, %broadcast_in_dim3A, %broadcast_in_dim3A_64 : vector<1x4096xi1>, vector<1x4096xi32>
    %reduce_sum3A_66 = vector.shape_cast %select_n3A_65 : vector<1x4096xi32> to vector<1x1x4096xi32>
    %reduce_sum3A_67 = arith.constant dense<0> : vector<1xi32>
    %reduce_sum3A_68 = vector.multi_reduction <add>, %reduce_sum3A_66, %reduce_sum3A_67 [1, 2] : vector<1x1x4096xi32> to vector<1xi32>
    %reduce_sum3A_69 = vector.shape_cast %reduce_sum3A_68 : vector<1xi32> to vector<1x1x1xi32>
    %reduce_sum3A_70 = vector.extract %reduce_sum3A_69[0, 0, 0] : i32 from vector<1x1x1xi32>
    %ge3A_71 = arith.cmpi sge, %reduce_sum3A_70, %get3A_0 : i32
    %select_n3A_72 = arith.select %ge3A_71, %or3A_60, %select_n3A_58 : i32
    %or3A_73 = arith.constant 64 : i32
    %or3A_74 = arith.ori %select_n3A_72, %or3A_73 : i32
    %ge3A_75 = vector.broadcast %or3A_74 : i32 to vector<1x4096xi32>
    %ge3A_76 = arith.cmpi sge, %iota3A, %ge3A_75 : vector<1x4096xi32>
    %jit3A_77 = arith.constant 0 : i32
    %broadcast_in_dim3A_78 = vector.broadcast %jit3A_77 : i32 to vector<1x4096xi32>
    %select_n3A_79 = arith.select %ge3A_76, %broadcast_in_dim3A, %broadcast_in_dim3A_78 : vector<1x4096xi1>, vector<1x4096xi32>
    %reduce_sum3A_80 = vector.shape_cast %select_n3A_79 : vector<1x4096xi32> to vector<1x1x4096xi32>
    %reduce_sum3A_81 = arith.constant dense<0> : vector<1xi32>
    %reduce_sum3A_82 = vector.multi_reduction <add>, %reduce_sum3A_80, %reduce_sum3A_81 [1, 2] : vector<1x1x4096xi32> to vector<1xi32>
    %reduce_sum3A_83 = vector.shape_cast %reduce_sum3A_82 : vector<1xi32> to vector<1x1x1xi32>
    %reduce_sum3A_84 = vector.extract %reduce_sum3A_83[0, 0, 0] : i32 from vector<1x1x1xi32>
    %ge3A_85 = arith.cmpi sge, %reduce_sum3A_84, %get3A_0 : i32
    %select_n3A_86 = arith.select %ge3A_85, %or3A_74, %select_n3A_72 : i32
    %or3A_87 = arith.constant 32 : i32
    %or3A_88 = arith.ori %select_n3A_86, %or3A_87 : i32
    %ge3A_89 = vector.broadcast %or3A_88 : i32 to vector<1x4096xi32>
    %ge3A_90 = arith.cmpi sge, %iota3A, %ge3A_89 : vector<1x4096xi32>
    %jit3A_91 = arith.constant 0 : i32
    %broadcast_in_dim3A_92 = vector.broadcast %jit3A_91 : i32 to vector<1x4096xi32>
    %select_n3A_93 = arith.select %ge3A_90, %broadcast_in_dim3A, %broadcast_in_dim3A_92 : vector<1x4096xi1>, vector<1x4096xi32>
    %reduce_sum3A_94 = vector.shape_cast %select_n3A_93 : vector<1x4096xi32> to vector<1x1x4096xi32>
    %reduce_sum3A_95 = arith.constant dense<0> : vector<1xi32>
    %reduce_sum3A_96 = vector.multi_reduction <add>, %reduce_sum3A_94, %reduce_sum3A_95 [1, 2] : vector<1x1x4096xi32> to vector<1xi32>
    %reduce_sum3A_97 = vector.shape_cast %reduce_sum3A_96 : vector<1xi32> to vector<1x1x1xi32>
    %reduce_sum3A_98 = vector.extract %reduce_sum3A_97[0, 0, 0] : i32 from vector<1x1x1xi32>
    %ge3A_99 = arith.cmpi sge, %reduce_sum3A_98, %get3A_0 : i32
    %select_n3A_100 = arith.select %ge3A_99, %or3A_88, %select_n3A_86 : i32
    %or3A_101 = arith.constant 16 : i32
    %or3A_102 = arith.ori %select_n3A_100, %or3A_101 : i32
    %ge3A_103 = vector.broadcast %or3A_102 : i32 to vector<1x4096xi32>
    %ge3A_104 = arith.cmpi sge, %iota3A, %ge3A_103 : vector<1x4096xi32>
    %jit3A_105 = arith.constant 0 : i32
    %broadcast_in_dim3A_106 = vector.broadcast %jit3A_105 : i32 to vector<1x4096xi32>
    %select_n3A_107 = arith.select %ge3A_104, %broadcast_in_dim3A, %broadcast_in_dim3A_106 : vector<1x4096xi1>, vector<1x4096xi32>
    %reduce_sum3A_108 = vector.shape_cast %select_n3A_107 : vector<1x4096xi32> to vector<1x1x4096xi32>
    %reduce_sum3A_109 = arith.constant dense<0> : vector<1xi32>
    %reduce_sum3A_110 = vector.multi_reduction <add>, %reduce_sum3A_108, %reduce_sum3A_109 [1, 2] : vector<1x1x4096xi32> to vector<1xi32>
    %reduce_sum3A_111 = vector.shape_cast %reduce_sum3A_110 : vector<1xi32> to vector<1x1x1xi32>
    %reduce_sum3A_112 = vector.extract %reduce_sum3A_111[0, 0, 0] : i32 from vector<1x1x1xi32>
    %ge3A_113 = arith.cmpi sge, %reduce_sum3A_112, %get3A_0 : i32
    %select_n3A_114 = arith.select %ge3A_113, %or3A_102, %select_n3A_100 : i32
    %or3A_115 = arith.constant 8 : i32
    %or3A_116 = arith.ori %select_n3A_114, %or3A_115 : i32
    %ge3A_117 = vector.broadcast %or3A_116 : i32 to vector<1x4096xi32>
    %ge3A_118 = arith.cmpi sge, %iota3A, %ge3A_117 : vector<1x4096xi32>
    %jit3A_119 = arith.constant 0 : i32
    %broadcast_in_dim3A_120 = vector.broadcast %jit3A_119 : i32 to vector<1x4096xi32>
    %select_n3A_121 = arith.select %ge3A_118, %broadcast_in_dim3A, %broadcast_in_dim3A_120 : vector<1x4096xi1>, vector<1x4096xi32>
    %reduce_sum3A_122 = vector.shape_cast %select_n3A_121 : vector<1x4096xi32> to vector<1x1x4096xi32>
    %reduce_sum3A_123 = arith.constant dense<0> : vector<1xi32>
    %reduce_sum3A_124 = vector.multi_reduction <add>, %reduce_sum3A_122, %reduce_sum3A_123 [1, 2] : vector<1x1x4096xi32> to vector<1xi32>
    %reduce_sum3A_125 = vector.shape_cast %reduce_sum3A_124 : vector<1xi32> to vector<1x1x1xi32>
    %reduce_sum3A_126 = vector.extract %reduce_sum3A_125[0, 0, 0] : i32 from vector<1x1x1xi32>
    %ge3A_127 = arith.cmpi sge, %reduce_sum3A_126, %get3A_0 : i32
    %select_n3A_128 = arith.select %ge3A_127, %or3A_116, %select_n3A_114 : i32
    %or3A_129 = arith.constant 4 : i32
    %or3A_130 = arith.ori %select_n3A_128, %or3A_129 : i32
    %ge3A_131 = vector.broadcast %or3A_130 : i32 to vector<1x4096xi32>
    %ge3A_132 = arith.cmpi sge, %iota3A, %ge3A_131 : vector<1x4096xi32>
    %jit3A_133 = arith.constant 0 : i32
    %broadcast_in_dim3A_134 = vector.broadcast %jit3A_133 : i32 to vector<1x4096xi32>
    %select_n3A_135 = arith.select %ge3A_132, %broadcast_in_dim3A, %broadcast_in_dim3A_134 : vector<1x4096xi1>, vector<1x4096xi32>
    %reduce_sum3A_136 = vector.shape_cast %select_n3A_135 : vector<1x4096xi32> to vector<1x1x4096xi32>
    %reduce_sum3A_137 = arith.constant dense<0> : vector<1xi32>
    %reduce_sum3A_138 = vector.multi_reduction <add>, %reduce_sum3A_136, %reduce_sum3A_137 [1, 2] : vector<1x1x4096xi32> to vector<1xi32>
    %reduce_sum3A_139 = vector.shape_cast %reduce_sum3A_138 : vector<1xi32> to vector<1x1x1xi32>
    %reduce_sum3A_140 = vector.extract %reduce_sum3A_139[0, 0, 0] : i32 from vector<1x1x1xi32>
    %ge3A_141 = arith.cmpi sge, %reduce_sum3A_140, %get3A_0 : i32
    %select_n3A_142 = arith.select %ge3A_141, %or3A_130, %select_n3A_128 : i32
    %or3A_143 = arith.constant 2 : i32
    %or3A_144 = arith.ori %select_n3A_142, %or3A_143 : i32
    %ge3A_145 = vector.broadcast %or3A_144 : i32 to vector<1x4096xi32>
    %ge3A_146 = arith.cmpi sge, %iota3A, %ge3A_145 : vector<1x4096xi32>
    %jit3A_147 = arith.constant 0 : i32
    %broadcast_in_dim3A_148 = vector.broadcast %jit3A_147 : i32 to vector<1x4096xi32>
    %select_n3A_149 = arith.select %ge3A_146, %broadcast_in_dim3A, %broadcast_in_dim3A_148 : vector<1x4096xi1>, vector<1x4096xi32>
    %reduce_sum3A_150 = vector.shape_cast %select_n3A_149 : vector<1x4096xi32> to vector<1x1x4096xi32>
    %reduce_sum3A_151 = arith.constant dense<0> : vector<1xi32>
    %reduce_sum3A_152 = vector.multi_reduction <add>, %reduce_sum3A_150, %reduce_sum3A_151 [1, 2] : vector<1x1x4096xi32> to vector<1xi32>
    %reduce_sum3A_153 = vector.shape_cast %reduce_sum3A_152 : vector<1xi32> to vector<1x1x1xi32>
    %reduce_sum3A_154 = vector.extract %reduce_sum3A_153[0, 0, 0] : i32 from vector<1x1x1xi32>
    %ge3A_155 = arith.cmpi sge, %reduce_sum3A_154, %get3A_0 : i32
    %select_n3A_156 = arith.select %ge3A_155, %or3A_144, %select_n3A_142 : i32
    %or3A_157 = arith.constant 1 : i32
    %or3A_158 = arith.ori %select_n3A_156, %or3A_157 : i32
    %ge3A_159 = vector.broadcast %or3A_158 : i32 to vector<1x4096xi32>
    %ge3A_160 = arith.cmpi sge, %iota3A, %ge3A_159 : vector<1x4096xi32>
    %jit3A_161 = arith.constant 0 : i32
    %broadcast_in_dim3A_162 = vector.broadcast %jit3A_161 : i32 to vector<1x4096xi32>
    %select_n3A_163 = arith.select %ge3A_160, %broadcast_in_dim3A, %broadcast_in_dim3A_162 : vector<1x4096xi1>, vector<1x4096xi32>
    %reduce_sum3A_164 = vector.shape_cast %select_n3A_163 : vector<1x4096xi32> to vector<1x1x4096xi32>
    %reduce_sum3A_165 = arith.constant dense<0> : vector<1xi32>
    %reduce_sum3A_166 = vector.multi_reduction <add>, %reduce_sum3A_164, %reduce_sum3A_165 [1, 2] : vector<1x1x4096xi32> to vector<1xi32>
    %reduce_sum3A_167 = vector.shape_cast %reduce_sum3A_166 : vector<1xi32> to vector<1x1x1xi32>
    %reduce_sum3A_168 = vector.extract %reduce_sum3A_167[0, 0, 0] : i32 from vector<1x1x1xi32>
    %ge3A_169 = arith.cmpi sge, %reduce_sum3A_168, %get3A_0 : i32
    %select_n3A_170 = arith.select %ge3A_169, %or3A_158, %select_n3A_156 : i32
    %gt3A = vector.broadcast %select_n3A_170 : i32 to vector<1x4096xi32>
    %gt3A_171 = arith.cmpi sgt, %iota3A, %gt3A : vector<1x4096xi32>
    %jit3A_172 = arith.constant 0 : i32
    %broadcast_in_dim3A_173 = vector.broadcast %jit3A_172 : i32 to vector<1x4096xi32>
    %select_n3A_174 = arith.select %gt3A_171, %broadcast_in_dim3A, %broadcast_in_dim3A_173 : vector<1x4096xi1>, vector<1x4096xi32>
    %reduce_sum3A_175 = vector.shape_cast %select_n3A_174 : vector<1x4096xi32> to vector<1x1x4096xi32>
    %reduce_sum3A_176 = arith.constant dense<0> : vector<1xi32>
    %reduce_sum3A_177 = vector.multi_reduction <add>, %reduce_sum3A_175, %reduce_sum3A_176 [1, 2] : vector<1x1x4096xi32> to vector<1xi32>
    %reduce_sum3A_178 = vector.shape_cast %reduce_sum3A_177 : vector<1xi32> to vector<1x1x1xi32>
    %reduce_sum3A_179 = vector.extract %reduce_sum3A_178[0, 0, 0] : i32 from vector<1x1x1xi32>
    %sub3A = arith.subi %get3A_0, %reduce_sum3A_179 : i32
    %get3A_180 = arith.constant 0 : index
    %get3A_181 = memref.load %arg1[%get3A_180] : memref<128xi32, #tpu.memory_space<smem>>
    %swap3A = arith.constant 0 : index
    %swap3A_182 = memref.load %arg2[%swap3A] : memref<128xi32, #tpu.memory_space<smem>>
    memref.store %get3A_181, %arg2[%swap3A] : memref<128xi32, #tpu.memory_space<smem>>
    %get3A_183 = arith.constant 1 : index
    %get3A_184 = memref.load %arg1[%get3A_183] : memref<128xi32, #tpu.memory_space<smem>>
    %swap3A_185 = arith.constant 1 : index
    %swap3A_186 = memref.load %arg2[%swap3A_185] : memref<128xi32, #tpu.memory_space<smem>>
    memref.store %get3A_184, %arg2[%swap3A_185] : memref<128xi32, #tpu.memory_space<smem>>
    %get3A_187 = arith.constant 2 : index
    %get3A_188 = memref.load %arg1[%get3A_187] : memref<128xi32, #tpu.memory_space<smem>>
    %swap3A_189 = arith.constant 2 : index
    %swap3A_190 = memref.load %arg2[%swap3A_189] : memref<128xi32, #tpu.memory_space<smem>>
    memref.store %get3A_188, %arg2[%swap3A_189] : memref<128xi32, #tpu.memory_space<smem>>
    %get3A_191 = arith.constant 3 : index
    %get3A_192 = memref.load %arg1[%get3A_191] : memref<128xi32, #tpu.memory_space<smem>>
    %swap3A_193 = arith.constant 3 : index
    %swap3A_194 = memref.load %arg2[%swap3A_193] : memref<128xi32, #tpu.memory_space<smem>>
    memref.store %get3A_192, %arg2[%swap3A_193] : memref<128xi32, #tpu.memory_space<smem>>
    %get3A_195 = arith.constant 4 : index
    %get3A_196 = memref.load %arg1[%get3A_195] : memref<128xi32, #tpu.memory_space<smem>>
    %swap3A_197 = arith.constant 4 : index
    %swap3A_198 = memref.load %arg2[%swap3A_197] : memref<128xi32, #tpu.memory_space<smem>>
    memref.store %get3A_196, %arg2[%swap3A_197] : memref<128xi32, #tpu.memory_space<smem>>
    %get3A_199 = arith.constant 5 : index
    %get3A_200 = memref.load %arg1[%get3A_199] : memref<128xi32, #tpu.memory_space<smem>>
    %swap3A_201 = arith.constant 5 : index
    %swap3A_202 = memref.load %arg2[%swap3A_201] : memref<128xi32, #tpu.memory_space<smem>>
    memref.store %get3A_200, %arg2[%swap3A_201] : memref<128xi32, #tpu.memory_space<smem>>
    %get3A_203 = arith.constant 6 : index
    %get3A_204 = memref.load %arg1[%get3A_203] : memref<128xi32, #tpu.memory_space<smem>>
    %swap3A_205 = arith.constant 6 : index
    %swap3A_206 = memref.load %arg2[%swap3A_205] : memref<128xi32, #tpu.memory_space<smem>>
    memref.store %get3A_204, %arg2[%swap3A_205] : memref<128xi32, #tpu.memory_space<smem>>
    %get3A_207 = arith.constant 7 : index
    %get3A_208 = memref.load %arg1[%get3A_207] : memref<128xi32, #tpu.memory_space<smem>>
    %swap3A_209 = arith.constant 7 : index
    %swap3A_210 = memref.load %arg2[%swap3A_209] : memref<128xi32, #tpu.memory_space<smem>>
    memref.store %get3A_208, %arg2[%swap3A_209] : memref<128xi32, #tpu.memory_space<smem>>
    %swap3A_211 = arith.constant 0 : index
    %swap3A_212 = memref.load %arg2[%swap3A_211] : memref<128xi32, #tpu.memory_space<smem>>
    memref.store %select_n3A_170, %arg2[%swap3A_211] : memref<128xi32, #tpu.memory_space<smem>>
    %swap3A_213 = arith.constant 5 : index
    %swap3A_214 = memref.load %arg2[%swap3A_213] : memref<128xi32, #tpu.memory_space<smem>>
    memref.store %sub3A, %arg2[%swap3A_213] : memref<128xi32, #tpu.memory_space<smem>>
    return
  }
}

module attributes {stable_mosaic.version = 14 : i64} {
  func.func @_t1_body(%arg0: i32, %arg1: memref<128x2048xf32, #tpu.memory_space<vmem>>, %arg2: memref<1x1xf32, #tpu.memory_space<smem>>) attributes {dimension_semantics = [#tpu.dimension_semantics<arbitrary>], iteration_bounds = array<i64: 16>, scalar_prefetch = 0 : i64, scratch_operands = 0 : i64, tpu.core_type = #tpu.core_type<tc>, window_params = [{transform_indices = @transform_0, window_bounds = array<i64: 128, 2048>}, {transform_indices = @transform_1, window_bounds = array<i64: 1, 1>}]} {
    %eq3A = arith.constant 0 : i32
    %eq3A_0 = arith.cmpi eq, %arg0, %eq3A : i32
    %convert_element_type3A = arith.extui %eq3A_0 : i1 to i32
    %cond3A = arith.constant 0 : i32
    %cond3A_1 = arith.cmpi ne, %convert_element_type3A, %cond3A : i32
    scf.if %cond3A_1 {
      %swap3A_20 = arith.constant 0.000000e+00 : f32
      %swap3A_21 = arith.constant 0 : index
      %swap3A_22 = arith.constant 0 : index
      %swap3A_23 = memref.load %arg2[%swap3A_21, %swap3A_22] : memref<1x1xf32, #tpu.memory_space<smem>>
      memref.store %swap3A_20, %arg2[%swap3A_21, %swap3A_22] : memref<1x1xf32, #tpu.memory_space<smem>>
    } else {
    }
    %get3A = arith.constant 0 : index
    %get3A_2 = arith.constant 0 : index
    %get3A_3 = memref.load %arg2[%get3A, %get3A_2] : memref<1x1xf32, #tpu.memory_space<smem>>
    %get3A_4 = arith.constant 0 : index
    %get3A_5 = arith.constant 0 : index
    %get3A_6 = vector.load %arg1[%get3A_4, %get3A_5] : memref<128x2048xf32, #tpu.memory_space<vmem>>, vector<128x2048xf32>
    %mul3A = arith.constant 5.000000e+00 : f32
    %mul3A_7 = vector.broadcast %mul3A : f32 to vector<128x2048xf32>
    %mul3A_8 = arith.mulf %mul3A_7, %get3A_6 : vector<128x2048xf32>
    %logistic3A = arith.negf %mul3A_8 : vector<128x2048xf32>
    %logistic3A_9 = math.exp %logistic3A : vector<128x2048xf32>
    %logistic3A_10 = arith.constant 1.000000e+00 : f32
    %logistic3A_11 = vector.broadcast %logistic3A_10 : f32 to vector<128x2048xf32>
    %logistic3A_12 = arith.addf %logistic3A_11, %logistic3A_9 : vector<128x2048xf32>
    %logistic3A_13 = arith.divf %logistic3A_11, %logistic3A_12 : vector<128x2048xf32>
    %reduce_sum3A = vector.shape_cast %logistic3A_13 : vector<128x2048xf32> to vector<1x128x2048xf32>
    %reduce_sum3A_14 = arith.constant dense<0.000000e+00> : vector<1xf32>
    %reduce_sum3A_15 = vector.multi_reduction <add>, %reduce_sum3A, %reduce_sum3A_14 [1, 2] : vector<1x128x2048xf32> to vector<1xf32>
    %reduce_sum3A_16 = vector.shape_cast %reduce_sum3A_15 : vector<1xf32> to vector<1x1x1xf32>
    %reduce_sum3A_17 = vector.extract %reduce_sum3A_16[0, 0, 0] : f32 from vector<1x1x1xf32>
    %add3A = arith.addf %get3A_3, %reduce_sum3A_17 : f32
    %swap3A = arith.constant 0 : index
    %swap3A_18 = arith.constant 0 : index
    %swap3A_19 = memref.load %arg2[%swap3A, %swap3A_18] : memref<1x1xf32, #tpu.memory_space<smem>>
    memref.store %add3A, %arg2[%swap3A, %swap3A_18] : memref<1x1xf32, #tpu.memory_space<smem>>
    return
  }
  func.func @transform_0(%arg0: i32) -> (i32, i32) {
    %c0_i32 = arith.constant 0 : i32
    %c0_i32_0 = arith.constant 0 : i32
    return %arg0, %c0_i32 : i32, i32
  }
  func.func @transform_1(%arg0: i32) -> (i32, i32) {
    %c0_i32 = arith.constant 0 : i32
    %c0_i32_0 = arith.constant 0 : i32
    %c0_i32_1 = arith.constant 0 : i32
    return %c0_i32, %c0_i32_0 : i32, i32
  }
}

module attributes {stable_mosaic.version = 14 : i64} {
  func.func @_t2_body(%arg0: i32, %arg1: memref<128x2048xf32, #tpu.memory_space<vmem>>, %arg2: memref<128x2048xf32, #tpu.memory_space<vmem>>, %arg3: memref<1x1xf32, #tpu.memory_space<smem>>, %arg4: memref<128x2048xf32, #tpu.memory_space<vmem>>, %arg5: memref<128x2048xi32, #tpu.memory_space<vmem>>) attributes {dimension_semantics = [#tpu.dimension_semantics<arbitrary>], iteration_bounds = array<i64: 16>, scalar_prefetch = 0 : i64, scratch_operands = 0 : i64, tpu.core_type = #tpu.core_type<tc>, window_params = [{transform_indices = @transform_0, window_bounds = array<i64: 128, 2048>}, {transform_indices = @transform_1, window_bounds = array<i64: 128, 2048>}, {transform_indices = @transform_2, window_bounds = array<i64: 1, 1>}, {transform_indices = @transform_3, window_bounds = array<i64: 128, 2048>}, {transform_indices = @transform_4, window_bounds = array<i64: 128, 2048>}]} {
    %get3A = arith.constant 0 : index
    %get3A_0 = arith.constant 0 : index
    %get3A_1 = memref.load %arg3[%get3A, %get3A_0] : memref<1x1xf32, #tpu.memory_space<smem>>
    %mul3A = arith.constant 2.38418579E-7 : f32
    %mul3A_2 = arith.mulf %get3A_1, %mul3A : f32
    %div3A = arith.constant 2.500000e-01 : f32
    %div3A_3 = arith.divf %div3A, %mul3A_2 : f32
    %sub3A = arith.constant 1.000000e+00 : f32
    %sub3A_4 = arith.constant 2.500000e-01 : f32
    %sub3A_5 = arith.subf %sub3A, %sub3A_4 : f32
    %sub3A_6 = arith.constant 1.000000e+00 : f32
    %sub3A_7 = arith.subf %sub3A_6, %mul3A_2 : f32
    %div3A_8 = arith.divf %sub3A_5, %sub3A_7 : f32
    %get3A_9 = arith.constant 0 : index
    %get3A_10 = arith.constant 0 : index
    %get3A_11 = vector.load %arg1[%get3A_9, %get3A_10] : memref<128x2048xf32, #tpu.memory_space<vmem>>, vector<128x2048xf32>
    %mul3A_12 = arith.constant 5.000000e+00 : f32
    %mul3A_13 = vector.broadcast %mul3A_12 : f32 to vector<128x2048xf32>
    %mul3A_14 = arith.mulf %mul3A_13, %get3A_11 : vector<128x2048xf32>
    %logistic3A = arith.negf %mul3A_14 : vector<128x2048xf32>
    %logistic3A_15 = math.exp %logistic3A : vector<128x2048xf32>
    %logistic3A_16 = arith.constant 1.000000e+00 : f32
    %logistic3A_17 = vector.broadcast %logistic3A_16 : f32 to vector<128x2048xf32>
    %logistic3A_18 = arith.addf %logistic3A_17, %logistic3A_15 : vector<128x2048xf32>
    %logistic3A_19 = arith.divf %logistic3A_17, %logistic3A_18 : vector<128x2048xf32>
    %le3A = arith.constant 1.000000e+00 : f32
    %le3A_20 = arith.cmpf ole, %div3A_3, %le3A : f32
    %mul3A_21 = vector.broadcast %div3A_3 : f32 to vector<128x2048xf32>
    %mul3A_22 = arith.mulf %logistic3A_19, %mul3A_21 : vector<128x2048xf32>
    %sub3A_23 = arith.constant 1.000000e+00 : f32
    %sub3A_24 = vector.broadcast %sub3A_23 : f32 to vector<128x2048xf32>
    %sub3A_25 = arith.subf %sub3A_24, %logistic3A_19 : vector<128x2048xf32>
    %mul3A_26 = vector.broadcast %div3A_8 : f32 to vector<128x2048xf32>
    %mul3A_27 = arith.mulf %sub3A_25, %mul3A_26 : vector<128x2048xf32>
    %sub3A_28 = arith.constant 1.000000e+00 : f32
    %sub3A_29 = vector.broadcast %sub3A_28 : f32 to vector<128x2048xf32>
    %sub3A_30 = arith.subf %sub3A_29, %mul3A_27 : vector<128x2048xf32>
    %select_n3A = arith.select %le3A_20, %mul3A_22, %sub3A_30 : vector<128x2048xf32>
    %swap3A = arith.constant 0 : index
    %swap3A_31 = arith.constant 0 : index
    %swap3A_32 = vector.load %arg4[%swap3A, %swap3A_31] : memref<128x2048xf32, #tpu.memory_space<vmem>>, vector<128x2048xf32>
    tpu.vector_store %arg4[%swap3A, %swap3A_31], %select_n3A {strides = array<i32>} : memref<128x2048xf32, #tpu.memory_space<vmem>>, vector<128x2048xf32>,
    %get3A_33 = arith.constant 0 : index
    %get3A_34 = arith.constant 0 : index
    %get3A_35 = vector.load %arg2[%get3A_33, %get3A_34] : memref<128x2048xf32, #tpu.memory_space<vmem>>, vector<128x2048xf32>
    %sub3A_36 = arith.subf %select_n3A, %get3A_35 : vector<128x2048xf32>
    %mul3A_37 = arith.constant 1.200000e+01 : f32
    %mul3A_38 = vector.broadcast %mul3A_37 : f32 to vector<128x2048xf32>
    %mul3A_39 = arith.mulf %mul3A_38, %sub3A_36 : vector<128x2048xf32>
    %logistic3A_40 = arith.negf %mul3A_39 : vector<128x2048xf32>
    %logistic3A_41 = math.exp %logistic3A_40 : vector<128x2048xf32>
    %logistic3A_42 = arith.constant 1.000000e+00 : f32
    %logistic3A_43 = vector.broadcast %logistic3A_42 : f32 to vector<128x2048xf32>
    %logistic3A_44 = arith.addf %logistic3A_43, %logistic3A_41 : vector<128x2048xf32>
    %logistic3A_45 = arith.divf %logistic3A_43, %logistic3A_44 : vector<128x2048xf32>
    %bitcast_convert_type3A = tpu.bitcast %logistic3A_45 : vector<128x2048xf32> -> vector<128x2048xi32>
    %swap3A_46 = arith.constant 0 : index
    %swap3A_47 = arith.constant 0 : index
    %swap3A_48 = vector.load %arg5[%swap3A_46, %swap3A_47] : memref<128x2048xi32, #tpu.memory_space<vmem>>, vector<128x2048xi32>
    tpu.vector_store %arg5[%swap3A_46, %swap3A_47], %bitcast_convert_type3A {strides = array<i32>} : memref<128x2048xi32, #tpu.memory_space<vmem>>, vector<128x2048xi32>,
    return
  }
  func.func @transform_0(%arg0: i32) -> (i32, i32) {
    %c0_i32 = arith.constant 0 : i32
    %c0_i32_0 = arith.constant 0 : i32
    return %arg0, %c0_i32 : i32, i32
  }
  func.func @transform_1(%arg0: i32) -> (i32, i32) {
    %c0_i32 = arith.constant 0 : i32
    %c0_i32_0 = arith.constant 0 : i32
    return %arg0, %c0_i32 : i32, i32
  }
  func.func @transform_2(%arg0: i32) -> (i32, i32) {
    %c0_i32 = arith.constant 0 : i32
    %c0_i32_0 = arith.constant 0 : i32
    %c0_i32_1 = arith.constant 0 : i32
    return %c0_i32, %c0_i32_0 : i32, i32
  }
  func.func @transform_3(%arg0: i32) -> (i32, i32) {
    %c0_i32 = arith.constant 0 : i32
    %c0_i32_0 = arith.constant 0 : i32
    return %arg0, %c0_i32 : i32, i32
  }
  func.func @transform_4(%arg0: i32) -> (i32, i32) {
    %c0_i32 = arith.constant 0 : i32
    %c0_i32_0 = arith.constant 0 : i32
    return %arg0, %c0_i32 : i32, i32
  }
}

module attributes {stable_mosaic.version = 14 : i64} {
  func.func @_merge_body(%arg0: memref<32x4096xi32, #tpu.memory_space<vmem>>, %arg1: memref<128xi32, #tpu.memory_space<smem>>, %arg2: memref<128xi32, #tpu.memory_space<smem>>) attributes {dimension_semantics = [], scalar_prefetch = 0 : i64, scratch_operands = 0 : i64, tpu.core_type = #tpu.core_type<tc>} {
    %get3A = arith.constant 5 : index
    %get3A_0 = memref.load %arg1[%get3A] : memref<128xi32, #tpu.memory_space<smem>>
    %get3A_1 = arith.constant 0 : index
    %get3A_2 = arith.constant 0 : index
    %get3A_3 = vector.load %arg0[%get3A_1, %get3A_2] : memref<32x4096xi32, #tpu.memory_space<vmem>>, vector<32x4096xi32>
    %reduce_sum3A = arith.constant dense<0> : vector<4096xi32>
    %reduce_sum3A_4 = vector.multi_reduction <add>, %get3A_3, %reduce_sum3A [0] : vector<32x4096xi32> to vector<4096xi32>
    %broadcast_in_dim3A = vector.shape_cast %reduce_sum3A_4 : vector<4096xi32> to vector<1x4096xi32>
    %iota3A = tpu.iota {dimensions = array<i32: 1>} : vector<1x4096xi32>
    %or3A = arith.constant 0 : i32
    %or3A_5 = arith.constant 2048 : i32
    %or3A_6 = arith.ori %or3A, %or3A_5 : i32
    %ge3A = vector.broadcast %or3A_6 : i32 to vector<1x4096xi32>
    %ge3A_7 = arith.cmpi sge, %iota3A, %ge3A : vector<1x4096xi32>
    %jit3A = arith.constant 0 : i32
    %broadcast_in_dim3A_8 = vector.broadcast %jit3A : i32 to vector<1x4096xi32>
    %select_n3A = arith.select %ge3A_7, %broadcast_in_dim3A, %broadcast_in_dim3A_8 : vector<1x4096xi1>, vector<1x4096xi32>
    %reduce_sum3A_9 = vector.shape_cast %select_n3A : vector<1x4096xi32> to vector<1x1x4096xi32>
    %reduce_sum3A_10 = arith.constant dense<0> : vector<1xi32>
    %reduce_sum3A_11 = vector.multi_reduction <add>, %reduce_sum3A_9, %reduce_sum3A_10 [1, 2] : vector<1x1x4096xi32> to vector<1xi32>
    %reduce_sum3A_12 = vector.shape_cast %reduce_sum3A_11 : vector<1xi32> to vector<1x1x1xi32>
    %reduce_sum3A_13 = vector.extract %reduce_sum3A_12[0, 0, 0] : i32 from vector<1x1x1xi32>
    %ge3A_14 = arith.cmpi sge, %reduce_sum3A_13, %get3A_0 : i32
    %jit3A_15 = arith.constant 0 : i32
    %select_n3A_16 = arith.select %ge3A_14, %or3A_6, %jit3A_15 : i32
    %or3A_17 = arith.constant 1024 : i32
    %or3A_18 = arith.ori %select_n3A_16, %or3A_17 : i32
    %ge3A_19 = vector.broadcast %or3A_18 : i32 to vector<1x4096xi32>
    %ge3A_20 = arith.cmpi sge, %iota3A, %ge3A_19 : vector<1x4096xi32>
    %jit3A_21 = arith.constant 0 : i32
    %broadcast_in_dim3A_22 = vector.broadcast %jit3A_21 : i32 to vector<1x4096xi32>
    %select_n3A_23 = arith.select %ge3A_20, %broadcast_in_dim3A, %broadcast_in_dim3A_22 : vector<1x4096xi1>, vector<1x4096xi32>
    %reduce_sum3A_24 = vector.shape_cast %select_n3A_23 : vector<1x4096xi32> to vector<1x1x4096xi32>
    %reduce_sum3A_25 = arith.constant dense<0> : vector<1xi32>
    %reduce_sum3A_26 = vector.multi_reduction <add>, %reduce_sum3A_24, %reduce_sum3A_25 [1, 2] : vector<1x1x4096xi32> to vector<1xi32>
    %reduce_sum3A_27 = vector.shape_cast %reduce_sum3A_26 : vector<1xi32> to vector<1x1x1xi32>
    %reduce_sum3A_28 = vector.extract %reduce_sum3A_27[0, 0, 0] : i32 from vector<1x1x1xi32>
    %ge3A_29 = arith.cmpi sge, %reduce_sum3A_28, %get3A_0 : i32
    %select_n3A_30 = arith.select %ge3A_29, %or3A_18, %select_n3A_16 : i32
    %or3A_31 = arith.constant 512 : i32
    %or3A_32 = arith.ori %select_n3A_30, %or3A_31 : i32
    %ge3A_33 = vector.broadcast %or3A_32 : i32 to vector<1x4096xi32>
    %ge3A_34 = arith.cmpi sge, %iota3A, %ge3A_33 : vector<1x4096xi32>
    %jit3A_35 = arith.constant 0 : i32
    %broadcast_in_dim3A_36 = vector.broadcast %jit3A_35 : i32 to vector<1x4096xi32>
    %select_n3A_37 = arith.select %ge3A_34, %broadcast_in_dim3A, %broadcast_in_dim3A_36 : vector<1x4096xi1>, vector<1x4096xi32>
    %reduce_sum3A_38 = vector.shape_cast %select_n3A_37 : vector<1x4096xi32> to vector<1x1x4096xi32>
    %reduce_sum3A_39 = arith.constant dense<0> : vector<1xi32>
    %reduce_sum3A_40 = vector.multi_reduction <add>, %reduce_sum3A_38, %reduce_sum3A_39 [1, 2] : vector<1x1x4096xi32> to vector<1xi32>
    %reduce_sum3A_41 = vector.shape_cast %reduce_sum3A_40 : vector<1xi32> to vector<1x1x1xi32>
    %reduce_sum3A_42 = vector.extract %reduce_sum3A_41[0, 0, 0] : i32 from vector<1x1x1xi32>
    %ge3A_43 = arith.cmpi sge, %reduce_sum3A_42, %get3A_0 : i32
    %select_n3A_44 = arith.select %ge3A_43, %or3A_32, %select_n3A_30 : i32
    %or3A_45 = arith.constant 256 : i32
    %or3A_46 = arith.ori %select_n3A_44, %or3A_45 : i32
    %ge3A_47 = vector.broadcast %or3A_46 : i32 to vector<1x4096xi32>
    %ge3A_48 = arith.cmpi sge, %iota3A, %ge3A_47 : vector<1x4096xi32>
    %jit3A_49 = arith.constant 0 : i32
    %broadcast_in_dim3A_50 = vector.broadcast %jit3A_49 : i32 to vector<1x4096xi32>
    %select_n3A_51 = arith.select %ge3A_48, %broadcast_in_dim3A, %broadcast_in_dim3A_50 : vector<1x4096xi1>, vector<1x4096xi32>
    %reduce_sum3A_52 = vector.shape_cast %select_n3A_51 : vector<1x4096xi32> to vector<1x1x4096xi32>
    %reduce_sum3A_53 = arith.constant dense<0> : vector<1xi32>
    %reduce_sum3A_54 = vector.multi_reduction <add>, %reduce_sum3A_52, %reduce_sum3A_53 [1, 2] : vector<1x1x4096xi32> to vector<1xi32>
    %reduce_sum3A_55 = vector.shape_cast %reduce_sum3A_54 : vector<1xi32> to vector<1x1x1xi32>
    %reduce_sum3A_56 = vector.extract %reduce_sum3A_55[0, 0, 0] : i32 from vector<1x1x1xi32>
    %ge3A_57 = arith.cmpi sge, %reduce_sum3A_56, %get3A_0 : i32
    %select_n3A_58 = arith.select %ge3A_57, %or3A_46, %select_n3A_44 : i32
    %or3A_59 = arith.constant 128 : i32
    %or3A_60 = arith.ori %select_n3A_58, %or3A_59 : i32
    %ge3A_61 = vector.broadcast %or3A_60 : i32 to vector<1x4096xi32>
    %ge3A_62 = arith.cmpi sge, %iota3A, %ge3A_61 : vector<1x4096xi32>
    %jit3A_63 = arith.constant 0 : i32
    %broadcast_in_dim3A_64 = vector.broadcast %jit3A_63 : i32 to vector<1x4096xi32>
    %select_n3A_65 = arith.select %ge3A_62, %broadcast_in_dim3A, %broadcast_in_dim3A_64 : vector<1x4096xi1>, vector<1x4096xi32>
    %reduce_sum3A_66 = vector.shape_cast %select_n3A_65 : vector<1x4096xi32> to vector<1x1x4096xi32>
    %reduce_sum3A_67 = arith.constant dense<0> : vector<1xi32>
    %reduce_sum3A_68 = vector.multi_reduction <add>, %reduce_sum3A_66, %reduce_sum3A_67 [1, 2] : vector<1x1x4096xi32> to vector<1xi32>
    %reduce_sum3A_69 = vector.shape_cast %reduce_sum3A_68 : vector<1xi32> to vector<1x1x1xi32>
    %reduce_sum3A_70 = vector.extract %reduce_sum3A_69[0, 0, 0] : i32 from vector<1x1x1xi32>
    %ge3A_71 = arith.cmpi sge, %reduce_sum3A_70, %get3A_0 : i32
    %select_n3A_72 = arith.select %ge3A_71, %or3A_60, %select_n3A_58 : i32
    %or3A_73 = arith.constant 64 : i32
    %or3A_74 = arith.ori %select_n3A_72, %or3A_73 : i32
    %ge3A_75 = vector.broadcast %or3A_74 : i32 to vector<1x4096xi32>
    %ge3A_76 = arith.cmpi sge, %iota3A, %ge3A_75 : vector<1x4096xi32>
    %jit3A_77 = arith.constant 0 : i32
    %broadcast_in_dim3A_78 = vector.broadcast %jit3A_77 : i32 to vector<1x4096xi32>
    %select_n3A_79 = arith.select %ge3A_76, %broadcast_in_dim3A, %broadcast_in_dim3A_78 : vector<1x4096xi1>, vector<1x4096xi32>
    %reduce_sum3A_80 = vector.shape_cast %select_n3A_79 : vector<1x4096xi32> to vector<1x1x4096xi32>
    %reduce_sum3A_81 = arith.constant dense<0> : vector<1xi32>
    %reduce_sum3A_82 = vector.multi_reduction <add>, %reduce_sum3A_80, %reduce_sum3A_81 [1, 2] : vector<1x1x4096xi32> to vector<1xi32>
    %reduce_sum3A_83 = vector.shape_cast %reduce_sum3A_82 : vector<1xi32> to vector<1x1x1xi32>
    %reduce_sum3A_84 = vector.extract %reduce_sum3A_83[0, 0, 0] : i32 from vector<1x1x1xi32>
    %ge3A_85 = arith.cmpi sge, %reduce_sum3A_84, %get3A_0 : i32
    %select_n3A_86 = arith.select %ge3A_85, %or3A_74, %select_n3A_72 : i32
    %or3A_87 = arith.constant 32 : i32
    %or3A_88 = arith.ori %select_n3A_86, %or3A_87 : i32
    %ge3A_89 = vector.broadcast %or3A_88 : i32 to vector<1x4096xi32>
    %ge3A_90 = arith.cmpi sge, %iota3A, %ge3A_89 : vector<1x4096xi32>
    %jit3A_91 = arith.constant 0 : i32
    %broadcast_in_dim3A_92 = vector.broadcast %jit3A_91 : i32 to vector<1x4096xi32>
    %select_n3A_93 = arith.select %ge3A_90, %broadcast_in_dim3A, %broadcast_in_dim3A_92 : vector<1x4096xi1>, vector<1x4096xi32>
    %reduce_sum3A_94 = vector.shape_cast %select_n3A_93 : vector<1x4096xi32> to vector<1x1x4096xi32>
    %reduce_sum3A_95 = arith.constant dense<0> : vector<1xi32>
    %reduce_sum3A_96 = vector.multi_reduction <add>, %reduce_sum3A_94, %reduce_sum3A_95 [1, 2] : vector<1x1x4096xi32> to vector<1xi32>
    %reduce_sum3A_97 = vector.shape_cast %reduce_sum3A_96 : vector<1xi32> to vector<1x1x1xi32>
    %reduce_sum3A_98 = vector.extract %reduce_sum3A_97[0, 0, 0] : i32 from vector<1x1x1xi32>
    %ge3A_99 = arith.cmpi sge, %reduce_sum3A_98, %get3A_0 : i32
    %select_n3A_100 = arith.select %ge3A_99, %or3A_88, %select_n3A_86 : i32
    %or3A_101 = arith.constant 16 : i32
    %or3A_102 = arith.ori %select_n3A_100, %or3A_101 : i32
    %ge3A_103 = vector.broadcast %or3A_102 : i32 to vector<1x4096xi32>
    %ge3A_104 = arith.cmpi sge, %iota3A, %ge3A_103 : vector<1x4096xi32>
    %jit3A_105 = arith.constant 0 : i32
    %broadcast_in_dim3A_106 = vector.broadcast %jit3A_105 : i32 to vector<1x4096xi32>
    %select_n3A_107 = arith.select %ge3A_104, %broadcast_in_dim3A, %broadcast_in_dim3A_106 : vector<1x4096xi1>, vector<1x4096xi32>
    %reduce_sum3A_108 = vector.shape_cast %select_n3A_107 : vector<1x4096xi32> to vector<1x1x4096xi32>
    %reduce_sum3A_109 = arith.constant dense<0> : vector<1xi32>
    %reduce_sum3A_110 = vector.multi_reduction <add>, %reduce_sum3A_108, %reduce_sum3A_109 [1, 2] : vector<1x1x4096xi32> to vector<1xi32>
    %reduce_sum3A_111 = vector.shape_cast %reduce_sum3A_110 : vector<1xi32> to vector<1x1x1xi32>
    %reduce_sum3A_112 = vector.extract %reduce_sum3A_111[0, 0, 0] : i32 from vector<1x1x1xi32>
    %ge3A_113 = arith.cmpi sge, %reduce_sum3A_112, %get3A_0 : i32
    %select_n3A_114 = arith.select %ge3A_113, %or3A_102, %select_n3A_100 : i32
    %or3A_115 = arith.constant 8 : i32
    %or3A_116 = arith.ori %select_n3A_114, %or3A_115 : i32
    %ge3A_117 = vector.broadcast %or3A_116 : i32 to vector<1x4096xi32>
    %ge3A_118 = arith.cmpi sge, %iota3A, %ge3A_117 : vector<1x4096xi32>
    %jit3A_119 = arith.constant 0 : i32
    %broadcast_in_dim3A_120 = vector.broadcast %jit3A_119 : i32 to vector<1x4096xi32>
    %select_n3A_121 = arith.select %ge3A_118, %broadcast_in_dim3A, %broadcast_in_dim3A_120 : vector<1x4096xi1>, vector<1x4096xi32>
    %reduce_sum3A_122 = vector.shape_cast %select_n3A_121 : vector<1x4096xi32> to vector<1x1x4096xi32>
    %reduce_sum3A_123 = arith.constant dense<0> : vector<1xi32>
    %reduce_sum3A_124 = vector.multi_reduction <add>, %reduce_sum3A_122, %reduce_sum3A_123 [1, 2] : vector<1x1x4096xi32> to vector<1xi32>
    %reduce_sum3A_125 = vector.shape_cast %reduce_sum3A_124 : vector<1xi32> to vector<1x1x1xi32>
    %reduce_sum3A_126 = vector.extract %reduce_sum3A_125[0, 0, 0] : i32 from vector<1x1x1xi32>
    %ge3A_127 = arith.cmpi sge, %reduce_sum3A_126, %get3A_0 : i32
    %select_n3A_128 = arith.select %ge3A_127, %or3A_116, %select_n3A_114 : i32
    %or3A_129 = arith.constant 4 : i32
    %or3A_130 = arith.ori %select_n3A_128, %or3A_129 : i32
    %ge3A_131 = vector.broadcast %or3A_130 : i32 to vector<1x4096xi32>
    %ge3A_132 = arith.cmpi sge, %iota3A, %ge3A_131 : vector<1x4096xi32>
    %jit3A_133 = arith.constant 0 : i32
    %broadcast_in_dim3A_134 = vector.broadcast %jit3A_133 : i32 to vector<1x4096xi32>
    %select_n3A_135 = arith.select %ge3A_132, %broadcast_in_dim3A, %broadcast_in_dim3A_134 : vector<1x4096xi1>, vector<1x4096xi32>
    %reduce_sum3A_136 = vector.shape_cast %select_n3A_135 : vector<1x4096xi32> to vector<1x1x4096xi32>
    %reduce_sum3A_137 = arith.constant dense<0> : vector<1xi32>
    %reduce_sum3A_138 = vector.multi_reduction <add>, %reduce_sum3A_136, %reduce_sum3A_137 [1, 2] : vector<1x1x4096xi32> to vector<1xi32>
    %reduce_sum3A_139 = vector.shape_cast %reduce_sum3A_138 : vector<1xi32> to vector<1x1x1xi32>
    %reduce_sum3A_140 = vector.extract %reduce_sum3A_139[0, 0, 0] : i32 from vector<1x1x1xi32>
    %ge3A_141 = arith.cmpi sge, %reduce_sum3A_140, %get3A_0 : i32
    %select_n3A_142 = arith.select %ge3A_141, %or3A_130, %select_n3A_128 : i32
    %or3A_143 = arith.constant 2 : i32
    %or3A_144 = arith.ori %select_n3A_142, %or3A_143 : i32
    %ge3A_145 = vector.broadcast %or3A_144 : i32 to vector<1x4096xi32>
    %ge3A_146 = arith.cmpi sge, %iota3A, %ge3A_145 : vector<1x4096xi32>
    %jit3A_147 = arith.constant 0 : i32
    %broadcast_in_dim3A_148 = vector.broadcast %jit3A_147 : i32 to vector<1x4096xi32>
    %select_n3A_149 = arith.select %ge3A_146, %broadcast_in_dim3A, %broadcast_in_dim3A_148 : vector<1x4096xi1>, vector<1x4096xi32>
    %reduce_sum3A_150 = vector.shape_cast %select_n3A_149 : vector<1x4096xi32> to vector<1x1x4096xi32>
    %reduce_sum3A_151 = arith.constant dense<0> : vector<1xi32>
    %reduce_sum3A_152 = vector.multi_reduction <add>, %reduce_sum3A_150, %reduce_sum3A_151 [1, 2] : vector<1x1x4096xi32> to vector<1xi32>
    %reduce_sum3A_153 = vector.shape_cast %reduce_sum3A_152 : vector<1xi32> to vector<1x1x1xi32>
    %reduce_sum3A_154 = vector.extract %reduce_sum3A_153[0, 0, 0] : i32 from vector<1x1x1xi32>
    %ge3A_155 = arith.cmpi sge, %reduce_sum3A_154, %get3A_0 : i32
    %select_n3A_156 = arith.select %ge3A_155, %or3A_144, %select_n3A_142 : i32
    %or3A_157 = arith.constant 1 : i32
    %or3A_158 = arith.ori %select_n3A_156, %or3A_157 : i32
    %ge3A_159 = vector.broadcast %or3A_158 : i32 to vector<1x4096xi32>
    %ge3A_160 = arith.cmpi sge, %iota3A, %ge3A_159 : vector<1x4096xi32>
    %jit3A_161 = arith.constant 0 : i32
    %broadcast_in_dim3A_162 = vector.broadcast %jit3A_161 : i32 to vector<1x4096xi32>
    %select_n3A_163 = arith.select %ge3A_160, %broadcast_in_dim3A, %broadcast_in_dim3A_162 : vector<1x4096xi1>, vector<1x4096xi32>
    %reduce_sum3A_164 = vector.shape_cast %select_n3A_163 : vector<1x4096xi32> to vector<1x1x4096xi32>
    %reduce_sum3A_165 = arith.constant dense<0> : vector<1xi32>
    %reduce_sum3A_166 = vector.multi_reduction <add>, %reduce_sum3A_164, %reduce_sum3A_165 [1, 2] : vector<1x1x4096xi32> to vector<1xi32>
    %reduce_sum3A_167 = vector.shape_cast %reduce_sum3A_166 : vector<1xi32> to vector<1x1x1xi32>
    %reduce_sum3A_168 = vector.extract %reduce_sum3A_167[0, 0, 0] : i32 from vector<1x1x1xi32>
    %ge3A_169 = arith.cmpi sge, %reduce_sum3A_168, %get3A_0 : i32
    %select_n3A_170 = arith.select %ge3A_169, %or3A_158, %select_n3A_156 : i32
    %gt3A = vector.broadcast %select_n3A_170 : i32 to vector<1x4096xi32>
    %gt3A_171 = arith.cmpi sgt, %iota3A, %gt3A : vector<1x4096xi32>
    %jit3A_172 = arith.constant 0 : i32
    %broadcast_in_dim3A_173 = vector.broadcast %jit3A_172 : i32 to vector<1x4096xi32>
    %select_n3A_174 = arith.select %gt3A_171, %broadcast_in_dim3A, %broadcast_in_dim3A_173 : vector<1x4096xi1>, vector<1x4096xi32>
    %reduce_sum3A_175 = vector.shape_cast %select_n3A_174 : vector<1x4096xi32> to vector<1x1x4096xi32>
    %reduce_sum3A_176 = arith.constant dense<0> : vector<1xi32>
    %reduce_sum3A_177 = vector.multi_reduction <add>, %reduce_sum3A_175, %reduce_sum3A_176 [1, 2] : vector<1x1x4096xi32> to vector<1xi32>
    %reduce_sum3A_178 = vector.shape_cast %reduce_sum3A_177 : vector<1xi32> to vector<1x1x1xi32>
    %reduce_sum3A_179 = vector.extract %reduce_sum3A_178[0, 0, 0] : i32 from vector<1x1x1xi32>
    %sub3A = arith.subi %get3A_0, %reduce_sum3A_179 : i32
    %get3A_180 = arith.constant 0 : index
    %get3A_181 = memref.load %arg1[%get3A_180] : memref<128xi32, #tpu.memory_space<smem>>
    %swap3A = arith.constant 0 : index
    %swap3A_182 = memref.load %arg2[%swap3A] : memref<128xi32, #tpu.memory_space<smem>>
    memref.store %get3A_181, %arg2[%swap3A] : memref<128xi32, #tpu.memory_space<smem>>
    %get3A_183 = arith.constant 1 : index
    %get3A_184 = memref.load %arg1[%get3A_183] : memref<128xi32, #tpu.memory_space<smem>>
    %swap3A_185 = arith.constant 1 : index
    %swap3A_186 = memref.load %arg2[%swap3A_185] : memref<128xi32, #tpu.memory_space<smem>>
    memref.store %get3A_184, %arg2[%swap3A_185] : memref<128xi32, #tpu.memory_space<smem>>
    %get3A_187 = arith.constant 2 : index
    %get3A_188 = memref.load %arg1[%get3A_187] : memref<128xi32, #tpu.memory_space<smem>>
    %swap3A_189 = arith.constant 2 : index
    %swap3A_190 = memref.load %arg2[%swap3A_189] : memref<128xi32, #tpu.memory_space<smem>>
    memref.store %get3A_188, %arg2[%swap3A_189] : memref<128xi32, #tpu.memory_space<smem>>
    %get3A_191 = arith.constant 3 : index
    %get3A_192 = memref.load %arg1[%get3A_191] : memref<128xi32, #tpu.memory_space<smem>>
    %swap3A_193 = arith.constant 3 : index
    %swap3A_194 = memref.load %arg2[%swap3A_193] : memref<128xi32, #tpu.memory_space<smem>>
    memref.store %get3A_192, %arg2[%swap3A_193] : memref<128xi32, #tpu.memory_space<smem>>
    %get3A_195 = arith.constant 4 : index
    %get3A_196 = memref.load %arg1[%get3A_195] : memref<128xi32, #tpu.memory_space<smem>>
    %swap3A_197 = arith.constant 4 : index
    %swap3A_198 = memref.load %arg2[%swap3A_197] : memref<128xi32, #tpu.memory_space<smem>>
    memref.store %get3A_196, %arg2[%swap3A_197] : memref<128xi32, #tpu.memory_space<smem>>
    %get3A_199 = arith.constant 5 : index
    %get3A_200 = memref.load %arg1[%get3A_199] : memref<128xi32, #tpu.memory_space<smem>>
    %swap3A_201 = arith.constant 5 : index
    %swap3A_202 = memref.load %arg2[%swap3A_201] : memref<128xi32, #tpu.memory_space<smem>>
    memref.store %get3A_200, %arg2[%swap3A_201] : memref<128xi32, #tpu.memory_space<smem>>
    %get3A_203 = arith.constant 6 : index
    %get3A_204 = memref.load %arg1[%get3A_203] : memref<128xi32, #tpu.memory_space<smem>>
    %swap3A_205 = arith.constant 6 : index
    %swap3A_206 = memref.load %arg2[%swap3A_205] : memref<128xi32, #tpu.memory_space<smem>>
    memref.store %get3A_204, %arg2[%swap3A_205] : memref<128xi32, #tpu.memory_space<smem>>
    %get3A_207 = arith.constant 7 : index
    %get3A_208 = memref.load %arg1[%get3A_207] : memref<128xi32, #tpu.memory_space<smem>>
    %swap3A_209 = arith.constant 7 : index
    %swap3A_210 = memref.load %arg2[%swap3A_209] : memref<128xi32, #tpu.memory_space<smem>>
    memref.store %get3A_208, %arg2[%swap3A_209] : memref<128xi32, #tpu.memory_space<smem>>
    %swap3A_211 = arith.constant 2 : index
    %swap3A_212 = memref.load %arg2[%swap3A_211] : memref<128xi32, #tpu.memory_space<smem>>
    memref.store %select_n3A_170, %arg2[%swap3A_211] : memref<128xi32, #tpu.memory_space<smem>>
    %swap3A_213 = arith.constant 5 : index
    %swap3A_214 = memref.load %arg2[%swap3A_213] : memref<128xi32, #tpu.memory_space<smem>>
    memref.store %sub3A, %arg2[%swap3A_213] : memref<128xi32, #tpu.memory_space<smem>>
    %eq3A = vector.broadcast %select_n3A_170 : i32 to vector<1x4096xi32>
    %eq3A_215 = arith.cmpi eq, %iota3A, %eq3A : vector<1x4096xi32>
    %jit3A_216 = arith.constant 0 : i32
    %broadcast_in_dim3A_217 = vector.broadcast %jit3A_216 : i32 to vector<1x4096xi32>
    %select_n3A_218 = arith.select %eq3A_215, %broadcast_in_dim3A, %broadcast_in_dim3A_217 : vector<1x4096xi1>, vector<1x4096xi32>
    %reduce_sum3A_219 = vector.shape_cast %select_n3A_218 : vector<1x4096xi32> to vector<1x1x4096xi32>
    %reduce_sum3A_220 = arith.constant dense<0> : vector<1xi32>
    %reduce_sum3A_221 = vector.multi_reduction <add>, %reduce_sum3A_219, %reduce_sum3A_220 [1, 2] : vector<1x1x4096xi32> to vector<1xi32>
    %reduce_sum3A_222 = vector.shape_cast %reduce_sum3A_221 : vector<1xi32> to vector<1x1x1xi32>
    %reduce_sum3A_223 = vector.extract %reduce_sum3A_222[0, 0, 0] : i32 from vector<1x1x1xi32>
    %swap3A_224 = arith.constant 0 : i32
    %swap3A_225 = arith.constant 3 : index
    %swap3A_226 = memref.load %arg2[%swap3A_225] : memref<128xi32, #tpu.memory_space<smem>>
    memref.store %swap3A_224, %arg2[%swap3A_225] : memref<128xi32, #tpu.memory_space<smem>>
    %swap3A_227 = arith.constant 0 : i32
    %swap3A_228 = arith.constant 4 : index
    %swap3A_229 = memref.load %arg2[%swap3A_228] : memref<128xi32, #tpu.memory_space<smem>>
    memref.store %swap3A_227, %arg2[%swap3A_228] : memref<128xi32, #tpu.memory_space<smem>>
    %gt3A_230 = arith.cmpi sgt, %reduce_sum3A_223, %sub3A : i32
    %convert_element_type3A = arith.extui %gt3A_230 : i1 to i32
    %swap3A_231 = arith.constant 7 : index
    %swap3A_232 = memref.load %arg2[%swap3A_231] : memref<128xi32, #tpu.memory_space<smem>>
    memref.store %convert_element_type3A, %arg2[%swap3A_231] : memref<128xi32, #tpu.memory_space<smem>>
    return
  }
}

module attributes {stable_mosaic.version = 14 : i64} {
  func.func @_merge_body(%arg0: memref<32x4096xi32, #tpu.memory_space<vmem>>, %arg1: memref<128xi32, #tpu.memory_space<smem>>, %arg2: memref<128xi32, #tpu.memory_space<smem>>) attributes {dimension_semantics = [], scalar_prefetch = 0 : i64, scratch_operands = 0 : i64, tpu.core_type = #tpu.core_type<tc>} {
    %get3A = arith.constant 5 : index
    %get3A_0 = memref.load %arg1[%get3A] : memref<128xi32, #tpu.memory_space<smem>>
    %get3A_1 = arith.constant 0 : index
    %get3A_2 = arith.constant 0 : index
    %get3A_3 = vector.load %arg0[%get3A_1, %get3A_2] : memref<32x4096xi32, #tpu.memory_space<vmem>>, vector<32x4096xi32>
    %reduce_sum3A = arith.constant dense<0> : vector<4096xi32>
    %reduce_sum3A_4 = vector.multi_reduction <add>, %get3A_3, %reduce_sum3A [0] : vector<32x4096xi32> to vector<4096xi32>
    %broadcast_in_dim3A = vector.shape_cast %reduce_sum3A_4 : vector<4096xi32> to vector<1x4096xi32>
    %iota3A = tpu.iota {dimensions = array<i32: 1>} : vector<1x4096xi32>
    %or3A = arith.constant 0 : i32
    %or3A_5 = arith.constant 2048 : i32
    %or3A_6 = arith.ori %or3A, %or3A_5 : i32
    %ge3A = vector.broadcast %or3A_6 : i32 to vector<1x4096xi32>
    %ge3A_7 = arith.cmpi sge, %iota3A, %ge3A : vector<1x4096xi32>
    %jit3A = arith.constant 0 : i32
    %broadcast_in_dim3A_8 = vector.broadcast %jit3A : i32 to vector<1x4096xi32>
    %select_n3A = arith.select %ge3A_7, %broadcast_in_dim3A, %broadcast_in_dim3A_8 : vector<1x4096xi1>, vector<1x4096xi32>
    %reduce_sum3A_9 = vector.shape_cast %select_n3A : vector<1x4096xi32> to vector<1x1x4096xi32>
    %reduce_sum3A_10 = arith.constant dense<0> : vector<1xi32>
    %reduce_sum3A_11 = vector.multi_reduction <add>, %reduce_sum3A_9, %reduce_sum3A_10 [1, 2] : vector<1x1x4096xi32> to vector<1xi32>
    %reduce_sum3A_12 = vector.shape_cast %reduce_sum3A_11 : vector<1xi32> to vector<1x1x1xi32>
    %reduce_sum3A_13 = vector.extract %reduce_sum3A_12[0, 0, 0] : i32 from vector<1x1x1xi32>
    %ge3A_14 = arith.cmpi sge, %reduce_sum3A_13, %get3A_0 : i32
    %jit3A_15 = arith.constant 0 : i32
    %select_n3A_16 = arith.select %ge3A_14, %or3A_6, %jit3A_15 : i32
    %or3A_17 = arith.constant 1024 : i32
    %or3A_18 = arith.ori %select_n3A_16, %or3A_17 : i32
    %ge3A_19 = vector.broadcast %or3A_18 : i32 to vector<1x4096xi32>
    %ge3A_20 = arith.cmpi sge, %iota3A, %ge3A_19 : vector<1x4096xi32>
    %jit3A_21 = arith.constant 0 : i32
    %broadcast_in_dim3A_22 = vector.broadcast %jit3A_21 : i32 to vector<1x4096xi32>
    %select_n3A_23 = arith.select %ge3A_20, %broadcast_in_dim3A, %broadcast_in_dim3A_22 : vector<1x4096xi1>, vector<1x4096xi32>
    %reduce_sum3A_24 = vector.shape_cast %select_n3A_23 : vector<1x4096xi32> to vector<1x1x4096xi32>
    %reduce_sum3A_25 = arith.constant dense<0> : vector<1xi32>
    %reduce_sum3A_26 = vector.multi_reduction <add>, %reduce_sum3A_24, %reduce_sum3A_25 [1, 2] : vector<1x1x4096xi32> to vector<1xi32>
    %reduce_sum3A_27 = vector.shape_cast %reduce_sum3A_26 : vector<1xi32> to vector<1x1x1xi32>
    %reduce_sum3A_28 = vector.extract %reduce_sum3A_27[0, 0, 0] : i32 from vector<1x1x1xi32>
    %ge3A_29 = arith.cmpi sge, %reduce_sum3A_28, %get3A_0 : i32
    %select_n3A_30 = arith.select %ge3A_29, %or3A_18, %select_n3A_16 : i32
    %or3A_31 = arith.constant 512 : i32
    %or3A_32 = arith.ori %select_n3A_30, %or3A_31 : i32
    %ge3A_33 = vector.broadcast %or3A_32 : i32 to vector<1x4096xi32>
    %ge3A_34 = arith.cmpi sge, %iota3A, %ge3A_33 : vector<1x4096xi32>
    %jit3A_35 = arith.constant 0 : i32
    %broadcast_in_dim3A_36 = vector.broadcast %jit3A_35 : i32 to vector<1x4096xi32>
    %select_n3A_37 = arith.select %ge3A_34, %broadcast_in_dim3A, %broadcast_in_dim3A_36 : vector<1x4096xi1>, vector<1x4096xi32>
    %reduce_sum3A_38 = vector.shape_cast %select_n3A_37 : vector<1x4096xi32> to vector<1x1x4096xi32>
    %reduce_sum3A_39 = arith.constant dense<0> : vector<1xi32>
    %reduce_sum3A_40 = vector.multi_reduction <add>, %reduce_sum3A_38, %reduce_sum3A_39 [1, 2] : vector<1x1x4096xi32> to vector<1xi32>
    %reduce_sum3A_41 = vector.shape_cast %reduce_sum3A_40 : vector<1xi32> to vector<1x1x1xi32>
    %reduce_sum3A_42 = vector.extract %reduce_sum3A_41[0, 0, 0] : i32 from vector<1x1x1xi32>
    %ge3A_43 = arith.cmpi sge, %reduce_sum3A_42, %get3A_0 : i32
    %select_n3A_44 = arith.select %ge3A_43, %or3A_32, %select_n3A_30 : i32
    %or3A_45 = arith.constant 256 : i32
    %or3A_46 = arith.ori %select_n3A_44, %or3A_45 : i32
    %ge3A_47 = vector.broadcast %or3A_46 : i32 to vector<1x4096xi32>
    %ge3A_48 = arith.cmpi sge, %iota3A, %ge3A_47 : vector<1x4096xi32>
    %jit3A_49 = arith.constant 0 : i32
    %broadcast_in_dim3A_50 = vector.broadcast %jit3A_49 : i32 to vector<1x4096xi32>
    %select_n3A_51 = arith.select %ge3A_48, %broadcast_in_dim3A, %broadcast_in_dim3A_50 : vector<1x4096xi1>, vector<1x4096xi32>
    %reduce_sum3A_52 = vector.shape_cast %select_n3A_51 : vector<1x4096xi32> to vector<1x1x4096xi32>
    %reduce_sum3A_53 = arith.constant dense<0> : vector<1xi32>
    %reduce_sum3A_54 = vector.multi_reduction <add>, %reduce_sum3A_52, %reduce_sum3A_53 [1, 2] : vector<1x1x4096xi32> to vector<1xi32>
    %reduce_sum3A_55 = vector.shape_cast %reduce_sum3A_54 : vector<1xi32> to vector<1x1x1xi32>
    %reduce_sum3A_56 = vector.extract %reduce_sum3A_55[0, 0, 0] : i32 from vector<1x1x1xi32>
    %ge3A_57 = arith.cmpi sge, %reduce_sum3A_56, %get3A_0 : i32
    %select_n3A_58 = arith.select %ge3A_57, %or3A_46, %select_n3A_44 : i32
    %or3A_59 = arith.constant 128 : i32
    %or3A_60 = arith.ori %select_n3A_58, %or3A_59 : i32
    %ge3A_61 = vector.broadcast %or3A_60 : i32 to vector<1x4096xi32>
    %ge3A_62 = arith.cmpi sge, %iota3A, %ge3A_61 : vector<1x4096xi32>
    %jit3A_63 = arith.constant 0 : i32
    %broadcast_in_dim3A_64 = vector.broadcast %jit3A_63 : i32 to vector<1x4096xi32>
    %select_n3A_65 = arith.select %ge3A_62, %broadcast_in_dim3A, %broadcast_in_dim3A_64 : vector<1x4096xi1>, vector<1x4096xi32>
    %reduce_sum3A_66 = vector.shape_cast %select_n3A_65 : vector<1x4096xi32> to vector<1x1x4096xi32>
    %reduce_sum3A_67 = arith.constant dense<0> : vector<1xi32>
    %reduce_sum3A_68 = vector.multi_reduction <add>, %reduce_sum3A_66, %reduce_sum3A_67 [1, 2] : vector<1x1x4096xi32> to vector<1xi32>
    %reduce_sum3A_69 = vector.shape_cast %reduce_sum3A_68 : vector<1xi32> to vector<1x1x1xi32>
    %reduce_sum3A_70 = vector.extract %reduce_sum3A_69[0, 0, 0] : i32 from vector<1x1x1xi32>
    %ge3A_71 = arith.cmpi sge, %reduce_sum3A_70, %get3A_0 : i32
    %select_n3A_72 = arith.select %ge3A_71, %or3A_60, %select_n3A_58 : i32
    %or3A_73 = arith.constant 64 : i32
    %or3A_74 = arith.ori %select_n3A_72, %or3A_73 : i32
    %ge3A_75 = vector.broadcast %or3A_74 : i32 to vector<1x4096xi32>
    %ge3A_76 = arith.cmpi sge, %iota3A, %ge3A_75 : vector<1x4096xi32>
    %jit3A_77 = arith.constant 0 : i32
    %broadcast_in_dim3A_78 = vector.broadcast %jit3A_77 : i32 to vector<1x4096xi32>
    %select_n3A_79 = arith.select %ge3A_76, %broadcast_in_dim3A, %broadcast_in_dim3A_78 : vector<1x4096xi1>, vector<1x4096xi32>
    %reduce_sum3A_80 = vector.shape_cast %select_n3A_79 : vector<1x4096xi32> to vector<1x1x4096xi32>
    %reduce_sum3A_81 = arith.constant dense<0> : vector<1xi32>
    %reduce_sum3A_82 = vector.multi_reduction <add>, %reduce_sum3A_80, %reduce_sum3A_81 [1, 2] : vector<1x1x4096xi32> to vector<1xi32>
    %reduce_sum3A_83 = vector.shape_cast %reduce_sum3A_82 : vector<1xi32> to vector<1x1x1xi32>
    %reduce_sum3A_84 = vector.extract %reduce_sum3A_83[0, 0, 0] : i32 from vector<1x1x1xi32>
    %ge3A_85 = arith.cmpi sge, %reduce_sum3A_84, %get3A_0 : i32
    %select_n3A_86 = arith.select %ge3A_85, %or3A_74, %select_n3A_72 : i32
    %or3A_87 = arith.constant 32 : i32
    %or3A_88 = arith.ori %select_n3A_86, %or3A_87 : i32
    %ge3A_89 = vector.broadcast %or3A_88 : i32 to vector<1x4096xi32>
    %ge3A_90 = arith.cmpi sge, %iota3A, %ge3A_89 : vector<1x4096xi32>
    %jit3A_91 = arith.constant 0 : i32
    %broadcast_in_dim3A_92 = vector.broadcast %jit3A_91 : i32 to vector<1x4096xi32>
    %select_n3A_93 = arith.select %ge3A_90, %broadcast_in_dim3A, %broadcast_in_dim3A_92 : vector<1x4096xi1>, vector<1x4096xi32>
    %reduce_sum3A_94 = vector.shape_cast %select_n3A_93 : vector<1x4096xi32> to vector<1x1x4096xi32>
    %reduce_sum3A_95 = arith.constant dense<0> : vector<1xi32>
    %reduce_sum3A_96 = vector.multi_reduction <add>, %reduce_sum3A_94, %reduce_sum3A_95 [1, 2] : vector<1x1x4096xi32> to vector<1xi32>
    %reduce_sum3A_97 = vector.shape_cast %reduce_sum3A_96 : vector<1xi32> to vector<1x1x1xi32>
    %reduce_sum3A_98 = vector.extract %reduce_sum3A_97[0, 0, 0] : i32 from vector<1x1x1xi32>
    %ge3A_99 = arith.cmpi sge, %reduce_sum3A_98, %get3A_0 : i32
    %select_n3A_100 = arith.select %ge3A_99, %or3A_88, %select_n3A_86 : i32
    %or3A_101 = arith.constant 16 : i32
    %or3A_102 = arith.ori %select_n3A_100, %or3A_101 : i32
    %ge3A_103 = vector.broadcast %or3A_102 : i32 to vector<1x4096xi32>
    %ge3A_104 = arith.cmpi sge, %iota3A, %ge3A_103 : vector<1x4096xi32>
    %jit3A_105 = arith.constant 0 : i32
    %broadcast_in_dim3A_106 = vector.broadcast %jit3A_105 : i32 to vector<1x4096xi32>
    %select_n3A_107 = arith.select %ge3A_104, %broadcast_in_dim3A, %broadcast_in_dim3A_106 : vector<1x4096xi1>, vector<1x4096xi32>
    %reduce_sum3A_108 = vector.shape_cast %select_n3A_107 : vector<1x4096xi32> to vector<1x1x4096xi32>
    %reduce_sum3A_109 = arith.constant dense<0> : vector<1xi32>
    %reduce_sum3A_110 = vector.multi_reduction <add>, %reduce_sum3A_108, %reduce_sum3A_109 [1, 2] : vector<1x1x4096xi32> to vector<1xi32>
    %reduce_sum3A_111 = vector.shape_cast %reduce_sum3A_110 : vector<1xi32> to vector<1x1x1xi32>
    %reduce_sum3A_112 = vector.extract %reduce_sum3A_111[0, 0, 0] : i32 from vector<1x1x1xi32>
    %ge3A_113 = arith.cmpi sge, %reduce_sum3A_112, %get3A_0 : i32
    %select_n3A_114 = arith.select %ge3A_113, %or3A_102, %select_n3A_100 : i32
    %or3A_115 = arith.constant 8 : i32
    %or3A_116 = arith.ori %select_n3A_114, %or3A_115 : i32
    %ge3A_117 = vector.broadcast %or3A_116 : i32 to vector<1x4096xi32>
    %ge3A_118 = arith.cmpi sge, %iota3A, %ge3A_117 : vector<1x4096xi32>
    %jit3A_119 = arith.constant 0 : i32
    %broadcast_in_dim3A_120 = vector.broadcast %jit3A_119 : i32 to vector<1x4096xi32>
    %select_n3A_121 = arith.select %ge3A_118, %broadcast_in_dim3A, %broadcast_in_dim3A_120 : vector<1x4096xi1>, vector<1x4096xi32>
    %reduce_sum3A_122 = vector.shape_cast %select_n3A_121 : vector<1x4096xi32> to vector<1x1x4096xi32>
    %reduce_sum3A_123 = arith.constant dense<0> : vector<1xi32>
    %reduce_sum3A_124 = vector.multi_reduction <add>, %reduce_sum3A_122, %reduce_sum3A_123 [1, 2] : vector<1x1x4096xi32> to vector<1xi32>
    %reduce_sum3A_125 = vector.shape_cast %reduce_sum3A_124 : vector<1xi32> to vector<1x1x1xi32>
    %reduce_sum3A_126 = vector.extract %reduce_sum3A_125[0, 0, 0] : i32 from vector<1x1x1xi32>
    %ge3A_127 = arith.cmpi sge, %reduce_sum3A_126, %get3A_0 : i32
    %select_n3A_128 = arith.select %ge3A_127, %or3A_116, %select_n3A_114 : i32
    %or3A_129 = arith.constant 4 : i32
    %or3A_130 = arith.ori %select_n3A_128, %or3A_129 : i32
    %ge3A_131 = vector.broadcast %or3A_130 : i32 to vector<1x4096xi32>
    %ge3A_132 = arith.cmpi sge, %iota3A, %ge3A_131 : vector<1x4096xi32>
    %jit3A_133 = arith.constant 0 : i32
    %broadcast_in_dim3A_134 = vector.broadcast %jit3A_133 : i32 to vector<1x4096xi32>
    %select_n3A_135 = arith.select %ge3A_132, %broadcast_in_dim3A, %broadcast_in_dim3A_134 : vector<1x4096xi1>, vector<1x4096xi32>
    %reduce_sum3A_136 = vector.shape_cast %select_n3A_135 : vector<1x4096xi32> to vector<1x1x4096xi32>
    %reduce_sum3A_137 = arith.constant dense<0> : vector<1xi32>
    %reduce_sum3A_138 = vector.multi_reduction <add>, %reduce_sum3A_136, %reduce_sum3A_137 [1, 2] : vector<1x1x4096xi32> to vector<1xi32>
    %reduce_sum3A_139 = vector.shape_cast %reduce_sum3A_138 : vector<1xi32> to vector<1x1x1xi32>
    %reduce_sum3A_140 = vector.extract %reduce_sum3A_139[0, 0, 0] : i32 from vector<1x1x1xi32>
    %ge3A_141 = arith.cmpi sge, %reduce_sum3A_140, %get3A_0 : i32
    %select_n3A_142 = arith.select %ge3A_141, %or3A_130, %select_n3A_128 : i32
    %or3A_143 = arith.constant 2 : i32
    %or3A_144 = arith.ori %select_n3A_142, %or3A_143 : i32
    %ge3A_145 = vector.broadcast %or3A_144 : i32 to vector<1x4096xi32>
    %ge3A_146 = arith.cmpi sge, %iota3A, %ge3A_145 : vector<1x4096xi32>
    %jit3A_147 = arith.constant 0 : i32
    %broadcast_in_dim3A_148 = vector.broadcast %jit3A_147 : i32 to vector<1x4096xi32>
    %select_n3A_149 = arith.select %ge3A_146, %broadcast_in_dim3A, %broadcast_in_dim3A_148 : vector<1x4096xi1>, vector<1x4096xi32>
    %reduce_sum3A_150 = vector.shape_cast %select_n3A_149 : vector<1x4096xi32> to vector<1x1x4096xi32>
    %reduce_sum3A_151 = arith.constant dense<0> : vector<1xi32>
    %reduce_sum3A_152 = vector.multi_reduction <add>, %reduce_sum3A_150, %reduce_sum3A_151 [1, 2] : vector<1x1x4096xi32> to vector<1xi32>
    %reduce_sum3A_153 = vector.shape_cast %reduce_sum3A_152 : vector<1xi32> to vector<1x1x1xi32>
    %reduce_sum3A_154 = vector.extract %reduce_sum3A_153[0, 0, 0] : i32 from vector<1x1x1xi32>
    %ge3A_155 = arith.cmpi sge, %reduce_sum3A_154, %get3A_0 : i32
    %select_n3A_156 = arith.select %ge3A_155, %or3A_144, %select_n3A_142 : i32
    %or3A_157 = arith.constant 1 : i32
    %or3A_158 = arith.ori %select_n3A_156, %or3A_157 : i32
    %ge3A_159 = vector.broadcast %or3A_158 : i32 to vector<1x4096xi32>
    %ge3A_160 = arith.cmpi sge, %iota3A, %ge3A_159 : vector<1x4096xi32>
    %jit3A_161 = arith.constant 0 : i32
    %broadcast_in_dim3A_162 = vector.broadcast %jit3A_161 : i32 to vector<1x4096xi32>
    %select_n3A_163 = arith.select %ge3A_160, %broadcast_in_dim3A, %broadcast_in_dim3A_162 : vector<1x4096xi1>, vector<1x4096xi32>
    %reduce_sum3A_164 = vector.shape_cast %select_n3A_163 : vector<1x4096xi32> to vector<1x1x4096xi32>
    %reduce_sum3A_165 = arith.constant dense<0> : vector<1xi32>
    %reduce_sum3A_166 = vector.multi_reduction <add>, %reduce_sum3A_164, %reduce_sum3A_165 [1, 2] : vector<1x1x4096xi32> to vector<1xi32>
    %reduce_sum3A_167 = vector.shape_cast %reduce_sum3A_166 : vector<1xi32> to vector<1x1x1xi32>
    %reduce_sum3A_168 = vector.extract %reduce_sum3A_167[0, 0, 0] : i32 from vector<1x1x1xi32>
    %ge3A_169 = arith.cmpi sge, %reduce_sum3A_168, %get3A_0 : i32
    %select_n3A_170 = arith.select %ge3A_169, %or3A_158, %select_n3A_156 : i32
    %gt3A = vector.broadcast %select_n3A_170 : i32 to vector<1x4096xi32>
    %gt3A_171 = arith.cmpi sgt, %iota3A, %gt3A : vector<1x4096xi32>
    %jit3A_172 = arith.constant 0 : i32
    %broadcast_in_dim3A_173 = vector.broadcast %jit3A_172 : i32 to vector<1x4096xi32>
    %select_n3A_174 = arith.select %gt3A_171, %broadcast_in_dim3A, %broadcast_in_dim3A_173 : vector<1x4096xi1>, vector<1x4096xi32>
    %reduce_sum3A_175 = vector.shape_cast %select_n3A_174 : vector<1x4096xi32> to vector<1x1x4096xi32>
    %reduce_sum3A_176 = arith.constant dense<0> : vector<1xi32>
    %reduce_sum3A_177 = vector.multi_reduction <add>, %reduce_sum3A_175, %reduce_sum3A_176 [1, 2] : vector<1x1x4096xi32> to vector<1xi32>
    %reduce_sum3A_178 = vector.shape_cast %reduce_sum3A_177 : vector<1xi32> to vector<1x1x1xi32>
    %reduce_sum3A_179 = vector.extract %reduce_sum3A_178[0, 0, 0] : i32 from vector<1x1x1xi32>
    %sub3A = arith.subi %get3A_0, %reduce_sum3A_179 : i32
    %get3A_180 = arith.constant 0 : index
    %get3A_181 = memref.load %arg1[%get3A_180] : memref<128xi32, #tpu.memory_space<smem>>
    %swap3A = arith.constant 0 : index
    %swap3A_182 = memref.load %arg2[%swap3A] : memref<128xi32, #tpu.memory_space<smem>>
    memref.store %get3A_181, %arg2[%swap3A] : memref<128xi32, #tpu.memory_space<smem>>
    %get3A_183 = arith.constant 1 : index
    %get3A_184 = memref.load %arg1[%get3A_183] : memref<128xi32, #tpu.memory_space<smem>>
    %swap3A_185 = arith.constant 1 : index
    %swap3A_186 = memref.load %arg2[%swap3A_185] : memref<128xi32, #tpu.memory_space<smem>>
    memref.store %get3A_184, %arg2[%swap3A_185] : memref<128xi32, #tpu.memory_space<smem>>
    %get3A_187 = arith.constant 2 : index
    %get3A_188 = memref.load %arg1[%get3A_187] : memref<128xi32, #tpu.memory_space<smem>>
    %swap3A_189 = arith.constant 2 : index
    %swap3A_190 = memref.load %arg2[%swap3A_189] : memref<128xi32, #tpu.memory_space<smem>>
    memref.store %get3A_188, %arg2[%swap3A_189] : memref<128xi32, #tpu.memory_space<smem>>
    %get3A_191 = arith.constant 3 : index
    %get3A_192 = memref.load %arg1[%get3A_191] : memref<128xi32, #tpu.memory_space<smem>>
    %swap3A_193 = arith.constant 3 : index
    %swap3A_194 = memref.load %arg2[%swap3A_193] : memref<128xi32, #tpu.memory_space<smem>>
    memref.store %get3A_192, %arg2[%swap3A_193] : memref<128xi32, #tpu.memory_space<smem>>
    %get3A_195 = arith.constant 4 : index
    %get3A_196 = memref.load %arg1[%get3A_195] : memref<128xi32, #tpu.memory_space<smem>>
    %swap3A_197 = arith.constant 4 : index
    %swap3A_198 = memref.load %arg2[%swap3A_197] : memref<128xi32, #tpu.memory_space<smem>>
    memref.store %get3A_196, %arg2[%swap3A_197] : memref<128xi32, #tpu.memory_space<smem>>
    %get3A_199 = arith.constant 5 : index
    %get3A_200 = memref.load %arg1[%get3A_199] : memref<128xi32, #tpu.memory_space<smem>>
    %swap3A_201 = arith.constant 5 : index
    %swap3A_202 = memref.load %arg2[%swap3A_201] : memref<128xi32, #tpu.memory_space<smem>>
    memref.store %get3A_200, %arg2[%swap3A_201] : memref<128xi32, #tpu.memory_space<smem>>
    %get3A_203 = arith.constant 6 : index
    %get3A_204 = memref.load %arg1[%get3A_203] : memref<128xi32, #tpu.memory_space<smem>>
    %swap3A_205 = arith.constant 6 : index
    %swap3A_206 = memref.load %arg2[%swap3A_205] : memref<128xi32, #tpu.memory_space<smem>>
    memref.store %get3A_204, %arg2[%swap3A_205] : memref<128xi32, #tpu.memory_space<smem>>
    %get3A_207 = arith.constant 7 : index
    %get3A_208 = memref.load %arg1[%get3A_207] : memref<128xi32, #tpu.memory_space<smem>>
    %swap3A_209 = arith.constant 7 : index
    %swap3A_210 = memref.load %arg2[%swap3A_209] : memref<128xi32, #tpu.memory_space<smem>>
    memref.store %get3A_208, %arg2[%swap3A_209] : memref<128xi32, #tpu.memory_space<smem>>
    %swap3A_211 = arith.constant 3 : index
    %swap3A_212 = memref.load %arg2[%swap3A_211] : memref<128xi32, #tpu.memory_space<smem>>
    memref.store %select_n3A_170, %arg2[%swap3A_211] : memref<128xi32, #tpu.memory_space<smem>>
    %swap3A_213 = arith.constant 5 : index
    %swap3A_214 = memref.load %arg2[%swap3A_213] : memref<128xi32, #tpu.memory_space<smem>>
    memref.store %sub3A, %arg2[%swap3A_213] : memref<128xi32, #tpu.memory_space<smem>>
    return
  }
}

module attributes {stable_mosaic.version = 14 : i64} {
  func.func @_merge_body(%arg0: memref<32x16xi32, #tpu.memory_space<vmem>>, %arg1: memref<128xi32, #tpu.memory_space<smem>>, %arg2: memref<128xi32, #tpu.memory_space<smem>>) attributes {dimension_semantics = [], scalar_prefetch = 0 : i64, scratch_operands = 0 : i64, tpu.core_type = #tpu.core_type<tc>} {
    %get3A = arith.constant 5 : index
    %get3A_0 = memref.load %arg1[%get3A] : memref<128xi32, #tpu.memory_space<smem>>
    %get3A_1 = arith.constant 0 : index
    %get3A_2 = arith.constant 0 : index
    %get3A_3 = vector.load %arg0[%get3A_1, %get3A_2] : memref<32x16xi32, #tpu.memory_space<vmem>>, vector<32x16xi32>
    %reduce_sum3A = arith.constant dense<0> : vector<16xi32>
    %reduce_sum3A_4 = vector.multi_reduction <add>, %get3A_3, %reduce_sum3A [0] : vector<32x16xi32> to vector<16xi32>
    %broadcast_in_dim3A = vector.shape_cast %reduce_sum3A_4 : vector<16xi32> to vector<1x16xi32>
    %iota3A = tpu.iota {dimensions = array<i32: 1>} : vector<1x16xi32>
    %or3A = arith.constant 0 : i32
    %or3A_5 = arith.constant 8 : i32
    %or3A_6 = arith.ori %or3A, %or3A_5 : i32
    %ge3A = vector.broadcast %or3A_6 : i32 to vector<1x16xi32>
    %ge3A_7 = arith.cmpi sge, %iota3A, %ge3A : vector<1x16xi32>
    %jit3A = arith.constant 0 : i32
    %broadcast_in_dim3A_8 = vector.broadcast %jit3A : i32 to vector<1x16xi32>
    %select_n3A = arith.select %ge3A_7, %broadcast_in_dim3A, %broadcast_in_dim3A_8 : vector<1x16xi1>, vector<1x16xi32>
    %reduce_sum3A_9 = vector.shape_cast %select_n3A : vector<1x16xi32> to vector<1x1x16xi32>
    %reduce_sum3A_10 = arith.constant dense<0> : vector<1xi32>
    %reduce_sum3A_11 = vector.multi_reduction <add>, %reduce_sum3A_9, %reduce_sum3A_10 [1, 2] : vector<1x1x16xi32> to vector<1xi32>
    %reduce_sum3A_12 = vector.shape_cast %reduce_sum3A_11 : vector<1xi32> to vector<1x1x1xi32>
    %reduce_sum3A_13 = vector.extract %reduce_sum3A_12[0, 0, 0] : i32 from vector<1x1x1xi32>
    %ge3A_14 = arith.cmpi sge, %reduce_sum3A_13, %get3A_0 : i32
    %jit3A_15 = arith.constant 0 : i32
    %select_n3A_16 = arith.select %ge3A_14, %or3A_6, %jit3A_15 : i32
    %or3A_17 = arith.constant 4 : i32
    %or3A_18 = arith.ori %select_n3A_16, %or3A_17 : i32
    %ge3A_19 = vector.broadcast %or3A_18 : i32 to vector<1x16xi32>
    %ge3A_20 = arith.cmpi sge, %iota3A, %ge3A_19 : vector<1x16xi32>
    %jit3A_21 = arith.constant 0 : i32
    %broadcast_in_dim3A_22 = vector.broadcast %jit3A_21 : i32 to vector<1x16xi32>
    %select_n3A_23 = arith.select %ge3A_20, %broadcast_in_dim3A, %broadcast_in_dim3A_22 : vector<1x16xi1>, vector<1x16xi32>
    %reduce_sum3A_24 = vector.shape_cast %select_n3A_23 : vector<1x16xi32> to vector<1x1x16xi32>
    %reduce_sum3A_25 = arith.constant dense<0> : vector<1xi32>
    %reduce_sum3A_26 = vector.multi_reduction <add>, %reduce_sum3A_24, %reduce_sum3A_25 [1, 2] : vector<1x1x16xi32> to vector<1xi32>
    %reduce_sum3A_27 = vector.shape_cast %reduce_sum3A_26 : vector<1xi32> to vector<1x1x1xi32>
    %reduce_sum3A_28 = vector.extract %reduce_sum3A_27[0, 0, 0] : i32 from vector<1x1x1xi32>
    %ge3A_29 = arith.cmpi sge, %reduce_sum3A_28, %get3A_0 : i32
    %select_n3A_30 = arith.select %ge3A_29, %or3A_18, %select_n3A_16 : i32
    %or3A_31 = arith.constant 2 : i32
    %or3A_32 = arith.ori %select_n3A_30, %or3A_31 : i32
    %ge3A_33 = vector.broadcast %or3A_32 : i32 to vector<1x16xi32>
    %ge3A_34 = arith.cmpi sge, %iota3A, %ge3A_33 : vector<1x16xi32>
    %jit3A_35 = arith.constant 0 : i32
    %broadcast_in_dim3A_36 = vector.broadcast %jit3A_35 : i32 to vector<1x16xi32>
    %select_n3A_37 = arith.select %ge3A_34, %broadcast_in_dim3A, %broadcast_in_dim3A_36 : vector<1x16xi1>, vector<1x16xi32>
    %reduce_sum3A_38 = vector.shape_cast %select_n3A_37 : vector<1x16xi32> to vector<1x1x16xi32>
    %reduce_sum3A_39 = arith.constant dense<0> : vector<1xi32>
    %reduce_sum3A_40 = vector.multi_reduction <add>, %reduce_sum3A_38, %reduce_sum3A_39 [1, 2] : vector<1x1x16xi32> to vector<1xi32>
    %reduce_sum3A_41 = vector.shape_cast %reduce_sum3A_40 : vector<1xi32> to vector<1x1x1xi32>
    %reduce_sum3A_42 = vector.extract %reduce_sum3A_41[0, 0, 0] : i32 from vector<1x1x1xi32>
    %ge3A_43 = arith.cmpi sge, %reduce_sum3A_42, %get3A_0 : i32
    %select_n3A_44 = arith.select %ge3A_43, %or3A_32, %select_n3A_30 : i32
    %or3A_45 = arith.constant 1 : i32
    %or3A_46 = arith.ori %select_n3A_44, %or3A_45 : i32
    %ge3A_47 = vector.broadcast %or3A_46 : i32 to vector<1x16xi32>
    %ge3A_48 = arith.cmpi sge, %iota3A, %ge3A_47 : vector<1x16xi32>
    %jit3A_49 = arith.constant 0 : i32
    %broadcast_in_dim3A_50 = vector.broadcast %jit3A_49 : i32 to vector<1x16xi32>
    %select_n3A_51 = arith.select %ge3A_48, %broadcast_in_dim3A, %broadcast_in_dim3A_50 : vector<1x16xi1>, vector<1x16xi32>
    %reduce_sum3A_52 = vector.shape_cast %select_n3A_51 : vector<1x16xi32> to vector<1x1x16xi32>
    %reduce_sum3A_53 = arith.constant dense<0> : vector<1xi32>
    %reduce_sum3A_54 = vector.multi_reduction <add>, %reduce_sum3A_52, %reduce_sum3A_53 [1, 2] : vector<1x1x16xi32> to vector<1xi32>
    %reduce_sum3A_55 = vector.shape_cast %reduce_sum3A_54 : vector<1xi32> to vector<1x1x1xi32>
    %reduce_sum3A_56 = vector.extract %reduce_sum3A_55[0, 0, 0] : i32 from vector<1x1x1xi32>
    %ge3A_57 = arith.cmpi sge, %reduce_sum3A_56, %get3A_0 : i32
    %select_n3A_58 = arith.select %ge3A_57, %or3A_46, %select_n3A_44 : i32
    %gt3A = vector.broadcast %select_n3A_58 : i32 to vector<1x16xi32>
    %gt3A_59 = arith.cmpi sgt, %iota3A, %gt3A : vector<1x16xi32>
    %jit3A_60 = arith.constant 0 : i32
    %broadcast_in_dim3A_61 = vector.broadcast %jit3A_60 : i32 to vector<1x16xi32>
    %select_n3A_62 = arith.select %gt3A_59, %broadcast_in_dim3A, %broadcast_in_dim3A_61 : vector<1x16xi1>, vector<1x16xi32>
    %reduce_sum3A_63 = vector.shape_cast %select_n3A_62 : vector<1x16xi32> to vector<1x1x16xi32>
    %reduce_sum3A_64 = arith.constant dense<0> : vector<1xi32>
    %reduce_sum3A_65 = vector.multi_reduction <add>, %reduce_sum3A_63, %reduce_sum3A_64 [1, 2] : vector<1x1x16xi32> to vector<1xi32>
    %reduce_sum3A_66 = vector.shape_cast %reduce_sum3A_65 : vector<1xi32> to vector<1x1x1xi32>
    %reduce_sum3A_67 = vector.extract %reduce_sum3A_66[0, 0, 0] : i32 from vector<1x1x1xi32>
    %sub3A = arith.subi %get3A_0, %reduce_sum3A_67 : i32
    %get3A_68 = arith.constant 0 : index
    %get3A_69 = memref.load %arg1[%get3A_68] : memref<128xi32, #tpu.memory_space<smem>>
    %swap3A = arith.constant 0 : index
    %swap3A_70 = memref.load %arg2[%swap3A] : memref<128xi32, #tpu.memory_space<smem>>
    memref.store %get3A_69, %arg2[%swap3A] : memref<128xi32, #tpu.memory_space<smem>>
    %get3A_71 = arith.constant 1 : index
    %get3A_72 = memref.load %arg1[%get3A_71] : memref<128xi32, #tpu.memory_space<smem>>
    %swap3A_73 = arith.constant 1 : index
    %swap3A_74 = memref.load %arg2[%swap3A_73] : memref<128xi32, #tpu.memory_space<smem>>
    memref.store %get3A_72, %arg2[%swap3A_73] : memref<128xi32, #tpu.memory_space<smem>>
    %get3A_75 = arith.constant 2 : index
    %get3A_76 = memref.load %arg1[%get3A_75] : memref<128xi32, #tpu.memory_space<smem>>
    %swap3A_77 = arith.constant 2 : index
    %swap3A_78 = memref.load %arg2[%swap3A_77] : memref<128xi32, #tpu.memory_space<smem>>
    memref.store %get3A_76, %arg2[%swap3A_77] : memref<128xi32, #tpu.memory_space<smem>>
    %get3A_79 = arith.constant 3 : index
    %get3A_80 = memref.load %arg1[%get3A_79] : memref<128xi32, #tpu.memory_space<smem>>
    %swap3A_81 = arith.constant 3 : index
    %swap3A_82 = memref.load %arg2[%swap3A_81] : memref<128xi32, #tpu.memory_space<smem>>
    memref.store %get3A_80, %arg2[%swap3A_81] : memref<128xi32, #tpu.memory_space<smem>>
    %get3A_83 = arith.constant 4 : index
    %get3A_84 = memref.load %arg1[%get3A_83] : memref<128xi32, #tpu.memory_space<smem>>
    %swap3A_85 = arith.constant 4 : index
    %swap3A_86 = memref.load %arg2[%swap3A_85] : memref<128xi32, #tpu.memory_space<smem>>
    memref.store %get3A_84, %arg2[%swap3A_85] : memref<128xi32, #tpu.memory_space<smem>>
    %get3A_87 = arith.constant 5 : index
    %get3A_88 = memref.load %arg1[%get3A_87] : memref<128xi32, #tpu.memory_space<smem>>
    %swap3A_89 = arith.constant 5 : index
    %swap3A_90 = memref.load %arg2[%swap3A_89] : memref<128xi32, #tpu.memory_space<smem>>
    memref.store %get3A_88, %arg2[%swap3A_89] : memref<128xi32, #tpu.memory_space<smem>>
    %get3A_91 = arith.constant 6 : index
    %get3A_92 = memref.load %arg1[%get3A_91] : memref<128xi32, #tpu.memory_space<smem>>
    %swap3A_93 = arith.constant 6 : index
    %swap3A_94 = memref.load %arg2[%swap3A_93] : memref<128xi32, #tpu.memory_space<smem>>
    memref.store %get3A_92, %arg2[%swap3A_93] : memref<128xi32, #tpu.memory_space<smem>>
    %get3A_95 = arith.constant 7 : index
    %get3A_96 = memref.load %arg1[%get3A_95] : memref<128xi32, #tpu.memory_space<smem>>
    %swap3A_97 = arith.constant 7 : index
    %swap3A_98 = memref.load %arg2[%swap3A_97] : memref<128xi32, #tpu.memory_space<smem>>
    memref.store %get3A_96, %arg2[%swap3A_97] : memref<128xi32, #tpu.memory_space<smem>>
    %swap3A_99 = arith.constant 4 : index
    %swap3A_100 = memref.load %arg2[%swap3A_99] : memref<128xi32, #tpu.memory_space<smem>>
    memref.store %select_n3A_58, %arg2[%swap3A_99] : memref<128xi32, #tpu.memory_space<smem>>
    %swap3A_101 = arith.constant 5 : index
    %swap3A_102 = memref.load %arg2[%swap3A_101] : memref<128xi32, #tpu.memory_space<smem>>
    memref.store %sub3A, %arg2[%swap3A_101] : memref<128xi32, #tpu.memory_space<smem>>
    return
  }
}

module attributes {stable_mosaic.version = 14 : i64} {
  func.func @_t3_body(%arg0: i32, %arg1: memref<128x2048xi32, #tpu.memory_space<vmem>>, %arg2: memref<128xi32, #tpu.memory_space<smem>>, %arg3: memref<128x2048xf32, #tpu.memory_space<vmem>>) attributes {dimension_semantics = [#tpu.dimension_semantics<arbitrary>], iteration_bounds = array<i64: 16>, scalar_prefetch = 0 : i64, scratch_operands = 0 : i64, tpu.core_type = #tpu.core_type<tc>, window_params = [{transform_indices = @transform_0, window_bounds = array<i64: 128, 2048>}, {transform_indices = @transform_1, window_bounds = array<i64: 128>}, {transform_indices = @transform_2, window_bounds = array<i64: 128, 2048>}]} {
    %get3A = arith.constant 0 : index
    %get3A_0 = memref.load %arg2[%get3A] : memref<128xi32, #tpu.memory_space<smem>>
    %get3A_1 = arith.constant 1 : index
    %get3A_2 = memref.load %arg2[%get3A_1] : memref<128xi32, #tpu.memory_space<smem>>
    %get3A_3 = arith.constant 2 : index
    %get3A_4 = memref.load %arg2[%get3A_3] : memref<128xi32, #tpu.memory_space<smem>>
    %get3A_5 = arith.constant 3 : index
    %get3A_6 = memref.load %arg2[%get3A_5] : memref<128xi32, #tpu.memory_space<smem>>
    %get3A_7 = arith.constant 4 : index
    %get3A_8 = memref.load %arg2[%get3A_7] : memref<128xi32, #tpu.memory_space<smem>>
    %shift_left3A = arith.constant 12 : i32
    %shift_left3A_9 = arith.shli %get3A_0, %shift_left3A : i32
    %or3A = arith.ori %shift_left3A_9, %get3A_2 : i32
    %shift_left3A_10 = arith.constant 6 : i32
    %shift_left3A_11 = arith.shli %or3A, %shift_left3A_10 : i32
    %shift_right_arithmetic3A = arith.constant 6 : i32
    %shift_right_arithmetic3A_12 = arith.shrsi %get3A_4, %shift_right_arithmetic3A : i32
    %or3A_13 = arith.ori %shift_left3A_11, %shift_right_arithmetic3A_12 : i32
    %and3A = arith.constant 63 : i32
    %and3A_14 = arith.andi %get3A_4, %and3A : i32
    %shift_left3A_15 = arith.constant 16 : i32
    %shift_left3A_16 = arith.shli %and3A_14, %shift_left3A_15 : i32
    %shift_left3A_17 = arith.constant 4 : i32
    %shift_left3A_18 = arith.shli %get3A_6, %shift_left3A_17 : i32
    %or3A_19 = arith.ori %shift_left3A_16, %shift_left3A_18 : i32
    %or3A_20 = arith.ori %or3A_19, %get3A_8 : i32
    %iota3A = tpu.iota {dimensions = array<i32: 0>} : vector<128x2048xi32>
    %mul3A = arith.constant 128 : i32
    %mul3A_21 = arith.muli %arg0, %mul3A : i32
    %add3A = vector.broadcast %mul3A_21 : i32 to vector<128x2048xi32>
    %add3A_22 = arith.addi %iota3A, %add3A : vector<128x2048xi32>
    %iota3A_23 = tpu.iota {dimensions = array<i32: 1>} : vector<128x2048xi32>
    %mul3A_24 = arith.constant 2048 : i32
    %mul3A_25 = vector.broadcast %mul3A_24 : i32 to vector<128x2048xi32>
    %mul3A_26 = arith.muli %add3A_22, %mul3A_25 : vector<128x2048xi32>
    %add3A_27 = arith.addi %mul3A_26, %iota3A_23 : vector<128x2048xi32>
    %sub3A = arith.constant 4194303 : i32
    %sub3A_28 = vector.broadcast %sub3A : i32 to vector<128x2048xi32>
    %sub3A_29 = arith.subi %sub3A_28, %add3A_27 : vector<128x2048xi32>
    %get3A_30 = arith.constant 0 : index
    %get3A_31 = arith.constant 0 : index
    %get3A_32 = vector.load %arg1[%get3A_30, %get3A_31] : memref<128x2048xi32, #tpu.memory_space<vmem>>, vector<128x2048xi32>
    %gt3A = vector.broadcast %or3A_13 : i32 to vector<128x2048xi32>
    %gt3A_33 = arith.cmpi sgt, %get3A_32, %gt3A : vector<128x2048xi32>
    %eq3A = vector.broadcast %or3A_13 : i32 to vector<128x2048xi32>
    %eq3A_34 = arith.cmpi eq, %get3A_32, %eq3A : vector<128x2048xi32>
    %ge3A = vector.broadcast %or3A_20 : i32 to vector<128x2048xi32>
    %ge3A_35 = arith.cmpi sge, %sub3A_29, %ge3A : vector<128x2048xi32>
    %and3A_36 = arith.andi %eq3A_34, %ge3A_35 : vector<128x2048xi1>
    %or3A_37 = arith.ori %gt3A_33, %and3A_36 : vector<128x2048xi1>
    %convert_element_type3A = arith.extui %or3A_37 : vector<128x2048xi1> to vector<128x2048xi32>
    %convert_element_type3A_38 = arith.sitofp %convert_element_type3A : vector<128x2048xi32> to vector<128x2048xf32>
    %swap3A = arith.constant 0 : index
    %swap3A_39 = arith.constant 0 : index
    %swap3A_40 = vector.load %arg3[%swap3A, %swap3A_39] : memref<128x2048xf32, #tpu.memory_space<vmem>>, vector<128x2048xf32>
    tpu.vector_store %arg3[%swap3A, %swap3A_39], %convert_element_type3A_38 {strides = array<i32>} : memref<128x2048xf32, #tpu.memory_space<vmem>>, vector<128x2048xf32>,
    return
  }
  func.func @transform_0(%arg0: i32) -> (i32, i32) {
    %c0_i32 = arith.constant 0 : i32
    %c0_i32_0 = arith.constant 0 : i32
    return %arg0, %c0_i32 : i32, i32
  }
  func.func @transform_1(%arg0: i32) -> i32 {
    %c0_i32 = arith.constant 0 : i32
    %c0_i32_0 = arith.constant 0 : i32
    return %c0_i32 : i32
  }
  func.func @transform_2(%arg0: i32) -> (i32, i32) {
    %c0_i32 = arith.constant 0 : i32
    %c0_i32_0 = arith.constant 0 : i32
    return %arg0, %c0_i32 : i32, i32
  }
}

</mosaic_0001>

<sc_bundles>
// kernel: branch_1_fun.6.cloned.1.call-start
scs
__scs_entry_jumppad:
0x0: {  	(pc) =	sbr.rel $0x88, $3  }
0x1: {  	(tag) =	ssettag $0x0;
	lr =	simm.s32 $0x1  }
0x2: {  	[smem:$0x3F9F] =	sst lr;
	_ =	strace $0xD0000000  }
0x3: {  	_ = 	snop  }
0x4: {  	_ = 	snop  }
0x5: {  	_ = 	snop  }
0x6: {  	_ = 	snop  }
0x7: {  	_ = 	snop  }
__scs_overlays_trampoline_lowered:
0x8: {  	[smem:$0x3FAE] =	sst s0  }
0x9: {  	[smem:$0x3FAF] =	sst s1  }
0xa: {  	[smem:$0x3FB0] =	sst s2  }
0xb: {  	[smem:$0x3FB1] =	sst s3  }
0xc: {  	[smem:$0x3FB2] =	sst s4  }
0xd: {  	[smem:$0x3FB3] =	sst s5  }
0xe: {  	[smem:$0x3FB4] =	sst s6  }
0xf: {  	[smem:$0x3FB5] =	sst s7  }
0x10: {  	[smem:$0x3FB6] =	sst s8  }
0x11: {  	[smem:$0x3FB7] =	sst s9;
	s0 =	simm.s32 @!p0 $0x0  }
0x12: {  	s1 =	sld [smem:$0x3F9D];
	s0 =	simm.s32 @p0 $0x1  }
0x13: {  	[smem:$0x3FB8] =	sst s0;
	s0 =	simm.s32 @!p1 $0x0  }
0x14: {  	s2 =	sld [smem:$0x3F9C];
	s0 =	simm.s32 @p1 $0x1  }
0x15: {  	[smem:$0x3FB9] =	sst s0;
	s0 =	simm.s32 @!p2 $0x0  }
0x16: {  	s3 =	sld [smem:$0x3FDB];
	s0 =	simm.s32 @p2 $0x1  }
0x17: {  	s4 =	simm.s32 $0x1BF5;
	[smem:$0x3FBB] =	sst s0  }
0x18: {  	s0 =	sld [smem:$0x3F9E];
	_ =	swait.ge [sflag:s4], $0x0  }
0x19: {  	s7 =	sld [smem:$0x3F9F]  }
0x1a: {  	s8 =	sadd.s32 $0xFFFFE003, lr  }
0x1b: {  	s9 =	sadd.s32 $0xFFFFFEF7, lr;
	s5 =	simm.s32 $0xFFFFFFFF;
	p2 =	slt.u32 s8, $0xFFFFF086  }
0x1c: {  	p1 =	slt.u32 s9, $0xF7A;
	s5 =	simm.s32 @!p2 $0x0  }
0x1d: {  	s5 =	simm.s32 @p1 $0x1;
	p0 =	seq.s32 s7, s2  }
0x1e: {  	s7 =	smul.u32 @!p0 $0xF7A, s2;
	p2 =	seq.s32 @!p0 s5, $0x0  }
0x1f: {  	s9 =	smul.u32 $0xF7A, s1;
	s8 =	simm.s32 @!p0 $0x1BF5;
	p2 =	por !p2, p0  }
0x20: {  	[sflag:s8] =	ssyncset.s32 @!p0 $0xFFFFF086;
	s6 =	sadd.s32 @!p0 s3, s7;
	s7 =	simm.s32 @!p0 $0x108  }
0x21: {  	s3 =	sadd.s32 s3, s9;
	s6 =	sadd.s32 @!p0 $0x88, s6;
	s7 =	simm.s32 @p2 $0x1082  }
0x22: {  	[simem:s7], [sflag:s8] =	dma.local @!p0 [hbm:s6], $0xF7A  }
0x23: {  	s9 =	sor.u32 $0xD0000000, s2;
	s6 =	simm.s32 $0x108;
	_ =	swait.ge @!p0 [sflag:s8], $0x0  }
0x24: {  	s3 =	sadd.s32 $0x88, s3;
	s6 =	simm.s32 @!p1 $0x1082;
	[sflag:s4] =	ssyncset.s32 $0xFFFFF086  }
0x25: {  	[simem:s6], [sflag:s4] =	dma.local [hbm:s3], $0xF7A  }
0x26: {  	[smem:$0x3F9F] =	sst s1;
	(tag) =	ssettag s2;
	_ =	strace s9  }
0x27: {  	s1 =	sld [smem:$0x3FAF]  }
0x28: {  	s2 =	sld [smem:$0x3FB0]  }
0x29: {  	s4 =	sld [smem:$0x3FB2]  }
0x2a: {  	p0 =	seq.s32 s5, $0x0;
	s5 =	sld [smem:$0x3FB3]  }
0x2b: {  	s6 =	sld [smem:$0x3FB4]  }
0x2c: {  	s7 =	sld [smem:$0x3FB5]  }
0x2d: {  	s3 =	simm.s32 $0x108;
	s8 =	sld [smem:$0x3FB6]  }
0x2e: {  	s3 =	simm.s32 @!p0 $0x1082;
	s9 =	sld [smem:$0x3FB7]  }
0x2f: {  	lr =	sadd.s32 s0, s3;
	s0 =	sld [smem:$0x3FAE]  }
0x30: {  	s3 =	sld [smem:$0x3FB1]  }
0x31: {  	[smem:$0x3FBA] =	sst s10  }
0x32: {  	s10 =	sld [smem:$0x3FB8];
	_ =	sdelay $0x3  }
0x33: {  	p0 =	seq.s32 s10, $0x1;
	s10 =	sld [smem:$0x3FBA];
	_ =	sdelay $0x3  }
0x34: {  	[smem:$0x3FBA] =	sst s10  }
0x35: {  	s10 =	sld [smem:$0x3FB9];
	_ =	sdelay $0x3  }
0x36: {  	p1 =	seq.s32 s10, $0x1;
	s10 =	sld [smem:$0x3FBA];
	_ =	sdelay $0x3  }
0x37: {  	[smem:$0x3FBA] =	sst s10  }
0x38: {  	s10 =	sld [smem:$0x3FBB]  }
0x39: {  	_ = 	snop;
	(pc) =	sbr.ind lr, $3  }
0x3a: {  	_ = 	snop  }
0x3b: {  	_ = 	snop  }
0x3c: {  	p2 =	seq.s32 s10, $0x1;
	s10 =	sld [smem:$0x3FBA]  }
0x3d: {  	_ =	shalt  }
0x3e: {  	_ =	shalt  }
0x3f: {  	_ =	shalt  }
0x40: {  	_ =	shalt  }
0x41: {  	_ =	shalt  }
0x42: {  	_ =	shalt  }
0x43: {  	_ =	shalt  }
0x44: {  	_ =	shalt  }
0x45: {  	_ =	shalt  }
0x46: {  	_ =	shalt  }
0x47: {  	_ =	shalt  }
0x48: {  	_ =	shalt  }
0x49: {  	_ =	shalt  }
0x4a: {  	_ =	shalt  }
0x4b: {  	_ =	shalt  }
0x4c: {  	_ =	shalt  }
0x4d: {  	_ =	shalt  }
0x4e: {  	_ =	shalt  }
0x4f: {  	_ =	shalt  }
0x50: {  	_ =	shalt  }
0x51: {  	_ =	shalt  }
0x52: {  	_ =	shalt  }
0x53: {  	_ =	shalt  }
0x54: {  	_ =	shalt  }
0x55: {  	_ =	shalt  }
0x56: {  	_ =	shalt  }
0x57: {  	_ =	shalt  }
0x58: {  	_ =	shalt  }
0x59: {  	_ =	shalt  }
0x5a: {  	_ =	shalt  }
0x5b: {  	_ =	shalt  }
0x5c: {  	_ =	shalt  }
0x5d: {  	_ =	shalt  }
0x5e: {  	_ =	shalt  }
0x5f: {  	_ =	shalt  }
0x60: {  	_ =	shalt  }
0x61: {  	_ =	shalt  }
0x62: {  	_ =	shalt  }
0x63: {  	_ =	shalt  }
0x64: {  	_ =	shalt  }
0x65: {  	_ =	shalt  }
0x66: {  	_ =	shalt  }
0x67: {  	_ =	shalt  }
0x68: {  	_ =	shalt  }
0x69: {  	_ =	shalt  }
0x6a: {  	_ =	shalt  }
0x6b: {  	_ =	shalt  }
0x6c: {  	_ =	shalt  }
0x6d: {  	_ =	shalt  }
0x6e: {  	_ =	shalt  }
0x6f: {  	_ =	shalt  }
0x70: {  	_ =	shalt  }
0x71: {  	_ =	shalt  }
0x72: {  	_ =	shalt  }
0x73: {  	_ =	shalt  }
0x74: {  	_ =	shalt  }
0x75: {  	_ =	shalt  }
0x76: {  	_ =	shalt  }
0x77: {  	_ =	shalt  }
0x78: {  	_ =	shalt  }
0x79: {  	_ =	shalt  }
0x7a: {  	_ =	shalt  }
0x7b: {  	_ =	shalt  }
0x7c: {  	_ =	shalt  }
0x7d: {  	_ =	shalt  }
0x7e: {  	_ =	shalt  }
0x7f: {  	_ =	shalt  }
0x80: {  	_ =	shalt  }
0x81: {  	_ =	shalt  }
0x82: {  	_ =	shalt  }
0x83: {  	_ =	shalt  }
0x84: {  	_ =	shalt  }
0x85: {  	_ =	shalt  }
0x86: {  	_ =	shalt  }
0x87: {  	_ =	shalt  }
.Lfunc_end0:
.L_simem_size_0:
called_computation_lowered:
.L_overlay_start_0:
0x88: {  	s2 =	sld [smem:$0x3FD9]  }
0x89: {  	s3 =	sld [smem:$0x3FFE];
	_ =	sdelay $0x1  }
0x8a: {  	s1 =	srdreg.scid  }
0x8b: {  	s0 =	sand.u32 $0x1, s1  }
0x8c: {  	s14 =	sshll.u32 s0, $0xA;
	s2 =	sadd.s32 s3, s2  }
0x8d: {  	s2 =	sadd.s32 s2, s14  }
0x8e: {  	[smem:$0x3FC6] =	sst s2  }
0x8f: {  	_ = 	snop  }
0x90: {  	s2 =	sld [smem:$0x3FD0];
	_ =	sdelay $0x2  }
0x91: {  	s15 =	simm.s32 $0xA;
	s4 =	simm.s32 $0x10  }
0x92: {  	[smem:s4], [sflag:s15] =	dma.local [hbm:s2], $0x1  }
0x93: {  	_ =	swait.eq [sflag:s15], $0x1  }
0x94: {  	[sflag:s15] =	ssyncset.done $0x0  }
0x95: {  	[sflag:s15] =	ssyncadd.s32 $0xFFFFFFFF  }
0x96: {  	s16 =	sld [smem:$0x10];
	(tm) =	ssettm $0x1  }
0x97: {  	s17 =	sld [smem:$0x3FFB];
	_ =	sdelay $0x3  }
0x98: {  	_ =	strace s17  }
0x99: {  	s3 =	sld [smem:$0x3FFC];
	_ =	sdelay $0x3  }
0x9a: {  	_ =	strace s3  }
0x9b: {  	s3 =	sld [smem:$0x3FFD];
	_ =	sdelay $0x3  }
0x9c: {  	_ =	strace s3  }
0x9d: {  	_ =	strace $0x8FFFFFFF  }
0x9e: {  	s18 =	sld [smem:$0x3FDB];
	_ =	sdelay $0x1  }
0x9f: {  	s19 =	simm.s32 $_scs_section_size  }
0xa0: {  	s5 =	simm.s32 $_size__tile_overlayer_lowered;
	s6 =	simm.s32 $_tile_overlayer_lowered  }
0xa1: {  	s22 =	simm.s32 $0x1BFF;
	s21 =	sshll.u32 s6, $0x1;
	s3 =	sadd.s32 s19, s18  }
0xa2: {  	s7 =	simm.s32 $0x0;
	s20 =	sshll.u32 s5, $0x1;
	s5 =	sadd.s32 s21, s3  }
0xa3: {  	[timem:s7], [sflag:s22] =	dma.local [hbm:s5], s20  }
0xa4: {  	_ =	swait.ge [sflag:s22], s20  }
0xa5: {  	s4 =	ssub.s32 $0x0, s20;
	[sflag:s22] =	ssyncset.done $0x0  }
0xa6: {  	[sflag:s22] =	ssyncadd.s32 s4;
	_ =	sdelay $0x1  }
0xa7: {  	s23 =	simm.s32 $0x1B8B  }
0xa8: {  	_ =	swait.ge [sflag:s23], $0x1  }
0xa9: {  	[sflag:s23] =	ssyncset.done $0x0  }
0xaa: {  	s25 =	simm.s32 $0x1B8E;
	s24 =	sld [smem:$0x3FFE];
	[sflag:s23] =	ssyncadd.s32 $0xFFFFFFFF  }
0xab: {  	s26 =	simm.s32 $execute0_lowered;
	[smem:$0x3FD2] =	sst s25  }
0xac: {  	s5 =	sshll.u32 s26, $0x1;
	_ =	strace $0x80000046;
	[dreg:$0x1] =	wrdreg $0xFFFFFFFF  }
0xad: {  	s28 =	simm.s32 $_size_execute0_lowered;
	s3 =	sadd.s32 s3, s5;
	[dreg:$0x0] =	wrdreg $0x0  }
0xae: {  	s5 =	sshll.u32 s28, $0x1;
	[dreg:$0x2] =	wrdreg s3  }
0xaf: {  	[dreg:$0x3] =	wrdreg s5  }
0xb0: {  	[dreg:$0x4] =	wrdreg $0xC0  }
0xb1: {  	_ =	task [dreg:s7], $0x5FFFF  }
0xb2: {  	[dreg:$0x1] =	wrdreg $0xFFFFFFFF  }
0xb3: {  	[dreg:$0x0] =	wrdreg $0x60  }
0xb4: {  	[dreg:$0x2] =	wrdreg s24  }
0xb5: {  	[dreg:$0x3] =	wrdreg s16  }
0xb6: {  	[dreg:$0x4] =	wrdreg $0x9  }
0xb7: {  	_ =	task.clear_ibuf [dreg:s7], $0x5FFFF;
	_ =	strace $0x90000046  }
0xb8: {  	s29 =	simm.s32 $0x9;
	_ =	strace $0x80000048  }
0xb9: {  	_ =	swait.ge [sflag:s29], $0x1  }
0xba: {  	[sflag:s29] =	ssyncadd.s32 $0xFFFFFFFF  }
0xbb: {  	_ =	strace $0x90000048  }
0xbc: {  	_ =	sfence  }
0xbd: {  	s30 =	sld [smem:$0x0];
	_ =	sdelay $0x2  }
0xbe: {  	s31 =	sshll.u32 s1, $0xD;
	s1 =	sshrl.u32 s1, $0x2  }
0xbf: {  	s3 =	sand.u32 $0x4000, s31;
	s1 =	sadd.s32 s1, s30  }
0xc0: {  	s0 =	sor.u32 s3, s0;
	s1 =	sshll.u32 s1, $0x11  }
0xc1: {  	s0 =	sor.u32 s1, s0  }
0xc2: {  	s0 =	sadd.s32 $0x8F2B, s0  }
0xc3: {  	[sflag:s0] =	ssyncadd.remote.s32 $0x1  }
0xc4: {  	_ =	sfence.sel $0xFFFF  }
0xc5: {  	[dreg:$0x0] =	wrdreg $0xFFFFFFFF;
	(pc) =	sbr.abs _section_cstart, $3  }
0xc6: {  	[dreg:$0x1] =	wrdreg $0xFFFFFFFF  }
0xc7: {  	_ =	task.clear_ibuf [dreg:s7], $0x2FFFF;
	_ =	strace $0x9FFFFFFF  }
0xc8: {  	(tm) =	ssettm $0x7FFFFFFF  }
0xc9: {  	_ =	shalt  }
tec
execute0_lowered:
.L_overlay_start_1:
0x0: {  	(tag) =	ssettag $0x1  }
0x1: {  	s3 =	rddreg [dreg:$0x0];
	s1 =	srdreg.scid  }
0x2: {  	s0 =	stileid.u32;
	s6 =	rddreg [dreg:$0x1];
	s2 =	simm.s32 $0x0  }
0x3: {  	s11 =	simm.s32 $0x1;
	s13 =	simm.s32 $0x2;
	s14 =	simm.s32 $0x80  }
0x4: {  	s15 =	simm.s32 $0x400;
	s16 =	simm.s32 $0x18080;
	s17 =	simm.s32 $0x0  }
0x5: {  	s4 =	sand.u32 $0x1, s1;
	s5 =	sshll.u32 s0, $0x1;
	s1 =	rddreg [dreg:$0x2]  }
0x6: {  	[smem:$0x7FF] =	sst s2;
	s30 =	sshll.u32 s0, $0xA;
	s5 =	sor.u32 s4, s5  }
0x7: {  	_ =	strace $0x80000047;
	s4 =	ssub.s32 $0x2, s4;
	s7 =	sshll.u32 s5, $0xE  }
0x8: {  	s8 =	sshrl.u32 s4, $0x1;
	s9 =	sshll.u32 s5, $0x11;
	s10 =	sshll.u32 s5, $0x4  }
0x9: {  	s7 =	sadd.s32 s7, s3;
	s3 =	sadd.s32 $0x83800, s3;
	s8 =	ssub.s32 s4, s8  }
0xa: {  	v2 =	vlaneseq.u32;
	s12 =	sxor.u32 $0x3FFFFF, s9;
	s9 =	sand.u32 $0x3000, s30;
	s31 =	sand.u32 $0x70, s10  }
0xb: {  	v0 =	vmul.u32 $0xFFFFFFFF, v2;
	s10 =	simm.s32 $0x4000;
	s4 =	sadd.s32 $0x3800, s7;
	s5 =	sadd.s32 $0x4800, s7  }
0xc: {  	v1 =	vimm.s32 $0x0;
	s6 =	sadd.s32 s6, s9;
	s7 =	smax.u32 s8, $0x1;
	s8 =	simm.s32 $0x8000  }
0xd: {  	v3 =	vimm.s32 $0x1;
	v2 =	vmul.u32 $0x1000, v2;
	s9 =	simm.s32 $0x3;
	v0 =	vadd.s32 s12, v0;
	s12 =	simm.s32 $0x8080;
	s6 =	sadd.s32 s31, s6  }
.LBB2_1:
0xe: {  	[tilespmem:s8], [sflag:$0x3] =	stream.linear.gather [hbm4b:s3+s2], $0x80, $0x38;
	[tilespmem:$0x19080] =	vst v63  }
0xf: {  	_ =	swait.ge [sflag:s9], $0x80  }
0x10: {  	[sflag:s9] =	ssyncset.done $0x0  }
0x11: {  	s18 =	simm.s32 $0x80C0;
	[sflag:s9] =	ssyncadd.s32 $0xFFFFFF80  }
0x12: {  	v4 =	vld [tilespmem:$0x8000];
	[tilespmem:s18+$0xFFFFFFC0] =	vst v1  }
0x13: {  	[tilespmem:s18+$0x30] =	vst v1  }
0x14: {  	[tilespmem:s18+$0x20] =	vst v1  }
0x15: {  	[tilespmem:s18+$0x10] =	vst v1  }
0x16: {  	[tilespmem:s18+$0x0] =	vst v1  }
0x17: {  	[tilespmem:s18+$0xFFFFFFF0] =	vst v1  }
0x18: {  	s19 =	simm.s32 $0x0;
	[tilespmem:s18+$0xFFFFFFE0] =	vst v1  }
.LBB2_2:
0x19: {  	s19 =	sadd.s32 $0x8, s19;
	[tilespmem:s18+$0xFFFFFFD0] =	vst v1;
	s18 =	sadd.s32 $0x80, s18  }
0x1a: {  	[tilespmem:s18+$0xFFFFFFC0] =	vst v1;
	p0 =	slt.u32 s19, $0xFF8  }
0x1b: {  	[tilespmem:s18+$0x30] =	vst v1  }
.Ltmp0:
0x1c: {  	[tilespmem:s18+$0x20] =	vst v1;
	(pc) =	sbr.rel @p0 .LBB2_2-.Ltmp0, $4  }
0x1d: {  	[tilespmem:s18+$0x10] =	vst v1  }
0x1e: {  	[tilespmem:s18+$0x0] =	vst v1  }
0x1f: {  	[tilespmem:s18+$0xFFFFFFF0] =	vst v1  }
0x20: {  	[tilespmem:s18+$0xFFFFFFE0] =	vst v1  }
0x21: {  	(v2sf) =	vpush v4, $0x0  }
0x22: {  	(v2sf) =	vpush v4, $0x1  }
0x23: {  	(v2sf) =	vpush v4, $0x2;
	_ =	sdelay $0xa  }
0x24: {  	[tilespmem:s18+$0xFFFFFFD0] =	vst v1;
	s18 =	simm.s32 $0x0  }
0x25: {  	[tilespmem:s18], [sflag:$0x1] =	stream.linear.gather [hbm4b:s4+s18], $0x4000, $0x38;
	[tilespmem:$0x19080] =	vst v63  }
0x26: {  	s19 =	spop (v2sf)  }
0x27: {  	s20 =	spop (v2sf)  }
0x28: {  	s19 =	sshll.u32 s19, $0x12;
	s21 =	spop (v2sf);
	s20 =	sshll.u32 s20, $0x6  }
0x29: {  	s19 =	sor.u32 s20, s19;
	s30 =	sshra.s32 s21, $0x6  }
0x2a: {  	s31 =	sand.u32 $0x3F, s21;
	s19 =	sor.u32 s30, s19  }
0x2b: {  	s20 =	simm.s32 $0x4070;
	s21 =	simm.s32 $0x0;
	v5 =	vmov s31;
	v4 =	vmov s19;
	s19 =	simm.s32 $0x70  }
.LBB2_4:
0x2c: {  	s22 =	sshll.u32 s21, $0xC  }
0x2d: {  	s25 =	simm.s32 $0x0;
	s23 =	sand.u32 $0x3C00, s18;
	s22 =	sadd.s32 s22, s4  }
0x2e: {  	s26 =	sadd.s32 $0xFFFFFF90, s19;
	s24 =	sadd.s32 $0xFFFFFFA0, s19;
	s22 =	sadd.s32 $0x800, s22  }
0x2f: {  	[tilespmem:s10], [sflag:$0x2] =	stream.linear.gather [hbm4b:s22+s18], $0x4000, $0x38;
	[tilespmem:$0x19080] =	vst v63  }
0x30: {  	v7 =	vmov s19;
	s28 =	sadd.s32 $0xFFFFFFC0, s19;
	s30 =	sadd.s32 $0xFFFFFFE0, s19;
	v8 =	vmov s26;
	v9 =	vmov s24;
	_ =	swait.ge [sflag:s11], $0x4000  }
0x31: {  	s31 =	sadd.s32 $0xFFFFFFF0, s19;
	v7 =	vsub.s32 v0, v7;
	v11 =	vmov s28;
	v14 =	vmov s30;
	s22 =	sand.u32 $0x380, s25;
	[sflag:s11] =	ssyncset.done $0x0  }
0x32: {  	v15 =	vmov s31;
	v12 =	vshra.s32 v7, $0x10;
	v7 =	vshrl.u32 v7, $0x4;
	s22 =	sor.u32 s22, s23;
	[sflag:s11] =	ssyncadd.s32 $0xFFFFC000  }
0x33: {  	v8 =	vsub.s32 v0, v8;
	v9 =	vsub.s32 v0, v9;
	v11 =	vsub.s32 v0, v11;
	v6 =	vld [tilespmem:s22+$0x70]  }
0x34: {  	s29 =	sadd.s32 $0xFFFFFFD0, s19;
	v14 =	vsub.s32 v0, v14;
	v15 =	vsub.s32 v0, v15;
	vm1 =	veq.s32 v12, v5  }
0x35: {  	v12 =	vmov s29;
	v7 =	vand.u32 $0xFFF, v7;
	v19 =	vshra.s32 v8, $0x10  }
0x36: {  	v20 =	vshra.s32 v9, $0x10;
	v23 =	vshra.s32 v11, $0x10;
	v8 =	vshrl.u32 v8, $0x4  }
0x37: {  	v26 =	vshra.s32 v14, $0x10;
	v27 =	vshra.s32 v15, $0x10;
	v9 =	vshrl.u32 v9, $0x4;
	v21 =	vld [tilespmem:s22+$0x50]  }
0x38: {  	s25 =	sadd.s32 $0xFFFFFFB0, s19;
	v11 =	vshrl.u32 v11, $0x4;
	v14 =	vshrl.u32 v14, $0x4;
	vm0 =	veq.s32 v6, v4;
	v6 =	vld [tilespmem:s22+$0x0]  }
0x39: {  	v15 =	vshrl.u32 v15, $0x4;
	v10 =	vmov s25;
	v7 =	vor.u32 v2, v7  }
0x3a: {  	v12 =	vsub.s32 v0, v12;
	vm5 =	veq.s32 v19, v5;
	vm6 =	veq.s32 v20, v5  }
0x3b: {  	vm14 =	veq.s32 v26, v5;
	v10 =	vsub.s32 v0, v10;
	v24 =	vshra.s32 v12, $0x10;
	v13 =	vld [tilespmem:s22+$0x10]  }
0x3c: {  	v12 =	vshrl.u32 v12, $0x4;
	v22 =	vshra.s32 v10, $0x10;
	v10 =	vshrl.u32 v10, $0x4;
	v16 =	vld [tilespmem:s22+$0x20]  }
0x3d: {  	v17 =	vld [tilespmem:s22+$0x30];
	vm9 =	veq.s32 v21, v4;
	vm3 =	vmand vm1, vm0;
	vm0 =	veq.s32 v6, v4  }
0x3e: {  	v18 =	vld [tilespmem:s22+$0x40];
	v6 =	vand.u32 $0xFFF, v8;
	v8 =	vand.u32 $0xFFF, v9;
	v9 =	vand.u32 $0xFFF, v10  }
0x3f: {  	v10 =	vand.u32 $0xFFF, v11;
	v11 =	vand.u32 $0xFFF, v12;
	v12 =	vand.u32 $0xFFF, v14  }
0x40: {  	s23 =	simm.s32 $0x400;
	v25 =	vld [tilespmem:s22+$0x60];
	s22 =	simm.s32 $0x8;
	v14 =	vimm.s32 $0x0;
	vm7 =	vmand vm5, vm0;
	vm0 =	vmand vm14, vm9  }
0x41: {  	vm12 =	veq.s32 v23, v5;
	s26 =	sand.u32 $0x3C00, s23;
	vm13 =	veq.s32 v24, v5;
	s25 =	sand.u32 $0x380, s22;
	v14 =	vsel vm0, $0xFFFFFFFF, v14  }
0x42: {  	vm11 =	veq.s32 v22, v5;
	vm2 =	veq.s32 v16, v4;
	vm4 =	veq.s32 v17, v4;
	s25 =	sor.u32 s25, s26;
	[tilespmem:$0x1FFF0] =	vst v14  }
0x43: {  	vm8 =	veq.s32 v18, v4;
	vm1 =	veq.s32 v13, v4;
	v13 =	vand.u32 $0xFFF, v15;
	v14 =	vld [tilespmem:s25+$0x70]  }
0x44: {  	s24 =	sadd.s32 $0x80, s19;
	vm4 =	vmand vm12, vm4;
	vm6 =	vmand vm6, vm1;
	vm5 =	vmand vm11, vm2  }
0x45: {  	vm2 =	vmand vm13, vm8;
	v8 =	vor.u32 v2, v8;
	[tilespmem:v7+s12+$0x0] =	vst.idx.add.s32.msk vm3, v3;
	v7 =	vmov s24  }
0x46: {  	v15 =	vor.u32 v2, v6;
	v10 =	vor.u32 v2, v10;
	v7 =	vsub.s32 v0, v7  }
0x47: {  	v9 =	vor.u32 v2, v9;
	v6 =	vor.u32 v2, v13;
	v56 =	vshra.s32 v7, $0x10  }
0x48: {  	v13 =	vld [tilespmem:s25+$0x0];
	v7 =	vshrl.u32 v7, $0x4;
	vm3 =	veq.s32 v56, v5;
	vm1 =	veq.s32 v14, v4  }
0x49: {  	v11 =	vor.u32 v2, v11;
	v53 =	vld [tilespmem:s25+$0x10];
	v7 =	vand.u32 $0xFFF, v7;
	vm1 =	vmand vm3, vm1  }
0x4a: {  	s28 =	sadd.s32 $0xFFFFFFA0, s24;
	s30 =	sadd.s32 $0xFFFFFFE0, s24;
	s29 =	sadd.s32 $0xFFFFFFB0, s24;
	[tilespmem:v8+s12+$0x0] =	vst.idx.add.s32.msk vm6, v3;
	v7 =	vor.u32 v2, v7  }
0x4b: {  	v52 =	vmov s28;
	s28 =	sadd.s32 $0xFFFFFFC0, s24;
	v60 =	vmov s30;
	v54 =	vmov s29;
	[tilespmem:v10+s12+$0x0] =	vst.idx.add.s32.msk vm4, v3  }
0x4c: {  	s31 =	sadd.s32 $0xFFFFFFF0, s24;
	vm15 =	veq.s32 v27, v5;
	v55 =	vmov s28;
	v19 =	vsub.s32 v0, v54;
	[tilespmem:v15+s12+$0x0] =	vst.idx.add.s32.msk vm7, v3  }
0x4d: {  	v61 =	vmov s31;
	v20 =	vsub.s32 v0, v55;
	v24 =	vsub.s32 v0, v60;
	[tilespmem:v9+s12+$0x0] =	vst.idx.add.s32.msk vm5, v3  }
0x4e: {  	v30 =	vshra.s32 v20, $0x10;
	v20 =	vshrl.u32 v20, $0x4;
	vm10 =	veq.s32 v25, v4;
	[tilespmem:v11+s12+$0x0] =	vst.idx.add.s32.msk vm2, v3  }
0x4f: {  	v32 =	vshra.s32 v24, $0x10;
	v17 =	vsub.s32 v0, v52;
	v25 =	vsub.s32 v0, v61;
	s26 =	sadd.s32 $0xFFFFFF90, s24;
	[tilespmem:v7+s12+$0x0] =	vst.idx.add.s32.msk vm1, v3  }
0x50: {  	v29 =	vshra.s32 v17, $0x10;
	v33 =	vshra.s32 v25, $0x10;
	v51 =	vmov s26;
	s26 =	sadd.s32 $0xFFFFFFD0, s24;
	v11 =	vld [tilespmem:$0x1FFF0]  }
0x51: {  	v17 =	vshrl.u32 v17, $0x4;
	v58 =	vmov s26;
	v16 =	vsub.s32 v0, v51;
	v57 =	vld [tilespmem:s25+$0x20]  }
0x52: {  	v21 =	vsub.s32 v0, v58;
	v28 =	vshra.s32 v16, $0x10;
	v16 =	vshrl.u32 v16, $0x4;
	v59 =	vld [tilespmem:s25+$0x40]  }
0x53: {  	v12 =	vor.u32 v2, v12;
	v31 =	vshra.s32 v21, $0x10;
	vm14 =	veq.s32 v30, v5;
	v62 =	vld [tilespmem:s25+$0x50]  }
0x54: {  	vm13 =	veq.s32 v32, v5;
	vm11 =	veq.s32 v33, v5;
	vm0 =	vmand vm15, vm10;
	v63 =	vld [tilespmem:s25+$0x60]  }
0x55: {  	vm15 =	veq.s32 v29, v5;
	vm12 =	veq.s32 v31, v5;
	v14 =	vld [tilespmem:s25+$0x30];
	vm2 =	vnez.u8 v11  }
0x56: {  	v8 =	vshrl.u32 v24, $0x4;
	v10 =	vand.u32 $0xFFF, v16;
	v15 =	vshra.s32 v19, $0x10  }
0x57: {  	v19 =	vshrl.u32 v19, $0x4;
	v9 =	vshrl.u32 v21, $0x4;
	vm7 =	veq.s32 v28, v5  }
0x58: {  	vm5 =	veq.s32 v13, v4;
	vm10 =	veq.s32 v53, v4;
	vm4 =	veq.s32 v57, v4  }
0x59: {  	vm9 =	veq.s32 v59, v4;
	vm8 =	veq.s32 v62, v4;
	vm6 =	veq.s32 v63, v4  }
0x5a: {  	v13 =	vand.u32 $0xFFF, v17;
	vm3 =	veq.s32 v14, v4;
	v7 =	vshrl.u32 v25, $0x4  }
0x5b: {  	vm1 =	veq.s32 v15, v5;
	v11 =	vand.u32 $0xFFF, v20;
	[tilespmem:v12+s12+$0x0] =	vst.idx.add.s32.msk vm2, v3;
	v12 =	vand.u32 $0xFFF, v19  }
.LBB2_5:
0x5c: {  	s22 =	sadd.s32 $0x8, s22;
	s23 =	sadd.s32 $0x400, s23  }
0x5d: {  	s25 =	sand.u32 $0x380, s22;
	s26 =	sand.u32 $0x3C00, s23  }
0x5e: {  	s25 =	sor.u32 s25, s26  }
0x5f: {  	v9 =	vand.u32 $0xFFF, v9;
	v8 =	vand.u32 $0xFFF, v8;
	v7 =	vand.u32 $0xFFF, v7;
	v14 =	vld [tilespmem:s25+$0x70]  }
0x60: {  	vm7 =	vmand vm7, vm5;
	vm5 =	vmand vm15, vm10;
	vm4 =	vmand vm1, vm4;
	s24 =	sadd.s32 $0x80, s24  }
0x61: {  	vm3 =	vmand vm14, vm3;
	v16 =	vor.u32 v2, v9;
	v9 =	vmov s24  }
0x62: {  	[tilespmem:v6+s12+$0x0] =	vst.idx.add.s32.msk vm0, v3;
	vm0 =	vmand vm13, vm8;
	v6 =	vimm.s32 $0x0;
	v9 =	vsub.s32 v0, v9  }
0x63: {  	v6 =	vsel vm0, $0xFFFFFFFF, v6;
	vm0 =	vmand vm11, vm6;
	v23 =	vshra.s32 v9, $0x10  }
0x64: {  	v9 =	vshrl.u32 v9, $0x4;
	vm6 =	veq.s32 v23, v5;
	vm1 =	veq.s32 v14, v4  }
0x65: {  	vm2 =	vmand vm12, vm9;
	v9 =	vand.u32 $0xFFF, v9;
	vm1 =	vmand vm6, vm1  }
0x66: {  	v10 =	vor.u32 v2, v10;
	v13 =	vor.u32 v2, v13;
	v15 =	vld [tilespmem:s25+$0x0];
	v9 =	vor.u32 v2, v9  }
0x67: {  	v12 =	vor.u32 v2, v12;
	v11 =	vor.u32 v2, v11;
	s30 =	sadd.s32 $0xFFFFFF90, s24;
	s28 =	sadd.s32 $0xFFFFFFA0, s24;
	v18 =	vor.u32 v2, v8;
	v17 =	vld [tilespmem:s25+$0x10]  }
0x68: {  	s29 =	sadd.s32 $0xFFFFFFB0, s24;
	s31 =	sadd.s32 $0xFFFFFFC0, s24;
	[tilespmem:$0x1FFE0] =	vst v6;
	v6 =	vor.u32 v2, v7;
	v7 =	vmov s30;
	v8 =	vmov s28;
	s30 =	sadd.s32 $0xFFFFFFE0, s24;
	v19 =	vld [tilespmem:s25+$0x20]  }
0x69: {  	s28 =	sadd.s32 $0xFFFFFFD0, s24;
	v20 =	vmov s29;
	v22 =	vmov s31;
	v21 =	vld [tilespmem:s25+$0x30];
	v25 =	vmov s30  }
0x6a: {  	s31 =	sadd.s32 $0xFFFFFFF0, s24;
	v24 =	vld [tilespmem:s25+$0x40];
	v7 =	vsub.s32 v0, v7;
	v8 =	vsub.s32 v0, v8;
	v14 =	vmov s28  }
0x6b: {  	v27 =	vmov s31;
	v20 =	vsub.s32 v0, v20;
	v14 =	vsub.s32 v0, v14;
	[tilespmem:v9+s12+$0x0] =	vst.idx.add.s32.msk vm1, v3  }
0x6c: {  	v22 =	vsub.s32 v0, v22;
	v31 =	vshra.s32 v14, $0x10;
	v9 =	vshrl.u32 v14, $0x4;
	v14 =	vld [tilespmem:$0x1FFE0]  }
0x6d: {  	v63 =	vld [tilespmem:s25+$0x50];
	v25 =	vsub.s32 v0, v25;
	v28 =	vshra.s32 v7, $0x10;
	v29 =	vshra.s32 v8, $0x10  }
0x6e: {  	v26 =	vld [tilespmem:s25+$0x60];
	v27 =	vsub.s32 v0, v27;
	v30 =	vshra.s32 v22, $0x10;
	v34 =	vshrl.u32 v8, $0x4  }
0x6f: {  	v22 =	vshrl.u32 v22, $0x4;
	v32 =	vshra.s32 v25, $0x10;
	v33 =	vshra.s32 v27, $0x10;
	[tilespmem:v10+s12+$0x0] =	vst.idx.add.s32.msk vm7, v3  }
0x70: {  	v8 =	vshrl.u32 v25, $0x4;
	vm15 =	veq.s32 v29, v5;
	vm14 =	veq.s32 v30, v5;
	[tilespmem:v13+s12+$0x0] =	vst.idx.add.s32.msk vm5, v3  }
0x71: {  	v10 =	vshra.s32 v20, $0x10;
	v13 =	vshrl.u32 v7, $0x4;
	[tilespmem:v16+s12+$0x0] =	vst.idx.add.s32.msk vm2, v3;
	vm2 =	vnez.u8 v14  }
0x72: {  	p0 =	slt.u32 s22, $0x3F8;
	v20 =	vshrl.u32 v20, $0x4;
	v7 =	vshrl.u32 v27, $0x4;
	vm7 =	veq.s32 v28, v5  }
.Ltmp1:
0x73: {  	[tilespmem:v11+s12+$0x0] =	vst.idx.add.s32.msk vm3, v3;
	vm13 =	veq.s32 v32, v5;
	vm11 =	veq.s32 v33, v5;
	v11 =	vand.u32 $0xFFF, v22;
	(pc) =	sbr.rel @p0 .LBB2_5-.Ltmp1, $4  }
0x74: {  	[tilespmem:v12+s12+$0x0] =	vst.idx.add.s32.msk vm4, v3;
	v12 =	vand.u32 $0xFFF, v20;
	vm5 =	veq.s32 v15, v4;
	vm10 =	veq.s32 v17, v4  }
0x75: {  	vm4 =	veq.s32 v19, v4;
	vm3 =	veq.s32 v21, v4;
	vm9 =	veq.s32 v24, v4  }
0x76: {  	vm8 =	veq.s32 v63, v4;
	vm6 =	veq.s32 v26, v4;
	vm12 =	veq.s32 v31, v5  }
0x77: {  	vm1 =	veq.s32 v10, v5;
	v10 =	vand.u32 $0xFFF, v13;
	v13 =	vand.u32 $0xFFF, v34;
	[tilespmem:v18+s12+$0x0] =	vst.idx.add.s32.msk vm2, v3  }
0x78: {  	vm2 =	vmand vm7, vm5  }
0x79: {  	vm5 =	vmand vm15, vm10;
	v10 =	vor.u32 v2, v10  }
0x7a: {  	vm1 =	vmand vm1, vm4;
	v13 =	vor.u32 v2, v13  }
0x7b: {  	vm3 =	vmand vm14, vm3;
	v12 =	vor.u32 v2, v12  }
0x7c: {  	v9 =	vand.u32 $0xFFF, v9;
	vm4 =	vmand vm12, vm9;
	v11 =	vor.u32 v2, v11  }
0x7d: {  	v8 =	vand.u32 $0xFFF, v8;
	[tilespmem:v6+s12+$0x0] =	vst.idx.add.s32.msk vm0, v3;
	vm0 =	vmand vm13, vm8;
	v6 =	vor.u32 v2, v9  }
0x7e: {  	v7 =	vand.u32 $0xFFF, v7;
	vm6 =	vmand vm11, vm6;
	v8 =	vor.u32 v2, v8;
	[tilespmem:v10+s12+$0x0] =	vst.idx.add.s32.msk vm2, v3  }
0x7f: {  	v7 =	vor.u32 v2, v7;
	[tilespmem:v13+s12+$0x0] =	vst.idx.add.s32.msk vm5, v3  }
0x80: {  	[tilespmem:v12+s12+$0x0] =	vst.idx.add.s32.msk vm1, v3  }
0x81: {  	[tilespmem:v11+s12+$0x0] =	vst.idx.add.s32.msk vm3, v3  }
0x82: {  	p0 =	seq.s32 s21, $0x3;
	[tilespmem:v6+s12+$0x0] =	vst.idx.add.s32.msk vm4, v3  }
0x83: {  	s24 =	simm.s32 $0x0;
	s30 =	sadd.s32 $0xFFFFFFE0, s20;
	s22 =	sshll.u32 @!p0 s21, $0xC;
	[tilespmem:v8+s12+$0x0] =	vst.idx.add.s32.msk vm0, v3  }
0x84: {  	s31 =	sadd.s32 $0xFFFFFFF0, s20;
	s23 =	simm.s32 @!p0 $0x0;
	s22 =	sadd.s32 @!p0 s22, s5;
	[tilespmem:v7+s12+$0x0] =	vst.idx.add.s32.msk vm6, v3  }
0x85: {  	v14 =	vmov s30;
	v15 =	vmov s31;
	[tilespmem:s23], [sflag:$0x1] =	stream.linear.gather @!p0 [hbm4b:s22+s23], $0x4000, $0x38;
	[tilespmem:$0x19080] =	vst v63  }
0x86: {  	s25 =	simm.s32 $0x0;
	s26 =	sadd.s32 $0xFFFFFF90, s20;
	v14 =	vsub.s32 v0, v14;
	v15 =	vsub.s32 v0, v15;
	_ =	swait.ge [sflag:s13], $0x4000  }
0x87: {  	v26 =	vshra.s32 v14, $0x10;
	v27 =	vshra.s32 v15, $0x10;
	s23 =	sand.u32 $0x380, s25;
	s22 =	sand.u32 $0x3C00, s24;
	[sflag:s13] =	ssyncset.done $0x0  }
0x88: {  	s28 =	sadd.s32 $0xFFFFFFC0, s20;
	v14 =	vshrl.u32 v14, $0x4;
	v15 =	vshrl.u32 v15, $0x4;
	vm14 =	veq.s32 v26, v5;
	s22 =	sor.u32 s23, s22;
	[sflag:s13] =	ssyncadd.s32 $0xFFFFC000  }
0x89: {  	v7 =	vmov s20;
	v8 =	vmov s26;
	v11 =	vmov s28;
	v6 =	vld [tilespmem:s22+$0x4070]  }
0x8a: {  	s24 =	sadd.s32 $0xFFFFFFA0, s20;
	s25 =	sadd.s32 $0xFFFFFFB0, s20;
	v7 =	vsub.s32 v0, v7;
	v8 =	vsub.s32 v0, v8;
	v11 =	vsub.s32 v0, v11  }
0x8b: {  	v9 =	vmov s24;
	v10 =	vmov s25;
	v12 =	vshra.s32 v7, $0x10  }
0x8c: {  	v7 =	vshrl.u32 v7, $0x4;
	v19 =	vshra.s32 v8, $0x10;
	v23 =	vshra.s32 v11, $0x10  }
0x8d: {  	s29 =	sadd.s32 $0xFFFFFFD0, s20;
	v8 =	vshrl.u32 v8, $0x4;
	v11 =	vshrl.u32 v11, $0x4;
	vm1 =	veq.s32 v12, v5;
	v21 =	vld [tilespmem:s22+$0x4050]  }
0x8e: {  	v12 =	vmov s29;
	v7 =	vand.u32 $0xFFF, v7;
	vm0 =	veq.s32 v6, v4;
	v6 =	vld [tilespmem:s22+$0x4000]  }
0x8f: {  	v9 =	vsub.s32 v0, v9;
	v10 =	vsub.s32 v0, v10;
	vm5 =	veq.s32 v19, v5  }
0x90: {  	vm12 =	veq.s32 v23, v5;
	v7 =	vor.u32 v2, v7;
	v12 =	vsub.s32 v0, v12  }
0x91: {  	v20 =	vshra.s32 v9, $0x10;
	v22 =	vshra.s32 v10, $0x10;
	v9 =	vshrl.u32 v9, $0x4;
	v13 =	vld [tilespmem:s22+$0x4010]  }
0x92: {  	v10 =	vshrl.u32 v10, $0x4;
	v16 =	vld [tilespmem:s22+$0x4020];
	v24 =	vshra.s32 v12, $0x10;
	v12 =	vshrl.u32 v12, $0x4  }
0x93: {  	v17 =	vld [tilespmem:s22+$0x4030];
	vm9 =	veq.s32 v21, v4;
	vm3 =	vmand vm1, vm0;
	vm0 =	veq.s32 v6, v4  }
0x94: {  	v18 =	vld [tilespmem:s22+$0x4040];
	v6 =	vand.u32 $0xFFF, v8;
	v8 =	vand.u32 $0xFFF, v9;
	v9 =	vand.u32 $0xFFF, v10  }
0x95: {  	v10 =	vand.u32 $0xFFF, v11;
	v11 =	vand.u32 $0xFFF, v12;
	v12 =	vand.u32 $0xFFF, v14  }
0x96: {  	s23 =	simm.s32 $0x400;
	v25 =	vld [tilespmem:s22+$0x4060];
	s22 =	simm.s32 $0x8;
	v14 =	vimm.s32 $0x0;
	vm7 =	vmand vm5, vm0;
	vm0 =	vmand vm14, vm9  }
0x97: {  	s26 =	sand.u32 $0x3C00, s23;
	vm6 =	veq.s32 v20, v5;
	vm11 =	veq.s32 v22, v5;
	s25 =	sand.u32 $0x380, s22;
	v14 =	vsel vm0, $0xFFFFFFFF, v14  }
0x98: {  	vm13 =	veq.s32 v24, v5;
	vm2 =	veq.s32 v16, v4;
	vm4 =	veq.s32 v17, v4;
	s25 =	sor.u32 s25, s26;
	[tilespmem:$0x1FFD0] =	vst v14  }
0x99: {  	vm8 =	veq.s32 v18, v4;
	vm1 =	veq.s32 v13, v4;
	v13 =	vand.u32 $0xFFF, v15;
	v14 =	vld [tilespmem:s25+$0x4070]  }
0x9a: {  	s24 =	sadd.s32 $0x80, s20;
	vm4 =	vmand vm12, vm4;
	vm6 =	vmand vm6, vm1;
	vm5 =	vmand vm11, vm2  }
0x9b: {  	vm2 =	vmand vm13, vm8;
	v8 =	vor.u32 v2, v8;
	[tilespmem:v7+s12+$0x0] =	vst.idx.add.s32.msk vm3, v3;
	v7 =	vmov s24  }
0x9c: {  	v15 =	vor.u32 v2, v6;
	v10 =	vor.u32 v2, v10;
	v7 =	vsub.s32 v0, v7  }
0x9d: {  	v9 =	vor.u32 v2, v9;
	v6 =	vor.u32 v2, v13;
	v56 =	vshra.s32 v7, $0x10  }
0x9e: {  	v13 =	vld [tilespmem:s25+$0x4000];
	v7 =	vshrl.u32 v7, $0x4;
	vm3 =	veq.s32 v56, v5;
	vm1 =	veq.s32 v14, v4  }
0x9f: {  	v11 =	vor.u32 v2, v11;
	v53 =	vld [tilespmem:s25+$0x4010];
	v7 =	vand.u32 $0xFFF, v7;
	vm1 =	vmand vm3, vm1  }
0xa0: {  	s28 =	sadd.s32 $0xFFFFFFA0, s24;
	s29 =	sadd.s32 $0xFFFFFFB0, s24;
	[tilespmem:v8+s12+$0x0] =	vst.idx.add.s32.msk vm6, v3;
	v7 =	vor.u32 v2, v7  }
0xa1: {  	vm15 =	veq.s32 v27, v5;
	s30 =	sadd.s32 $0xFFFFFFE0, s24;
	v52 =	vmov s28;
	s28 =	sadd.s32 $0xFFFFFFC0, s24;
	v54 =	vmov s29;
	[tilespmem:v10+s12+$0x0] =	vst.idx.add.s32.msk vm4, v3  }
0xa2: {  	s31 =	sadd.s32 $0xFFFFFFF0, s24;
	v60 =	vmov s30;
	v55 =	vmov s28;
	v19 =	vsub.s32 v0, v54;
	[tilespmem:v15+s12+$0x0] =	vst.idx.add.s32.msk vm7, v3  }
0xa3: {  	v61 =	vmov s31;
	v20 =	vsub.s32 v0, v55;
	v24 =	vsub.s32 v0, v60;
	[tilespmem:v9+s12+$0x0] =	vst.idx.add.s32.msk vm5, v3  }
0xa4: {  	v30 =	vshra.s32 v20, $0x10;
	v32 =	vshra.s32 v24, $0x10;
	vm10 =	veq.s32 v25, v4;
	[tilespmem:v11+s12+$0x0] =	vst.idx.add.s32.msk vm2, v3  }
0xa5: {  	v20 =	vshrl.u32 v20, $0x4;
	v17 =	vsub.s32 v0, v52;
	v25 =	vsub.s32 v0, v61;
	s26 =	sadd.s32 $0xFFFFFF90, s24;
	[tilespmem:v7+s12+$0x0] =	vst.idx.add.s32.msk vm1, v3  }
0xa6: {  	v29 =	vshra.s32 v17, $0x10;
	v33 =	vshra.s32 v25, $0x10;
	v51 =	vmov s26;
	s26 =	sadd.s32 $0xFFFFFFD0, s24;
	v11 =	vld [tilespmem:$0x1FFD0]  }
0xa7: {  	v17 =	vshrl.u32 v17, $0x4;
	v58 =	vmov s26;
	v16 =	vsub.s32 v0, v51;
	v57 =	vld [tilespmem:s25+$0x4020]  }
0xa8: {  	v21 =	vsub.s32 v0, v58;
	v28 =	vshra.s32 v16, $0x10;
	v16 =	vshrl.u32 v16, $0x4;
	v59 =	vld [tilespmem:s25+$0x4040]  }
0xa9: {  	v12 =	vor.u32 v2, v12;
	v31 =	vshra.s32 v21, $0x10;
	vm8 =	veq.s32 v28, v5;
	v62 =	vld [tilespmem:s25+$0x4050]  }
0xaa: {  	vm14 =	veq.s32 v30, v5;
	vm13 =	veq.s32 v32, v5;
	vm11 =	veq.s32 v33, v5;
	v63 =	vld [tilespmem:s25+$0x4060]  }
0xab: {  	vm0 =	vmand vm15, vm10;
	vm15 =	veq.s32 v29, v5;
	v14 =	vld [tilespmem:s25+$0x4030];
	vm2 =	vnez.u8 v11  }
0xac: {  	vm12 =	veq.s32 v31, v5;
	v8 =	vshrl.u32 v24, $0x4;
	v10 =	vand.u32 $0xFFF, v16  }
0xad: {  	v15 =	vshra.s32 v19, $0x10;
	v19 =	vshrl.u32 v19, $0x4;
	v9 =	vshrl.u32 v21, $0x4  }
0xae: {  	vm5 =	veq.s32 v13, v4;
	vm10 =	veq.s32 v53, v4;
	vm4 =	veq.s32 v57, v4  }
0xaf: {  	vm9 =	veq.s32 v59, v4;
	vm7 =	veq.s32 v62, v4;
	vm6 =	veq.s32 v63, v4  }
0xb0: {  	v13 =	vand.u32 $0xFFF, v17;
	vm3 =	veq.s32 v14, v4;
	v7 =	vshrl.u32 v25, $0x4  }
0xb1: {  	s21 =	sadd.s32 $0x1, s21;
	vm1 =	veq.s32 v15, v5;
	v11 =	vand.u32 $0xFFF, v20;
	[tilespmem:v12+s12+$0x0] =	vst.idx.add.s32.msk vm2, v3;
	v12 =	vand.u32 $0xFFF, v19  }
.LBB2_7:
0xb2: {  	s22 =	sadd.s32 $0x8, s22;
	s23 =	sadd.s32 $0x400, s23  }
0xb3: {  	s25 =	sand.u32 $0x380, s22;
	s26 =	sand.u32 $0x3C00, s23  }
0xb4: {  	s25 =	sor.u32 s25, s26  }
0xb5: {  	v9 =	vand.u32 $0xFFF, v9;
	v8 =	vand.u32 $0xFFF, v8;
	v7 =	vand.u32 $0xFFF, v7;
	v14 =	vld [tilespmem:s25+$0x4070]  }
0xb6: {  	vm8 =	vmand vm8, vm5;
	vm5 =	vmand vm15, vm10;
	vm4 =	vmand vm1, vm4;
	s24 =	sadd.s32 $0x80, s24  }
0xb7: {  	vm3 =	vmand vm14, vm3;
	v16 =	vor.u32 v2, v9;
	v9 =	vmov s24  }
0xb8: {  	[tilespmem:v6+s12+$0x0] =	vst.idx.add.s32.msk vm0, v3;
	vm0 =	vmand vm13, vm7;
	v6 =	vimm.s32 $0x0;
	v9 =	vsub.s32 v0, v9  }
0xb9: {  	v6 =	vsel vm0, $0xFFFFFFFF, v6;
	vm0 =	vmand vm11, vm6;
	v23 =	vshra.s32 v9, $0x10  }
0xba: {  	v9 =	vshrl.u32 v9, $0x4;
	vm6 =	veq.s32 v23, v5;
	vm1 =	veq.s32 v14, v4  }
0xbb: {  	vm2 =	vmand vm12, vm9;
	v9 =	vand.u32 $0xFFF, v9;
	vm1 =	vmand vm6, vm1  }
0xbc: {  	v10 =	vor.u32 v2, v10;
	v13 =	vor.u32 v2, v13;
	v15 =	vld [tilespmem:s25+$0x4000];
	v9 =	vor.u32 v2, v9  }
0xbd: {  	v12 =	vor.u32 v2, v12;
	v11 =	vor.u32 v2, v11;
	s30 =	sadd.s32 $0xFFFFFF90, s24;
	s28 =	sadd.s32 $0xFFFFFFA0, s24;
	v18 =	vor.u32 v2, v8;
	v17 =	vld [tilespmem:s25+$0x4010]  }
0xbe: {  	s29 =	sadd.s32 $0xFFFFFFB0, s24;
	s31 =	sadd.s32 $0xFFFFFFC0, s24;
	[tilespmem:$0x1FFC0] =	vst v6;
	v6 =	vor.u32 v2, v7;
	v7 =	vmov s30;
	v8 =	vmov s28;
	s30 =	sadd.s32 $0xFFFFFFE0, s24;
	v19 =	vld [tilespmem:s25+$0x4020]  }
0xbf: {  	s28 =	sadd.s32 $0xFFFFFFD0, s24;
	v20 =	vmov s29;
	v22 =	vmov s31;
	v21 =	vld [tilespmem:s25+$0x4030];
	v25 =	vmov s30  }
0xc0: {  	s31 =	sadd.s32 $0xFFFFFFF0, s24;
	v24 =	vld [tilespmem:s25+$0x4040];
	v7 =	vsub.s32 v0, v7;
	v8 =	vsub.s32 v0, v8;
	v14 =	vmov s28  }
0xc1: {  	v27 =	vmov s31;
	v20 =	vsub.s32 v0, v20;
	v14 =	vsub.s32 v0, v14;
	[tilespmem:v9+s12+$0x0] =	vst.idx.add.s32.msk vm1, v3  }
0xc2: {  	v22 =	vsub.s32 v0, v22;
	v31 =	vshra.s32 v14, $0x10;
	v9 =	vshrl.u32 v14, $0x4;
	v14 =	vld [tilespmem:$0x1FFC0]  }
0xc3: {  	v63 =	vld [tilespmem:s25+$0x4050];
	v25 =	vsub.s32 v0, v25;
	v28 =	vshra.s32 v7, $0x10;
	v29 =	vshra.s32 v8, $0x10  }
0xc4: {  	v26 =	vld [tilespmem:s25+$0x4060];
	v27 =	vsub.s32 v0, v27;
	v30 =	vshra.s32 v22, $0x10;
	v34 =	vshrl.u32 v8, $0x4  }
0xc5: {  	v22 =	vshrl.u32 v22, $0x4;
	v32 =	vshra.s32 v25, $0x10;
	v33 =	vshra.s32 v27, $0x10;
	[tilespmem:v10+s12+$0x0] =	vst.idx.add.s32.msk vm8, v3  }
0xc6: {  	v8 =	vshrl.u32 v25, $0x4;
	vm15 =	veq.s32 v29, v5;
	vm14 =	veq.s32 v30, v5;
	[tilespmem:v13+s12+$0x0] =	vst.idx.add.s32.msk vm5, v3  }
0xc7: {  	v10 =	vshra.s32 v20, $0x10;
	v13 =	vshrl.u32 v7, $0x4;
	[tilespmem:v16+s12+$0x0] =	vst.idx.add.s32.msk vm2, v3;
	vm2 =	vnez.u8 v14  }
0xc8: {  	p0 =	slt.u32 s22, $0x3F8;
	v20 =	vshrl.u32 v20, $0x4;
	v7 =	vshrl.u32 v27, $0x4;
	vm8 =	veq.s32 v28, v5  }
.Ltmp2:
0xc9: {  	[tilespmem:v11+s12+$0x0] =	vst.idx.add.s32.msk vm3, v3;
	vm13 =	veq.s32 v32, v5;
	vm11 =	veq.s32 v33, v5;
	v11 =	vand.u32 $0xFFF, v22;
	(pc) =	sbr.rel @p0 .LBB2_7-.Ltmp2, $4  }
0xca: {  	[tilespmem:v12+s12+$0x0] =	vst.idx.add.s32.msk vm4, v3;
	v12 =	vand.u32 $0xFFF, v20;
	vm5 =	veq.s32 v15, v4;
	vm10 =	veq.s32 v17, v4  }
0xcb: {  	vm4 =	veq.s32 v19, v4;
	vm3 =	veq.s32 v21, v4;
	vm9 =	veq.s32 v24, v4  }
0xcc: {  	vm7 =	veq.s32 v63, v4;
	vm6 =	veq.s32 v26, v4;
	vm12 =	veq.s32 v31, v5  }
0xcd: {  	vm1 =	veq.s32 v10, v5;
	v10 =	vand.u32 $0xFFF, v13;
	v13 =	vand.u32 $0xFFF, v34;
	[tilespmem:v18+s12+$0x0] =	vst.idx.add.s32.msk vm2, v3  }
0xce: {  	vm2 =	vmand vm8, vm5  }
0xcf: {  	vm10 =	vmand vm15, vm10;
	v10 =	vor.u32 v2, v10  }
0xd0: {  	vm1 =	vmand vm1, vm4;
	v13 =	vor.u32 v2, v13  }
0xd1: {  	vm3 =	vmand vm14, vm3;
	v12 =	vor.u32 v2, v12  }
0xd2: {  	v9 =	vand.u32 $0xFFF, v9;
	vm14 =	vmand vm12, vm9;
	v11 =	vor.u32 v2, v11  }
0xd3: {  	v8 =	vand.u32 $0xFFF, v8;
	[tilespmem:v6+s12+$0x0] =	vst.idx.add.s32.msk vm0, v3;
	vm15 =	vmand vm13, vm7;
	v6 =	vor.u32 v2, v9  }
0xd4: {  	v7 =	vand.u32 $0xFFF, v7;
	vm6 =	vmand vm11, vm6;
	v8 =	vor.u32 v2, v8;
	[tilespmem:v10+s12+$0x0] =	vst.idx.add.s32.msk vm2, v3  }
0xd5: {  	p0 =	seq.s32 s21, $0x4;
	v7 =	vor.u32 v2, v7;
	[tilespmem:v13+s12+$0x0] =	vst.idx.add.s32.msk vm10, v3  }
.Ltmp3:
0xd6: {  	[tilespmem:v12+s12+$0x0] =	vst.idx.add.s32.msk vm1, v3;
	(pc) =	sbr.rel @!p0 .LBB2_4-.Ltmp3, $4  }
0xd7: {  	[tilespmem:v11+s12+$0x0] =	vst.idx.add.s32.msk vm3, v3  }
0xd8: {  	[tilespmem:v6+s12+$0x0] =	vst.idx.add.s32.msk vm14, v3  }
0xd9: {  	[tilespmem:v8+s12+$0x0] =	vst.idx.add.s32.msk vm15, v3  }
0xda: {  	s19 =	sadd.s32 $0x8000, s19;
	s20 =	sadd.s32 $0x8000, s20;
	[tilespmem:v7+s12+$0x0] =	vst.idx.add.s32.msk vm6, v3  }
0xdb: {  	s18 =	simm.s32 $0x0  }
0xdc: {  	v5 =	vld [tilespmem:s18+$0x8090]  }
0xdd: {  	v6 =	vld [tilespmem:s18+$0x9090]  }
0xde: {  	v7 =	vld [tilespmem:s18+$0xA090]  }
0xdf: {  	v8 =	vld [tilespmem:s18+$0xB090]  }
0xe0: {  	v9 =	vld [tilespmem:s18+$0xC090]  }
0xe1: {  	v10 =	vld [tilespmem:s18+$0xD090]  }
0xe2: {  	v11 =	vld [tilespmem:s18+$0xE090]  }
0xe3: {  	v12 =	vld [tilespmem:s18+$0xF090]  }
0xe4: {  	v13 =	vld [tilespmem:s18+$0x10090]  }
0xe5: {  	v14 =	vld [tilespmem:s18+$0x11090]  }
0xe6: {  	v15 =	vld [tilespmem:s18+$0x12090]  }
0xe7: {  	v16 =	vld [tilespmem:s18+$0x13090]  }
0xe8: {  	v17 =	vld [tilespmem:s18+$0x14090]  }
0xe9: {  	s19 =	simm.s32 $0x0;
	v18 =	vld [tilespmem:s18+$0x15090]  }
0xea: {  	s20 =	sand.u32 $0xFE0, s19;
	v19 =	vld [tilespmem:s18+$0x17090]  }
0xeb: {  	v4 =	vld [tilespmem:s20+$0x9080];
	v5 =	vadd.s32 v5, v6  }
0xec: {  	v63 =	vld [tilespmem:s20+$0xE080];
	v5 =	vadd.s32 v7, v5  }
0xed: {  	v7 =	vld [tilespmem:s18+$0x8080];
	v5 =	vadd.s32 v8, v5  }
0xee: {  	v8 =	vld [tilespmem:s20+$0xA080];
	v5 =	vadd.s32 v9, v5  }
0xef: {  	v9 =	vld [tilespmem:s20+$0xB080];
	v5 =	vadd.s32 v10, v5  }
0xf0: {  	v10 =	vld [tilespmem:s20+$0xC080];
	v5 =	vadd.s32 v11, v5  }
0xf1: {  	v11 =	vld [tilespmem:s20+$0xD080];
	v5 =	vadd.s32 v12, v5  }
0xf2: {  	v6 =	vld [tilespmem:s18+$0x16090];
	v4 =	vadd.s32 v7, v4;
	v5 =	vadd.s32 v13, v5  }
0xf3: {  	v4 =	vadd.s32 v8, v4;
	v8 =	vld [tilespmem:s20+$0xF080];
	v5 =	vadd.s32 v14, v5  }
0xf4: {  	v4 =	vadd.s32 v9, v4;
	v9 =	vld [tilespmem:s20+$0x10080];
	v5 =	vadd.s32 v15, v5  }
0xf5: {  	v4 =	vadd.s32 v10, v4;
	v10 =	vld [tilespmem:s20+$0x11080];
	v5 =	vadd.s32 v16, v5  }
0xf6: {  	v7 =	vld [tilespmem:s20+$0x12080];
	v4 =	vadd.s32 v11, v4;
	v5 =	vadd.s32 v17, v5  }
0xf7: {  	v11 =	vadd.s32 v63, v4;
	v4 =	vld [tilespmem:s20+$0x13080];
	v5 =	vadd.s32 v18, v5  }
0xf8: {  	v8 =	vadd.s32 v8, v11;
	v6 =	vadd.s32 v6, v5;
	v5 =	vld [tilespmem:s20+$0x14080]  }
0xf9: {  	v8 =	vadd.s32 v9, v8;
	v11 =	vadd.s32 v19, v6;
	v6 =	vld [tilespmem:s20+$0x15080]  }
0xfa: {  	s21 =	simm.s32 $0x0;
	s22 =	simm.s32 $0x20;
	v9 =	vadd.s32 v10, v8;
	v8 =	vld [tilespmem:s20+$0x16080];
	[tilespmem:s18+$0x18090] =	vst v11  }
.LBB2_10:
0xfb: {  	v7 =	vadd.s32 v7, v9;
	v9 =	vld [tilespmem:s20+$0x17080];
	s20 =	sand.u32 $0xFE0, s22;
	s19 =	sadd.s32 $0x80, s19  }
0xfc: {  	s23 =	sshra.s32 s19, $0x2;
	v10 =	vld [tilespmem:s20+$0x9080];
	v4 =	vadd.s32 v4, v7  }
0xfd: {  	s21 =	sadd.s32 $0x2, s21;
	v7 =	vld [tilespmem:s23+$0x8090];
	v4 =	vadd.s32 v5, v4  }
0xfe: {  	p0 =	slt.u32 s21, $0xFE;
	v5 =	vld [tilespmem:s23+$0x9090];
	v4 =	vadd.s32 v6, v4  }
0xff: {  	v6 =	vld [tilespmem:s23+$0xA090];
	v4 =	vadd.s32 v8, v4  }
0x100: {  	v8 =	vld [tilespmem:s23+$0xB090];
	v4 =	vadd.s32 v9, v4  }
0x101: {  	v9 =	vld [tilespmem:s23+$0xC090];
	[tilespmem:s18+$0x18080] =	vst v4;
	s18 =	smov.u32 s23  }
0x102: {  	v4 =	vld [tilespmem:s18+$0xD090]  }
0x103: {  	v5 =	vadd.s32 v7, v5;
	v7 =	vld [tilespmem:s18+$0xE090]  }
0x104: {  	v5 =	vadd.s32 v6, v5;
	v6 =	vld [tilespmem:s18+$0xF090]  }
0x105: {  	v5 =	vadd.s32 v8, v5;
	v8 =	vld [tilespmem:s18+$0x10090]  }
0x106: {  	v5 =	vadd.s32 v9, v5;
	v9 =	vld [tilespmem:s18+$0x11090]  }
0x107: {  	v4 =	vadd.s32 v4, v5;
	v5 =	vld [tilespmem:s18+$0x12090]  }
0x108: {  	v4 =	vadd.s32 v7, v4;
	v7 =	vld [tilespmem:s18+$0x13090]  }
0x109: {  	v4 =	vadd.s32 v6, v4;
	v6 =	vld [tilespmem:s18+$0x14090]  }
0x10a: {  	v4 =	vadd.s32 v8, v4;
	v8 =	vld [tilespmem:s18+$0x15090]  }
0x10b: {  	v4 =	vadd.s32 v9, v4;
	v9 =	vld [tilespmem:s18+$0x16090]  }
0x10c: {  	v4 =	vadd.s32 v5, v4;
	v5 =	vld [tilespmem:s18+$0x17090]  }
0x10d: {  	v11 =	vld [tilespmem:s18+$0x8080];
	v4 =	vadd.s32 v7, v4  }
0x10e: {  	v7 =	vld [tilespmem:s20+$0xA080];
	v4 =	vadd.s32 v6, v4  }
0x10f: {  	v6 =	vld [tilespmem:s20+$0xB080];
	v4 =	vadd.s32 v8, v4  }
0x110: {  	v8 =	vld [tilespmem:s20+$0xC080];
	v4 =	vadd.s32 v9, v4  }
0x111: {  	v9 =	vld [tilespmem:s20+$0xD080];
	v4 =	vadd.s32 v5, v4  }
0x112: {  	v5 =	vadd.s32 v11, v10;
	v10 =	vld [tilespmem:s20+$0xE080];
	[tilespmem:s18+$0x18090] =	vst v4  }
0x113: {  	v4 =	vadd.s32 v7, v5;
	v5 =	vld [tilespmem:s20+$0xF080]  }
0x114: {  	v4 =	vadd.s32 v6, v4;
	v6 =	vld [tilespmem:s20+$0x10080]  }
0x115: {  	v4 =	vadd.s32 v8, v4;
	v8 =	vld [tilespmem:s20+$0x11080]  }
.Ltmp4:
0x116: {  	v4 =	vadd.s32 v9, v4;
	v7 =	vld [tilespmem:s20+$0x12080];
	(pc) =	sbr.rel @p0 .LBB2_10-.Ltmp4, $4  }
0x117: {  	v9 =	vadd.s32 v10, v4;
	v4 =	vld [tilespmem:s20+$0x13080]  }
0x118: {  	v9 =	vadd.s32 v5, v9;
	v5 =	vld [tilespmem:s20+$0x14080]  }
0x119: {  	v9 =	vadd.s32 v6, v9;
	v6 =	vld [tilespmem:s20+$0x15080]  }
0x11a: {  	s22 =	sadd.s32 $0x20, s22;
	v9 =	vadd.s32 v8, v9;
	v8 =	vld [tilespmem:s20+$0x16080]  }
0x11b: {  	v7 =	vadd.s32 v7, v9;
	v63 =	vld [tilespmem:s20+$0x17080]  }
0x11c: {  	v4 =	vadd.s32 v4, v7  }
0x11d: {  	v4 =	vadd.s32 v5, v4  }
0x11e: {  	v4 =	vadd.s32 v6, v4  }
0x11f: {  	s17 =	sadd.s32 $0x1, s17;
	v4 =	vadd.s32 v8, v4  }
0x120: {  	p0 =	sne.s32 s17, s7;
	v4 =	vadd.s32 v63, v4  }
.Ltmp5:
0x121: {  	[tilespmem:s18+$0x18080] =	vst v4;
	(pc) =	sbr.rel @p0 .LBB2_1-.Ltmp5, $4  }
0x122: {  	[hbm4b:s6+s14] =	stream.strided.scatter [tilespmem:s16], [sflag:$0x3], $0x1000, s15, s14, $0x38;
	[tilespmem:$0x19080] =	vst v63  }
0x123: {  	_ =	swait.ge [sflag:s9], $0x1000  }
0x124: {  	[sflag:s9] =	ssyncset.done $0x0  }
0x125: {  	[sflag:s9] =	ssyncadd.s32 $0xFFFFF000  }
0x126: {  	_ =	sfence.sel $0x180000  }
0x127: {  	[bflag:$0x0] =	sbarrier.arrive $0xFFFF  }
0x128: {  	p0 =	sne.s32 s0, $0x0;
	_ =	strace $0x90000047  }
0x129: {  	s0 =	sadd.s32 @!p0 $0x100000, s1;
	[bflag:$0x2] =	sbarrier.arrive $0xFFFF  }
0x12a: {  	[sflag:s0] =	ssyncadd.tile.s32 @!p0 $0x1;
	_ =	shalt  }
.Lfunc_end2:
_tile_overlayer_lowered:
.L_overlay_start_2:
0x12b: {  	(tag) =	ssettag $0x2  }
0x12c: {  	s0 =	rddreg [dreg:$0x0];
	s2 =	stileid.u32  }
0x12d: {  	s1 =	rddreg [dreg:$0x1];
	p0 =	sne.s32 s2, $0x0  }
0x12e: {  	s3 =	rddreg [dreg:$0x2];
	[bflag:$0x3] =	sbarrier.arrive $0xFFFF;
	s2 =	simm.s32 @!p0 $0x1C03  }
0x12f: {  	[timem:s3], [sflag:s2] =	dma.local @!p0 [hbm:s0], s1  }
0x130: {  	s0 =	simm.s32 @!p0 $0x3  }
0x131: {  	_ =	swait.ge @!p0 [sflag:s0], s1  }
0x132: {  	s1 =	ssub.s32 @!p0 $0x0, s1;
	[sflag:s0] =	ssyncset.done @!p0 $0x0  }
0x133: {  	[sflag:s0] =	ssyncadd.s32 @!p0 s1  }
0x134: {  	[bflag:$0x3] =	sbarrier.arrive $0xFFFF  }
0x135: {  	_ =	shalt  }

// kernel: branch_1_fun.9.cloned.1.call-start
scs
__scs_entry_jumppad:
0x0: {  	(pc) =	sbr.rel $0x88, $3  }
0x1: {  	(tag) =	ssettag $0x0;
	lr =	simm.s32 $0x1  }
0x2: {  	[smem:$0x3F9F] =	sst lr;
	_ =	strace $0xD0000000  }
0x3: {  	_ = 	snop  }
0x4: {  	_ = 	snop  }
0x5: {  	_ = 	snop  }
0x6: {  	_ = 	snop  }
0x7: {  	_ = 	snop  }
__scs_overlays_trampoline_lowered:
0x8: {  	[smem:$0x3FAE] =	sst s0  }
0x9: {  	[smem:$0x3FAF] =	sst s1  }
0xa: {  	[smem:$0x3FB0] =	sst s2  }
0xb: {  	[smem:$0x3FB1] =	sst s3  }
0xc: {  	[smem:$0x3FB2] =	sst s4  }
0xd: {  	[smem:$0x3FB3] =	sst s5  }
0xe: {  	[smem:$0x3FB4] =	sst s6  }
0xf: {  	[smem:$0x3FB5] =	sst s7  }
0x10: {  	[smem:$0x3FB6] =	sst s8  }
0x11: {  	[smem:$0x3FB7] =	sst s9;
	s0 =	simm.s32 @!p0 $0x0  }
0x12: {  	s1 =	sld [smem:$0x3F9D];
	s0 =	simm.s32 @p0 $0x1  }
0x13: {  	[smem:$0x3FB8] =	sst s0;
	s0 =	simm.s32 @!p1 $0x0  }
0x14: {  	s2 =	sld [smem:$0x3F9C];
	s0 =	simm.s32 @p1 $0x1  }
0x15: {  	[smem:$0x3FB9] =	sst s0;
	s0 =	simm.s32 @!p2 $0x0  }
0x16: {  	s3 =	sld [smem:$0x3FDB];
	s0 =	simm.s32 @p2 $0x1  }
0x17: {  	s4 =	simm.s32 $0x1BF5;
	[smem:$0x3FBB] =	sst s0  }
0x18: {  	s0 =	sld [smem:$0x3F9E];
	_ =	swait.ge [sflag:s4], $0x0  }
0x19: {  	s7 =	sld [smem:$0x3F9F]  }
0x1a: {  	s8 =	sadd.s32 $0xFFFFE003, lr  }
0x1b: {  	s9 =	sadd.s32 $0xFFFFFEF7, lr;
	s5 =	simm.s32 $0xFFFFFFFF;
	p2 =	slt.u32 s8, $0xFFFFF086  }
0x1c: {  	p1 =	slt.u32 s9, $0xF7A;
	s5 =	simm.s32 @!p2 $0x0  }
0x1d: {  	s5 =	simm.s32 @p1 $0x1;
	p0 =	seq.s32 s7, s2  }
0x1e: {  	s7 =	smul.u32 @!p0 $0xF7A, s2;
	p2 =	seq.s32 @!p0 s5, $0x0  }
0x1f: {  	s9 =	smul.u32 $0xF7A, s1;
	s8 =	simm.s32 @!p0 $0x1BF5;
	p2 =	por !p2, p0  }
0x20: {  	[sflag:s8] =	ssyncset.s32 @!p0 $0xFFFFF086;
	s6 =	sadd.s32 @!p0 s3, s7;
	s7 =	simm.s32 @!p0 $0x108  }
0x21: {  	s3 =	sadd.s32 s3, s9;
	s6 =	sadd.s32 @!p0 $0x88, s6;
	s7 =	simm.s32 @p2 $0x1082  }
0x22: {  	[simem:s7], [sflag:s8] =	dma.local @!p0 [hbm:s6], $0xF7A  }
0x23: {  	s9 =	sor.u32 $0xD0000000, s2;
	s6 =	simm.s32 $0x108;
	_ =	swait.ge @!p0 [sflag:s8], $0x0  }
0x24: {  	s3 =	sadd.s32 $0x88, s3;
	s6 =	simm.s32 @!p1 $0x1082;
	[sflag:s4] =	ssyncset.s32 $0xFFFFF086  }
0x25: {  	[simem:s6], [sflag:s4] =	dma.local [hbm:s3], $0xF7A  }
0x26: {  	[smem:$0x3F9F] =	sst s1;
	(tag) =	ssettag s2;
	_ =	strace s9  }
0x27: {  	s1 =	sld [smem:$0x3FAF]  }
0x28: {  	s2 =	sld [smem:$0x3FB0]  }
0x29: {  	s4 =	sld [smem:$0x3FB2]  }
0x2a: {  	p0 =	seq.s32 s5, $0x0;
	s5 =	sld [smem:$0x3FB3]  }
0x2b: {  	s6 =	sld [smem:$0x3FB4]  }
0x2c: {  	s7 =	sld [smem:$0x3FB5]  }
0x2d: {  	s3 =	simm.s32 $0x108;
	s8 =	sld [smem:$0x3FB6]  }
0x2e: {  	s3 =	simm.s32 @!p0 $0x1082;
	s9 =	sld [smem:$0x3FB7]  }
0x2f: {  	lr =	sadd.s32 s0, s3;
	s0 =	sld [smem:$0x3FAE]  }
0x30: {  	s3 =	sld [smem:$0x3FB1]  }
0x31: {  	[smem:$0x3FBA] =	sst s10  }
0x32: {  	s10 =	sld [smem:$0x3FB8];
	_ =	sdelay $0x3  }
0x33: {  	p0 =	seq.s32 s10, $0x1;
	s10 =	sld [smem:$0x3FBA];
	_ =	sdelay $0x3  }
0x34: {  	[smem:$0x3FBA] =	sst s10  }
0x35: {  	s10 =	sld [smem:$0x3FB9];
	_ =	sdelay $0x3  }
0x36: {  	p1 =	seq.s32 s10, $0x1;
	s10 =	sld [smem:$0x3FBA];
	_ =	sdelay $0x3  }
0x37: {  	[smem:$0x3FBA] =	sst s10  }
0x38: {  	s10 =	sld [smem:$0x3FBB]  }
0x39: {  	_ = 	snop;
	(pc) =	sbr.ind lr, $3  }
0x3a: {  	_ = 	snop  }
0x3b: {  	_ = 	snop  }
0x3c: {  	p2 =	seq.s32 s10, $0x1;
	s10 =	sld [smem:$0x3FBA]  }
0x3d: {  	_ =	shalt  }
0x3e: {  	_ =	shalt  }
0x3f: {  	_ =	shalt  }
0x40: {  	_ =	shalt  }
0x41: {  	_ =	shalt  }
0x42: {  	_ =	shalt  }
0x43: {  	_ =	shalt  }
0x44: {  	_ =	shalt  }
0x45: {  	_ =	shalt  }
0x46: {  	_ =	shalt  }
0x47: {  	_ =	shalt  }
0x48: {  	_ =	shalt  }
0x49: {  	_ =	shalt  }
0x4a: {  	_ =	shalt  }
0x4b: {  	_ =	shalt  }
0x4c: {  	_ =	shalt  }
0x4d: {  	_ =	shalt  }
0x4e: {  	_ =	shalt  }
0x4f: {  	_ =	shalt  }
0x50: {  	_ =	shalt  }
0x51: {  	_ =	shalt  }
0x52: {  	_ =	shalt  }
0x53: {  	_ =	shalt  }
0x54: {  	_ =	shalt  }
0x55: {  	_ =	shalt  }
0x56: {  	_ =	shalt  }
0x57: {  	_ =	shalt  }
0x58: {  	_ =	shalt  }
0x59: {  	_ =	shalt  }
0x5a: {  	_ =	shalt  }
0x5b: {  	_ =	shalt  }
0x5c: {  	_ =	shalt  }
0x5d: {  	_ =	shalt  }
0x5e: {  	_ =	shalt  }
0x5f: {  	_ =	shalt  }
0x60: {  	_ =	shalt  }
0x61: {  	_ =	shalt  }
0x62: {  	_ =	shalt  }
0x63: {  	_ =	shalt  }
0x64: {  	_ =	shalt  }
0x65: {  	_ =	shalt  }
0x66: {  	_ =	shalt  }
0x67: {  	_ =	shalt  }
0x68: {  	_ =	shalt  }
0x69: {  	_ =	shalt  }
0x6a: {  	_ =	shalt  }
0x6b: {  	_ =	shalt  }
0x6c: {  	_ =	shalt  }
0x6d: {  	_ =	shalt  }
0x6e: {  	_ =	shalt  }
0x6f: {  	_ =	shalt  }
0x70: {  	_ =	shalt  }
0x71: {  	_ =	shalt  }
0x72: {  	_ =	shalt  }
0x73: {  	_ =	shalt  }
0x74: {  	_ =	shalt  }
0x75: {  	_ =	shalt  }
0x76: {  	_ =	shalt  }
0x77: {  	_ =	shalt  }
0x78: {  	_ =	shalt  }
0x79: {  	_ =	shalt  }
0x7a: {  	_ =	shalt  }
0x7b: {  	_ =	shalt  }
0x7c: {  	_ =	shalt  }
0x7d: {  	_ =	shalt  }
0x7e: {  	_ =	shalt  }
0x7f: {  	_ =	shalt  }
0x80: {  	_ =	shalt  }
0x81: {  	_ =	shalt  }
0x82: {  	_ =	shalt  }
0x83: {  	_ =	shalt  }
0x84: {  	_ =	shalt  }
0x85: {  	_ =	shalt  }
0x86: {  	_ =	shalt  }
0x87: {  	_ =	shalt  }
.Lfunc_end0:
.L_simem_size_0:
called_computation.1_lowered:
.L_overlay_start_0:
0x88: {  	s2 =	sld [smem:$0x3FD9]  }
0x89: {  	s3 =	sld [smem:$0x3FFE];
	_ =	sdelay $0x1  }
0x8a: {  	s1 =	srdreg.scid  }
0x8b: {  	s0 =	sand.u32 $0x1, s1  }
0x8c: {  	s14 =	sshll.u32 s0, $0xA;
	s2 =	sadd.s32 s3, s2  }
0x8d: {  	s2 =	sadd.s32 s2, s14  }
0x8e: {  	[smem:$0x3FC6] =	sst s2  }
0x8f: {  	_ = 	snop  }
0x90: {  	s2 =	sld [smem:$0x3FD0];
	_ =	sdelay $0x2  }
0x91: {  	s15 =	simm.s32 $0xA;
	s4 =	simm.s32 $0x10  }
0x92: {  	[smem:s4], [sflag:s15] =	dma.local [hbm:s2], $0x1  }
0x93: {  	_ =	swait.eq [sflag:s15], $0x1  }
0x94: {  	[sflag:s15] =	ssyncset.done $0x0  }
0x95: {  	[sflag:s15] =	ssyncadd.s32 $0xFFFFFFFF  }
0x96: {  	s16 =	sld [smem:$0x10];
	(tm) =	ssettm $0x1  }
0x97: {  	s17 =	sld [smem:$0x3FFB];
	_ =	sdelay $0x3  }
0x98: {  	_ =	strace s17  }
0x99: {  	s3 =	sld [smem:$0x3FFC];
	_ =	sdelay $0x3  }
0x9a: {  	_ =	strace s3  }
0x9b: {  	s3 =	sld [smem:$0x3FFD];
	_ =	sdelay $0x3  }
0x9c: {  	_ =	strace s3  }
0x9d: {  	_ =	strace $0x8FFFFFFF  }
0x9e: {  	s18 =	sld [smem:$0x3FDB];
	_ =	sdelay $0x1  }
0x9f: {  	s19 =	simm.s32 $_scs_section_size  }
0xa0: {  	s5 =	simm.s32 $_size__tile_overlayer_lowered;
	s6 =	simm.s32 $_tile_overlayer_lowered  }
0xa1: {  	s22 =	simm.s32 $0x1BFF;
	s21 =	sshll.u32 s6, $0x1;
	s3 =	sadd.s32 s19, s18  }
0xa2: {  	s7 =	simm.s32 $0x0;
	s20 =	sshll.u32 s5, $0x1;
	s5 =	sadd.s32 s21, s3  }
0xa3: {  	[timem:s7], [sflag:s22] =	dma.local [hbm:s5], s20  }
0xa4: {  	_ =	swait.ge [sflag:s22], s20  }
0xa5: {  	s4 =	ssub.s32 $0x0, s20;
	[sflag:s22] =	ssyncset.done $0x0  }
0xa6: {  	[sflag:s22] =	ssyncadd.s32 s4;
	_ =	sdelay $0x1  }
0xa7: {  	s23 =	simm.s32 $0x1B8B  }
0xa8: {  	_ =	swait.ge [sflag:s23], $0x1  }
0xa9: {  	[sflag:s23] =	ssyncset.done $0x0  }
0xaa: {  	s25 =	simm.s32 $0x1B8E;
	s24 =	sld [smem:$0x3FFE];
	[sflag:s23] =	ssyncadd.s32 $0xFFFFFFFF  }
0xab: {  	s26 =	simm.s32 $execute0_lowered;
	[smem:$0x3FD2] =	sst s25  }
0xac: {  	s5 =	sshll.u32 s26, $0x1;
	_ =	strace $0x80000049;
	[dreg:$0x1] =	wrdreg $0xFFFFFFFF  }
0xad: {  	s28 =	simm.s32 $_size_execute0_lowered;
	s3 =	sadd.s32 s3, s5;
	[dreg:$0x0] =	wrdreg $0x0  }
0xae: {  	s5 =	sshll.u32 s28, $0x1;
	[dreg:$0x2] =	wrdreg s3  }
0xaf: {  	[dreg:$0x3] =	wrdreg s5  }
0xb0: {  	[dreg:$0x4] =	wrdreg $0xC0  }
0xb1: {  	_ =	task [dreg:s7], $0x5FFFF  }
0xb2: {  	[dreg:$0x1] =	wrdreg $0xFFFFFFFF  }
0xb3: {  	[dreg:$0x0] =	wrdreg $0x60  }
0xb4: {  	[dreg:$0x2] =	wrdreg s24  }
0xb5: {  	[dreg:$0x3] =	wrdreg s16  }
0xb6: {  	[dreg:$0x4] =	wrdreg $0x9  }
0xb7: {  	_ =	task.clear_ibuf [dreg:s7], $0x5FFFF;
	_ =	strace $0x90000049  }
0xb8: {  	s29 =	simm.s32 $0x9;
	_ =	strace $0x8000004B  }
0xb9: {  	_ =	swait.ge [sflag:s29], $0x1  }
0xba: {  	[sflag:s29] =	ssyncadd.s32 $0xFFFFFFFF  }
0xbb: {  	_ =	strace $0x9000004B  }
0xbc: {  	_ =	sfence  }
0xbd: {  	s30 =	sld [smem:$0x0];
	_ =	sdelay $0x2  }
0xbe: {  	s31 =	sshll.u32 s1, $0xD;
	s1 =	sshrl.u32 s1, $0x2  }
0xbf: {  	s3 =	sand.u32 $0x4000, s31;
	s1 =	sadd.s32 s1, s30  }
0xc0: {  	s0 =	sor.u32 s3, s0;
	s1 =	sshll.u32 s1, $0x11  }
0xc1: {  	s0 =	sor.u32 s1, s0  }
0xc2: {  	s0 =	sadd.s32 $0x8F2B, s0  }
0xc3: {  	[sflag:s0] =	ssyncadd.remote.s32 $0x1  }
0xc4: {  	_ =	sfence.sel $0xFFFF  }
0xc5: {  	[dreg:$0x0] =	wrdreg $0xFFFFFFFF;
	(pc) =	sbr.abs _section_cstart, $3  }
0xc6: {  	[dreg:$0x1] =	wrdreg $0xFFFFFFFF  }
0xc7: {  	_ =	task.clear_ibuf [dreg:s7], $0x2FFFF;
	_ =	strace $0x9FFFFFFF  }
0xc8: {  	(tm) =	ssettm $0x7FFFFFFF  }
0xc9: {  	_ =	shalt  }
tec
execute0_lowered:
.L_overlay_start_1:
0x0: {  	(tag) =	ssettag $0x1  }
0x1: {  	s3 =	rddreg [dreg:$0x0];
	s1 =	srdreg.scid  }
0x2: {  	s0 =	stileid.u32;
	s6 =	rddreg [dreg:$0x1];
	s2 =	simm.s32 $0x0  }
0x3: {  	s11 =	simm.s32 $0x1;
	s4 =	sand.u32 $0x1, s1;
	s5 =	sshll.u32 s0, $0x1  }
0x4: {  	v1 =	vlaneseq.u32;
	s12 =	simm.s32 $0x8080;
	s13 =	simm.s32 $0x2;
	s5 =	sor.u32 s4, s5  }
0x5: {  	s14 =	simm.s32 $0x8180;
	s1 =	rddreg [dreg:$0x2];
	v0 =	vmul.u32 $0xFFFFFFFF, v1;
	s9 =	sshll.u32 s5, $0x11  }
0x6: {  	s15 =	simm.s32 $0x0;
	[smem:$0x7FF] =	sst s2;
	s9 =	sxor.u32 $0x3FFFFF, s9  }
0x7: {  	v1 =	vmul.u32 $0x10, v1;
	_ =	strace $0x8000004A;
	s4 =	ssub.s32 $0x2, s4;
	s7 =	sshll.u32 s5, $0xE;
	v0 =	vadd.s32 s9, v0  }
0x8: {  	s8 =	sshrl.u32 s4, $0x1;
	s10 =	sshll.u32 s5, $0x4;
	s7 =	sadd.s32 s7, s3;
	v2 =	vand.u32 $0xF, v0  }
0x9: {  	s3 =	sadd.s32 $0x83C00, s3;
	s8 =	ssub.s32 s4, s8;
	s6 =	sadd.s32 s6, s10;
	v1 =	vor.u32 v1, v2  }
0xa: {  	s10 =	simm.s32 $0x4000;
	s4 =	sadd.s32 $0x3800, s7;
	s5 =	sadd.s32 $0x4800, s7  }
0xb: {  	v3 =	vimm.s32 $0x1;
	s7 =	smax.u32 s8, $0x1;
	s8 =	simm.s32 $0x8000;
	s9 =	simm.s32 $0x3;
	v2 =	vimm.s32 $0x0  }
.LBB2_1:
0xc: {  	[tilespmem:s8], [sflag:$0x3] =	stream.linear.gather [hbm4b:s3+s2], $0x80, $0x38;
	[tilespmem:$0x8200] =	vst v63  }
0xd: {  	_ =	swait.ge [sflag:s9], $0x80  }
0xe: {  	[sflag:s9] =	ssyncset.done $0x0  }
0xf: {  	[sflag:s9] =	ssyncadd.s32 $0xFFFFFF80  }
0x10: {  	p0 =	por $0x1, $0x1;
	s16 =	simm.s32 $0x0;
	v4 =	vld [tilespmem:$0x8000]  }
.LBB2_2:
0x11: {  	s16 =	sshra.s32 s16, $0x2  }
0x12: {  	[tilespmem:s16+$0x8080] =	vst v2  }
0x13: {  	[tilespmem:s16+$0x8090] =	vst v2  }
0x14: {  	p1 =	por p0, p0;
	[tilespmem:s16+$0x80A0] =	vst v2  }
.Ltmp0:
0x15: {  	[tilespmem:s16+$0x80B0] =	vst v2;
	(pc) =	sbr.rel @p1 .LBB2_2-.Ltmp0, $4  }
0x16: {  	[tilespmem:s16+$0x80C0] =	vst v2  }
0x17: {  	[tilespmem:s16+$0x80D0] =	vst v2  }
0x18: {  	[tilespmem:s16+$0x80E0] =	vst v2  }
0x19: {  	p0 =	por $0x0, $0x0;
	[tilespmem:s16+$0x80F0] =	vst v2;
	s16 =	simm.s32 $0x200  }
0x1a: {  	(v2sf) =	vpush v4, $0x0  }
0x1b: {  	(v2sf) =	vpush v4, $0x1  }
0x1c: {  	(v2sf) =	vpush v4, $0x2  }
0x1d: {  	(v2sf) =	vpush v4, $0x3;
	_ =	sdelay $0xb  }
0x1e: {  	s16 =	spop (v2sf)  }
0x1f: {  	s17 =	spop (v2sf)  }
0x20: {  	s16 =	sshll.u32 s16, $0x12;
	s18 =	spop (v2sf);
	s17 =	sshll.u32 s17, $0x6  }
0x21: {  	s19 =	spop (v2sf);
	s17 =	sor.u32 s17, s16;
	s30 =	sshll.u32 s18, $0xC  }
0x22: {  	s18 =	sshra.s32 s18, $0x6;
	s16 =	simm.s32 $0x0;
	s20 =	sand.u32 $0x3F000, s30  }
0x23: {  	[tilespmem:s16], [sflag:$0x1] =	stream.linear.gather [hbm4b:s4+s16], $0x4000, $0x38;
	[tilespmem:$0x8200] =	vst v63  }
0x24: {  	s17 =	sor.u32 s18, s17;
	s31 =	sor.u32 s19, s20  }
0x25: {  	s18 =	simm.s32 $0x4070;
	v4 =	vmov s17;
	s17 =	simm.s32 $0x70;
	s19 =	simm.s32 $0x0;
	v5 =	vmov s31  }
.LBB2_5:
0x26: {  	s20 =	sshll.u32 s19, $0xC;
	s21 =	sadd.s32 $0xFFFFFFD0, s17;
	s22 =	sadd.s32 $0xFFFFFFE0, s17  }
0x27: {  	s25 =	sadd.s32 $0xFFFFFF90, s17;
	s26 =	sadd.s32 $0xFFFFFFC0, s17;
	s20 =	sadd.s32 s20, s4  }
0x28: {  	s28 =	sadd.s32 $0xFFFFFFF0, s17;
	v12 =	vmov s17;
	s29 =	sadd.s32 $0xFFFFFFB0, s17;
	v6 =	vmov s21;
	v7 =	vmov s22;
	s20 =	sadd.s32 $0x800, s20  }
0x29: {  	v9 =	vmov s25;
	v10 =	vmov s26;
	v11 =	vmov s28;
	[tilespmem:s10], [sflag:$0x2] =	stream.linear.gather [hbm4b:s20+s16], $0x4000, $0x38;
	[tilespmem:$0x8200] =	vst v63  }
0x2a: {  	s24 =	simm.s32 $0x0;
	v12 =	vsub.s32 v0, v12;
	v15 =	vmov s29;
	v6 =	vsub.s32 v0, v6;
	_ =	swait.ge [sflag:s11], $0x4000  }
0x2b: {  	s23 =	sand.u32 $0x3C00, s16;
	v7 =	vsub.s32 v0, v7;
	v9 =	vsub.s32 v0, v9;
	v10 =	vsub.s32 v0, v10;
	s20 =	sand.u32 $0x380, s24;
	[sflag:s11] =	ssyncset.done $0x0  }
0x2c: {  	v11 =	vsub.s32 v0, v11;
	v12 =	vshra.s32 v12, $0x4;
	v6 =	vshra.s32 v6, $0x4;
	s23 =	sor.u32 s20, s23;
	[sflag:s11] =	ssyncadd.s32 $0xFFFFC000  }
0x2d: {  	v7 =	vshra.s32 v7, $0x4;
	v10 =	vshra.s32 v10, $0x4;
	v11 =	vshra.s32 v11, $0x4;
	v8 =	vld [tilespmem:s23+$0x50]  }
0x2e: {  	s30 =	sadd.s32 $0xFFFFFFA0, s17;
	s22 =	sadd.s32 $0x80, s17;
	vm1 =	veq.s32 v12, v5;
	v9 =	vshra.s32 v9, $0x4;
	vm3 =	veq.s32 v6, v5;
	v14 =	vld [tilespmem:s23+$0x60]  }
0x2f: {  	s31 =	sadd.s32 $0xFFFFFFD0, s22;
	vm2 =	veq.s32 v7, v5;
	v6 =	vmov s30;
	vm4 =	veq.s32 v10, v5;
	v12 =	vld [tilespmem:s23+$0x20]  }
0x30: {  	s24 =	sadd.s32 $0xFFFFFFE0, s22;
	vm8 =	veq.s32 v9, v5;
	vm7 =	veq.s32 v11, v5;
	v9 =	vmov s31;
	v13 =	vld [tilespmem:s23+$0x30]  }
0x31: {  	v10 =	vmov s24;
	s30 =	sadd.s32 $0xFFFFFFB0, s22;
	v6 =	vsub.s32 v0, v6;
	v9 =	vsub.s32 v0, v9  }
0x32: {  	s26 =	sadd.s32 $0xFFFFFF90, s22;
	v10 =	vsub.s32 v0, v10;
	v63 =	vmov s30;
	v11 =	vshra.s32 v6, $0x4;
	v7 =	vld [tilespmem:s23+$0x10]  }
0x33: {  	s25 =	simm.s32 $0x400;
	s20 =	simm.s32 $0x8;
	v9 =	vshra.s32 v9, $0x4;
	v6 =	vmov s26;
	vm0 =	veq.s32 v8, v4  }
0x34: {  	s25 =	sand.u32 $0x3C00, s25;
	s24 =	sand.u32 $0x380, s20;
	v8 =	vsub.s32 v0, v15;
	vm6 =	veq.s32 v14, v4;
	vm5 =	veq.s32 v12, v4  }
0x35: {  	s29 =	sadd.s32 $0xFFFFFFF0, s22;
	s21 =	sor.u32 s24, s25;
	v14 =	vshra.s32 v10, $0x4;
	vm2 =	vmand vm2, vm0;
	vm0 =	veq.s32 v13, v4;
	v13 =	vld [tilespmem:s23+$0x0]  }
0x36: {  	s28 =	sadd.s32 $0xFFFFFFC0, s22;
	v18 =	vld [tilespmem:s21+$0x30];
	v10 =	vmov s29;
	v15 =	vsub.s32 v0, v6;
	v8 =	vshra.s32 v8, $0x4  }
0x37: {  	v19 =	vld [tilespmem:s21+$0x60];
	vm7 =	vmand vm7, vm6;
	vm6 =	veq.s32 v7, v4;
	v7 =	vmov s28  }
0x38: {  	v12 =	vld [tilespmem:s23+$0x40];
	v10 =	vsub.s32 v0, v10;
	vm0 =	vmand vm4, vm0;
	v6 =	vsub.s32 v0, v7  }
0x39: {  	vm10 =	veq.s32 v14, v5;
	v7 =	vmov s22;
	v16 =	vshra.s32 v6, $0x4;
	v6 =	vld [tilespmem:s21+$0x40]  }
0x3a: {  	vm4 =	vmmov vm1;
	v17 =	vsub.s32 v0, v7;
	vm1 =	veq.s32 v13, v4;
	v13 =	vld [tilespmem:s23+$0x70]  }
0x3b: {  	v7 =	vshra.s32 v10, $0x4;
	vm1 =	vmand vm8, vm1;
	vm8 =	veq.s32 v8, v5;
	v8 =	vld [tilespmem:s21+$0x50]  }
0x3c: {  	v10 =	vshra.s32 v17, $0x4;
	[tilespmem:v1+s12+$0x0] =	vst.idx.add.s32.msk vm2, v3;
	vm2 =	veq.s32 v11, v5;
	vm8 =	vmand vm8, vm5  }
0x3d: {  	v14 =	vsub.s32 v0, v63;
	v11 =	vld [tilespmem:s21+$0x20];
	vm5 =	veq.s32 v10, v5;
	vm2 =	vmand vm2, vm6  }
0x3e: {  	s31 =	sadd.s32 $0xFFFFFFA0, s22;
	[tilespmem:v1+s12+$0x0] =	vst.idx.add.s32.msk vm0, v3;
	vm6 =	veq.s32 v12, v4;
	v10 =	vshra.s32 v15, $0x4;
	vm0 =	veq.s32 v9, v5  }
0x3f: {  	[tilespmem:v1+s12+$0x0] =	vst.idx.add.s32.msk vm7, v3;
	v12 =	vmov s31;
	vm6 =	vmand vm3, vm6;
	vm9 =	veq.s32 v13, v4  }
0x40: {  	v9 =	vld [tilespmem:s21+$0x0];
	v13 =	vsub.s32 v0, v12;
	vm3 =	veq.s32 v8, v4;
	vm7 =	vmand vm4, vm9  }
0x41: {  	v8 =	vld [tilespmem:s21+$0x10];
	vm4 =	vmand vm10, vm3;
	vm3 =	veq.s32 v18, v4;
	vm10 =	veq.s32 v16, v5  }
0x42: {  	s22 =	sadd.s32 $0x80, s22;
	s23 =	simm.s32 $0x800;
	v12 =	vshra.s32 v14, $0x4;
	vm9 =	veq.s32 v19, v4;
	vm3 =	vmand vm10, vm3;
	[tilespmem:v1+s12+$0x0] =	vst.idx.add.s32.msk vm8, v3  }
.LBB2_6:
0x43: {  	vm12 =	veq.s32 v10, v5;
	vm10 =	veq.s32 v11, v4  }
0x44: {  	s20 =	sadd.s32 $0x8, s20;
	s25 =	sadd.s32 $0xFFFFFFD0, s22;
	s26 =	sadd.s32 $0xFFFFFFE0, s22;
	vm13 =	veq.s32 v7, v5;
	v10 =	vld [tilespmem:s21+$0x70];
	vm11 =	vmmov vm1;
	vm8 =	vmmov vm5  }
0x45: {  	s28 =	sand.u32 $0x3C00, s23;
	s24 =	sadd.s32 $0xFFFFFFA0, s22;
	s21 =	sand.u32 $0x380, s20;
	v7 =	vmov s25;
	v11 =	vmov s26;
	vm9 =	vmand vm13, vm9;
	[tilespmem:v1+s12+$0x0] =	vst.idx.add.s32.msk vm6, v3  }
0x46: {  	v13 =	vshra.s32 v13, $0x4;
	p0 =	slt.u32 s20, $0x3F8;
	s21 =	sor.u32 s21, s28;
	v7 =	vsub.s32 v0, v7;
	v11 =	vsub.s32 v0, v11;
	[tilespmem:v1+s12+$0x0] =	vst.idx.add.s32.msk vm7, v3  }
0x47: {  	vm6 =	veq.s32 v8, v4;
	v14 =	vshra.s32 v7, $0x4;
	vm1 =	veq.s32 v9, v4;
	[tilespmem:v1+s12+$0x0] =	vst.idx.add.s32.msk vm2, v3  }
0x48: {  	s25 =	sadd.s32 $0xFFFFFF90, s22;
	s26 =	sadd.s32 $0xFFFFFFC0, s22;
	s28 =	sadd.s32 $0xFFFFFFF0, s22;
	v9 =	vshra.s32 v11, $0x4;
	vm2 =	veq.s32 v12, v5;
	v8 =	vld [tilespmem:s21+$0x50];
	vm1 =	vmand vm12, vm1  }
0x49: {  	v7 =	vmov s25;
	v11 =	vmov s26;
	v12 =	vmov s28;
	[tilespmem:v1+s12+$0x0] =	vst.idx.add.s32.msk vm4, v3  }
0x4a: {  	v15 =	vsub.s32 v0, v7;
	v7 =	vsub.s32 v0, v11;
	v11 =	vmov s22;
	[tilespmem:v1+s12+$0x0] =	vst.idx.add.s32.msk vm11, v3  }
0x4b: {  	v16 =	vshra.s32 v7, $0x4;
	v7 =	vsub.s32 v0, v12;
	v11 =	vsub.s32 v0, v11;
	v17 =	vld [tilespmem:s21+$0x40]  }
0x4c: {  	s25 =	sadd.s32 $0xFFFFFFB0, s22;
	vm10 =	vmand vm2, vm10;
	v7 =	vshra.s32 v7, $0x4;
	v11 =	vshra.s32 v11, $0x4;
	v12 =	vld [tilespmem:s21+$0x30]  }
0x4d: {  	v18 =	vmov s25;
	vm2 =	veq.s32 v13, v5;
	vm5 =	veq.s32 v11, v5;
	v19 =	vld [tilespmem:s21+$0x60]  }
0x4e: {  	vm2 =	vmand vm2, vm6;
	vm4 =	veq.s32 v10, v4;
	[tilespmem:v1+s12+$0x0] =	vst.idx.add.s32.msk vm3, v3;
	vm3 =	veq.s32 v6, v4  }
.Ltmp1:
0x4f: {  	v10 =	vshra.s32 v15, $0x4;
	v11 =	vld [tilespmem:s21+$0x20];
	vm6 =	vmand vm0, vm3;
	vm0 =	veq.s32 v14, v5;
	(pc) =	sbr.rel @p0 .LBB2_6-.Ltmp1, $4  }
0x50: {  	vm11 =	veq.s32 v9, v5;
	vm7 =	vmand vm8, vm4;
	vm3 =	veq.s32 v8, v4;
	[tilespmem:v1+s12+$0x0] =	vst.idx.add.s32.msk vm9, v3  }
0x51: {  	v13 =	vmov s24;
	v14 =	vsub.s32 v0, v18;
	vm4 =	vmand vm11, vm3;
	v6 =	vmovc v17;
	v8 =	vld [tilespmem:s21+$0x10]  }
0x52: {  	vm8 =	veq.s32 v16, v5;
	vm3 =	veq.s32 v12, v4;
	v9 =	vld [tilespmem:s21+$0x0];
	vm9 =	veq.s32 v19, v4  }
0x53: {  	s23 =	sadd.s32 $0x400, s23;
	s22 =	sadd.s32 $0x80, s22;
	v13 =	vsub.s32 v0, v13;
	v12 =	vshra.s32 v14, $0x4;
	vm3 =	vmand vm8, vm3;
	[tilespmem:v1+s12+$0x0] =	vst.idx.add.s32.msk vm10, v3  }
0x54: {  	_ =	sdelay $0x1  }
0x55: {  	v14 =	vld [tilespmem:s21+$0x70]  }
0x56: {  	vm1 =	vmmov vm1  }
0x57: {  	vm11 =	veq.s32 v7, v5  }
0x58: {  	vm10 =	veq.s32 v11, v4;
	[tilespmem:v1+s12+$0x0] =	vst.idx.add.s32.msk vm6, v3;
	vm6 =	veq.s32 v12, v5;
	vm9 =	vmand vm11, vm9  }
0x59: {  	vm5 =	vmmov vm5;
	[tilespmem:v1+s12+$0x0] =	vst.idx.add.s32.msk vm7, v3;
	vm7 =	veq.s32 v6, v4;
	vm6 =	vmand vm6, vm10  }
0x5a: {  	v7 =	vshra.s32 v13, $0x4;
	[tilespmem:v1+s12+$0x0] =	vst.idx.add.s32.msk vm2, v3;
	vm0 =	vmand vm0, vm7;
	vm2 =	veq.s32 v14, v4  }
0x5b: {  	[tilespmem:v1+s12+$0x0] =	vst.idx.add.s32.msk vm4, v3;
	vm4 =	veq.s32 v7, v5;
	vm7 =	veq.s32 v8, v4;
	vm2 =	vmand vm5, vm2  }
0x5c: {  	vm8 =	veq.s32 v10, v5;
	vm10 =	veq.s32 v9, v4;
	[tilespmem:v1+s12+$0x0] =	vst.idx.add.s32.msk vm1, v3;
	vm1 =	vmand vm4, vm7  }
0x5d: {  	[tilespmem:v1+s12+$0x0] =	vst.idx.add.s32.msk vm3, v3;
	vm5 =	vmand vm8, vm10  }
0x5e: {  	[tilespmem:v1+s12+$0x0] =	vst.idx.add.s32.msk vm9, v3  }
0x5f: {  	[tilespmem:v1+s12+$0x0] =	vst.idx.add.s32.msk vm6, v3  }
0x60: {  	p0 =	seq.s32 s19, $0x3;
	[tilespmem:v1+s12+$0x0] =	vst.idx.add.s32.msk vm0, v3  }
0x61: {  	s31 =	simm.s32 $0x0;
	s22 =	sadd.s32 $0xFFFFFFD0, s18;
	s23 =	sadd.s32 $0xFFFFFFE0, s18;
	[tilespmem:v1+s12+$0x0] =	vst.idx.add.s32.msk vm2, v3  }
0x62: {  	s26 =	sadd.s32 $0xFFFFFFC0, s18;
	s28 =	sadd.s32 $0xFFFFFFF0, s18;
	v12 =	vmov s18;
	s20 =	sshll.u32 @!p0 s19, $0xC;
	[tilespmem:v1+s12+$0x0] =	vst.idx.add.s32.msk vm1, v3  }
0x63: {  	s29 =	sadd.s32 $0xFFFFFFB0, s18;
	s21 =	simm.s32 @!p0 $0x0;
	v6 =	vmov s22;
	v7 =	vmov s23;
	v10 =	vmov s26;
	s20 =	sadd.s32 @!p0 s20, s5;
	[tilespmem:v1+s12+$0x0] =	vst.idx.add.s32.msk vm5, v3  }
0x64: {  	v11 =	vmov s28;
	v12 =	vsub.s32 v0, v12;
	v15 =	vmov s29;
	[tilespmem:s21], [sflag:$0x1] =	stream.linear.gather @!p0 [hbm4b:s20+s21], $0x4000, $0x38;
	[tilespmem:$0x8200] =	vst v63  }
0x65: {  	s24 =	simm.s32 $0x0;
	s25 =	sadd.s32 $0xFFFFFF90, s18;
	v6 =	vsub.s32 v0, v6;
	v7 =	vsub.s32 v0, v7;
	v10 =	vsub.s32 v0, v10;
	_ =	swait.ge [sflag:s13], $0x4000  }
0x66: {  	v11 =	vsub.s32 v0, v11;
	v12 =	vshra.s32 v12, $0x4;
	v9 =	vmov s25;
	s21 =	sand.u32 $0x380, s24;
	s20 =	sand.u32 $0x3C00, s31;
	[sflag:s13] =	ssyncset.done $0x0  }
0x67: {  	v6 =	vshra.s32 v6, $0x4;
	v7 =	vshra.s32 v7, $0x4;
	v9 =	vsub.s32 v0, v9;
	s23 =	sor.u32 s21, s20;
	[sflag:s13] =	ssyncadd.s32 $0xFFFFC000  }
0x68: {  	v10 =	vshra.s32 v10, $0x4;
	v11 =	vshra.s32 v11, $0x4;
	v9 =	vshra.s32 v9, $0x4;
	v8 =	vld [tilespmem:s23+$0x4050]  }
0x69: {  	s30 =	sadd.s32 $0xFFFFFFA0, s18;
	s22 =	sadd.s32 $0x80, s18;
	vm4 =	veq.s32 v10, v5;
	vm8 =	veq.s32 v9, v5;
	vm3 =	vmmov vm5;
	v14 =	vld [tilespmem:s23+$0x4060]  }
0x6a: {  	vm3 =	veq.s32 v6, v5;
	v6 =	vmov s30;
	s30 =	sadd.s32 $0xFFFFFFB0, s22;
	vm1 =	veq.s32 v12, v5;
	v12 =	vld [tilespmem:s23+$0x4020]  }
0x6b: {  	s26 =	sadd.s32 $0xFFFFFF90, s22;
	vm7 =	veq.s32 v11, v5;
	v6 =	vsub.s32 v0, v6;
	v63 =	vmov s30;
	s31 =	sadd.s32 $0xFFFFFFD0, s22;
	v13 =	vld [tilespmem:s23+$0x4030]  }
0x6c: {  	v11 =	vshra.s32 v6, $0x4;
	v6 =	vmov s26;
	s24 =	sadd.s32 $0xFFFFFFE0, s22;
	v9 =	vmov s31  }
0x6d: {  	vm2 =	veq.s32 v7, v5;
	v10 =	vmov s24;
	v9 =	vsub.s32 v0, v9;
	v7 =	vld [tilespmem:s23+$0x4010]  }
0x6e: {  	s25 =	simm.s32 $0x400;
	s20 =	simm.s32 $0x8;
	v10 =	vsub.s32 v0, v10;
	v9 =	vshra.s32 v9, $0x4;
	vm0 =	veq.s32 v8, v4  }
0x6f: {  	s25 =	sand.u32 $0x3C00, s25;
	s24 =	sand.u32 $0x380, s20;
	v8 =	vsub.s32 v0, v15;
	vm6 =	veq.s32 v14, v4;
	vm5 =	veq.s32 v12, v4  }
0x70: {  	s29 =	sadd.s32 $0xFFFFFFF0, s22;
	s21 =	sor.u32 s24, s25;
	v14 =	vshra.s32 v10, $0x4;
	vm2 =	vmand vm2, vm0;
	vm0 =	veq.s32 v13, v4;
	v13 =	vld [tilespmem:s23+$0x4000]  }
0x71: {  	s28 =	sadd.s32 $0xFFFFFFC0, s22;
	v18 =	vld [tilespmem:s21+$0x4030];
	v10 =	vmov s29;
	v15 =	vsub.s32 v0, v6;
	v8 =	vshra.s32 v8, $0x4  }
0x72: {  	v19 =	vld [tilespmem:s21+$0x4060];
	vm7 =	vmand vm7, vm6;
	vm6 =	veq.s32 v7, v4;
	v7 =	vmov s28  }
0x73: {  	v12 =	vld [tilespmem:s23+$0x4040];
	v10 =	vsub.s32 v0, v10;
	vm0 =	vmand vm4, vm0;
	v6 =	vsub.s32 v0, v7  }
0x74: {  	vm10 =	veq.s32 v14, v5;
	v7 =	vmov s22;
	v16 =	vshra.s32 v6, $0x4;
	v6 =	vld [tilespmem:s21+$0x4040]  }
0x75: {  	vm4 =	vmmov vm1;
	v17 =	vsub.s32 v0, v7;
	vm1 =	veq.s32 v13, v4;
	v13 =	vld [tilespmem:s23+$0x4070]  }
0x76: {  	v7 =	vshra.s32 v10, $0x4;
	vm1 =	vmand vm8, vm1;
	vm8 =	veq.s32 v8, v5;
	v8 =	vld [tilespmem:s21+$0x4050]  }
0x77: {  	v10 =	vshra.s32 v17, $0x4;
	[tilespmem:v1+s12+$0x0] =	vst.idx.add.s32.msk vm2, v3;
	vm2 =	veq.s32 v11, v5;
	vm8 =	vmand vm8, vm5  }
0x78: {  	v14 =	vsub.s32 v0, v63;
	v11 =	vld [tilespmem:s21+$0x4020];
	vm5 =	veq.s32 v10, v5;
	vm2 =	vmand vm2, vm6  }
0x79: {  	s31 =	sadd.s32 $0xFFFFFFA0, s22;
	[tilespmem:v1+s12+$0x0] =	vst.idx.add.s32.msk vm0, v3;
	vm6 =	veq.s32 v12, v4;
	v10 =	vshra.s32 v15, $0x4;
	vm0 =	veq.s32 v9, v5  }
0x7a: {  	[tilespmem:v1+s12+$0x0] =	vst.idx.add.s32.msk vm7, v3;
	v12 =	vmov s31;
	vm6 =	vmand vm3, vm6;
	vm9 =	veq.s32 v13, v4  }
0x7b: {  	v9 =	vld [tilespmem:s21+$0x4000];
	v13 =	vsub.s32 v0, v12;
	vm3 =	veq.s32 v8, v4;
	vm7 =	vmand vm4, vm9  }
0x7c: {  	v8 =	vld [tilespmem:s21+$0x4010];
	vm4 =	vmand vm10, vm3;
	vm3 =	veq.s32 v18, v4;
	vm10 =	veq.s32 v16, v5  }
0x7d: {  	s19 =	sadd.s32 $0x1, s19;
	s22 =	sadd.s32 $0x80, s22;
	s23 =	simm.s32 $0x800;
	v12 =	vshra.s32 v14, $0x4;
	vm9 =	veq.s32 v19, v4;
	vm3 =	vmand vm10, vm3;
	[tilespmem:v1+s12+$0x0] =	vst.idx.add.s32.msk vm8, v3  }
.LBB2_8:
0x7e: {  	vm12 =	veq.s32 v10, v5;
	vm10 =	veq.s32 v11, v4  }
0x7f: {  	s20 =	sadd.s32 $0x8, s20;
	s25 =	sadd.s32 $0xFFFFFFD0, s22;
	s26 =	sadd.s32 $0xFFFFFFE0, s22;
	vm13 =	veq.s32 v7, v5;
	v10 =	vld [tilespmem:s21+$0x4070];
	vm11 =	vmmov vm1;
	vm8 =	vmmov vm5  }
0x80: {  	s28 =	sand.u32 $0x3C00, s23;
	s24 =	sadd.s32 $0xFFFFFFA0, s22;
	s21 =	sand.u32 $0x380, s20;
	v7 =	vmov s25;
	v11 =	vmov s26;
	vm9 =	vmand vm13, vm9;
	[tilespmem:v1+s12+$0x0] =	vst.idx.add.s32.msk vm6, v3  }
0x81: {  	v13 =	vshra.s32 v13, $0x4;
	p0 =	slt.u32 s20, $0x3F8;
	s21 =	sor.u32 s21, s28;
	v7 =	vsub.s32 v0, v7;
	v11 =	vsub.s32 v0, v11;
	[tilespmem:v1+s12+$0x0] =	vst.idx.add.s32.msk vm7, v3  }
0x82: {  	vm6 =	veq.s32 v8, v4;
	v14 =	vshra.s32 v7, $0x4;
	vm1 =	veq.s32 v9, v4;
	[tilespmem:v1+s12+$0x0] =	vst.idx.add.s32.msk vm2, v3  }
0x83: {  	s25 =	sadd.s32 $0xFFFFFF90, s22;
	s26 =	sadd.s32 $0xFFFFFFC0, s22;
	s28 =	sadd.s32 $0xFFFFFFF0, s22;
	v9 =	vshra.s32 v11, $0x4;
	vm2 =	veq.s32 v12, v5;
	v8 =	vld [tilespmem:s21+$0x4050];
	vm1 =	vmand vm12, vm1  }
0x84: {  	v7 =	vmov s25;
	v11 =	vmov s26;
	v12 =	vmov s28;
	[tilespmem:v1+s12+$0x0] =	vst.idx.add.s32.msk vm4, v3  }
0x85: {  	v15 =	vsub.s32 v0, v7;
	v7 =	vsub.s32 v0, v11;
	v11 =	vmov s22;
	[tilespmem:v1+s12+$0x0] =	vst.idx.add.s32.msk vm11, v3  }
0x86: {  	v16 =	vshra.s32 v7, $0x4;
	v7 =	vsub.s32 v0, v12;
	v11 =	vsub.s32 v0, v11;
	v17 =	vld [tilespmem:s21+$0x4040]  }
0x87: {  	s25 =	sadd.s32 $0xFFFFFFB0, s22;
	vm10 =	vmand vm2, vm10;
	v7 =	vshra.s32 v7, $0x4;
	v11 =	vshra.s32 v11, $0x4;
	v12 =	vld [tilespmem:s21+$0x4030]  }
0x88: {  	v18 =	vmov s25;
	vm2 =	veq.s32 v13, v5;
	vm5 =	veq.s32 v11, v5;
	v19 =	vld [tilespmem:s21+$0x4060]  }
0x89: {  	vm2 =	vmand vm2, vm6;
	vm4 =	veq.s32 v10, v4;
	[tilespmem:v1+s12+$0x0] =	vst.idx.add.s32.msk vm3, v3;
	vm3 =	veq.s32 v6, v4  }
.Ltmp2:
0x8a: {  	v10 =	vshra.s32 v15, $0x4;
	v11 =	vld [tilespmem:s21+$0x4020];
	vm6 =	vmand vm0, vm3;
	vm0 =	veq.s32 v14, v5;
	(pc) =	sbr.rel @p0 .LBB2_8-.Ltmp2, $4  }
0x8b: {  	vm11 =	veq.s32 v9, v5;
	vm7 =	vmand vm8, vm4;
	vm3 =	veq.s32 v8, v4;
	[tilespmem:v1+s12+$0x0] =	vst.idx.add.s32.msk vm9, v3  }
0x8c: {  	v13 =	vmov s24;
	v14 =	vsub.s32 v0, v18;
	vm4 =	vmand vm11, vm3;
	v6 =	vmovc v17;
	v8 =	vld [tilespmem:s21+$0x4010]  }
0x8d: {  	vm8 =	veq.s32 v16, v5;
	vm3 =	veq.s32 v12, v4;
	v9 =	vld [tilespmem:s21+$0x4000];
	vm9 =	veq.s32 v19, v4  }
0x8e: {  	s23 =	sadd.s32 $0x400, s23;
	s22 =	sadd.s32 $0x80, s22;
	v13 =	vsub.s32 v0, v13;
	v12 =	vshra.s32 v14, $0x4;
	vm3 =	vmand vm8, vm3;
	[tilespmem:v1+s12+$0x0] =	vst.idx.add.s32.msk vm10, v3  }
0x8f: {  	_ =	sdelay $0x3  }
0x90: {  	v14 =	vld [tilespmem:s21+$0x4070];
	vm8 =	veq.s32 v10, v5  }
0x91: {  	vm1 =	vmmov vm1;
	vm10 =	veq.s32 v11, v4;
	vm11 =	veq.s32 v7, v5;
	[tilespmem:v1+s12+$0x0] =	vst.idx.add.s32.msk vm6, v3  }
0x92: {  	vm12 =	veq.s32 v12, v5;
	[tilespmem:v1+s12+$0x0] =	vst.idx.add.s32.msk vm7, v3;
	vm13 =	veq.s32 v6, v4;
	vm9 =	vmand vm11, vm9  }
0x93: {  	v7 =	vshra.s32 v13, $0x4;
	[tilespmem:v1+s12+$0x0] =	vst.idx.add.s32.msk vm2, v3;
	vm6 =	vmand vm12, vm10;
	vm0 =	vmand vm0, vm13  }
0x94: {  	vm12 =	veq.s32 v7, v5;
	vm11 =	veq.s32 v8, v4;
	vm14 =	veq.s32 v9, v4  }
0x95: {  	[tilespmem:v1+s12+$0x0] =	vst.idx.add.s32.msk vm4, v3;
	vm13 =	vmand vm8, vm14;
	vm14 =	vmand vm12, vm11  }
0x96: {  	vm5 =	vmmov vm5;
	[tilespmem:v1+s12+$0x0] =	vst.idx.add.s32.msk vm3, v3;
	vm15 =	veq.s32 v14, v4  }
0x97: {  	vm2 =	vmand vm5, vm15;
	[tilespmem:v1+s12+$0x0] =	vst.idx.add.s32.msk vm1, v3  }
0x98: {  	[tilespmem:v1+s12+$0x0] =	vst.idx.add.s32.msk vm9, v3  }
0x99: {  	[tilespmem:v1+s12+$0x0] =	vst.idx.add.s32.msk vm6, v3  }
0x9a: {  	[tilespmem:v1+s12+$0x0] =	vst.idx.add.s32.msk vm0, v3  }
0x9b: {  	[tilespmem:v1+s12+$0x0] =	vst.idx.add.s32.msk vm14, v3  }
0x9c: {  	[tilespmem:v1+s12+$0x0] =	vst.idx.add.s32.msk vm13, v3  }
0x9d: {  	vm15 =	vmmov vm13;
	[tilespmem:v1+s12+$0x0] =	vst.idx.add.s32.msk vm2, v3  }
0x9e: {  	p0 =	seq.s32 s19, $0x4  }
.Ltmp3:
0x9f: {  	_ = 	snop;
	(pc) =	sbr.rel @!p0 .LBB2_5-.Ltmp3, $2  }
0xa0: {  	_ =	sdelay $0x2  }
0xa1: {  	s17 =	sadd.s32 $0x8000, s17;
	s18 =	sadd.s32 $0x8000, s18  }
0xa2: {  	v4 =	vld [tilespmem:$0x8080]  }
0xa3: {  	v5 =	vld [tilespmem:$0x8090]  }
0xa4: {  	v6 =	vld [tilespmem:$0x80A0]  }
0xa5: {  	v7 =	vld [tilespmem:$0x80B0]  }
0xa6: {  	v8 =	vld [tilespmem:$0x80C0]  }
0xa7: {  	v9 =	vld [tilespmem:$0x80D0]  }
0xa8: {  	v4 =	vadd.s32 v4, v5;
	v5 =	vld [tilespmem:$0x80E0]  }
0xa9: {  	v56 =	vld [tilespmem:$0x80F0];
	v4 =	vadd.s32 v6, v4  }
0xaa: {  	v57 =	vld [tilespmem:$0x8100];
	v4 =	vadd.s32 v7, v4  }
0xab: {  	v58 =	vld [tilespmem:$0x8110];
	v4 =	vadd.s32 v8, v4  }
0xac: {  	v59 =	vld [tilespmem:$0x8120];
	v4 =	vadd.s32 v9, v4  }
0xad: {  	v4 =	vadd.s32 v5, v4;
	v5 =	vld [tilespmem:$0x8130]  }
0xae: {  	v60 =	vld [tilespmem:$0x8140];
	v4 =	vadd.s32 v56, v4  }
0xaf: {  	v61 =	vld [tilespmem:$0x8150];
	v4 =	vadd.s32 v57, v4  }
0xb0: {  	v62 =	vld [tilespmem:$0x8160];
	v4 =	vadd.s32 v58, v4  }
0xb1: {  	v63 =	vld [tilespmem:$0x8170];
	v4 =	vadd.s32 v59, v4  }
0xb2: {  	v4 =	vadd.s32 v5, v4  }
0xb3: {  	v4 =	vadd.s32 v60, v4  }
0xb4: {  	v4 =	vadd.s32 v61, v4  }
0xb5: {  	s15 =	sadd.s32 $0x1, s15;
	v4 =	vadd.s32 v62, v4  }
0xb6: {  	p0 =	sne.s32 s15, s7;
	v4 =	vadd.s32 v63, v4  }
.Ltmp4:
0xb7: {  	[tilespmem:$0x8180] =	vst v4;
	(pc) =	sbr.rel @p0 .LBB2_1-.Ltmp4, $4  }
0xb8: {  	[hbm4b:s6+s2] =	stream.linear.scatter [tilespmem:s14], [sflag:$0x3], $0x80, $0x38;
	[tilespmem:$0x8200] =	vst v63  }
0xb9: {  	_ =	swait.ge [sflag:s9], $0x80  }
0xba: {  	[sflag:s9] =	ssyncset.done $0x0  }
0xbb: {  	[sflag:s9] =	ssyncadd.s32 $0xFFFFFF80  }
0xbc: {  	_ =	sfence.sel $0x180000  }
0xbd: {  	[bflag:$0x0] =	sbarrier.arrive $0xFFFF  }
0xbe: {  	p0 =	sne.s32 s0, $0x0;
	_ =	strace $0x9000004A  }
0xbf: {  	s0 =	sadd.s32 @!p0 $0x100000, s1;
	[bflag:$0x2] =	sbarrier.arrive $0xFFFF  }
0xc0: {  	[sflag:s0] =	ssyncadd.tile.s32 @!p0 $0x1;
	_ =	shalt  }
.Lfunc_end2:
_tile_overlayer_lowered:
.L_overlay_start_2:
0xc1: {  	(tag) =	ssettag $0x2  }
0xc2: {  	s0 =	rddreg [dreg:$0x0];
	s2 =	stileid.u32  }
0xc3: {  	s1 =	rddreg [dreg:$0x1];
	p0 =	sne.s32 s2, $0x0  }
0xc4: {  	s3 =	rddreg [dreg:$0x2];
	[bflag:$0x3] =	sbarrier.arrive $0xFFFF;
	s2 =	simm.s32 @!p0 $0x1C03  }
0xc5: {  	[timem:s3], [sflag:s2] =	dma.local @!p0 [hbm:s0], s1  }
0xc6: {  	s0 =	simm.s32 @!p0 $0x3  }
0xc7: {  	_ =	swait.ge @!p0 [sflag:s0], s1  }
0xc8: {  	s1 =	ssub.s32 @!p0 $0x0, s1;
	[sflag:s0] =	ssyncset.done @!p0 $0x0  }
0xc9: {  	[sflag:s0] =	ssyncadd.s32 @!p0 s1  }
0xca: {  	[bflag:$0x3] =	sbarrier.arrive $0xFFFF  }
0xcb: {  	_ =	shalt  }

// kernel: kernel.11.cloned.1.call-start
scs
__scs_entry_jumppad:
0x0: {  	(pc) =	sbr.rel $0x88, $3  }
0x1: {  	(tag) =	ssettag $0x0;
	lr =	simm.s32 $0x1  }
0x2: {  	[smem:$0x3F9F] =	sst lr;
	_ =	strace $0xD0000000  }
0x3: {  	_ = 	snop  }
0x4: {  	_ = 	snop  }
0x5: {  	_ = 	snop  }
0x6: {  	_ = 	snop  }
0x7: {  	_ = 	snop  }
__scs_overlays_trampoline_lowered:
0x8: {  	[smem:$0x3FAE] =	sst s0  }
0x9: {  	[smem:$0x3FAF] =	sst s1  }
0xa: {  	[smem:$0x3FB0] =	sst s2  }
0xb: {  	[smem:$0x3FB1] =	sst s3  }
0xc: {  	[smem:$0x3FB2] =	sst s4  }
0xd: {  	[smem:$0x3FB3] =	sst s5  }
0xe: {  	[smem:$0x3FB4] =	sst s6  }
0xf: {  	[smem:$0x3FB5] =	sst s7  }
0x10: {  	[smem:$0x3FB6] =	sst s8  }
0x11: {  	[smem:$0x3FB7] =	sst s9;
	s0 =	simm.s32 @!p0 $0x0  }
0x12: {  	s1 =	sld [smem:$0x3F9D];
	s0 =	simm.s32 @p0 $0x1  }
0x13: {  	[smem:$0x3FB8] =	sst s0;
	s0 =	simm.s32 @!p1 $0x0  }
0x14: {  	s2 =	sld [smem:$0x3F9C];
	s0 =	simm.s32 @p1 $0x1  }
0x15: {  	[smem:$0x3FB9] =	sst s0;
	s0 =	simm.s32 @!p2 $0x0  }
0x16: {  	s3 =	sld [smem:$0x3FDB];
	s0 =	simm.s32 @p2 $0x1  }
0x17: {  	s4 =	simm.s32 $0x1BF5;
	[smem:$0x3FBB] =	sst s0  }
0x18: {  	s0 =	sld [smem:$0x3F9E];
	_ =	swait.ge [sflag:s4], $0x0  }
0x19: {  	s7 =	sld [smem:$0x3F9F]  }
0x1a: {  	s8 =	sadd.s32 $0xFFFFE003, lr  }
0x1b: {  	s9 =	sadd.s32 $0xFFFFFEF7, lr;
	s5 =	simm.s32 $0xFFFFFFFF;
	p2 =	slt.u32 s8, $0xFFFFF086  }
0x1c: {  	p1 =	slt.u32 s9, $0xF7A;
	s5 =	simm.s32 @!p2 $0x0  }
0x1d: {  	s5 =	simm.s32 @p1 $0x1;
	p0 =	seq.s32 s7, s2  }
0x1e: {  	s7 =	smul.u32 @!p0 $0xF7A, s2;
	p2 =	seq.s32 @!p0 s5, $0x0  }
0x1f: {  	s9 =	smul.u32 $0xF7A, s1;
	s8 =	simm.s32 @!p0 $0x1BF5;
	p2 =	por !p2, p0  }
0x20: {  	[sflag:s8] =	ssyncset.s32 @!p0 $0xFFFFF086;
	s6 =	sadd.s32 @!p0 s3, s7;
	s7 =	simm.s32 @!p0 $0x108  }
0x21: {  	s3 =	sadd.s32 s3, s9;
	s6 =	sadd.s32 @!p0 $0x88, s6;
	s7 =	simm.s32 @p2 $0x1082  }
0x22: {  	[simem:s7], [sflag:s8] =	dma.local @!p0 [hbm:s6], $0xF7A  }
0x23: {  	s9 =	sor.u32 $0xD0000000, s2;
	s6 =	simm.s32 $0x108;
	_ =	swait.ge @!p0 [sflag:s8], $0x0  }
0x24: {  	s3 =	sadd.s32 $0x88, s3;
	s6 =	simm.s32 @!p1 $0x1082;
	[sflag:s4] =	ssyncset.s32 $0xFFFFF086  }
0x25: {  	[simem:s6], [sflag:s4] =	dma.local [hbm:s3], $0xF7A  }
0x26: {  	[smem:$0x3F9F] =	sst s1;
	(tag) =	ssettag s2;
	_ =	strace s9  }
0x27: {  	s1 =	sld [smem:$0x3FAF]  }
0x28: {  	s2 =	sld [smem:$0x3FB0]  }
0x29: {  	s4 =	sld [smem:$0x3FB2]  }
0x2a: {  	p0 =	seq.s32 s5, $0x0;
	s5 =	sld [smem:$0x3FB3]  }
0x2b: {  	s6 =	sld [smem:$0x3FB4]  }
0x2c: {  	s7 =	sld [smem:$0x3FB5]  }
0x2d: {  	s3 =	simm.s32 $0x108;
	s8 =	sld [smem:$0x3FB6]  }
0x2e: {  	s3 =	simm.s32 @!p0 $0x1082;
	s9 =	sld [smem:$0x3FB7]  }
0x2f: {  	lr =	sadd.s32 s0, s3;
	s0 =	sld [smem:$0x3FAE]  }
0x30: {  	s3 =	sld [smem:$0x3FB1]  }
0x31: {  	[smem:$0x3FBA] =	sst s10  }
0x32: {  	s10 =	sld [smem:$0x3FB8];
	_ =	sdelay $0x3  }
0x33: {  	p0 =	seq.s32 s10, $0x1;
	s10 =	sld [smem:$0x3FBA];
	_ =	sdelay $0x3  }
0x34: {  	[smem:$0x3FBA] =	sst s10  }
0x35: {  	s10 =	sld [smem:$0x3FB9];
	_ =	sdelay $0x3  }
0x36: {  	p1 =	seq.s32 s10, $0x1;
	s10 =	sld [smem:$0x3FBA];
	_ =	sdelay $0x3  }
0x37: {  	[smem:$0x3FBA] =	sst s10  }
0x38: {  	s10 =	sld [smem:$0x3FBB]  }
0x39: {  	_ = 	snop;
	(pc) =	sbr.ind lr, $3  }
0x3a: {  	_ = 	snop  }
0x3b: {  	_ = 	snop  }
0x3c: {  	p2 =	seq.s32 s10, $0x1;
	s10 =	sld [smem:$0x3FBA]  }
0x3d: {  	_ =	shalt  }
0x3e: {  	_ =	shalt  }
0x3f: {  	_ =	shalt  }
0x40: {  	_ =	shalt  }
0x41: {  	_ =	shalt  }
0x42: {  	_ =	shalt  }
0x43: {  	_ =	shalt  }
0x44: {  	_ =	shalt  }
0x45: {  	_ =	shalt  }
0x46: {  	_ =	shalt  }
0x47: {  	_ =	shalt  }
0x48: {  	_ =	shalt  }
0x49: {  	_ =	shalt  }
0x4a: {  	_ =	shalt  }
0x4b: {  	_ =	shalt  }
0x4c: {  	_ =	shalt  }
0x4d: {  	_ =	shalt  }
0x4e: {  	_ =	shalt  }
0x4f: {  	_ =	shalt  }
0x50: {  	_ =	shalt  }
0x51: {  	_ =	shalt  }
0x52: {  	_ =	shalt  }
0x53: {  	_ =	shalt  }
0x54: {  	_ =	shalt  }
0x55: {  	_ =	shalt  }
0x56: {  	_ =	shalt  }
0x57: {  	_ =	shalt  }
0x58: {  	_ =	shalt  }
0x59: {  	_ =	shalt  }
0x5a: {  	_ =	shalt  }
0x5b: {  	_ =	shalt  }
0x5c: {  	_ =	shalt  }
0x5d: {  	_ =	shalt  }
0x5e: {  	_ =	shalt  }
0x5f: {  	_ =	shalt  }
0x60: {  	_ =	shalt  }
0x61: {  	_ =	shalt  }
0x62: {  	_ =	shalt  }
0x63: {  	_ =	shalt  }
0x64: {  	_ =	shalt  }
0x65: {  	_ =	shalt  }
0x66: {  	_ =	shalt  }
0x67: {  	_ =	shalt  }
0x68: {  	_ =	shalt  }
0x69: {  	_ =	shalt  }
0x6a: {  	_ =	shalt  }
0x6b: {  	_ =	shalt  }
0x6c: {  	_ =	shalt  }
0x6d: {  	_ =	shalt  }
0x6e: {  	_ =	shalt  }
0x6f: {  	_ =	shalt  }
0x70: {  	_ =	shalt  }
0x71: {  	_ =	shalt  }
0x72: {  	_ =	shalt  }
0x73: {  	_ =	shalt  }
0x74: {  	_ =	shalt  }
0x75: {  	_ =	shalt  }
0x76: {  	_ =	shalt  }
0x77: {  	_ =	shalt  }
0x78: {  	_ =	shalt  }
0x79: {  	_ =	shalt  }
0x7a: {  	_ =	shalt  }
0x7b: {  	_ =	shalt  }
0x7c: {  	_ =	shalt  }
0x7d: {  	_ =	shalt  }
0x7e: {  	_ =	shalt  }
0x7f: {  	_ =	shalt  }
0x80: {  	_ =	shalt  }
0x81: {  	_ =	shalt  }
0x82: {  	_ =	shalt  }
0x83: {  	_ =	shalt  }
0x84: {  	_ =	shalt  }
0x85: {  	_ =	shalt  }
0x86: {  	_ =	shalt  }
0x87: {  	_ =	shalt  }
.Lfunc_end0:
.L_simem_size_0:
called_computation.2_lowered:
.L_overlay_start_0:
0x88: {  	s2 =	sld [smem:$0x3FD9]  }
0x89: {  	s3 =	sld [smem:$0x3FFE];
	_ =	sdelay $0x1  }
0x8a: {  	s1 =	srdreg.scid  }
0x8b: {  	s0 =	sand.u32 $0x1, s1  }
0x8c: {  	s14 =	sshll.u32 s0, $0xA;
	s2 =	sadd.s32 s3, s2  }
0x8d: {  	s2 =	sadd.s32 s2, s14  }
0x8e: {  	[smem:$0x3FC6] =	sst s2  }
0x8f: {  	_ = 	snop  }
0x90: {  	s2 =	sld [smem:$0x3FD0];
	_ =	sdelay $0x2  }
0x91: {  	s15 =	simm.s32 $0xA;
	s4 =	simm.s32 $0x10  }
0x92: {  	[smem:s4], [sflag:s15] =	dma.local [hbm:s2], $0x1  }
0x93: {  	_ =	swait.eq [sflag:s15], $0x1  }
0x94: {  	[sflag:s15] =	ssyncset.done $0x0  }
0x95: {  	[sflag:s15] =	ssyncadd.s32 $0xFFFFFFFF  }
0x96: {  	s16 =	sld [smem:$0x10];
	(tm) =	ssettm $0x1  }
0x97: {  	s17 =	sld [smem:$0x3FFB];
	_ =	sdelay $0x3  }
0x98: {  	_ =	strace s17  }
0x99: {  	s3 =	sld [smem:$0x3FFC];
	_ =	sdelay $0x3  }
0x9a: {  	_ =	strace s3  }
0x9b: {  	s3 =	sld [smem:$0x3FFD];
	_ =	sdelay $0x3  }
0x9c: {  	_ =	strace s3  }
0x9d: {  	_ =	strace $0x8FFFFFFF  }
0x9e: {  	s18 =	sld [smem:$0x3FDB];
	_ =	sdelay $0x1  }
0x9f: {  	s19 =	simm.s32 $_scs_section_size  }
0xa0: {  	s5 =	simm.s32 $_size__tile_overlayer_lowered;
	s6 =	simm.s32 $_tile_overlayer_lowered  }
0xa1: {  	s22 =	simm.s32 $0x1BFF;
	s21 =	sshll.u32 s6, $0x1;
	s3 =	sadd.s32 s19, s18  }
0xa2: {  	s7 =	simm.s32 $0x0;
	s20 =	sshll.u32 s5, $0x1;
	s5 =	sadd.s32 s21, s3  }
0xa3: {  	[timem:s7], [sflag:s22] =	dma.local [hbm:s5], s20  }
0xa4: {  	_ =	swait.ge [sflag:s22], s20  }
0xa5: {  	s4 =	ssub.s32 $0x0, s20;
	[sflag:s22] =	ssyncset.done $0x0  }
0xa6: {  	[sflag:s22] =	ssyncadd.s32 s4;
	_ =	sdelay $0x1  }
0xa7: {  	s23 =	simm.s32 $0x1B8B  }
0xa8: {  	_ =	swait.ge [sflag:s23], $0x1  }
0xa9: {  	[sflag:s23] =	ssyncset.done $0x0  }
0xaa: {  	s25 =	simm.s32 $0x1B8E;
	s24 =	sld [smem:$0x3FFE];
	[sflag:s23] =	ssyncadd.s32 $0xFFFFFFFF  }
0xab: {  	s26 =	simm.s32 $execute0_lowered;
	[smem:$0x3FD2] =	sst s25  }
0xac: {  	s5 =	sshll.u32 s26, $0x1;
	_ =	strace $0x8000004C;
	[dreg:$0x1] =	wrdreg $0xFFFFFFFF  }
0xad: {  	s28 =	simm.s32 $_size_execute0_lowered;
	s3 =	sadd.s32 s3, s5;
	[dreg:$0x0] =	wrdreg $0x0  }
0xae: {  	s5 =	sshll.u32 s28, $0x1;
	[dreg:$0x2] =	wrdreg s3  }
0xaf: {  	[dreg:$0x3] =	wrdreg s5  }
0xb0: {  	[dreg:$0x4] =	wrdreg $0xC0  }
0xb1: {  	_ =	task [dreg:s7], $0x5FFFF  }
0xb2: {  	[dreg:$0x1] =	wrdreg $0xFFFFFFFF  }
0xb3: {  	[dreg:$0x0] =	wrdreg $0x60  }
0xb4: {  	[dreg:$0x2] =	wrdreg s24  }
0xb5: {  	[dreg:$0x3] =	wrdreg s16  }
0xb6: {  	[dreg:$0x4] =	wrdreg $0x9  }
0xb7: {  	_ =	task.clear_ibuf [dreg:s7], $0x5FFFF;
	_ =	strace $0x9000004C  }
0xb8: {  	s29 =	simm.s32 $0x9;
	_ =	strace $0x8000004E  }
0xb9: {  	_ =	swait.ge [sflag:s29], $0x1  }
0xba: {  	[sflag:s29] =	ssyncadd.s32 $0xFFFFFFFF  }
0xbb: {  	_ =	strace $0x9000004E  }
0xbc: {  	_ =	sfence  }
0xbd: {  	s30 =	sld [smem:$0x0];
	_ =	sdelay $0x2  }
0xbe: {  	s31 =	sshll.u32 s1, $0xD;
	s1 =	sshrl.u32 s1, $0x2  }
0xbf: {  	s3 =	sand.u32 $0x4000, s31;
	s1 =	sadd.s32 s1, s30  }
0xc0: {  	s0 =	sor.u32 s3, s0;
	s1 =	sshll.u32 s1, $0x11  }
0xc1: {  	s0 =	sor.u32 s1, s0  }
0xc2: {  	s0 =	sadd.s32 $0x8F2B, s0  }
0xc3: {  	[sflag:s0] =	ssyncadd.remote.s32 $0x1  }
0xc4: {  	_ =	sfence.sel $0xFFFF  }
0xc5: {  	[dreg:$0x0] =	wrdreg $0xFFFFFFFF;
	(pc) =	sbr.abs _section_cstart, $3  }
0xc6: {  	[dreg:$0x1] =	wrdreg $0xFFFFFFFF  }
0xc7: {  	_ =	task.clear_ibuf [dreg:s7], $0x2FFFF;
	_ =	strace $0x9FFFFFFF  }
0xc8: {  	(tm) =	ssettm $0x7FFFFFFF  }
0xc9: {  	_ =	shalt  }
tec
execute0_lowered:
.L_overlay_start_1:
0x0: {  	(tag) =	ssettag $0x1  }
0x1: {  	s3 =	rddreg [dreg:$0x0]  }
0x2: {  	s5 =	rddreg [dreg:$0x1]  }
0x3: {  	s0 =	rddreg [dreg:$0x2];
	s1 =	simm.s32 $0x0  }
0x4: {  	s2 =	srdreg.scid;
	s10 =	simm.s32 $0x1;
	s11 =	simm.s32 $0x8000  }
0x5: {  	s12 =	simm.s32 $0x2;
	s13 =	simm.s32 $0x80;
	s14 =	simm.s32 $0x400  }
0x6: {  	s15 =	simm.s32 $0x18000;
	s16 =	simm.s32 $0x3;
	[smem:$0x7FF] =	sst s1  }
0x7: {  	s4 =	sand.u32 $0x1, s2;
	s2 =	stileid.u32;
	s3 =	sadd.s32 $0x3800, s3  }
0x8: {  	_ =	strace $0x8000004D;
	s6 =	ssub.s32 $0x2, s4;
	s8 =	sshll.u32 s2, $0x1  }
0x9: {  	s31 =	sshll.u32 s2, $0xA;
	s7 =	sshrl.u32 s6, $0x1;
	s30 =	sor.u32 s4, s8  }
0xa: {  	s9 =	ssub.s32 s6, s7;
	s4 =	sshll.u32 s30, $0x6;
	s8 =	sshll.u32 s30, $0x4  }
0xb: {  	v1 =	vlaneseq.u32;
	s7 =	sand.u32 $0x3000, s31;
	s6 =	sshll.u32 s30, $0xE;
	s8 =	sand.u32 $0x70, s8  }
0xc: {  	v1 =	vmul.u32 $0x1000, v1;
	s7 =	sadd.s32 s5, s7;
	s5 =	sadd.s32 s3, s6;
	s6 =	sor.u32 $0x10, s4  }
0xd: {  	v0 =	vimm.s32 $0x0;
	v2 =	vimm.s32 $0x1;
	s7 =	sadd.s32 s8, s7;
	s8 =	smax.u32 s9, $0x1;
	s9 =	simm.s32 $0x4000  }
.LBB2_1:
0xe: {  	s17 =	simm.s32 $0x8040  }
0xf: {  	[tilespmem:s17+$0xFFFFFFC0] =	vst v0  }
0x10: {  	[tilespmem:s17+$0x30] =	vst v0  }
0x11: {  	[tilespmem:s17+$0x20] =	vst v0  }
0x12: {  	[tilespmem:s17+$0x10] =	vst v0  }
0x13: {  	[tilespmem:s17+$0x0] =	vst v0  }
0x14: {  	[tilespmem:s17+$0xFFFFFFF0] =	vst v0  }
0x15: {  	s18 =	simm.s32 $0x0;
	[tilespmem:s17+$0xFFFFFFE0] =	vst v0  }
.LBB2_2:
0x16: {  	s18 =	sadd.s32 $0x8, s18;
	[tilespmem:s17+$0xFFFFFFD0] =	vst v0;
	s17 =	sadd.s32 $0x80, s17  }
0x17: {  	[tilespmem:s17+$0xFFFFFFC0] =	vst v0;
	p0 =	slt.u32 s18, $0xFF8  }
0x18: {  	[tilespmem:s17+$0x30] =	vst v0  }
.Ltmp0:
0x19: {  	[tilespmem:s17+$0x20] =	vst v0;
	(pc) =	sbr.rel @p0 .LBB2_2-.Ltmp0, $4  }
0x1a: {  	[tilespmem:s17+$0x10] =	vst v0  }
0x1b: {  	[tilespmem:s17+$0x0] =	vst v0  }
0x1c: {  	[tilespmem:s17+$0xFFFFFFF0] =	vst v0  }
0x1d: {  	[tilespmem:s17+$0xFFFFFFE0] =	vst v0  }
0x1e: {  	[tilespmem:s17+$0xFFFFFFD0] =	vst v0;
	s17 =	simm.s32 $0x0;
	s18 =	simm.s32 $0x0  }
0x1f: {  	[tilespmem:s17], [sflag:$0x1] =	stream.linear.gather [hbm4b:s5+s17], $0x4000, $0x38;
	[tilespmem:$0x19000] =	vst v63  }
.LBB2_4:
0x20: {  	s19 =	sshll.u32 s18, $0x4  }
0x21: {  	s20 =	sadd.s32 s19, s4  }
0x22: {  	s20 =	sshll.u32 s20, $0x8  }
0x23: {  	s20 =	sadd.s32 s3, s20  }
0x24: {  	s20 =	sadd.s32 $0x800, s20  }
0x25: {  	[tilespmem:s9], [sflag:$0x2] =	stream.linear.gather [hbm4b:s20+s17], $0x4000, $0x38;
	[tilespmem:$0x19000] =	vst v63  }
0x26: {  	s20 =	simm.s32 $0x0;
	_ =	swait.ge [sflag:s10], $0x4000  }
0x27: {  	s22 =	sand.u32 $0x3C00, s17;
	s21 =	sand.u32 $0x380, s20;
	[sflag:s10] =	ssyncset.done $0x0  }
0x28: {  	s21 =	sor.u32 s21, s22;
	[sflag:s10] =	ssyncadd.s32 $0xFFFFC000  }
0x29: {  	v3 =	vld [tilespmem:s21+$0x70]  }
0x2a: {  	v4 =	vld [tilespmem:s21+$0x0]  }
0x2b: {  	v5 =	vld [tilespmem:s21+$0x10]  }
0x2c: {  	v6 =	vld [tilespmem:s21+$0x20]  }
0x2d: {  	v8 =	vld [tilespmem:s21+$0x30]  }
0x2e: {  	v9 =	vld [tilespmem:s21+$0x40];
	v3 =	vshra.s32 v3, $0x12  }
0x2f: {  	v10 =	vld [tilespmem:s21+$0x50];
	v4 =	vshra.s32 v4, $0x12;
	v3 =	vadd.s32 v1, v3  }
0x30: {  	v11 =	vld [tilespmem:s21+$0x60];
	v5 =	vshra.s32 v5, $0x12;
	v4 =	vadd.s32 v1, v4  }
0x31: {  	v6 =	vshra.s32 v6, $0x12;
	v7 =	vadd.s32 v1, v5  }
0x32: {  	v5 =	vadd.s32 v1, v6;
	v6 =	vshra.s32 v8, $0x12  }
0x33: {  	v6 =	vadd.s32 v1, v6  }
0x34: {  	v8 =	vshra.s32 v9, $0x12;
	v9 =	vshra.s32 v10, $0x12;
	[tilespmem:v3+s11+$0x0] =	vst.idx.add.s32.msk $0xffff, v2  }
0x35: {  	s21 =	simm.s32 $0x0;
	v3 =	vadd.s32 v1, v8;
	[tilespmem:v4+s11+$0x0] =	vst.idx.add.s32.msk $0xffff, v2;
	v4 =	vadd.s32 v1, v9;
	v8 =	vshra.s32 v11, $0x12  }
.LBB2_5:
0x36: {  	s20 =	sadd.s32 $0x8, s20;
	[tilespmem:v7+s11+$0x0] =	vst.idx.add.s32.msk $0xffff, v2;
	v8 =	vadd.s32 v1, v8;
	s21 =	sadd.s32 $0x400, s21  }
0x37: {  	s22 =	sand.u32 $0x380, s20;
	s23 =	sand.u32 $0x3C00, s21;
	p0 =	slt.u32 s20, $0x3F8;
	[tilespmem:v5+s11+$0x0] =	vst.idx.add.s32.msk $0xffff, v2  }
0x38: {  	s22 =	sor.u32 s22, s23;
	[tilespmem:v6+s11+$0x0] =	vst.idx.add.s32.msk $0xffff, v2  }
0x39: {  	v5 =	vld [tilespmem:s22+$0x70]  }
0x3a: {  	v6 =	vld [tilespmem:s22+$0x0]  }
0x3b: {  	v7 =	vld [tilespmem:s22+$0x10]  }
0x3c: {  	v9 =	vld [tilespmem:s22+$0x20]  }
0x3d: {  	v10 =	vld [tilespmem:s22+$0x30]  }
0x3e: {  	v11 =	vld [tilespmem:s22+$0x40];
	v5 =	vshra.s32 v5, $0x12  }
0x3f: {  	v6 =	vshra.s32 v6, $0x12;
	v12 =	vld [tilespmem:s22+$0x50];
	v13 =	vadd.s32 v1, v5  }
0x40: {  	v14 =	vadd.s32 v1, v6;
	v5 =	vshra.s32 v7, $0x12;
	v15 =	vld [tilespmem:s22+$0x60]  }
.Ltmp1:
0x41: {  	v7 =	vadd.s32 v1, v5;
	v5 =	vshra.s32 v9, $0x12;
	[tilespmem:v3+s11+$0x0] =	vst.idx.add.s32.msk $0xffff, v2;
	(pc) =	sbr.rel @p0 .LBB2_5-.Ltmp1, $4  }
0x42: {  	v5 =	vadd.s32 v1, v5;
	v3 =	vshra.s32 v10, $0x12;
	[tilespmem:v4+s11+$0x0] =	vst.idx.add.s32.msk $0xffff, v2  }
0x43: {  	v6 =	vadd.s32 v1, v3;
	v3 =	vshra.s32 v11, $0x12;
	[tilespmem:v8+s11+$0x0] =	vst.idx.add.s32.msk $0xffff, v2  }
0x44: {  	v3 =	vadd.s32 v1, v3;
	v4 =	vshra.s32 v12, $0x12;
	[tilespmem:v13+s11+$0x0] =	vst.idx.add.s32.msk $0xffff, v2  }
0x45: {  	[tilespmem:v14+s11+$0x0] =	vst.idx.add.s32.msk $0xffff, v2;
	v4 =	vadd.s32 v1, v4;
	v8 =	vshra.s32 v15, $0x12  }
0x46: {  	_ =	sdelay $0x3  }
0x47: {  	[tilespmem:v7+s11+$0x0] =	vst.idx.add.s32.msk $0xffff, v2;
	v7 =	vadd.s32 v1, v8  }
0x48: {  	[tilespmem:v5+s11+$0x0] =	vst.idx.add.s32.msk $0xffff, v2  }
0x49: {  	[tilespmem:v6+s11+$0x0] =	vst.idx.add.s32.msk $0xffff, v2;
	p0 =	seq.s32 s18, $0x3  }
0x4a: {  	[tilespmem:v3+s11+$0x0] =	vst.idx.add.s32.msk $0xffff, v2;
	s19 =	sadd.s32 @!p0 s19, s6  }
0x4b: {  	[tilespmem:v4+s11+$0x0] =	vst.idx.add.s32.msk $0xffff, v2;
	s19 =	sshll.u32 @!p0 s19, $0x8  }
0x4c: {  	s20 =	simm.s32 @!p0 $0x0;
	s19 =	sadd.s32 @!p0 s3, s19;
	[tilespmem:v7+s11+$0x0] =	vst.idx.add.s32.msk $0xffff, v2  }
0x4d: {  	[tilespmem:s20], [sflag:$0x1] =	stream.linear.gather @!p0 [hbm4b:s19+s20], $0x4000, $0x38;
	[tilespmem:$0x19000] =	vst v63  }
0x4e: {  	s19 =	simm.s32 $0x0;
	s20 =	simm.s32 $0x0;
	_ =	swait.ge [sflag:s12], $0x4000  }
0x4f: {  	s21 =	sand.u32 $0x380, s20;
	s22 =	sand.u32 $0x3C00, s19;
	[sflag:s12] =	ssyncset.done $0x0  }
0x50: {  	s21 =	sor.u32 s21, s22;
	[sflag:s12] =	ssyncadd.s32 $0xFFFFC000  }
0x51: {  	v3 =	vld [tilespmem:s21+$0x4070]  }
0x52: {  	v4 =	vld [tilespmem:s21+$0x4000]  }
0x53: {  	v5 =	vld [tilespmem:s21+$0x4010]  }
0x54: {  	v6 =	vld [tilespmem:s21+$0x4020]  }
0x55: {  	v8 =	vld [tilespmem:s21+$0x4030]  }
0x56: {  	v9 =	vld [tilespmem:s21+$0x4040];
	v3 =	vshra.s32 v3, $0x12  }
0x57: {  	v10 =	vld [tilespmem:s21+$0x4050];
	v4 =	vshra.s32 v4, $0x12;
	v3 =	vadd.s32 v1, v3  }
0x58: {  	v11 =	vld [tilespmem:s21+$0x4060];
	v5 =	vshra.s32 v5, $0x12;
	v4 =	vadd.s32 v1, v4  }
0x59: {  	v6 =	vshra.s32 v6, $0x12;
	v7 =	vadd.s32 v1, v5  }
0x5a: {  	v5 =	vadd.s32 v1, v6;
	v6 =	vshra.s32 v8, $0x12  }
0x5b: {  	v6 =	vadd.s32 v1, v6  }
0x5c: {  	v8 =	vshra.s32 v9, $0x12;
	v9 =	vshra.s32 v10, $0x12;
	[tilespmem:v3+s11+$0x0] =	vst.idx.add.s32.msk $0xffff, v2  }
0x5d: {  	s18 =	sadd.s32 $0x1, s18;
	v3 =	vadd.s32 v1, v8;
	[tilespmem:v4+s11+$0x0] =	vst.idx.add.s32.msk $0xffff, v2;
	v4 =	vadd.s32 v1, v9;
	v8 =	vshra.s32 v11, $0x12  }
.LBB2_7:
0x5e: {  	s20 =	sadd.s32 $0x8, s20;
	[tilespmem:v7+s11+$0x0] =	vst.idx.add.s32.msk $0xffff, v2;
	v8 =	vadd.s32 v1, v8;
	s19 =	sadd.s32 $0x400, s19  }
0x5f: {  	s21 =	sand.u32 $0x380, s20;
	s22 =	sand.u32 $0x3C00, s19;
	p0 =	slt.u32 s20, $0x3F8;
	[tilespmem:v5+s11+$0x0] =	vst.idx.add.s32.msk $0xffff, v2  }
0x60: {  	s21 =	sor.u32 s21, s22;
	[tilespmem:v6+s11+$0x0] =	vst.idx.add.s32.msk $0xffff, v2  }
0x61: {  	v5 =	vld [tilespmem:s21+$0x4070]  }
0x62: {  	v6 =	vld [tilespmem:s21+$0x4000]  }
0x63: {  	v7 =	vld [tilespmem:s21+$0x4010]  }
0x64: {  	v9 =	vld [tilespmem:s21+$0x4020]  }
0x65: {  	v10 =	vld [tilespmem:s21+$0x4030]  }
0x66: {  	v11 =	vld [tilespmem:s21+$0x4040];
	v5 =	vshra.s32 v5, $0x12  }
0x67: {  	v6 =	vshra.s32 v6, $0x12;
	v12 =	vld [tilespmem:s21+$0x4050];
	v13 =	vadd.s32 v1, v5  }
0x68: {  	v14 =	vadd.s32 v1, v6;
	v5 =	vshra.s32 v7, $0x12;
	v15 =	vld [tilespmem:s21+$0x4060]  }
.Ltmp2:
0x69: {  	v7 =	vadd.s32 v1, v5;
	v5 =	vshra.s32 v9, $0x12;
	[tilespmem:v3+s11+$0x0] =	vst.idx.add.s32.msk $0xffff, v2;
	(pc) =	sbr.rel @p0 .LBB2_7-.Ltmp2, $4  }
0x6a: {  	v5 =	vadd.s32 v1, v5;
	v3 =	vshra.s32 v10, $0x12;
	[tilespmem:v4+s11+$0x0] =	vst.idx.add.s32.msk $0xffff, v2  }
0x6b: {  	v6 =	vadd.s32 v1, v3;
	v3 =	vshra.s32 v11, $0x12;
	[tilespmem:v8+s11+$0x0] =	vst.idx.add.s32.msk $0xffff, v2  }
0x6c: {  	v3 =	vadd.s32 v1, v3;
	v4 =	vshra.s32 v12, $0x12;
	[tilespmem:v13+s11+$0x0] =	vst.idx.add.s32.msk $0xffff, v2  }
0x6d: {  	[tilespmem:v14+s11+$0x0] =	vst.idx.add.s32.msk $0xffff, v2;
	v4 =	vadd.s32 v1, v4;
	v8 =	vshra.s32 v15, $0x12  }
0x6e: {  	_ =	sdelay $0x3  }
0x6f: {  	[tilespmem:v7+s11+$0x0] =	vst.idx.add.s32.msk $0xffff, v2;
	v63 =	vadd.s32 v1, v8;
	p0 =	seq.s32 s18, $0x4  }
.Ltmp3:
0x70: {  	[tilespmem:v5+s11+$0x0] =	vst.idx.add.s32.msk $0xffff, v2;
	(pc) =	sbr.rel @!p0 .LBB2_4-.Ltmp3, $4  }
0x71: {  	[tilespmem:v6+s11+$0x0] =	vst.idx.add.s32.msk $0xffff, v2  }
0x72: {  	[tilespmem:v3+s11+$0x0] =	vst.idx.add.s32.msk $0xffff, v2  }
0x73: {  	[tilespmem:v4+s11+$0x0] =	vst.idx.add.s32.msk $0xffff, v2  }
0x74: {  	[tilespmem:v63+s11+$0x0] =	vst.idx.add.s32.msk $0xffff, v2  }
0x75: {  	s17 =	simm.s32 $0x0  }
0x76: {  	v4 =	vld [tilespmem:s17+$0x8010]  }
0x77: {  	v5 =	vld [tilespmem:s17+$0x9010]  }
0x78: {  	v6 =	vld [tilespmem:s17+$0xA010]  }
0x79: {  	v7 =	vld [tilespmem:s17+$0xB010]  }
0x7a: {  	v8 =	vld [tilespmem:s17+$0xC010]  }
0x7b: {  	v9 =	vld [tilespmem:s17+$0xD010]  }
0x7c: {  	v10 =	vld [tilespmem:s17+$0xE010]  }
0x7d: {  	v11 =	vld [tilespmem:s17+$0xF010]  }
0x7e: {  	v12 =	vld [tilespmem:s17+$0x10010]  }
0x7f: {  	v13 =	vld [tilespmem:s17+$0x11010]  }
0x80: {  	v14 =	vld [tilespmem:s17+$0x12010]  }
0x81: {  	v15 =	vld [tilespmem:s17+$0x13010]  }
0x82: {  	v16 =	vld [tilespmem:s17+$0x14010]  }
0x83: {  	s18 =	simm.s32 $0x0;
	v17 =	vld [tilespmem:s17+$0x15010]  }
0x84: {  	s19 =	sand.u32 $0xFE0, s18;
	v18 =	vld [tilespmem:s17+$0x17010]  }
0x85: {  	v3 =	vld [tilespmem:s19+$0x9000];
	v4 =	vadd.s32 v4, v5  }
0x86: {  	v5 =	vld [tilespmem:s17+$0x16010];
	v4 =	vadd.s32 v6, v4  }
0x87: {  	v6 =	vld [tilespmem:s17+$0x8000];
	v4 =	vadd.s32 v7, v4  }
0x88: {  	v7 =	vld [tilespmem:s19+$0xA000];
	v4 =	vadd.s32 v8, v4  }
0x89: {  	v8 =	vld [tilespmem:s19+$0xB000];
	v4 =	vadd.s32 v9, v4  }
0x8a: {  	v9 =	vld [tilespmem:s19+$0xC000];
	v4 =	vadd.s32 v10, v4  }
0x8b: {  	v10 =	vld [tilespmem:s19+$0xD000];
	v4 =	vadd.s32 v11, v4  }
0x8c: {  	v3 =	vadd.s32 v6, v3;
	v11 =	vld [tilespmem:s19+$0xE000];
	v4 =	vadd.s32 v12, v4  }
0x8d: {  	v3 =	vadd.s32 v7, v3;
	v7 =	vld [tilespmem:s19+$0xF000];
	v4 =	vadd.s32 v13, v4  }
0x8e: {  	v3 =	vadd.s32 v8, v3;
	v8 =	vld [tilespmem:s19+$0x10000];
	v4 =	vadd.s32 v14, v4  }
0x8f: {  	v3 =	vadd.s32 v9, v3;
	v9 =	vld [tilespmem:s19+$0x11000];
	v4 =	vadd.s32 v15, v4  }
0x90: {  	v6 =	vld [tilespmem:s19+$0x12000];
	v3 =	vadd.s32 v10, v3;
	v4 =	vadd.s32 v16, v4  }
0x91: {  	v10 =	vadd.s32 v11, v3;
	v3 =	vld [tilespmem:s19+$0x13000];
	v4 =	vadd.s32 v17, v4  }
0x92: {  	v7 =	vadd.s32 v7, v10;
	v5 =	vadd.s32 v5, v4;
	v4 =	vld [tilespmem:s19+$0x14000]  }
0x93: {  	v7 =	vadd.s32 v8, v7;
	v10 =	vadd.s32 v18, v5;
	v5 =	vld [tilespmem:s19+$0x15000]  }
0x94: {  	s20 =	simm.s32 $0x0;
	s21 =	simm.s32 $0x20;
	v8 =	vadd.s32 v9, v7;
	v7 =	vld [tilespmem:s19+$0x16000];
	[tilespmem:s17+$0x18010] =	vst v10  }
.LBB2_10:
0x95: {  	v6 =	vadd.s32 v6, v8;
	v8 =	vld [tilespmem:s19+$0x17000];
	s19 =	sand.u32 $0xFE0, s21;
	s18 =	sadd.s32 $0x80, s18  }
0x96: {  	s22 =	sshra.s32 s18, $0x2;
	v9 =	vld [tilespmem:s19+$0x9000];
	v3 =	vadd.s32 v3, v6  }
0x97: {  	s20 =	sadd.s32 $0x2, s20;
	v6 =	vld [tilespmem:s22+$0x8010];
	v3 =	vadd.s32 v4, v3  }
0x98: {  	p0 =	slt.u32 s20, $0xFE;
	v4 =	vld [tilespmem:s22+$0x9010];
	v3 =	vadd.s32 v5, v3  }
0x99: {  	v5 =	vld [tilespmem:s22+$0xA010];
	v3 =	vadd.s32 v7, v3  }
0x9a: {  	v7 =	vld [tilespmem:s22+$0xB010];
	v3 =	vadd.s32 v8, v3  }
0x9b: {  	v8 =	vld [tilespmem:s22+$0xC010];
	[tilespmem:s17+$0x18000] =	vst v3;
	s17 =	smov.u32 s22  }
0x9c: {  	v3 =	vld [tilespmem:s17+$0xD010]  }
0x9d: {  	v4 =	vadd.s32 v6, v4;
	v6 =	vld [tilespmem:s17+$0xE010]  }
0x9e: {  	v4 =	vadd.s32 v5, v4;
	v5 =	vld [tilespmem:s17+$0xF010]  }
0x9f: {  	v4 =	vadd.s32 v7, v4;
	v7 =	vld [tilespmem:s17+$0x10010]  }
0xa0: {  	v4 =	vadd.s32 v8, v4;
	v8 =	vld [tilespmem:s17+$0x11010]  }
0xa1: {  	v3 =	vadd.s32 v3, v4;
	v4 =	vld [tilespmem:s17+$0x12010]  }
0xa2: {  	v3 =	vadd.s32 v6, v3;
	v6 =	vld [tilespmem:s17+$0x13010]  }
0xa3: {  	v3 =	vadd.s32 v5, v3;
	v5 =	vld [tilespmem:s17+$0x14010]  }
0xa4: {  	v3 =	vadd.s32 v7, v3;
	v7 =	vld [tilespmem:s17+$0x15010]  }
0xa5: {  	v3 =	vadd.s32 v8, v3;
	v8 =	vld [tilespmem:s17+$0x16010]  }
0xa6: {  	v3 =	vadd.s32 v4, v3;
	v4 =	vld [tilespmem:s17+$0x17010]  }
0xa7: {  	v10 =	vld [tilespmem:s17+$0x8000];
	v3 =	vadd.s32 v6, v3  }
0xa8: {  	v6 =	vld [tilespmem:s19+$0xA000];
	v3 =	vadd.s32 v5, v3  }
0xa9: {  	v5 =	vld [tilespmem:s19+$0xB000];
	v3 =	vadd.s32 v7, v3  }
0xaa: {  	v7 =	vld [tilespmem:s19+$0xC000];
	v3 =	vadd.s32 v8, v3  }
0xab: {  	v8 =	vld [tilespmem:s19+$0xD000];
	v3 =	vadd.s32 v4, v3  }
0xac: {  	v4 =	vadd.s32 v10, v9;
	v9 =	vld [tilespmem:s19+$0xE000];
	[tilespmem:s17+$0x18010] =	vst v3  }
0xad: {  	v3 =	vadd.s32 v6, v4;
	v4 =	vld [tilespmem:s19+$0xF000]  }
0xae: {  	v3 =	vadd.s32 v5, v3;
	v5 =	vld [tilespmem:s19+$0x10000]  }
0xaf: {  	v3 =	vadd.s32 v7, v3;
	v7 =	vld [tilespmem:s19+$0x11000]  }
.Ltmp4:
0xb0: {  	v3 =	vadd.s32 v8, v3;
	v6 =	vld [tilespmem:s19+$0x12000];
	(pc) =	sbr.rel @p0 .LBB2_10-.Ltmp4, $4  }
0xb1: {  	v8 =	vadd.s32 v9, v3;
	v3 =	vld [tilespmem:s19+$0x13000]  }
0xb2: {  	v8 =	vadd.s32 v4, v8;
	v4 =	vld [tilespmem:s19+$0x14000]  }
0xb3: {  	v8 =	vadd.s32 v5, v8;
	v5 =	vld [tilespmem:s19+$0x15000]  }
0xb4: {  	s21 =	sadd.s32 $0x20, s21;
	v8 =	vadd.s32 v7, v8;
	v7 =	vld [tilespmem:s19+$0x16000]  }
0xb5: {  	v6 =	vadd.s32 v6, v8;
	v63 =	vld [tilespmem:s19+$0x17000]  }
0xb6: {  	v3 =	vadd.s32 v3, v6  }
0xb7: {  	v3 =	vadd.s32 v4, v3  }
0xb8: {  	v3 =	vadd.s32 v5, v3  }
0xb9: {  	s1 =	sadd.s32 $0x1, s1;
	v3 =	vadd.s32 v7, v3  }
0xba: {  	p0 =	sne.s32 s1, s8;
	v3 =	vadd.s32 v63, v3  }
.Ltmp5:
0xbb: {  	[tilespmem:s17+$0x18000] =	vst v3;
	(pc) =	sbr.rel @p0 .LBB2_1-.Ltmp5, $4  }
0xbc: {  	[hbm4b:s7+s13] =	stream.strided.scatter [tilespmem:s15], [sflag:$0x3], $0x1000, s14, s13, $0x38;
	[tilespmem:$0x19000] =	vst v63  }
0xbd: {  	_ =	swait.ge [sflag:s16], $0x1000  }
0xbe: {  	[sflag:s16] =	ssyncset.done $0x0  }
0xbf: {  	[sflag:s16] =	ssyncadd.s32 $0xFFFFF000  }
0xc0: {  	_ =	sfence.sel $0x180000  }
0xc1: {  	[bflag:$0x0] =	sbarrier.arrive $0xFFFF  }
0xc2: {  	p0 =	sne.s32 s2, $0x0;
	_ =	strace $0x9000004D  }
0xc3: {  	s0 =	sadd.s32 @!p0 $0x100000, s0;
	[bflag:$0x2] =	sbarrier.arrive $0xFFFF  }
0xc4: {  	[sflag:s0] =	ssyncadd.tile.s32 @!p0 $0x1;
	_ =	shalt  }
.Lfunc_end2:
_tile_overlayer_lowered:
.L_overlay_start_2:
0xc5: {  	(tag) =	ssettag $0x2  }
0xc6: {  	s0 =	rddreg [dreg:$0x0];
	s2 =	stileid.u32  }
0xc7: {  	s1 =	rddreg [dreg:$0x1];
	p0 =	sne.s32 s2, $0x0  }
0xc8: {  	s3 =	rddreg [dreg:$0x2];
	[bflag:$0x3] =	sbarrier.arrive $0xFFFF;
	s2 =	simm.s32 @!p0 $0x1C03  }
0xc9: {  	[timem:s3], [sflag:s2] =	dma.local @!p0 [hbm:s0], s1  }
0xca: {  	s0 =	simm.s32 @!p0 $0x3  }
0xcb: {  	_ =	swait.ge @!p0 [sflag:s0], s1  }
0xcc: {  	s1 =	ssub.s32 @!p0 $0x0, s1;
	[sflag:s0] =	ssyncset.done @!p0 $0x0  }
0xcd: {  	[sflag:s0] =	ssyncadd.s32 @!p0 s1  }
0xce: {  	[bflag:$0x3] =	sbarrier.arrive $0xFFFF  }
0xcf: {  	_ =	shalt  }

// kernel: kernel.14.cloned.1.call-start
scs
__scs_entry_jumppad:
0x0: {  	(pc) =	sbr.rel $0x88, $3  }
0x1: {  	(tag) =	ssettag $0x0;
	lr =	simm.s32 $0x1  }
0x2: {  	[smem:$0x3F9F] =	sst lr;
	_ =	strace $0xD0000000  }
0x3: {  	_ = 	snop  }
0x4: {  	_ = 	snop  }
0x5: {  	_ = 	snop  }
0x6: {  	_ = 	snop  }
0x7: {  	_ = 	snop  }
__scs_overlays_trampoline_lowered:
0x8: {  	[smem:$0x3FAE] =	sst s0  }
0x9: {  	[smem:$0x3FAF] =	sst s1  }
0xa: {  	[smem:$0x3FB0] =	sst s2  }
0xb: {  	[smem:$0x3FB1] =	sst s3  }
0xc: {  	[smem:$0x3FB2] =	sst s4  }
0xd: {  	[smem:$0x3FB3] =	sst s5  }
0xe: {  	[smem:$0x3FB4] =	sst s6  }
0xf: {  	[smem:$0x3FB5] =	sst s7  }
0x10: {  	[smem:$0x3FB6] =	sst s8  }
0x11: {  	[smem:$0x3FB7] =	sst s9;
	s0 =	simm.s32 @!p0 $0x0  }
0x12: {  	s1 =	sld [smem:$0x3F9D];
	s0 =	simm.s32 @p0 $0x1  }
0x13: {  	[smem:$0x3FB8] =	sst s0;
	s0 =	simm.s32 @!p1 $0x0  }
0x14: {  	s2 =	sld [smem:$0x3F9C];
	s0 =	simm.s32 @p1 $0x1  }
0x15: {  	[smem:$0x3FB9] =	sst s0;
	s0 =	simm.s32 @!p2 $0x0  }
0x16: {  	s3 =	sld [smem:$0x3FDB];
	s0 =	simm.s32 @p2 $0x1  }
0x17: {  	s4 =	simm.s32 $0x1BF5;
	[smem:$0x3FBB] =	sst s0  }
0x18: {  	s0 =	sld [smem:$0x3F9E];
	_ =	swait.ge [sflag:s4], $0x0  }
0x19: {  	s7 =	sld [smem:$0x3F9F]  }
0x1a: {  	s8 =	sadd.s32 $0xFFFFE003, lr  }
0x1b: {  	s9 =	sadd.s32 $0xFFFFFEF7, lr;
	s5 =	simm.s32 $0xFFFFFFFF;
	p2 =	slt.u32 s8, $0xFFFFF086  }
0x1c: {  	p1 =	slt.u32 s9, $0xF7A;
	s5 =	simm.s32 @!p2 $0x0  }
0x1d: {  	s5 =	simm.s32 @p1 $0x1;
	p0 =	seq.s32 s7, s2  }
0x1e: {  	s7 =	smul.u32 @!p0 $0xF7A, s2;
	p2 =	seq.s32 @!p0 s5, $0x0  }
0x1f: {  	s9 =	smul.u32 $0xF7A, s1;
	s8 =	simm.s32 @!p0 $0x1BF5;
	p2 =	por !p2, p0  }
0x20: {  	[sflag:s8] =	ssyncset.s32 @!p0 $0xFFFFF086;
	s6 =	sadd.s32 @!p0 s3, s7;
	s7 =	simm.s32 @!p0 $0x108  }
0x21: {  	s3 =	sadd.s32 s3, s9;
	s6 =	sadd.s32 @!p0 $0x88, s6;
	s7 =	simm.s32 @p2 $0x1082  }
0x22: {  	[simem:s7], [sflag:s8] =	dma.local @!p0 [hbm:s6], $0xF7A  }
0x23: {  	s9 =	sor.u32 $0xD0000000, s2;
	s6 =	simm.s32 $0x108;
	_ =	swait.ge @!p0 [sflag:s8], $0x0  }
0x24: {  	s3 =	sadd.s32 $0x88, s3;
	s6 =	simm.s32 @!p1 $0x1082;
	[sflag:s4] =	ssyncset.s32 $0xFFFFF086  }
0x25: {  	[simem:s6], [sflag:s4] =	dma.local [hbm:s3], $0xF7A  }
0x26: {  	[smem:$0x3F9F] =	sst s1;
	(tag) =	ssettag s2;
	_ =	strace s9  }
0x27: {  	s1 =	sld [smem:$0x3FAF]  }
0x28: {  	s2 =	sld [smem:$0x3FB0]  }
0x29: {  	s4 =	sld [smem:$0x3FB2]  }
0x2a: {  	p0 =	seq.s32 s5, $0x0;
	s5 =	sld [smem:$0x3FB3]  }
0x2b: {  	s6 =	sld [smem:$0x3FB4]  }
0x2c: {  	s7 =	sld [smem:$0x3FB5]  }
0x2d: {  	s3 =	simm.s32 $0x108;
	s8 =	sld [smem:$0x3FB6]  }
0x2e: {  	s3 =	simm.s32 @!p0 $0x1082;
	s9 =	sld [smem:$0x3FB7]  }
0x2f: {  	lr =	sadd.s32 s0, s3;
	s0 =	sld [smem:$0x3FAE]  }
0x30: {  	s3 =	sld [smem:$0x3FB1]  }
0x31: {  	[smem:$0x3FBA] =	sst s10  }
0x32: {  	s10 =	sld [smem:$0x3FB8];
	_ =	sdelay $0x3  }
0x33: {  	p0 =	seq.s32 s10, $0x1;
	s10 =	sld [smem:$0x3FBA];
	_ =	sdelay $0x3  }
0x34: {  	[smem:$0x3FBA] =	sst s10  }
0x35: {  	s10 =	sld [smem:$0x3FB9];
	_ =	sdelay $0x3  }
0x36: {  	p1 =	seq.s32 s10, $0x1;
	s10 =	sld [smem:$0x3FBA];
	_ =	sdelay $0x3  }
0x37: {  	[smem:$0x3FBA] =	sst s10  }
0x38: {  	s10 =	sld [smem:$0x3FBB]  }
0x39: {  	_ = 	snop;
	(pc) =	sbr.ind lr, $3  }
0x3a: {  	_ = 	snop  }
0x3b: {  	_ = 	snop  }
0x3c: {  	p2 =	seq.s32 s10, $0x1;
	s10 =	sld [smem:$0x3FBA]  }
0x3d: {  	_ =	shalt  }
0x3e: {  	_ =	shalt  }
0x3f: {  	_ =	shalt  }
0x40: {  	_ =	shalt  }
0x41: {  	_ =	shalt  }
0x42: {  	_ =	shalt  }
0x43: {  	_ =	shalt  }
0x44: {  	_ =	shalt  }
0x45: {  	_ =	shalt  }
0x46: {  	_ =	shalt  }
0x47: {  	_ =	shalt  }
0x48: {  	_ =	shalt  }
0x49: {  	_ =	shalt  }
0x4a: {  	_ =	shalt  }
0x4b: {  	_ =	shalt  }
0x4c: {  	_ =	shalt  }
0x4d: {  	_ =	shalt  }
0x4e: {  	_ =	shalt  }
0x4f: {  	_ =	shalt  }
0x50: {  	_ =	shalt  }
0x51: {  	_ =	shalt  }
0x52: {  	_ =	shalt  }
0x53: {  	_ =	shalt  }
0x54: {  	_ =	shalt  }
0x55: {  	_ =	shalt  }
0x56: {  	_ =	shalt  }
0x57: {  	_ =	shalt  }
0x58: {  	_ =	shalt  }
0x59: {  	_ =	shalt  }
0x5a: {  	_ =	shalt  }
0x5b: {  	_ =	shalt  }
0x5c: {  	_ =	shalt  }
0x5d: {  	_ =	shalt  }
0x5e: {  	_ =	shalt  }
0x5f: {  	_ =	shalt  }
0x60: {  	_ =	shalt  }
0x61: {  	_ =	shalt  }
0x62: {  	_ =	shalt  }
0x63: {  	_ =	shalt  }
0x64: {  	_ =	shalt  }
0x65: {  	_ =	shalt  }
0x66: {  	_ =	shalt  }
0x67: {  	_ =	shalt  }
0x68: {  	_ =	shalt  }
0x69: {  	_ =	shalt  }
0x6a: {  	_ =	shalt  }
0x6b: {  	_ =	shalt  }
0x6c: {  	_ =	shalt  }
0x6d: {  	_ =	shalt  }
0x6e: {  	_ =	shalt  }
0x6f: {  	_ =	shalt  }
0x70: {  	_ =	shalt  }
0x71: {  	_ =	shalt  }
0x72: {  	_ =	shalt  }
0x73: {  	_ =	shalt  }
0x74: {  	_ =	shalt  }
0x75: {  	_ =	shalt  }
0x76: {  	_ =	shalt  }
0x77: {  	_ =	shalt  }
0x78: {  	_ =	shalt  }
0x79: {  	_ =	shalt  }
0x7a: {  	_ =	shalt  }
0x7b: {  	_ =	shalt  }
0x7c: {  	_ =	shalt  }
0x7d: {  	_ =	shalt  }
0x7e: {  	_ =	shalt  }
0x7f: {  	_ =	shalt  }
0x80: {  	_ =	shalt  }
0x81: {  	_ =	shalt  }
0x82: {  	_ =	shalt  }
0x83: {  	_ =	shalt  }
0x84: {  	_ =	shalt  }
0x85: {  	_ =	shalt  }
0x86: {  	_ =	shalt  }
0x87: {  	_ =	shalt  }
.Lfunc_end0:
.L_simem_size_0:
called_computation.3_lowered:
.L_overlay_start_0:
0x88: {  	s2 =	sld [smem:$0x3FD9]  }
0x89: {  	s3 =	sld [smem:$0x3FFE];
	_ =	sdelay $0x1  }
0x8a: {  	s1 =	srdreg.scid  }
0x8b: {  	s0 =	sand.u32 $0x1, s1  }
0x8c: {  	s14 =	sshll.u32 s0, $0xA;
	s2 =	sadd.s32 s3, s2  }
0x8d: {  	s2 =	sadd.s32 s2, s14  }
0x8e: {  	[smem:$0x3FC6] =	sst s2  }
0x8f: {  	_ = 	snop  }
0x90: {  	s2 =	sld [smem:$0x3FD0];
	_ =	sdelay $0x2  }
0x91: {  	s15 =	simm.s32 $0xA;
	s4 =	simm.s32 $0x10  }
0x92: {  	[smem:s4], [sflag:s15] =	dma.local [hbm:s2], $0x1  }
0x93: {  	_ =	swait.eq [sflag:s15], $0x1  }
0x94: {  	[sflag:s15] =	ssyncset.done $0x0  }
0x95: {  	[sflag:s15] =	ssyncadd.s32 $0xFFFFFFFF  }
0x96: {  	s16 =	sld [smem:$0x10];
	(tm) =	ssettm $0x1  }
0x97: {  	s17 =	sld [smem:$0x3FFB];
	_ =	sdelay $0x3  }
0x98: {  	_ =	strace s17  }
0x99: {  	s3 =	sld [smem:$0x3FFC];
	_ =	sdelay $0x3  }
0x9a: {  	_ =	strace s3  }
0x9b: {  	s3 =	sld [smem:$0x3FFD];
	_ =	sdelay $0x3  }
0x9c: {  	_ =	strace s3  }
0x9d: {  	_ =	strace $0x8FFFFFFF  }
0x9e: {  	s18 =	sld [smem:$0x3FDB];
	_ =	sdelay $0x1  }
0x9f: {  	s19 =	simm.s32 $_scs_section_size  }
0xa0: {  	s5 =	simm.s32 $_size__tile_overlayer_lowered;
	s6 =	simm.s32 $_tile_overlayer_lowered  }
0xa1: {  	s22 =	simm.s32 $0x1BFF;
	s21 =	sshll.u32 s6, $0x1;
	s3 =	sadd.s32 s19, s18  }
0xa2: {  	s7 =	simm.s32 $0x0;
	s20 =	sshll.u32 s5, $0x1;
	s5 =	sadd.s32 s21, s3  }
0xa3: {  	[timem:s7], [sflag:s22] =	dma.local [hbm:s5], s20  }
0xa4: {  	_ =	swait.ge [sflag:s22], s20  }
0xa5: {  	s4 =	ssub.s32 $0x0, s20;
	[sflag:s22] =	ssyncset.done $0x0  }
0xa6: {  	[sflag:s22] =	ssyncadd.s32 s4;
	_ =	sdelay $0x1  }
0xa7: {  	s23 =	simm.s32 $0x1B8B  }
0xa8: {  	_ =	swait.ge [sflag:s23], $0x1  }
0xa9: {  	[sflag:s23] =	ssyncset.done $0x0  }
0xaa: {  	s25 =	simm.s32 $0x1B8E;
	s24 =	sld [smem:$0x3FFE];
	[sflag:s23] =	ssyncadd.s32 $0xFFFFFFFF  }
0xab: {  	s26 =	simm.s32 $execute0_lowered;
	[smem:$0x3FD2] =	sst s25  }
0xac: {  	s5 =	sshll.u32 s26, $0x1;
	_ =	strace $0x8000004F;
	[dreg:$0x1] =	wrdreg $0xFFFFFFFF  }
0xad: {  	s28 =	simm.s32 $_size_execute0_lowered;
	s3 =	sadd.s32 s3, s5;
	[dreg:$0x0] =	wrdreg $0x0  }
0xae: {  	s5 =	sshll.u32 s28, $0x1;
	[dreg:$0x2] =	wrdreg s3  }
0xaf: {  	[dreg:$0x3] =	wrdreg s5  }
0xb0: {  	[dreg:$0x4] =	wrdreg $0xC0  }
0xb1: {  	_ =	task [dreg:s7], $0x5FFFF  }
0xb2: {  	[dreg:$0x1] =	wrdreg $0xFFFFFFFF  }
0xb3: {  	[dreg:$0x0] =	wrdreg $0x60  }
0xb4: {  	[dreg:$0x2] =	wrdreg s24  }
0xb5: {  	[dreg:$0x3] =	wrdreg s16  }
0xb6: {  	[dreg:$0x4] =	wrdreg $0x9  }
0xb7: {  	_ =	task.clear_ibuf [dreg:s7], $0x5FFFF;
	_ =	strace $0x9000004F  }
0xb8: {  	s29 =	simm.s32 $0x9;
	_ =	strace $0x80000051  }
0xb9: {  	_ =	swait.ge [sflag:s29], $0x1  }
0xba: {  	[sflag:s29] =	ssyncadd.s32 $0xFFFFFFFF  }
0xbb: {  	_ =	strace $0x90000051  }
0xbc: {  	_ =	sfence  }
0xbd: {  	s30 =	sld [smem:$0x0];
	_ =	sdelay $0x2  }
0xbe: {  	s31 =	sshll.u32 s1, $0xD;
	s1 =	sshrl.u32 s1, $0x2  }
0xbf: {  	s3 =	sand.u32 $0x4000, s31;
	s1 =	sadd.s32 s1, s30  }
0xc0: {  	s0 =	sor.u32 s3, s0;
	s1 =	sshll.u32 s1, $0x11  }
0xc1: {  	s0 =	sor.u32 s1, s0  }
0xc2: {  	s0 =	sadd.s32 $0x8F2B, s0  }
0xc3: {  	[sflag:s0] =	ssyncadd.remote.s32 $0x1  }
0xc4: {  	_ =	sfence.sel $0xFFFF  }
0xc5: {  	[dreg:$0x0] =	wrdreg $0xFFFFFFFF;
	(pc) =	sbr.abs _section_cstart, $3  }
0xc6: {  	[dreg:$0x1] =	wrdreg $0xFFFFFFFF  }
0xc7: {  	_ =	task.clear_ibuf [dreg:s7], $0x2FFFF;
	_ =	strace $0x9FFFFFFF  }
0xc8: {  	(tm) =	ssettm $0x7FFFFFFF  }
0xc9: {  	_ =	shalt  }
tec
execute0_lowered:
.L_overlay_start_1:
0x0: {  	(tag) =	ssettag $0x1  }
0x1: {  	s4 =	rddreg [dreg:$0x0]  }
0x2: {  	s8 =	rddreg [dreg:$0x1]  }
0x3: {  	s0 =	rddreg [dreg:$0x2];
	s1 =	simm.s32 $0x0  }
0x4: {  	s2 =	srdreg.scid;
	s12 =	simm.s32 $0x4000;
	s13 =	simm.s32 $0x1  }
0x5: {  	s14 =	simm.s32 $0x8080;
	s15 =	simm.s32 $0x2;
	s16 =	simm.s32 $0x80  }
0x6: {  	s17 =	simm.s32 $0x400;
	s18 =	simm.s32 $0x18080;
	s19 =	simm.s32 $0x0  }
0x7: {  	[smem:$0x7FF] =	sst s1;
	s5 =	sand.u32 $0x1, s2;
	s2 =	stileid.u32  }
0x8: {  	s3 =	sadd.s32 $0x3800, s4;
	s4 =	sadd.s32 $0x83800, s4;
	_ =	strace $0x80000050  }
0x9: {  	s6 =	ssub.s32 $0x2, s5;
	s9 =	sshll.u32 s2, $0x1;
	s31 =	sshll.u32 s2, $0xA  }
0xa: {  	s7 =	sshrl.u32 s6, $0x1;
	s29 =	sor.u32 s5, s9;
	s9 =	sand.u32 $0x3000, s31  }
0xb: {  	s10 =	ssub.s32 s6, s7;
	s5 =	sshll.u32 s29, $0x6;
	s30 =	sshll.u32 s29, $0xE  }
0xc: {  	s11 =	sshll.u32 s29, $0x4;
	s8 =	sadd.s32 s8, s9;
	s6 =	sadd.s32 s3, s30  }
0xd: {  	v1 =	vlaneseq.u32;
	s7 =	sor.u32 $0x10, s5;
	s11 =	sand.u32 $0x70, s11;
	s9 =	smax.u32 s10, $0x1  }
0xe: {  	v0 =	vimm.s32 $0x0;
	v2 =	vimm.s32 $0x1;
	v1 =	vmul.u32 $0x1000, v1;
	s10 =	simm.s32 $0x8000;
	s8 =	sadd.s32 s11, s8;
	s11 =	simm.s32 $0x3  }
.LBB2_1:
0xf: {  	[tilespmem:s10], [sflag:$0x3] =	stream.linear.gather [hbm4b:s4+s1], $0x80, $0x38;
	[tilespmem:$0x19080] =	vst v63  }
0x10: {  	_ =	swait.ge [sflag:s11], $0x80  }
0x11: {  	[sflag:s11] =	ssyncset.done $0x0  }
0x12: {  	s20 =	simm.s32 $0x80C0;
	[sflag:s11] =	ssyncadd.s32 $0xFFFFFF80  }
0x13: {  	v3 =	vld [tilespmem:$0x8000];
	[tilespmem:s20+$0xFFFFFFC0] =	vst v0  }
0x14: {  	[tilespmem:s20+$0x30] =	vst v0  }
0x15: {  	[tilespmem:s20+$0x20] =	vst v0  }
0x16: {  	[tilespmem:s20+$0x10] =	vst v0  }
0x17: {  	[tilespmem:s20+$0x0] =	vst v0  }
0x18: {  	[tilespmem:s20+$0xFFFFFFF0] =	vst v0  }
0x19: {  	s21 =	simm.s32 $0x0;
	[tilespmem:s20+$0xFFFFFFE0] =	vst v0  }
.LBB2_2:
0x1a: {  	s21 =	sadd.s32 $0x8, s21;
	[tilespmem:s20+$0xFFFFFFD0] =	vst v0;
	s20 =	sadd.s32 $0x80, s20  }
0x1b: {  	[tilespmem:s20+$0xFFFFFFC0] =	vst v0;
	p0 =	slt.u32 s21, $0xFF8  }
0x1c: {  	[tilespmem:s20+$0x30] =	vst v0  }
.Ltmp0:
0x1d: {  	[tilespmem:s20+$0x20] =	vst v0;
	(pc) =	sbr.rel @p0 .LBB2_2-.Ltmp0, $4  }
0x1e: {  	[tilespmem:s20+$0x10] =	vst v0  }
0x1f: {  	[tilespmem:s20+$0x0] =	vst v0  }
0x20: {  	[tilespmem:s20+$0xFFFFFFF0] =	vst v0  }
0x21: {  	[tilespmem:s20+$0xFFFFFFE0] =	vst v0  }
0x22: {  	[tilespmem:s20+$0xFFFFFFD0] =	vst v0;
	s20 =	simm.s32 $0x0;
	v3 =	vbroadcast v3, $0x0;
	s21 =	simm.s32 $0x0  }
0x23: {  	[tilespmem:s20], [sflag:$0x1] =	stream.linear.gather [hbm4b:s6+s20], $0x4000, $0x38;
	[tilespmem:$0x19080] =	vst v63  }
.LBB2_4:
0x24: {  	s22 =	sshll.u32 s21, $0x4  }
0x25: {  	s23 =	sadd.s32 s22, s5  }
0x26: {  	s23 =	sshll.u32 s23, $0x8  }
0x27: {  	s23 =	sadd.s32 s3, s23  }
0x28: {  	s23 =	sadd.s32 $0x800, s23  }
0x29: {  	[tilespmem:s12], [sflag:$0x2] =	stream.linear.gather [hbm4b:s23+s20], $0x4000, $0x38;
	[tilespmem:$0x19080] =	vst v63  }
0x2a: {  	s30 =	simm.s32 $0x0;
	_ =	swait.ge [sflag:s13], $0x4000  }
0x2b: {  	s24 =	sand.u32 $0x3C00, s20;
	s23 =	sand.u32 $0x380, s30;
	[sflag:s13] =	ssyncset.done $0x0  }
0x2c: {  	s25 =	sor.u32 s23, s24;
	[sflag:s13] =	ssyncadd.s32 $0xFFFFC000  }
0x2d: {  	v4 =	vld [tilespmem:s25+$0x50]  }
0x2e: {  	v5 =	vld [tilespmem:s25+$0x60]  }
0x2f: {  	v8 =	vld [tilespmem:s25+$0x30]  }
0x30: {  	v6 =	vld [tilespmem:s25+$0x70];
	_ =	sdelay $0x1  }
0x31: {  	v7 =	vld [tilespmem:s25+$0x0]  }
0x32: {  	v9 =	vshrl.u32 v4, $0x6;
	v4 =	vshra.s32 v4, $0x12;
	v10 =	vshra.s32 v5, $0x12  }
0x33: {  	v5 =	vshrl.u32 v5, $0x6;
	v14 =	vshrl.u32 v8, $0x6;
	vm1 =	veq.s32 v4, v3  }
0x34: {  	s23 =	simm.s32 $0x8;
	s24 =	simm.s32 $0x400;
	vm2 =	veq.s32 v10, v3;
	v4 =	vand.u32 $0xFFF, v9;
	v9 =	vld [tilespmem:s25+$0x10];
	v10 =	vshrl.u32 v6, $0x6  }
0x35: {  	s26 =	sand.u32 $0x380, s23;
	s28 =	sand.u32 $0x3C00, s24;
	v12 =	vld [tilespmem:s25+$0x40];
	v6 =	vshra.s32 v6, $0x12;
	v5 =	vand.u32 $0xFFF, v5;
	v11 =	vor.u32 v1, v4  }
0x36: {  	s31 =	sor.u32 s26, s28;
	v13 =	vld [tilespmem:s25+$0x20];
	v4 =	vshra.s32 v7, $0x12;
	v7 =	vshrl.u32 v7, $0x6;
	v15 =	vor.u32 v1, v5  }
0x37: {  	v16 =	vld [tilespmem:s31+$0x50];
	v5 =	vand.u32 $0xFFF, v10;
	vm0 =	veq.s32 v6, v3;
	v10 =	vand.u32 $0xFFF, v14  }
0x38: {  	v17 =	vld [tilespmem:s31+$0x70];
	vm3 =	veq.s32 v4, v3;
	v4 =	vand.u32 $0xFFF, v7;
	v5 =	vor.u32 v1, v5  }
0x39: {  	v6 =	vld [tilespmem:s31+$0x0];
	v7 =	vshra.s32 v8, $0x12;
	v14 =	vor.u32 v1, v10;
	v8 =	vshrl.u32 v9, $0x6  }
0x3a: {  	vm5 =	veq.s32 v7, v3;
	v9 =	vshra.s32 v9, $0x12;
	v7 =	vand.u32 $0xFFF, v8;
	v8 =	vld [tilespmem:s31+$0x60]  }
0x3b: {  	vm6 =	veq.s32 v9, v3;
	v9 =	vshra.s32 v13, $0x12;
	[tilespmem:v15+s14+$0x0] =	vst.idx.add.s32.msk vm2, v2;
	v18 =	vor.u32 v1, v7  }
0x3c: {  	[tilespmem:v11+s14+$0x0] =	vst.idx.add.s32.msk vm1, v2;
	v7 =	vshrl.u32 v13, $0x6;
	v13 =	vshra.s32 v12, $0x12;
	v12 =	vshrl.u32 v12, $0x6  }
0x3d: {  	vm3 =	vmmov vm3;
	v11 =	vld [tilespmem:s31+$0x30];
	vm7 =	veq.s32 v13, v3;
	v10 =	vand.u32 $0xFFF, v12  }
0x3e: {  	vm4 =	veq.s32 v9, v3;
	v9 =	vand.u32 $0xFFF, v7;
	v7 =	vld [tilespmem:s31+$0x40];
	v19 =	vor.u32 v1, v10  }
0x3f: {  	v15 =	vshrl.u32 v16, $0x6;
	v13 =	vshra.s32 v16, $0x12;
	v12 =	vld [tilespmem:s31+$0x10];
	v10 =	vor.u32 v1, v9  }
0x40: {  	v9 =	vld [tilespmem:s31+$0x20];
	vm1 =	veq.s32 v13, v3;
	v13 =	vand.u32 $0xFFF, v15;
	v15 =	vshrl.u32 v17, $0x6  }
0x41: {  	v4 =	vor.u32 v1, v4;
	[tilespmem:v14+s14+$0x0] =	vst.idx.add.s32.msk vm5, v2;
	v15 =	vand.u32 $0xFFF, v15;
	v16 =	vshra.s32 v8, $0x12  }
0x42: {  	v14 =	vshrl.u32 v11, $0x6;
	vm2 =	veq.s32 v16, v3;
	v16 =	vshrl.u32 v8, $0x6;
	[tilespmem:v18+s14+$0x0] =	vst.idx.add.s32.msk vm6, v2  }
0x43: {  	v8 =	vor.u32 v1, v13;
	v13 =	vshra.s32 v17, $0x12;
	v17 =	vshra.s32 v6, $0x12;
	[tilespmem:v19+s14+$0x0] =	vst.idx.add.s32.msk vm7, v2  }
.LBB2_5:
0x44: {  	s23 =	sadd.s32 $0x8, s23;
	v6 =	vshrl.u32 v6, $0x6;
	vm6 =	veq.s32 v17, v3;
	v16 =	vand.u32 $0xFFF, v16;
	s24 =	sadd.s32 $0x400, s24;
	[tilespmem:v10+s14+$0x0] =	vst.idx.add.s32.msk vm4, v2  }
0x45: {  	s25 =	sand.u32 $0x380, s23;
	s26 =	sand.u32 $0x3C00, s24;
	p0 =	slt.u32 s23, $0x3F8;
	v6 =	vand.u32 $0xFFF, v6;
	v16 =	vor.u32 v1, v16;
	[tilespmem:v5+s14+$0x0] =	vst.idx.add.s32.msk vm0, v2;
	v5 =	vor.u32 v1, v15  }
0x46: {  	v10 =	vshra.s32 v11, $0x12;
	vm0 =	veq.s32 v13, v3;
	s25 =	sor.u32 s25, s26;
	[tilespmem:v4+s14+$0x0] =	vst.idx.add.s32.msk vm3, v2;
	v4 =	vor.u32 v1, v6  }
0x47: {  	v11 =	vshra.s32 v12, $0x12;
	vm5 =	veq.s32 v10, v3;
	v6 =	vshrl.u32 v12, $0x6;
	v13 =	vld [tilespmem:s25+$0x50]  }
0x48: {  	vm7 =	veq.s32 v11, v3;
	v11 =	vshra.s32 v9, $0x12;
	v10 =	vand.u32 $0xFFF, v6;
	v15 =	vld [tilespmem:s25+$0x70]  }
0x49: {  	v9 =	vshrl.u32 v9, $0x6;
	v12 =	vand.u32 $0xFFF, v14;
	v17 =	vor.u32 v1, v10;
	v6 =	vld [tilespmem:s25+$0x0]  }
0x4a: {  	vm4 =	veq.s32 v11, v3;
	v9 =	vand.u32 $0xFFF, v9;
	v11 =	vshra.s32 v7, $0x12;
	v14 =	vld [tilespmem:s25+$0x60]  }
0x4b: {  	v7 =	vshrl.u32 v7, $0x6;
	v10 =	vor.u32 v1, v9;
	vm8 =	veq.s32 v11, v3;
	[tilespmem:v16+s14+$0x0] =	vst.idx.add.s32.msk vm2, v2  }
0x4c: {  	vm3 =	vmmov vm6;
	v18 =	vor.u32 v1, v12;
	v7 =	vand.u32 $0xFFF, v7;
	[tilespmem:v8+s14+$0x0] =	vst.idx.add.s32.msk vm1, v2  }
0x4d: {  	v19 =	vor.u32 v1, v7;
	v11 =	vld [tilespmem:s25+$0x30]  }
0x4e: {  	v7 =	vld [tilespmem:s25+$0x40]  }
.Ltmp1:
0x4f: {  	v8 =	vshrl.u32 v13, $0x6;
	v13 =	vshra.s32 v13, $0x12;
	v9 =	vld [tilespmem:s25+$0x20];
	v16 =	vshra.s32 v14, $0x12;
	(pc) =	sbr.rel @p0 .LBB2_5-.Ltmp1, $4  }
0x50: {  	vm1 =	veq.s32 v13, v3;
	v12 =	vld [tilespmem:s25+$0x10];
	vm2 =	veq.s32 v16, v3  }
0x51: {  	v8 =	vand.u32 $0xFFF, v8;
	v20 =	vshrl.u32 v15, $0x6;
	v16 =	vshrl.u32 v14, $0x6;
	[tilespmem:v17+s14+$0x0] =	vst.idx.add.s32.msk vm7, v2  }
0x52: {  	v13 =	vshra.s32 v15, $0x12;
	v8 =	vor.u32 v1, v8;
	[tilespmem:v18+s14+$0x0] =	vst.idx.add.s32.msk vm5, v2  }
0x53: {  	v15 =	vand.u32 $0xFFF, v20;
	v17 =	vshra.s32 v6, $0x12;
	v14 =	vshrl.u32 v11, $0x6;
	[tilespmem:v19+s14+$0x0] =	vst.idx.add.s32.msk vm8, v2  }
0x54: {  	_ =	sdelay $0x3  }
0x55: {  	v16 =	vand.u32 $0xFFF, v16;
	vm5 =	veq.s32 v17, v3  }
0x56: {  	v11 =	vshra.s32 v11, $0x12;
	[tilespmem:v10+s14+$0x0] =	vst.idx.add.s32.msk vm4, v2;
	v10 =	vand.u32 $0xFFF, v14;
	v14 =	vshra.s32 v7, $0x12  }
0x57: {  	v7 =	vshrl.u32 v7, $0x6;
	v6 =	vshrl.u32 v6, $0x6;
	vm4 =	veq.s32 v13, v3  }
0x58: {  	v16 =	vor.u32 v1, v16;
	v17 =	vshrl.u32 v12, $0x6;
	vm6 =	veq.s32 v11, v3  }
0x59: {  	[tilespmem:v5+s14+$0x0] =	vst.idx.add.s32.msk vm0, v2;
	vm0 =	veq.s32 v14, v3;
	v5 =	vor.u32 v1, v10;
	v7 =	vand.u32 $0xFFF, v7  }
0x5a: {  	v12 =	vshra.s32 v12, $0x12;
	v6 =	vand.u32 $0xFFF, v6;
	v7 =	vor.u32 v1, v7  }
0x5b: {  	[tilespmem:v4+s14+$0x0] =	vst.idx.add.s32.msk vm3, v2;
	vm7 =	veq.s32 v12, v3;
	v11 =	vand.u32 $0xFFF, v17;
	v6 =	vor.u32 v1, v6  }
0x5c: {  	[tilespmem:v8+s14+$0x0] =	vst.idx.add.s32.msk vm1, v2;
	v12 =	vshra.s32 v9, $0x12;
	v9 =	vshrl.u32 v9, $0x6;
	v11 =	vor.u32 v1, v11  }
0x5d: {  	vm3 =	veq.s32 v12, v3;
	v4 =	vand.u32 $0xFFF, v9;
	v9 =	vor.u32 v1, v15;
	[tilespmem:v16+s14+$0x0] =	vst.idx.add.s32.msk vm2, v2  }
0x5e: {  	v4 =	vor.u32 v1, v4;
	[tilespmem:v5+s14+$0x0] =	vst.idx.add.s32.msk vm6, v2  }
0x5f: {  	[tilespmem:v7+s14+$0x0] =	vst.idx.add.s32.msk vm0, v2  }
0x60: {  	p0 =	seq.s32 s21, $0x3;
	[tilespmem:v6+s14+$0x0] =	vst.idx.add.s32.msk vm5, v2  }
0x61: {  	s22 =	sadd.s32 @!p0 s22, s7;
	[tilespmem:v11+s14+$0x0] =	vst.idx.add.s32.msk vm7, v2  }
0x62: {  	s22 =	sshll.u32 @!p0 s22, $0x8;
	[tilespmem:v9+s14+$0x0] =	vst.idx.add.s32.msk vm4, v2  }
0x63: {  	s23 =	simm.s32 @!p0 $0x0;
	s22 =	sadd.s32 @!p0 s3, s22;
	[tilespmem:v4+s14+$0x0] =	vst.idx.add.s32.msk vm3, v2  }
0x64: {  	[tilespmem:s23], [sflag:$0x1] =	stream.linear.gather @!p0 [hbm4b:s22+s23], $0x4000, $0x38;
	[tilespmem:$0x19080] =	vst v63  }
0x65: {  	s29 =	simm.s32 $0x0;
	s30 =	simm.s32 $0x0;
	_ =	swait.ge [sflag:s15], $0x4000  }
0x66: {  	s23 =	sand.u32 $0x380, s30;
	s22 =	sand.u32 $0x3C00, s29;
	[sflag:s15] =	ssyncset.done $0x0  }
0x67: {  	s24 =	sor.u32 s23, s22;
	[sflag:s15] =	ssyncadd.s32 $0xFFFFC000  }
0x68: {  	v4 =	vld [tilespmem:s24+$0x4050]  }
0x69: {  	v5 =	vld [tilespmem:s24+$0x4060]  }
0x6a: {  	v8 =	vld [tilespmem:s24+$0x4030]  }
0x6b: {  	v6 =	vld [tilespmem:s24+$0x4070];
	_ =	sdelay $0x1  }
0x6c: {  	vm1 =	vmmov vm5;
	v7 =	vld [tilespmem:s24+$0x4000]  }
0x6d: {  	v9 =	vshrl.u32 v4, $0x6;
	v4 =	vshra.s32 v4, $0x12;
	v10 =	vshra.s32 v5, $0x12  }
0x6e: {  	v5 =	vshrl.u32 v5, $0x6;
	v14 =	vshrl.u32 v8, $0x6;
	vm1 =	veq.s32 v4, v3  }
0x6f: {  	s22 =	simm.s32 $0x8;
	s23 =	simm.s32 $0x400;
	vm2 =	veq.s32 v10, v3;
	v4 =	vand.u32 $0xFFF, v9;
	v9 =	vld [tilespmem:s24+$0x4010];
	v10 =	vshrl.u32 v6, $0x6  }
0x70: {  	s25 =	sand.u32 $0x380, s22;
	s26 =	sand.u32 $0x3C00, s23;
	v12 =	vld [tilespmem:s24+$0x4040];
	v6 =	vshra.s32 v6, $0x12;
	v5 =	vand.u32 $0xFFF, v5;
	v11 =	vor.u32 v1, v4  }
0x71: {  	s31 =	sor.u32 s25, s26;
	v13 =	vld [tilespmem:s24+$0x4020];
	v4 =	vshra.s32 v7, $0x12;
	v7 =	vshrl.u32 v7, $0x6;
	v15 =	vor.u32 v1, v5  }
0x72: {  	v16 =	vld [tilespmem:s31+$0x4050];
	v5 =	vand.u32 $0xFFF, v10;
	vm0 =	veq.s32 v6, v3;
	v10 =	vand.u32 $0xFFF, v14  }
0x73: {  	v17 =	vld [tilespmem:s31+$0x4070];
	vm3 =	veq.s32 v4, v3;
	v4 =	vand.u32 $0xFFF, v7;
	v5 =	vor.u32 v1, v5  }
0x74: {  	v6 =	vld [tilespmem:s31+$0x4000];
	v7 =	vshra.s32 v8, $0x12;
	v14 =	vor.u32 v1, v10;
	v8 =	vshrl.u32 v9, $0x6  }
0x75: {  	vm5 =	veq.s32 v7, v3;
	v9 =	vshra.s32 v9, $0x12;
	v7 =	vand.u32 $0xFFF, v8;
	v8 =	vld [tilespmem:s31+$0x4060]  }
0x76: {  	vm6 =	veq.s32 v9, v3;
	v9 =	vshra.s32 v13, $0x12;
	[tilespmem:v15+s14+$0x0] =	vst.idx.add.s32.msk vm2, v2;
	v18 =	vor.u32 v1, v7  }
0x77: {  	[tilespmem:v11+s14+$0x0] =	vst.idx.add.s32.msk vm1, v2;
	v7 =	vshrl.u32 v13, $0x6;
	v13 =	vshra.s32 v12, $0x12;
	v12 =	vshrl.u32 v12, $0x6  }
0x78: {  	vm3 =	vmmov vm3;
	v11 =	vld [tilespmem:s31+$0x4030];
	vm7 =	veq.s32 v13, v3;
	v10 =	vand.u32 $0xFFF, v12  }
0x79: {  	vm4 =	veq.s32 v9, v3;
	v9 =	vand.u32 $0xFFF, v7;
	v7 =	vld [tilespmem:s31+$0x4040];
	v19 =	vor.u32 v1, v10  }
0x7a: {  	v15 =	vshrl.u32 v16, $0x6;
	v13 =	vshra.s32 v16, $0x12;
	v12 =	vld [tilespmem:s31+$0x4010];
	v10 =	vor.u32 v1, v9  }
0x7b: {  	v9 =	vld [tilespmem:s31+$0x4020];
	vm1 =	veq.s32 v13, v3;
	v13 =	vand.u32 $0xFFF, v15;
	v15 =	vshrl.u32 v17, $0x6  }
0x7c: {  	v4 =	vor.u32 v1, v4;
	[tilespmem:v14+s14+$0x0] =	vst.idx.add.s32.msk vm5, v2;
	v15 =	vand.u32 $0xFFF, v15;
	v16 =	vshra.s32 v8, $0x12  }
0x7d: {  	v14 =	vshrl.u32 v11, $0x6;
	vm2 =	veq.s32 v16, v3;
	v16 =	vshrl.u32 v8, $0x6;
	[tilespmem:v18+s14+$0x0] =	vst.idx.add.s32.msk vm6, v2  }
0x7e: {  	s21 =	sadd.s32 $0x1, s21;
	v8 =	vor.u32 v1, v13;
	v13 =	vshra.s32 v17, $0x12;
	v17 =	vshra.s32 v6, $0x12;
	[tilespmem:v19+s14+$0x0] =	vst.idx.add.s32.msk vm7, v2  }
.LBB2_7:
0x7f: {  	s22 =	sadd.s32 $0x8, s22;
	v6 =	vshrl.u32 v6, $0x6;
	vm6 =	veq.s32 v17, v3;
	v16 =	vand.u32 $0xFFF, v16;
	s23 =	sadd.s32 $0x400, s23;
	[tilespmem:v10+s14+$0x0] =	vst.idx.add.s32.msk vm4, v2  }
0x80: {  	s24 =	sand.u32 $0x380, s22;
	s25 =	sand.u32 $0x3C00, s23;
	p0 =	slt.u32 s22, $0x3F8;
	v6 =	vand.u32 $0xFFF, v6;
	v16 =	vor.u32 v1, v16;
	[tilespmem:v5+s14+$0x0] =	vst.idx.add.s32.msk vm0, v2;
	v5 =	vor.u32 v1, v15  }
0x81: {  	v10 =	vshra.s32 v11, $0x12;
	vm0 =	veq.s32 v13, v3;
	s24 =	sor.u32 s24, s25;
	[tilespmem:v4+s14+$0x0] =	vst.idx.add.s32.msk vm3, v2;
	v4 =	vor.u32 v1, v6  }
0x82: {  	v11 =	vshra.s32 v12, $0x12;
	vm5 =	veq.s32 v10, v3;
	v6 =	vshrl.u32 v12, $0x6;
	v13 =	vld [tilespmem:s24+$0x4050]  }
0x83: {  	vm7 =	veq.s32 v11, v3;
	v11 =	vshra.s32 v9, $0x12;
	v10 =	vand.u32 $0xFFF, v6;
	v15 =	vld [tilespmem:s24+$0x4070]  }
0x84: {  	v9 =	vshrl.u32 v9, $0x6;
	v12 =	vand.u32 $0xFFF, v14;
	v17 =	vor.u32 v1, v10;
	v6 =	vld [tilespmem:s24+$0x4000]  }
0x85: {  	vm4 =	veq.s32 v11, v3;
	v9 =	vand.u32 $0xFFF, v9;
	v11 =	vshra.s32 v7, $0x12;
	v14 =	vld [tilespmem:s24+$0x4060]  }
0x86: {  	v7 =	vshrl.u32 v7, $0x6;
	v10 =	vor.u32 v1, v9;
	vm8 =	veq.s32 v11, v3;
	[tilespmem:v16+s14+$0x0] =	vst.idx.add.s32.msk vm2, v2  }
0x87: {  	vm3 =	vmmov vm6;
	v18 =	vor.u32 v1, v12;
	v7 =	vand.u32 $0xFFF, v7;
	[tilespmem:v8+s14+$0x0] =	vst.idx.add.s32.msk vm1, v2  }
0x88: {  	v19 =	vor.u32 v1, v7;
	v11 =	vld [tilespmem:s24+$0x4030]  }
0x89: {  	v7 =	vld [tilespmem:s24+$0x4040]  }
.Ltmp2:
0x8a: {  	v8 =	vshrl.u32 v13, $0x6;
	v13 =	vshra.s32 v13, $0x12;
	v9 =	vld [tilespmem:s24+$0x4020];
	v16 =	vshra.s32 v14, $0x12;
	(pc) =	sbr.rel @p0 .LBB2_7-.Ltmp2, $4  }
0x8b: {  	vm1 =	veq.s32 v13, v3;
	v12 =	vld [tilespmem:s24+$0x4010];
	vm2 =	veq.s32 v16, v3  }
0x8c: {  	v8 =	vand.u32 $0xFFF, v8;
	v20 =	vshrl.u32 v15, $0x6;
	v16 =	vshrl.u32 v14, $0x6;
	[tilespmem:v17+s14+$0x0] =	vst.idx.add.s32.msk vm7, v2  }
0x8d: {  	v13 =	vshra.s32 v15, $0x12;
	v8 =	vor.u32 v1, v8;
	[tilespmem:v18+s14+$0x0] =	vst.idx.add.s32.msk vm5, v2  }
0x8e: {  	v15 =	vand.u32 $0xFFF, v20;
	v17 =	vshra.s32 v6, $0x12;
	v14 =	vshrl.u32 v11, $0x6;
	[tilespmem:v19+s14+$0x0] =	vst.idx.add.s32.msk vm8, v2  }
0x8f: {  	_ = 	snop  }
0x90: {  	v16 =	vand.u32 $0xFFF, v16;
	vm5 =	veq.s32 v17, v3  }
0x91: {  	v11 =	vshra.s32 v11, $0x12;
	v58 =	vshra.s32 v9, $0x12;
	v59 =	vshrl.u32 v9, $0x6  }
0x92: {  	v60 =	vand.u32 $0xFFF, v14;
	v61 =	vshra.s32 v7, $0x12;
	v62 =	vshrl.u32 v7, $0x6  }
0x93: {  	v6 =	vshrl.u32 v6, $0x6;
	vm14 =	veq.s32 v13, v3;
	v16 =	vor.u32 v1, v16  }
0x94: {  	[tilespmem:v10+s14+$0x0] =	vst.idx.add.s32.msk vm4, v2;
	v63 =	vor.u32 v1, v15;
	v55 =	vshrl.u32 v12, $0x6;
	vm6 =	veq.s32 v11, v3  }
0x95: {  	[tilespmem:v5+s14+$0x0] =	vst.idx.add.s32.msk vm0, v2;
	vm12 =	veq.s32 v61, v3;
	v5 =	vor.u32 v1, v60;
	v7 =	vand.u32 $0xFFF, v62  }
0x96: {  	[tilespmem:v4+s14+$0x0] =	vst.idx.add.s32.msk vm3, v2;
	vm13 =	veq.s32 v58, v3;
	v4 =	vand.u32 $0xFFF, v59;
	v7 =	vor.u32 v1, v7  }
0x97: {  	[tilespmem:v8+s14+$0x0] =	vst.idx.add.s32.msk vm1, v2;
	v56 =	vshra.s32 v12, $0x12;
	v6 =	vand.u32 $0xFFF, v6;
	v4 =	vor.u32 v1, v4  }
0x98: {  	vm7 =	veq.s32 v56, v3;
	v57 =	vand.u32 $0xFFF, v55;
	v6 =	vor.u32 v1, v6;
	[tilespmem:v16+s14+$0x0] =	vst.idx.add.s32.msk vm2, v2  }
0x99: {  	p0 =	seq.s32 s21, $0x4;
	v11 =	vor.u32 v1, v57;
	[tilespmem:v63+s14+$0x0] =	vst.idx.add.s32.msk vm14, v2  }
.Ltmp3:
0x9a: {  	[tilespmem:v5+s14+$0x0] =	vst.idx.add.s32.msk vm6, v2;
	(pc) =	sbr.rel @!p0 .LBB2_4-.Ltmp3, $4  }
0x9b: {  	[tilespmem:v7+s14+$0x0] =	vst.idx.add.s32.msk vm12, v2  }
0x9c: {  	[tilespmem:v4+s14+$0x0] =	vst.idx.add.s32.msk vm13, v2  }
0x9d: {  	[tilespmem:v6+s14+$0x0] =	vst.idx.add.s32.msk vm5, v2  }
0x9e: {  	vm15 =	vmmov vm5;
	[tilespmem:v11+s14+$0x0] =	vst.idx.add.s32.msk vm7, v2  }
0x9f: {  	s20 =	simm.s32 $0x0  }
0xa0: {  	v4 =	vld [tilespmem:s20+$0x8090]  }
0xa1: {  	v5 =	vld [tilespmem:s20+$0x9090]  }
0xa2: {  	v6 =	vld [tilespmem:s20+$0xA090]  }
0xa3: {  	v7 =	vld [tilespmem:s20+$0xB090]  }
0xa4: {  	v8 =	vld [tilespmem:s20+$0xC090]  }
0xa5: {  	v9 =	vld [tilespmem:s20+$0xD090]  }
0xa6: {  	v10 =	vld [tilespmem:s20+$0xE090]  }
0xa7: {  	v11 =	vld [tilespmem:s20+$0xF090]  }
0xa8: {  	v12 =	vld [tilespmem:s20+$0x10090]  }
0xa9: {  	v13 =	vld [tilespmem:s20+$0x11090]  }
0xaa: {  	v14 =	vld [tilespmem:s20+$0x12090]  }
0xab: {  	v15 =	vld [tilespmem:s20+$0x13090]  }
0xac: {  	v16 =	vld [tilespmem:s20+$0x14090]  }
0xad: {  	s21 =	simm.s32 $0x0;
	v17 =	vld [tilespmem:s20+$0x15090]  }
0xae: {  	s22 =	sand.u32 $0xFE0, s21;
	v18 =	vld [tilespmem:s20+$0x17090]  }
0xaf: {  	v3 =	vld [tilespmem:s22+$0x9080];
	v4 =	vadd.s32 v4, v5  }
0xb0: {  	v5 =	vld [tilespmem:s20+$0x16090];
	v4 =	vadd.s32 v6, v4  }
0xb1: {  	v6 =	vld [tilespmem:s20+$0x8080];
	v4 =	vadd.s32 v7, v4  }
0xb2: {  	v7 =	vld [tilespmem:s22+$0xA080];
	v4 =	vadd.s32 v8, v4  }
0xb3: {  	v8 =	vld [tilespmem:s22+$0xB080];
	v4 =	vadd.s32 v9, v4  }
0xb4: {  	v9 =	vld [tilespmem:s22+$0xC080];
	v4 =	vadd.s32 v10, v4  }
0xb5: {  	v10 =	vld [tilespmem:s22+$0xD080];
	v4 =	vadd.s32 v11, v4  }
0xb6: {  	v3 =	vadd.s32 v6, v3;
	v11 =	vld [tilespmem:s22+$0xE080];
	v4 =	vadd.s32 v12, v4  }
0xb7: {  	v3 =	vadd.s32 v7, v3;
	v7 =	vld [tilespmem:s22+$0xF080];
	v4 =	vadd.s32 v13, v4  }
0xb8: {  	v3 =	vadd.s32 v8, v3;
	v8 =	vld [tilespmem:s22+$0x10080];
	v4 =	vadd.s32 v14, v4  }
0xb9: {  	v3 =	vadd.s32 v9, v3;
	v9 =	vld [tilespmem:s22+$0x11080];
	v4 =	vadd.s32 v15, v4  }
0xba: {  	v6 =	vld [tilespmem:s22+$0x12080];
	v3 =	vadd.s32 v10, v3;
	v4 =	vadd.s32 v16, v4  }
0xbb: {  	v10 =	vadd.s32 v11, v3;
	v3 =	vld [tilespmem:s22+$0x13080];
	v4 =	vadd.s32 v17, v4  }
0xbc: {  	v7 =	vadd.s32 v7, v10;
	v5 =	vadd.s32 v5, v4;
	v4 =	vld [tilespmem:s22+$0x14080]  }
0xbd: {  	v7 =	vadd.s32 v8, v7;
	v10 =	vadd.s32 v18, v5;
	v5 =	vld [tilespmem:s22+$0x15080]  }
0xbe: {  	s23 =	simm.s32 $0x0;
	s24 =	simm.s32 $0x20;
	v8 =	vadd.s32 v9, v7;
	v7 =	vld [tilespmem:s22+$0x16080];
	[tilespmem:s20+$0x18090] =	vst v10  }
.LBB2_10:
0xbf: {  	v6 =	vadd.s32 v6, v8;
	v8 =	vld [tilespmem:s22+$0x17080];
	s22 =	sand.u32 $0xFE0, s24;
	s21 =	sadd.s32 $0x80, s21  }
0xc0: {  	s25 =	sshra.s32 s21, $0x2;
	v9 =	vld [tilespmem:s22+$0x9080];
	v3 =	vadd.s32 v3, v6  }
0xc1: {  	s23 =	sadd.s32 $0x2, s23;
	v6 =	vld [tilespmem:s25+$0x8090];
	v3 =	vadd.s32 v4, v3  }
0xc2: {  	p0 =	slt.u32 s23, $0xFE;
	v4 =	vld [tilespmem:s25+$0x9090];
	v3 =	vadd.s32 v5, v3  }
0xc3: {  	v5 =	vld [tilespmem:s25+$0xA090];
	v3 =	vadd.s32 v7, v3  }
0xc4: {  	v7 =	vld [tilespmem:s25+$0xB090];
	v3 =	vadd.s32 v8, v3  }
0xc5: {  	v8 =	vld [tilespmem:s25+$0xC090];
	[tilespmem:s20+$0x18080] =	vst v3;
	s20 =	smov.u32 s25  }
0xc6: {  	v3 =	vld [tilespmem:s20+$0xD090]  }
0xc7: {  	v4 =	vadd.s32 v6, v4;
	v6 =	vld [tilespmem:s20+$0xE090]  }
0xc8: {  	v4 =	vadd.s32 v5, v4;
	v5 =	vld [tilespmem:s20+$0xF090]  }
0xc9: {  	v4 =	vadd.s32 v7, v4;
	v7 =	vld [tilespmem:s20+$0x10090]  }
0xca: {  	v4 =	vadd.s32 v8, v4;
	v8 =	vld [tilespmem:s20+$0x11090]  }
0xcb: {  	v3 =	vadd.s32 v3, v4;
	v4 =	vld [tilespmem:s20+$0x12090]  }
0xcc: {  	v3 =	vadd.s32 v6, v3;
	v6 =	vld [tilespmem:s20+$0x13090]  }
0xcd: {  	v3 =	vadd.s32 v5, v3;
	v5 =	vld [tilespmem:s20+$0x14090]  }
0xce: {  	v3 =	vadd.s32 v7, v3;
	v7 =	vld [tilespmem:s20+$0x15090]  }
0xcf: {  	v3 =	vadd.s32 v8, v3;
	v8 =	vld [tilespmem:s20+$0x16090]  }
0xd0: {  	v3 =	vadd.s32 v4, v3;
	v4 =	vld [tilespmem:s20+$0x17090]  }
0xd1: {  	v10 =	vld [tilespmem:s20+$0x8080];
	v3 =	vadd.s32 v6, v3  }
0xd2: {  	v6 =	vld [tilespmem:s22+$0xA080];
	v3 =	vadd.s32 v5, v3  }
0xd3: {  	v5 =	vld [tilespmem:s22+$0xB080];
	v3 =	vadd.s32 v7, v3  }
0xd4: {  	v7 =	vld [tilespmem:s22+$0xC080];
	v3 =	vadd.s32 v8, v3  }
0xd5: {  	v8 =	vld [tilespmem:s22+$0xD080];
	v3 =	vadd.s32 v4, v3  }
0xd6: {  	v4 =	vadd.s32 v10, v9;
	v9 =	vld [tilespmem:s22+$0xE080];
	[tilespmem:s20+$0x18090] =	vst v3  }
0xd7: {  	v3 =	vadd.s32 v6, v4;
	v4 =	vld [tilespmem:s22+$0xF080]  }
0xd8: {  	v3 =	vadd.s32 v5, v3;
	v5 =	vld [tilespmem:s22+$0x10080]  }
0xd9: {  	v3 =	vadd.s32 v7, v3;
	v7 =	vld [tilespmem:s22+$0x11080]  }
.Ltmp4:
0xda: {  	v3 =	vadd.s32 v8, v3;
	v6 =	vld [tilespmem:s22+$0x12080];
	(pc) =	sbr.rel @p0 .LBB2_10-.Ltmp4, $4  }
0xdb: {  	v8 =	vadd.s32 v9, v3;
	v3 =	vld [tilespmem:s22+$0x13080]  }
0xdc: {  	v8 =	vadd.s32 v4, v8;
	v4 =	vld [tilespmem:s22+$0x14080]  }
0xdd: {  	v8 =	vadd.s32 v5, v8;
	v5 =	vld [tilespmem:s22+$0x15080]  }
0xde: {  	s24 =	sadd.s32 $0x20, s24;
	v8 =	vadd.s32 v7, v8;
	v7 =	vld [tilespmem:s22+$0x16080]  }
0xdf: {  	v6 =	vadd.s32 v6, v8;
	v63 =	vld [tilespmem:s22+$0x17080]  }
0xe0: {  	v3 =	vadd.s32 v3, v6  }
0xe1: {  	v3 =	vadd.s32 v4, v3  }
0xe2: {  	v3 =	vadd.s32 v5, v3  }
0xe3: {  	s19 =	sadd.s32 $0x1, s19;
	v3 =	vadd.s32 v7, v3  }
0xe4: {  	p0 =	sne.s32 s19, s9;
	v3 =	vadd.s32 v63, v3  }
.Ltmp5:
0xe5: {  	[tilespmem:s20+$0x18080] =	vst v3;
	(pc) =	sbr.rel @p0 .LBB2_1-.Ltmp5, $4  }
0xe6: {  	[hbm4b:s8+s16] =	stream.strided.scatter [tilespmem:s18], [sflag:$0x3], $0x1000, s17, s16, $0x38;
	[tilespmem:$0x19080] =	vst v63  }
0xe7: {  	_ =	swait.ge [sflag:s11], $0x1000  }
0xe8: {  	[sflag:s11] =	ssyncset.done $0x0  }
0xe9: {  	[sflag:s11] =	ssyncadd.s32 $0xFFFFF000  }
0xea: {  	_ =	sfence.sel $0x180000  }
0xeb: {  	[bflag:$0x0] =	sbarrier.arrive $0xFFFF  }
0xec: {  	p0 =	sne.s32 s2, $0x0;
	_ =	strace $0x90000050  }
0xed: {  	s0 =	sadd.s32 @!p0 $0x100000, s0;
	[bflag:$0x2] =	sbarrier.arrive $0xFFFF  }
0xee: {  	[sflag:s0] =	ssyncadd.tile.s32 @!p0 $0x1;
	_ =	shalt  }
.Lfunc_end2:
_tile_overlayer_lowered:
.L_overlay_start_2:
0xef: {  	(tag) =	ssettag $0x2  }
0xf0: {  	s0 =	rddreg [dreg:$0x0];
	s2 =	stileid.u32  }
0xf1: {  	s1 =	rddreg [dreg:$0x1];
	p0 =	sne.s32 s2, $0x0  }
0xf2: {  	s3 =	rddreg [dreg:$0x2];
	[bflag:$0x3] =	sbarrier.arrive $0xFFFF;
	s2 =	simm.s32 @!p0 $0x1C03  }
0xf3: {  	[timem:s3], [sflag:s2] =	dma.local @!p0 [hbm:s0], s1  }
0xf4: {  	s0 =	simm.s32 @!p0 $0x3  }
0xf5: {  	_ =	swait.ge @!p0 [sflag:s0], s1  }
0xf6: {  	s1 =	ssub.s32 @!p0 $0x0, s1;
	[sflag:s0] =	ssyncset.done @!p0 $0x0  }
0xf7: {  	[sflag:s0] =	ssyncadd.s32 @!p0 s1  }
0xf8: {  	[bflag:$0x3] =	sbarrier.arrive $0xFFFF  }
0xf9: {  	_ =	shalt  }

// kernel: kernel.17.cloned.1.call-start
scs
__scs_entry_jumppad:
0x0: {  	(pc) =	sbr.rel $0x88, $3  }
0x1: {  	(tag) =	ssettag $0x0;
	lr =	simm.s32 $0x1  }
0x2: {  	[smem:$0x3F9F] =	sst lr;
	_ =	strace $0xD0000000  }
0x3: {  	_ = 	snop  }
0x4: {  	_ = 	snop  }
0x5: {  	_ = 	snop  }
0x6: {  	_ = 	snop  }
0x7: {  	_ = 	snop  }
__scs_overlays_trampoline_lowered:
0x8: {  	[smem:$0x3FAE] =	sst s0  }
0x9: {  	[smem:$0x3FAF] =	sst s1  }
0xa: {  	[smem:$0x3FB0] =	sst s2  }
0xb: {  	[smem:$0x3FB1] =	sst s3  }
0xc: {  	[smem:$0x3FB2] =	sst s4  }
0xd: {  	[smem:$0x3FB3] =	sst s5  }
0xe: {  	[smem:$0x3FB4] =	sst s6  }
0xf: {  	[smem:$0x3FB5] =	sst s7  }
0x10: {  	[smem:$0x3FB6] =	sst s8  }
0x11: {  	[smem:$0x3FB7] =	sst s9;
	s0 =	simm.s32 @!p0 $0x0  }
0x12: {  	s1 =	sld [smem:$0x3F9D];
	s0 =	simm.s32 @p0 $0x1  }
0x13: {  	[smem:$0x3FB8] =	sst s0;
	s0 =	simm.s32 @!p1 $0x0  }
0x14: {  	s2 =	sld [smem:$0x3F9C];
	s0 =	simm.s32 @p1 $0x1  }
0x15: {  	[smem:$0x3FB9] =	sst s0;
	s0 =	simm.s32 @!p2 $0x0  }
0x16: {  	s3 =	sld [smem:$0x3FDB];
	s0 =	simm.s32 @p2 $0x1  }
0x17: {  	s4 =	simm.s32 $0x1BF5;
	[smem:$0x3FBB] =	sst s0  }
0x18: {  	s0 =	sld [smem:$0x3F9E];
	_ =	swait.ge [sflag:s4], $0x0  }
0x19: {  	s7 =	sld [smem:$0x3F9F]  }
0x1a: {  	s8 =	sadd.s32 $0xFFFFE003, lr  }
0x1b: {  	s9 =	sadd.s32 $0xFFFFFEF7, lr;
	s5 =	simm.s32 $0xFFFFFFFF;
	p2 =	slt.u32 s8, $0xFFFFF086  }
0x1c: {  	p1 =	slt.u32 s9, $0xF7A;
	s5 =	simm.s32 @!p2 $0x0  }
0x1d: {  	s5 =	simm.s32 @p1 $0x1;
	p0 =	seq.s32 s7, s2  }
0x1e: {  	s7 =	smul.u32 @!p0 $0xF7A, s2;
	p2 =	seq.s32 @!p0 s5, $0x0  }
0x1f: {  	s9 =	smul.u32 $0xF7A, s1;
	s8 =	simm.s32 @!p0 $0x1BF5;
	p2 =	por !p2, p0  }
0x20: {  	[sflag:s8] =	ssyncset.s32 @!p0 $0xFFFFF086;
	s6 =	sadd.s32 @!p0 s3, s7;
	s7 =	simm.s32 @!p0 $0x108  }
0x21: {  	s3 =	sadd.s32 s3, s9;
	s6 =	sadd.s32 @!p0 $0x88, s6;
	s7 =	simm.s32 @p2 $0x1082  }
0x22: {  	[simem:s7], [sflag:s8] =	dma.local @!p0 [hbm:s6], $0xF7A  }
0x23: {  	s9 =	sor.u32 $0xD0000000, s2;
	s6 =	simm.s32 $0x108;
	_ =	swait.ge @!p0 [sflag:s8], $0x0  }
0x24: {  	s3 =	sadd.s32 $0x88, s3;
	s6 =	simm.s32 @!p1 $0x1082;
	[sflag:s4] =	ssyncset.s32 $0xFFFFF086  }
0x25: {  	[simem:s6], [sflag:s4] =	dma.local [hbm:s3], $0xF7A  }
0x26: {  	[smem:$0x3F9F] =	sst s1;
	(tag) =	ssettag s2;
	_ =	strace s9  }
0x27: {  	s1 =	sld [smem:$0x3FAF]  }
0x28: {  	s2 =	sld [smem:$0x3FB0]  }
0x29: {  	s4 =	sld [smem:$0x3FB2]  }
0x2a: {  	p0 =	seq.s32 s5, $0x0;
	s5 =	sld [smem:$0x3FB3]  }
0x2b: {  	s6 =	sld [smem:$0x3FB4]  }
0x2c: {  	s7 =	sld [smem:$0x3FB5]  }
0x2d: {  	s3 =	simm.s32 $0x108;
	s8 =	sld [smem:$0x3FB6]  }
0x2e: {  	s3 =	simm.s32 @!p0 $0x1082;
	s9 =	sld [smem:$0x3FB7]  }
0x2f: {  	lr =	sadd.s32 s0, s3;
	s0 =	sld [smem:$0x3FAE]  }
0x30: {  	s3 =	sld [smem:$0x3FB1]  }
0x31: {  	[smem:$0x3FBA] =	sst s10  }
0x32: {  	s10 =	sld [smem:$0x3FB8];
	_ =	sdelay $0x3  }
0x33: {  	p0 =	seq.s32 s10, $0x1;
	s10 =	sld [smem:$0x3FBA];
	_ =	sdelay $0x3  }
0x34: {  	[smem:$0x3FBA] =	sst s10  }
0x35: {  	s10 =	sld [smem:$0x3FB9];
	_ =	sdelay $0x3  }
0x36: {  	p1 =	seq.s32 s10, $0x1;
	s10 =	sld [smem:$0x3FBA];
	_ =	sdelay $0x3  }
0x37: {  	[smem:$0x3FBA] =	sst s10  }
0x38: {  	s10 =	sld [smem:$0x3FBB]  }
0x39: {  	_ = 	snop;
	(pc) =	sbr.ind lr, $3  }
0x3a: {  	_ = 	snop  }
0x3b: {  	_ = 	snop  }
0x3c: {  	p2 =	seq.s32 s10, $0x1;
	s10 =	sld [smem:$0x3FBA]  }
0x3d: {  	_ =	shalt  }
0x3e: {  	_ =	shalt  }
0x3f: {  	_ =	shalt  }
0x40: {  	_ =	shalt  }
0x41: {  	_ =	shalt  }
0x42: {  	_ =	shalt  }
0x43: {  	_ =	shalt  }
0x44: {  	_ =	shalt  }
0x45: {  	_ =	shalt  }
0x46: {  	_ =	shalt  }
0x47: {  	_ =	shalt  }
0x48: {  	_ =	shalt  }
0x49: {  	_ =	shalt  }
0x4a: {  	_ =	shalt  }
0x4b: {  	_ =	shalt  }
0x4c: {  	_ =	shalt  }
0x4d: {  	_ =	shalt  }
0x4e: {  	_ =	shalt  }
0x4f: {  	_ =	shalt  }
0x50: {  	_ =	shalt  }
0x51: {  	_ =	shalt  }
0x52: {  	_ =	shalt  }
0x53: {  	_ =	shalt  }
0x54: {  	_ =	shalt  }
0x55: {  	_ =	shalt  }
0x56: {  	_ =	shalt  }
0x57: {  	_ =	shalt  }
0x58: {  	_ =	shalt  }
0x59: {  	_ =	shalt  }
0x5a: {  	_ =	shalt  }
0x5b: {  	_ =	shalt  }
0x5c: {  	_ =	shalt  }
0x5d: {  	_ =	shalt  }
0x5e: {  	_ =	shalt  }
0x5f: {  	_ =	shalt  }
0x60: {  	_ =	shalt  }
0x61: {  	_ =	shalt  }
0x62: {  	_ =	shalt  }
0x63: {  	_ =	shalt  }
0x64: {  	_ =	shalt  }
0x65: {  	_ =	shalt  }
0x66: {  	_ =	shalt  }
0x67: {  	_ =	shalt  }
0x68: {  	_ =	shalt  }
0x69: {  	_ =	shalt  }
0x6a: {  	_ =	shalt  }
0x6b: {  	_ =	shalt  }
0x6c: {  	_ =	shalt  }
0x6d: {  	_ =	shalt  }
0x6e: {  	_ =	shalt  }
0x6f: {  	_ =	shalt  }
0x70: {  	_ =	shalt  }
0x71: {  	_ =	shalt  }
0x72: {  	_ =	shalt  }
0x73: {  	_ =	shalt  }
0x74: {  	_ =	shalt  }
0x75: {  	_ =	shalt  }
0x76: {  	_ =	shalt  }
0x77: {  	_ =	shalt  }
0x78: {  	_ =	shalt  }
0x79: {  	_ =	shalt  }
0x7a: {  	_ =	shalt  }
0x7b: {  	_ =	shalt  }
0x7c: {  	_ =	shalt  }
0x7d: {  	_ =	shalt  }
0x7e: {  	_ =	shalt  }
0x7f: {  	_ =	shalt  }
0x80: {  	_ =	shalt  }
0x81: {  	_ =	shalt  }
0x82: {  	_ =	shalt  }
0x83: {  	_ =	shalt  }
0x84: {  	_ =	shalt  }
0x85: {  	_ =	shalt  }
0x86: {  	_ =	shalt  }
0x87: {  	_ =	shalt  }
.Lfunc_end0:
.L_simem_size_0:
called_computation.4_lowered:
.L_overlay_start_0:
0x88: {  	s2 =	sld [smem:$0x3FD9]  }
0x89: {  	s3 =	sld [smem:$0x3FFE];
	_ =	sdelay $0x1  }
0x8a: {  	s1 =	srdreg.scid  }
0x8b: {  	s0 =	sand.u32 $0x1, s1  }
0x8c: {  	s14 =	sshll.u32 s0, $0xA;
	s2 =	sadd.s32 s3, s2  }
0x8d: {  	s2 =	sadd.s32 s2, s14  }
0x8e: {  	[smem:$0x3FC6] =	sst s2  }
0x8f: {  	_ = 	snop  }
0x90: {  	s2 =	sld [smem:$0x3FD0];
	_ =	sdelay $0x2  }
0x91: {  	s15 =	simm.s32 $0xA;
	s4 =	simm.s32 $0x10  }
0x92: {  	[smem:s4], [sflag:s15] =	dma.local [hbm:s2], $0x1  }
0x93: {  	_ =	swait.eq [sflag:s15], $0x1  }
0x94: {  	[sflag:s15] =	ssyncset.done $0x0  }
0x95: {  	[sflag:s15] =	ssyncadd.s32 $0xFFFFFFFF  }
0x96: {  	s16 =	sld [smem:$0x10];
	(tm) =	ssettm $0x1  }
0x97: {  	s17 =	sld [smem:$0x3FFB];
	_ =	sdelay $0x3  }
0x98: {  	_ =	strace s17  }
0x99: {  	s3 =	sld [smem:$0x3FFC];
	_ =	sdelay $0x3  }
0x9a: {  	_ =	strace s3  }
0x9b: {  	s3 =	sld [smem:$0x3FFD];
	_ =	sdelay $0x3  }
0x9c: {  	_ =	strace s3  }
0x9d: {  	_ =	strace $0x8FFFFFFF  }
0x9e: {  	s18 =	sld [smem:$0x3FDB];
	_ =	sdelay $0x1  }
0x9f: {  	s19 =	simm.s32 $_scs_section_size  }
0xa0: {  	s5 =	simm.s32 $_size__tile_overlayer_lowered;
	s6 =	simm.s32 $_tile_overlayer_lowered  }
0xa1: {  	s22 =	simm.s32 $0x1BFF;
	s21 =	sshll.u32 s6, $0x1;
	s3 =	sadd.s32 s19, s18  }
0xa2: {  	s7 =	simm.s32 $0x0;
	s20 =	sshll.u32 s5, $0x1;
	s5 =	sadd.s32 s21, s3  }
0xa3: {  	[timem:s7], [sflag:s22] =	dma.local [hbm:s5], s20  }
0xa4: {  	_ =	swait.ge [sflag:s22], s20  }
0xa5: {  	s4 =	ssub.s32 $0x0, s20;
	[sflag:s22] =	ssyncset.done $0x0  }
0xa6: {  	[sflag:s22] =	ssyncadd.s32 s4;
	_ =	sdelay $0x1  }
0xa7: {  	s23 =	simm.s32 $0x1B8B  }
0xa8: {  	_ =	swait.ge [sflag:s23], $0x1  }
0xa9: {  	[sflag:s23] =	ssyncset.done $0x0  }
0xaa: {  	s25 =	simm.s32 $0x1B8E;
	s24 =	sld [smem:$0x3FFE];
	[sflag:s23] =	ssyncadd.s32 $0xFFFFFFFF  }
0xab: {  	s26 =	simm.s32 $execute0_lowered;
	[smem:$0x3FD2] =	sst s25  }
0xac: {  	s5 =	sshll.u32 s26, $0x1;
	_ =	strace $0x80000052;
	[dreg:$0x1] =	wrdreg $0xFFFFFFFF  }
0xad: {  	s28 =	simm.s32 $_size_execute0_lowered;
	s3 =	sadd.s32 s3, s5;
	[dreg:$0x0] =	wrdreg $0x0  }
0xae: {  	s5 =	sshll.u32 s28, $0x1;
	[dreg:$0x2] =	wrdreg s3  }
0xaf: {  	[dreg:$0x3] =	wrdreg s5  }
0xb0: {  	[dreg:$0x4] =	wrdreg $0xC0  }
0xb1: {  	_ =	task [dreg:s7], $0x5FFFF  }
0xb2: {  	[dreg:$0x1] =	wrdreg $0xFFFFFFFF  }
0xb3: {  	[dreg:$0x0] =	wrdreg $0x60  }
0xb4: {  	[dreg:$0x2] =	wrdreg s24  }
0xb5: {  	[dreg:$0x3] =	wrdreg s16  }
0xb6: {  	[dreg:$0x4] =	wrdreg $0x9  }
0xb7: {  	_ =	task.clear_ibuf [dreg:s7], $0x5FFFF;
	_ =	strace $0x90000052  }
0xb8: {  	s29 =	simm.s32 $0x9;
	_ =	strace $0x80000054  }
0xb9: {  	_ =	swait.ge [sflag:s29], $0x1  }
0xba: {  	[sflag:s29] =	ssyncadd.s32 $0xFFFFFFFF  }
0xbb: {  	_ =	strace $0x90000054  }
0xbc: {  	_ =	sfence  }
0xbd: {  	s30 =	sld [smem:$0x0];
	_ =	sdelay $0x2  }
0xbe: {  	s31 =	sshll.u32 s1, $0xD;
	s1 =	sshrl.u32 s1, $0x2  }
0xbf: {  	s3 =	sand.u32 $0x4000, s31;
	s1 =	sadd.s32 s1, s30  }
0xc0: {  	s0 =	sor.u32 s3, s0;
	s1 =	sshll.u32 s1, $0x11  }
0xc1: {  	s0 =	sor.u32 s1, s0  }
0xc2: {  	s0 =	sadd.s32 $0x8F2B, s0  }
0xc3: {  	[sflag:s0] =	ssyncadd.remote.s32 $0x1  }
0xc4: {  	_ =	sfence.sel $0xFFFF  }
0xc5: {  	[dreg:$0x0] =	wrdreg $0xFFFFFFFF;
	(pc) =	sbr.abs _section_cstart, $3  }
0xc6: {  	[dreg:$0x1] =	wrdreg $0xFFFFFFFF  }
0xc7: {  	_ =	task.clear_ibuf [dreg:s7], $0x2FFFF;
	_ =	strace $0x9FFFFFFF  }
0xc8: {  	(tm) =	ssettm $0x7FFFFFFF  }
0xc9: {  	_ =	shalt  }
tec
execute0_lowered:
.L_overlay_start_1:
0x0: {  	(tag) =	ssettag $0x1  }
0x1: {  	s3 =	rddreg [dreg:$0x0];
	s1 =	srdreg.scid  }
0x2: {  	s0 =	stileid.u32;
	s6 =	rddreg [dreg:$0x1]  }
0x3: {  	s2 =	simm.s32 $0x0;
	s11 =	simm.s32 $0x1;
	s13 =	simm.s32 $0x2  }
0x4: {  	s14 =	simm.s32 $0x80;
	s15 =	simm.s32 $0x400;
	s16 =	simm.s32 $0x18080  }
0x5: {  	s17 =	simm.s32 $0x0;
	s4 =	sand.u32 $0x1, s1;
	s5 =	sshll.u32 s0, $0x1  }
0x6: {  	[smem:$0x7FF] =	sst s2;
	s30 =	sshll.u32 s0, $0xA;
	s5 =	sor.u32 s4, s5  }
0x7: {  	_ =	strace $0x80000053;
	s4 =	ssub.s32 $0x2, s4;
	s7 =	sshll.u32 s5, $0xE  }
0x8: {  	s8 =	sshrl.u32 s4, $0x1;
	s9 =	sshll.u32 s5, $0x11;
	s10 =	sshll.u32 s5, $0x4  }
0x9: {  	s7 =	sadd.s32 s7, s3;
	s3 =	sadd.s32 $0x83800, s3;
	s8 =	ssub.s32 s4, s8  }
0xa: {  	v2 =	vlaneseq.u32;
	s12 =	sxor.u32 $0x3FFFFF, s9;
	s9 =	sand.u32 $0x3000, s30;
	s31 =	sand.u32 $0x70, s10  }
0xb: {  	v0 =	vmul.u32 $0xFFFFFFFF, v2;
	s10 =	simm.s32 $0x4000;
	s4 =	sadd.s32 $0x3800, s7;
	s5 =	sadd.s32 $0x4800, s7  }
0xc: {  	v1 =	vimm.s32 $0x0;
	s6 =	sadd.s32 s6, s9;
	s7 =	smax.u32 s8, $0x1;
	s8 =	simm.s32 $0x8000  }
0xd: {  	v3 =	vimm.s32 $0x1;
	v2 =	vmul.u32 $0x1000, v2;
	s9 =	simm.s32 $0x3;
	v0 =	vadd.s32 s12, v0;
	s12 =	simm.s32 $0x8080;
	s6 =	sadd.s32 s31, s6  }
.LBB2_1:
0xe: {  	[tilespmem:s8], [sflag:$0x3] =	stream.linear.gather [hbm4b:s3+s2], $0x80, $0x38;
	[tilespmem:$0x19080] =	vst v63  }
0xf: {  	_ =	swait.ge [sflag:s9], $0x80  }
0x10: {  	[sflag:s9] =	ssyncset.done $0x0  }
0x11: {  	s18 =	simm.s32 $0x80C0;
	[sflag:s9] =	ssyncadd.s32 $0xFFFFFF80  }
0x12: {  	v4 =	vld [tilespmem:$0x8000];
	[tilespmem:s18+$0xFFFFFFC0] =	vst v1  }
0x13: {  	[tilespmem:s18+$0x30] =	vst v1  }
0x14: {  	[tilespmem:s18+$0x20] =	vst v1  }
0x15: {  	[tilespmem:s18+$0x10] =	vst v1  }
0x16: {  	[tilespmem:s18+$0x0] =	vst v1  }
0x17: {  	[tilespmem:s18+$0xFFFFFFF0] =	vst v1  }
0x18: {  	s19 =	simm.s32 $0x0;
	[tilespmem:s18+$0xFFFFFFE0] =	vst v1  }
.LBB2_2:
0x19: {  	s19 =	sadd.s32 $0x8, s19;
	[tilespmem:s18+$0xFFFFFFD0] =	vst v1;
	s18 =	sadd.s32 $0x80, s18  }
0x1a: {  	[tilespmem:s18+$0xFFFFFFC0] =	vst v1;
	p0 =	slt.u32 s19, $0xFF8  }
0x1b: {  	[tilespmem:s18+$0x30] =	vst v1  }
.Ltmp0:
0x1c: {  	[tilespmem:s18+$0x20] =	vst v1;
	(pc) =	sbr.rel @p0 .LBB2_2-.Ltmp0, $4  }
0x1d: {  	[tilespmem:s18+$0x10] =	vst v1  }
0x1e: {  	[tilespmem:s18+$0x0] =	vst v1  }
0x1f: {  	[tilespmem:s18+$0xFFFFFFF0] =	vst v1  }
0x20: {  	[tilespmem:s18+$0xFFFFFFE0] =	vst v1  }
0x21: {  	(v2sf) =	vpush v4, $0x0  }
0x22: {  	(v2sf) =	vpush v4, $0x1;
	_ =	sdelay $0xb  }
0x23: {  	[tilespmem:s18+$0xFFFFFFD0] =	vst v1;
	s18 =	simm.s32 $0x0  }
0x24: {  	[tilespmem:s18], [sflag:$0x1] =	stream.linear.gather [hbm4b:s4+s18], $0x4000, $0x38;
	[tilespmem:$0x19080] =	vst v63  }
0x25: {  	s19 =	spop (v2sf)  }
0x26: {  	s20 =	spop (v2sf);
	s19 =	sshll.u32 s19, $0xC  }
0x27: {  	s19 =	sor.u32 s20, s19  }
0x28: {  	s21 =	simm.s32 $0x0;
	s20 =	simm.s32 $0x4070;
	v4 =	vmov s19;
	s19 =	simm.s32 $0x70  }
.LBB2_4:
0x29: {  	s22 =	sshll.u32 s21, $0xC  }
0x2a: {  	s22 =	sadd.s32 s22, s4  }
0x2b: {  	s22 =	sadd.s32 $0x800, s22  }
0x2c: {  	[tilespmem:s10], [sflag:$0x2] =	stream.linear.gather [hbm4b:s22+s18], $0x4000, $0x38;
	[tilespmem:$0x19080] =	vst v63  }
0x2d: {  	s22 =	simm.s32 $0x0;
	_ =	swait.ge [sflag:s11], $0x4000  }
0x2e: {  	s24 =	sand.u32 $0x3C00, s18;
	s23 =	sand.u32 $0x380, s22;
	[sflag:s11] =	ssyncset.done $0x0  }
0x2f: {  	s23 =	sor.u32 s23, s24;
	[sflag:s11] =	ssyncadd.s32 $0xFFFFC000  }
0x30: {  	v11 =	vld [tilespmem:s23+$0x70]  }
0x31: {  	v7 =	vld [tilespmem:s23+$0x0]  }
0x32: {  	v5 =	vld [tilespmem:s23+$0x10]  }
0x33: {  	s28 =	sadd.s32 $0xFFFFFF90, s19;
	v10 =	vmov s19;
	s29 =	sadd.s32 $0xFFFFFFA0, s19;
	v6 =	vld [tilespmem:s23+$0x20]  }
0x34: {  	s30 =	sadd.s32 $0xFFFFFFD0, s19;
	s31 =	sadd.s32 $0xFFFFFFE0, s19;
	v12 =	vmov s28;
	v13 =	vsub.s32 v0, v10;
	v16 =	vmov s29;
	v8 =	vld [tilespmem:s23+$0x30]  }
0x35: {  	s28 =	sadd.s32 $0xFFFFFFF0, s19;
	v17 =	vmov s30;
	v18 =	vmov s31;
	v13 =	vshra.s32 v13, $0x10;
	v9 =	vld [tilespmem:s23+$0x40]  }
0x36: {  	v19 =	vmov s28;
	v12 =	vsub.s32 v0, v12;
	v16 =	vsub.s32 v0, v16;
	v10 =	vld [tilespmem:s23+$0x50]  }
0x37: {  	v27 =	vsub.s32 v0, v17;
	v28 =	vsub.s32 v0, v18;
	v29 =	vsub.s32 v0, v19  }
0x38: {  	v12 =	vshra.s32 v12, $0x10;
	v62 =	vshra.s32 v16, $0x10;
	v27 =	vshra.s32 v27, $0x10  }
0x39: {  	v19 =	vshra.s32 v28, $0x10;
	v14 =	vshll.u32 v11, $0x6;
	v15 =	vshra.s32 v11, $0x6  }
0x3a: {  	v20 =	vshll.u32 v7, $0x6;
	v21 =	vshll.u32 v5, $0x6;
	v22 =	vshll.u32 v6, $0x6  }
0x3b: {  	s26 =	sadd.s32 $0xFFFFFFC0, s19;
	v23 =	vshll.u32 v8, $0x6;
	v24 =	vshll.u32 v9, $0x6;
	v25 =	vshll.u32 v10, $0x6  }
0x3c: {  	v14 =	vand.u32 $0xFC0, v14;
	vm0 =	veq.s32 v15, v4;
	v15 =	vmov s26  }
0x3d: {  	v11 =	vld [tilespmem:s23+$0x60];
	v20 =	vand.u32 $0xFC0, v20;
	v21 =	vand.u32 $0xFC0, v21;
	v13 =	vor.u32 v13, v14  }
0x3e: {  	s25 =	sadd.s32 $0xFFFFFFB0, s19;
	v22 =	vand.u32 $0xFC0, v22;
	v23 =	vand.u32 $0xFC0, v23;
	v13 =	vadd.s32 v2, v13  }
0x3f: {  	v24 =	vand.u32 $0xFC0, v24;
	v17 =	vand.u32 $0xFC0, v25;
	v14 =	vmov s25  }
0x40: {  	v15 =	vsub.s32 v0, v15;
	v16 =	vor.u32 v12, v20;
	v20 =	vshra.s32 v29, $0x10  }
0x41: {  	v12 =	vor.u32 v27, v24;
	v14 =	vsub.s32 v0, v14;
	v30 =	vshra.s32 v15, $0x10  }
0x42: {  	v63 =	vshra.s32 v14, $0x10;
	v14 =	vor.u32 v62, v21;
	v26 =	vshll.u32 v11, $0x6  }
0x43: {  	s24 =	smov.u32 s19;
	s23 =	simm.s32 $0x0;
	v15 =	vor.u32 v63, v22;
	v18 =	vand.u32 $0xFC0, v26;
	[tilespmem:v13+s12+$0x0] =	vst.idx.add.s32.msk vm0, v3;
	v13 =	vor.u32 v30, v23  }
.LBB2_5:
0x44: {  	s22 =	sadd.s32 $0x8, s22;
	v21 =	vshra.s32 v7, $0x6;
	v17 =	vor.u32 v19, v17;
	v18 =	vor.u32 v20, v18;
	s23 =	sadd.s32 $0x400, s23  }
0x45: {  	v19 =	vshra.s32 v5, $0x6;
	v20 =	vshra.s32 v6, $0x6;
	v8 =	vshra.s32 v8, $0x6;
	s25 =	sand.u32 $0x380, s22;
	s26 =	sand.u32 $0x3C00, s23;
	p0 =	slt.u32 s22, $0x3F8  }
0x46: {  	v9 =	vshra.s32 v9, $0x6;
	v10 =	vshra.s32 v10, $0x6;
	v11 =	vshra.s32 v11, $0x6;
	s25 =	sor.u32 s25, s26  }
0x47: {  	v16 =	vadd.s32 v2, v16;
	v14 =	vadd.s32 v2, v14;
	v15 =	vadd.s32 v2, v15;
	v22 =	vld [tilespmem:s25+$0x70]  }
0x48: {  	v13 =	vadd.s32 v2, v13;
	v12 =	vadd.s32 v2, v12;
	v17 =	vadd.s32 v2, v17;
	v7 =	vld [tilespmem:s25+$0x0]  }
0x49: {  	vm6 =	veq.s32 v21, v4;
	vm5 =	veq.s32 v19, v4;
	v19 =	vadd.s32 v2, v18;
	v5 =	vld [tilespmem:s25+$0x10]  }
0x4a: {  	s24 =	sadd.s32 $0x80, s24;
	vm4 =	veq.s32 v20, v4;
	vm3 =	veq.s32 v8, v4;
	vm2 =	veq.s32 v9, v4;
	v6 =	vld [tilespmem:s25+$0x20]  }
0x4b: {  	s28 =	sadd.s32 $0xFFFFFFA0, s24;
	s29 =	sadd.s32 $0xFFFFFFB0, s24;
	v18 =	vmov s24;
	vm1 =	veq.s32 v10, v4;
	vm0 =	veq.s32 v11, v4;
	s26 =	sadd.s32 $0xFFFFFF90, s24;
	v8 =	vld [tilespmem:s25+$0x30]  }
0x4c: {  	s30 =	sadd.s32 $0xFFFFFFD0, s24;
	s31 =	sadd.s32 $0xFFFFFFE0, s24;
	v11 =	vsub.s32 v0, v18;
	v20 =	vmov s26;
	s26 =	sadd.s32 $0xFFFFFFC0, s24;
	v9 =	vld [tilespmem:s25+$0x40];
	v18 =	vshll.u32 v22, $0x6  }
0x4d: {  	s1 =	sadd.s32 $0xFFFFFFF0, s24;
	v21 =	vshra.s32 v11, $0x10;
	v22 =	vshra.s32 v22, $0x6;
	v10 =	vld [tilespmem:s25+$0x50];
	v18 =	vand.u32 $0xFC0, v18  }
0x4e: {  	v23 =	vmov s28;
	vm7 =	veq.s32 v22, v4;
	v11 =	vld [tilespmem:s25+$0x60];
	v18 =	vor.u32 v21, v18  }
0x4f: {  	v22 =	vmov s26;
	v21 =	vmov s29;
	v18 =	vadd.s32 v2, v18;
	[tilespmem:v16+s12+$0x0] =	vst.idx.add.s32.msk vm6, v3  }
0x50: {  	v24 =	vmov s31;
	v25 =	vmov s1;
	v16 =	vmov s30;
	[tilespmem:v14+s12+$0x0] =	vst.idx.add.s32.msk vm5, v3  }
0x51: {  	v26 =	vshll.u32 v5, $0x6;
	v27 =	vshll.u32 v6, $0x6;
	v14 =	vshll.u32 v7, $0x6;
	[tilespmem:v15+s12+$0x0] =	vst.idx.add.s32.msk vm4, v3  }
0x52: {  	v15 =	vshll.u32 v8, $0x6;
	v28 =	vshll.u32 v9, $0x6;
	v29 =	vshll.u32 v10, $0x6;
	[tilespmem:v13+s12+$0x0] =	vst.idx.add.s32.msk vm3, v3  }
0x53: {  	v13 =	vsub.s32 v0, v20;
	v20 =	vsub.s32 v0, v23;
	v23 =	vshll.u32 v11, $0x6;
	[tilespmem:v12+s12+$0x0] =	vst.idx.add.s32.msk vm2, v3  }
0x54: {  	v12 =	vand.u32 $0xFC0, v14;
	v14 =	vsub.s32 v0, v21;
	v21 =	vsub.s32 v0, v22;
	[tilespmem:v18+s12+$0x0] =	vst.idx.add.s32.msk vm7, v3  }
0x55: {  	v16 =	vsub.s32 v0, v16;
	v22 =	vsub.s32 v0, v24;
	v24 =	vsub.s32 v0, v25  }
0x56: {  	v25 =	vand.u32 $0xFC0, v26;
	v26 =	vand.u32 $0xFC0, v27;
	v27 =	vand.u32 $0xFC0, v15;
	[tilespmem:v17+s12+$0x0] =	vst.idx.add.s32.msk vm1, v3  }
.Ltmp1:
0x57: {  	v28 =	vand.u32 $0xFC0, v28;
	v18 =	vand.u32 $0xFC0, v23;
	v17 =	vand.u32 $0xFC0, v29;
	[tilespmem:v19+s12+$0x0] =	vst.idx.add.s32.msk vm0, v3;
	(pc) =	sbr.rel @p0 .LBB2_5-.Ltmp1, $4  }
0x58: {  	v13 =	vshra.s32 v13, $0x10;
	v15 =	vshra.s32 v20, $0x10;
	v23 =	vshra.s32 v14, $0x10  }
0x59: {  	v21 =	vshra.s32 v21, $0x10;
	v29 =	vshra.s32 v16, $0x10;
	v19 =	vshra.s32 v22, $0x10  }
0x5a: {  	v14 =	vor.u32 v15, v25;
	v20 =	vshra.s32 v24, $0x10;
	v16 =	vor.u32 v13, v12  }
0x5b: {  	v15 =	vor.u32 v23, v26;
	v13 =	vor.u32 v21, v27;
	v12 =	vor.u32 v29, v28  }
0x5c: {  	v7 =	vshra.s32 v7, $0x6;
	v17 =	vor.u32 v19, v17  }
0x5d: {  	v18 =	vor.u32 v20, v18;
	v5 =	vshra.s32 v5, $0x6;
	vm0 =	veq.s32 v7, v4  }
0x5e: {  	v6 =	vshra.s32 v6, $0x6;
	v7 =	vadd.s32 v2, v16;
	vm1 =	veq.s32 v5, v4  }
0x5f: {  	v5 =	vshra.s32 v8, $0x6;
	v8 =	vadd.s32 v2, v14;
	vm2 =	veq.s32 v6, v4  }
0x60: {  	v6 =	vshra.s32 v9, $0x6;
	v9 =	vadd.s32 v2, v15;
	vm3 =	veq.s32 v5, v4  }
0x61: {  	v5 =	vshra.s32 v10, $0x6;
	v10 =	vadd.s32 v2, v13;
	vm4 =	veq.s32 v6, v4  }
0x62: {  	v6 =	vshra.s32 v11, $0x6;
	v11 =	vadd.s32 v2, v12;
	vm5 =	veq.s32 v5, v4  }
0x63: {  	v5 =	vadd.s32 v2, v17;
	vm6 =	veq.s32 v6, v4;
	[tilespmem:v7+s12+$0x0] =	vst.idx.add.s32.msk vm0, v3  }
0x64: {  	v6 =	vadd.s32 v2, v18;
	[tilespmem:v8+s12+$0x0] =	vst.idx.add.s32.msk vm1, v3  }
0x65: {  	[tilespmem:v9+s12+$0x0] =	vst.idx.add.s32.msk vm2, v3  }
0x66: {  	[tilespmem:v10+s12+$0x0] =	vst.idx.add.s32.msk vm3, v3  }
0x67: {  	p0 =	seq.s32 s21, $0x3;
	[tilespmem:v11+s12+$0x0] =	vst.idx.add.s32.msk vm4, v3  }
0x68: {  	s1 =	sshll.u32 @!p0 s21, $0xC;
	[tilespmem:v5+s12+$0x0] =	vst.idx.add.s32.msk vm5, v3  }
0x69: {  	s22 =	simm.s32 @!p0 $0x0;
	s1 =	sadd.s32 @!p0 s1, s5;
	[tilespmem:v6+s12+$0x0] =	vst.idx.add.s32.msk vm6, v3  }
0x6a: {  	[tilespmem:s22], [sflag:$0x1] =	stream.linear.gather @!p0 [hbm4b:s1+s22], $0x4000, $0x38;
	[tilespmem:$0x19080] =	vst v63  }
0x6b: {  	s23 =	simm.s32 $0x0;
	s22 =	simm.s32 $0x0;
	_ =	swait.ge [sflag:s13], $0x4000  }
0x6c: {  	s26 =	sand.u32 $0x380, s23;
	s24 =	sand.u32 $0x3C00, s22;
	[sflag:s13] =	ssyncset.done $0x0  }
0x6d: {  	s1 =	sor.u32 s26, s24;
	[sflag:s13] =	ssyncadd.s32 $0xFFFFC000  }
0x6e: {  	v11 =	vld [tilespmem:s1+$0x4070]  }
0x6f: {  	v7 =	vld [tilespmem:s1+$0x4000]  }
0x70: {  	s29 =	sadd.s32 $0xFFFFFFA0, s20;
	v5 =	vld [tilespmem:s1+$0x4010]  }
0x71: {  	s28 =	sadd.s32 $0xFFFFFF90, s20;
	s30 =	sadd.s32 $0xFFFFFFD0, s20;
	v16 =	vmov s29;
	v6 =	vld [tilespmem:s1+$0x4020]  }
0x72: {  	s31 =	sadd.s32 $0xFFFFFFE0, s20;
	v12 =	vmov s28;
	s28 =	sadd.s32 $0xFFFFFFF0, s20;
	v16 =	vsub.s32 v0, v16;
	v17 =	vmov s30;
	v8 =	vld [tilespmem:s1+$0x4030]  }
0x73: {  	v18 =	vmov s31;
	v19 =	vmov s28;
	v10 =	vmov s20;
	v9 =	vld [tilespmem:s1+$0x4040]  }
0x74: {  	v12 =	vsub.s32 v0, v12;
	v16 =	vshra.s32 v16, $0x10;
	v13 =	vsub.s32 v0, v10;
	v10 =	vld [tilespmem:s1+$0x4050]  }
0x75: {  	v27 =	vsub.s32 v0, v17;
	v28 =	vsub.s32 v0, v18;
	v29 =	vsub.s32 v0, v19  }
0x76: {  	v12 =	vshra.s32 v12, $0x10;
	v27 =	vshra.s32 v27, $0x10;
	v19 =	vshra.s32 v28, $0x10  }
0x77: {  	v13 =	vshra.s32 v13, $0x10;
	v14 =	vshll.u32 v11, $0x6;
	v15 =	vshra.s32 v11, $0x6  }
0x78: {  	v20 =	vshll.u32 v7, $0x6;
	v21 =	vshll.u32 v5, $0x6;
	v22 =	vshll.u32 v6, $0x6  }
0x79: {  	s26 =	sadd.s32 $0xFFFFFFC0, s20;
	v23 =	vshll.u32 v8, $0x6;
	v24 =	vshll.u32 v9, $0x6;
	v25 =	vshll.u32 v10, $0x6  }
0x7a: {  	v14 =	vand.u32 $0xFC0, v14;
	vm15 =	veq.s32 v15, v4;
	v15 =	vmov s26  }
0x7b: {  	v11 =	vld [tilespmem:s1+$0x4060];
	v20 =	vand.u32 $0xFC0, v20;
	v21 =	vand.u32 $0xFC0, v21;
	v13 =	vor.u32 v13, v14  }
0x7c: {  	s25 =	sadd.s32 $0xFFFFFFB0, s20;
	v22 =	vand.u32 $0xFC0, v22;
	v23 =	vand.u32 $0xFC0, v23;
	v13 =	vadd.s32 v2, v13  }
0x7d: {  	v24 =	vand.u32 $0xFC0, v24;
	v14 =	vmov s25;
	v15 =	vsub.s32 v0, v15  }
0x7e: {  	v17 =	vand.u32 $0xFC0, v25;
	v14 =	vsub.s32 v0, v14;
	v63 =	vshra.s32 v15, $0x10  }
0x7f: {  	v15 =	vor.u32 v12, v20;
	v20 =	vshra.s32 v29, $0x10;
	v12 =	vor.u32 v27, v24  }
0x80: {  	v62 =	vshra.s32 v14, $0x10;
	v14 =	vor.u32 v16, v21;
	v26 =	vshll.u32 v11, $0x6  }
0x81: {  	s21 =	sadd.s32 $0x1, s21;
	s24 =	smov.u32 s20;
	v16 =	vor.u32 v62, v22;
	v18 =	vand.u32 $0xFC0, v26;
	[tilespmem:v13+s12+$0x0] =	vst.idx.add.s32.msk vm15, v3;
	v13 =	vor.u32 v63, v23  }
.LBB2_7:
0x82: {  	s23 =	sadd.s32 $0x8, s23;
	v21 =	vshra.s32 v7, $0x6;
	v17 =	vor.u32 v19, v17;
	v18 =	vor.u32 v20, v18;
	s22 =	sadd.s32 $0x400, s22  }
0x83: {  	v19 =	vshra.s32 v5, $0x6;
	v20 =	vshra.s32 v6, $0x6;
	v8 =	vshra.s32 v8, $0x6;
	s1 =	sand.u32 $0x380, s23;
	s25 =	sand.u32 $0x3C00, s22;
	p0 =	slt.u32 s23, $0x3F8  }
0x84: {  	v9 =	vshra.s32 v9, $0x6;
	v10 =	vshra.s32 v10, $0x6;
	v11 =	vshra.s32 v11, $0x6;
	s1 =	sor.u32 s1, s25  }
0x85: {  	v15 =	vadd.s32 v2, v15;
	v14 =	vadd.s32 v2, v14;
	v16 =	vadd.s32 v2, v16;
	v22 =	vld [tilespmem:s1+$0x4070]  }
0x86: {  	v13 =	vadd.s32 v2, v13;
	v12 =	vadd.s32 v2, v12;
	v17 =	vadd.s32 v2, v17;
	v7 =	vld [tilespmem:s1+$0x4000]  }
0x87: {  	vm6 =	veq.s32 v21, v4;
	vm5 =	veq.s32 v19, v4;
	v19 =	vadd.s32 v2, v18;
	v5 =	vld [tilespmem:s1+$0x4010]  }
0x88: {  	s24 =	sadd.s32 $0x80, s24;
	vm4 =	veq.s32 v20, v4;
	vm3 =	veq.s32 v8, v4;
	vm2 =	veq.s32 v9, v4;
	v6 =	vld [tilespmem:s1+$0x4020]  }
0x89: {  	s26 =	sadd.s32 $0xFFFFFFA0, s24;
	s28 =	sadd.s32 $0xFFFFFFB0, s24;
	v18 =	vmov s24;
	vm1 =	veq.s32 v10, v4;
	vm0 =	veq.s32 v11, v4;
	s25 =	sadd.s32 $0xFFFFFF90, s24;
	v8 =	vld [tilespmem:s1+$0x4030]  }
0x8a: {  	s29 =	sadd.s32 $0xFFFFFFD0, s24;
	s30 =	sadd.s32 $0xFFFFFFE0, s24;
	v11 =	vsub.s32 v0, v18;
	v20 =	vmov s25;
	s25 =	sadd.s32 $0xFFFFFFC0, s24;
	v9 =	vld [tilespmem:s1+$0x4040];
	v18 =	vshll.u32 v22, $0x6  }
0x8b: {  	s31 =	sadd.s32 $0xFFFFFFF0, s24;
	v21 =	vshra.s32 v11, $0x10;
	v22 =	vshra.s32 v22, $0x6;
	v10 =	vld [tilespmem:s1+$0x4050];
	v18 =	vand.u32 $0xFC0, v18  }
0x8c: {  	v23 =	vmov s26;
	vm7 =	veq.s32 v22, v4;
	v11 =	vld [tilespmem:s1+$0x4060];
	v18 =	vor.u32 v21, v18  }
0x8d: {  	v22 =	vmov s25;
	v21 =	vmov s28;
	v18 =	vadd.s32 v2, v18;
	[tilespmem:v15+s12+$0x0] =	vst.idx.add.s32.msk vm6, v3  }
0x8e: {  	v24 =	vmov s30;
	v25 =	vmov s31;
	v15 =	vmov s29;
	[tilespmem:v14+s12+$0x0] =	vst.idx.add.s32.msk vm5, v3  }
0x8f: {  	v26 =	vshll.u32 v5, $0x6;
	v27 =	vshll.u32 v6, $0x6;
	v14 =	vshll.u32 v7, $0x6;
	[tilespmem:v16+s12+$0x0] =	vst.idx.add.s32.msk vm4, v3  }
0x90: {  	v16 =	vshll.u32 v8, $0x6;
	v28 =	vshll.u32 v9, $0x6;
	v29 =	vshll.u32 v10, $0x6;
	[tilespmem:v13+s12+$0x0] =	vst.idx.add.s32.msk vm3, v3  }
0x91: {  	v13 =	vsub.s32 v0, v20;
	v20 =	vsub.s32 v0, v23;
	v23 =	vshll.u32 v11, $0x6;
	[tilespmem:v12+s12+$0x0] =	vst.idx.add.s32.msk vm2, v3  }
0x92: {  	v12 =	vand.u32 $0xFC0, v14;
	v14 =	vsub.s32 v0, v21;
	v21 =	vsub.s32 v0, v22;
	[tilespmem:v18+s12+$0x0] =	vst.idx.add.s32.msk vm7, v3  }
0x93: {  	v15 =	vsub.s32 v0, v15;
	v22 =	vsub.s32 v0, v24;
	v24 =	vsub.s32 v0, v25  }
0x94: {  	v25 =	vand.u32 $0xFC0, v26;
	v26 =	vand.u32 $0xFC0, v27;
	v27 =	vand.u32 $0xFC0, v16;
	[tilespmem:v17+s12+$0x0] =	vst.idx.add.s32.msk vm1, v3  }
.Ltmp2:
0x95: {  	v28 =	vand.u32 $0xFC0, v28;
	v18 =	vand.u32 $0xFC0, v23;
	v17 =	vand.u32 $0xFC0, v29;
	[tilespmem:v19+s12+$0x0] =	vst.idx.add.s32.msk vm0, v3;
	(pc) =	sbr.rel @p0 .LBB2_7-.Ltmp2, $4  }
0x96: {  	v13 =	vshra.s32 v13, $0x10;
	v16 =	vshra.s32 v20, $0x10;
	v23 =	vshra.s32 v14, $0x10  }
0x97: {  	v21 =	vshra.s32 v21, $0x10;
	v29 =	vshra.s32 v15, $0x10;
	v19 =	vshra.s32 v22, $0x10  }
0x98: {  	v14 =	vor.u32 v16, v25;
	v20 =	vshra.s32 v24, $0x10;
	v15 =	vor.u32 v13, v12  }
0x99: {  	v16 =	vor.u32 v23, v26;
	v13 =	vor.u32 v21, v27;
	v12 =	vor.u32 v29, v28  }
0x9a: {  	v7 =	vshra.s32 v7, $0x6;
	v17 =	vor.u32 v19, v17  }
0x9b: {  	v18 =	vor.u32 v20, v18;
	v5 =	vshra.s32 v5, $0x6;
	vm0 =	veq.s32 v7, v4  }
0x9c: {  	v6 =	vshra.s32 v6, $0x6;
	v7 =	vadd.s32 v2, v15;
	vm1 =	veq.s32 v5, v4  }
0x9d: {  	v60 =	vadd.s32 v2, v14;
	v5 =	vshra.s32 v8, $0x6;
	vm2 =	veq.s32 v6, v4  }
0x9e: {  	v61 =	vadd.s32 v2, v16;
	v6 =	vshra.s32 v9, $0x6;
	vm3 =	veq.s32 v5, v4  }
0x9f: {  	v62 =	vadd.s32 v2, v13;
	v5 =	vshra.s32 v10, $0x6;
	vm4 =	veq.s32 v6, v4  }
0xa0: {  	v63 =	vadd.s32 v2, v12;
	v6 =	vshra.s32 v11, $0x6;
	vm5 =	veq.s32 v5, v4  }
0xa1: {  	v5 =	vadd.s32 v2, v17;
	vm6 =	veq.s32 v6, v4;
	[tilespmem:v7+s12+$0x0] =	vst.idx.add.s32.msk vm0, v3  }
0xa2: {  	p0 =	seq.s32 s21, $0x4;
	v6 =	vadd.s32 v2, v18;
	[tilespmem:v60+s12+$0x0] =	vst.idx.add.s32.msk vm1, v3  }
.Ltmp3:
0xa3: {  	[tilespmem:v61+s12+$0x0] =	vst.idx.add.s32.msk vm2, v3;
	(pc) =	sbr.rel @!p0 .LBB2_4-.Ltmp3, $4  }
0xa4: {  	[tilespmem:v62+s12+$0x0] =	vst.idx.add.s32.msk vm3, v3  }
0xa5: {  	[tilespmem:v63+s12+$0x0] =	vst.idx.add.s32.msk vm4, v3  }
0xa6: {  	[tilespmem:v5+s12+$0x0] =	vst.idx.add.s32.msk vm5, v3  }
0xa7: {  	s19 =	sadd.s32 $0x8000, s19;
	s20 =	sadd.s32 $0x8000, s20;
	[tilespmem:v6+s12+$0x0] =	vst.idx.add.s32.msk vm6, v3  }
0xa8: {  	s18 =	simm.s32 $0x0  }
0xa9: {  	v5 =	vld [tilespmem:s18+$0x8090]  }
0xaa: {  	v6 =	vld [tilespmem:s18+$0x9090]  }
0xab: {  	v7 =	vld [tilespmem:s18+$0xA090]  }
0xac: {  	v8 =	vld [tilespmem:s18+$0xB090]  }
0xad: {  	v9 =	vld [tilespmem:s18+$0xC090]  }
0xae: {  	v10 =	vld [tilespmem:s18+$0xD090]  }
0xaf: {  	v11 =	vld [tilespmem:s18+$0xE090]  }
0xb0: {  	v12 =	vld [tilespmem:s18+$0xF090]  }
0xb1: {  	v13 =	vld [tilespmem:s18+$0x10090]  }
0xb2: {  	v14 =	vld [tilespmem:s18+$0x11090]  }
0xb3: {  	v15 =	vld [tilespmem:s18+$0x12090]  }
0xb4: {  	v16 =	vld [tilespmem:s18+$0x13090]  }
0xb5: {  	v17 =	vld [tilespmem:s18+$0x14090]  }
0xb6: {  	s19 =	simm.s32 $0x0;
	v18 =	vld [tilespmem:s18+$0x15090]  }
0xb7: {  	s20 =	sand.u32 $0xFE0, s19;
	v19 =	vld [tilespmem:s18+$0x17090]  }
0xb8: {  	v4 =	vld [tilespmem:s20+$0x9080];
	v5 =	vadd.s32 v5, v6  }
0xb9: {  	v63 =	vld [tilespmem:s20+$0xE080];
	v5 =	vadd.s32 v7, v5  }
0xba: {  	v7 =	vld [tilespmem:s18+$0x8080];
	v5 =	vadd.s32 v8, v5  }
0xbb: {  	v8 =	vld [tilespmem:s20+$0xA080];
	v5 =	vadd.s32 v9, v5  }
0xbc: {  	v9 =	vld [tilespmem:s20+$0xB080];
	v5 =	vadd.s32 v10, v5  }
0xbd: {  	v10 =	vld [tilespmem:s20+$0xC080];
	v5 =	vadd.s32 v11, v5  }
0xbe: {  	v11 =	vld [tilespmem:s20+$0xD080];
	v5 =	vadd.s32 v12, v5  }
0xbf: {  	v6 =	vld [tilespmem:s18+$0x16090];
	v4 =	vadd.s32 v7, v4;
	v5 =	vadd.s32 v13, v5  }
0xc0: {  	v4 =	vadd.s32 v8, v4;
	v8 =	vld [tilespmem:s20+$0xF080];
	v5 =	vadd.s32 v14, v5  }
0xc1: {  	v4 =	vadd.s32 v9, v4;
	v9 =	vld [tilespmem:s20+$0x10080];
	v5 =	vadd.s32 v15, v5  }
0xc2: {  	v4 =	vadd.s32 v10, v4;
	v10 =	vld [tilespmem:s20+$0x11080];
	v5 =	vadd.s32 v16, v5  }
0xc3: {  	v7 =	vld [tilespmem:s20+$0x12080];
	v4 =	vadd.s32 v11, v4;
	v5 =	vadd.s32 v17, v5  }
0xc4: {  	v11 =	vadd.s32 v63, v4;
	v4 =	vld [tilespmem:s20+$0x13080];
	v5 =	vadd.s32 v18, v5  }
0xc5: {  	v8 =	vadd.s32 v8, v11;
	v6 =	vadd.s32 v6, v5;
	v5 =	vld [tilespmem:s20+$0x14080]  }
0xc6: {  	v8 =	vadd.s32 v9, v8;
	v11 =	vadd.s32 v19, v6;
	v6 =	vld [tilespmem:s20+$0x15080]  }
0xc7: {  	s21 =	simm.s32 $0x0;
	s22 =	simm.s32 $0x20;
	v9 =	vadd.s32 v10, v8;
	v8 =	vld [tilespmem:s20+$0x16080];
	[tilespmem:s18+$0x18090] =	vst v11  }
.LBB2_10:
0xc8: {  	v7 =	vadd.s32 v7, v9;
	v9 =	vld [tilespmem:s20+$0x17080];
	s20 =	sand.u32 $0xFE0, s22;
	s19 =	sadd.s32 $0x80, s19  }
0xc9: {  	s1 =	sshra.s32 s19, $0x2;
	v10 =	vld [tilespmem:s20+$0x9080];
	v4 =	vadd.s32 v4, v7  }
0xca: {  	s21 =	sadd.s32 $0x2, s21;
	v7 =	vld [tilespmem:s1+$0x8090];
	v4 =	vadd.s32 v5, v4  }
0xcb: {  	p0 =	slt.u32 s21, $0xFE;
	v5 =	vld [tilespmem:s1+$0x9090];
	v4 =	vadd.s32 v6, v4  }
0xcc: {  	v6 =	vld [tilespmem:s1+$0xA090];
	v4 =	vadd.s32 v8, v4  }
0xcd: {  	v8 =	vld [tilespmem:s1+$0xB090];
	v4 =	vadd.s32 v9, v4  }
0xce: {  	v9 =	vld [tilespmem:s1+$0xC090];
	[tilespmem:s18+$0x18080] =	vst v4;
	s18 =	smov.u32 s1  }
0xcf: {  	v4 =	vld [tilespmem:s18+$0xD090]  }
0xd0: {  	v5 =	vadd.s32 v7, v5;
	v7 =	vld [tilespmem:s18+$0xE090]  }
0xd1: {  	v5 =	vadd.s32 v6, v5;
	v6 =	vld [tilespmem:s18+$0xF090]  }
0xd2: {  	v5 =	vadd.s32 v8, v5;
	v8 =	vld [tilespmem:s18+$0x10090]  }
0xd3: {  	v5 =	vadd.s32 v9, v5;
	v9 =	vld [tilespmem:s18+$0x11090]  }
0xd4: {  	v4 =	vadd.s32 v4, v5;
	v5 =	vld [tilespmem:s18+$0x12090]  }
0xd5: {  	v4 =	vadd.s32 v7, v4;
	v7 =	vld [tilespmem:s18+$0x13090]  }
0xd6: {  	v4 =	vadd.s32 v6, v4;
	v6 =	vld [tilespmem:s18+$0x14090]  }
0xd7: {  	v4 =	vadd.s32 v8, v4;
	v8 =	vld [tilespmem:s18+$0x15090]  }
0xd8: {  	v4 =	vadd.s32 v9, v4;
	v9 =	vld [tilespmem:s18+$0x16090]  }
0xd9: {  	v4 =	vadd.s32 v5, v4;
	v5 =	vld [tilespmem:s18+$0x17090]  }
0xda: {  	v11 =	vld [tilespmem:s18+$0x8080];
	v4 =	vadd.s32 v7, v4  }
0xdb: {  	v7 =	vld [tilespmem:s20+$0xA080];
	v4 =	vadd.s32 v6, v4  }
0xdc: {  	v6 =	vld [tilespmem:s20+$0xB080];
	v4 =	vadd.s32 v8, v4  }
0xdd: {  	v8 =	vld [tilespmem:s20+$0xC080];
	v4 =	vadd.s32 v9, v4  }
0xde: {  	v9 =	vld [tilespmem:s20+$0xD080];
	v4 =	vadd.s32 v5, v4  }
0xdf: {  	v5 =	vadd.s32 v11, v10;
	v10 =	vld [tilespmem:s20+$0xE080];
	[tilespmem:s18+$0x18090] =	vst v4  }
0xe0: {  	v4 =	vadd.s32 v7, v5;
	v5 =	vld [tilespmem:s20+$0xF080]  }
0xe1: {  	v4 =	vadd.s32 v6, v4;
	v6 =	vld [tilespmem:s20+$0x10080]  }
0xe2: {  	v4 =	vadd.s32 v8, v4;
	v8 =	vld [tilespmem:s20+$0x11080]  }
.Ltmp4:
0xe3: {  	v4 =	vadd.s32 v9, v4;
	v7 =	vld [tilespmem:s20+$0x12080];
	(pc) =	sbr.rel @p0 .LBB2_10-.Ltmp4, $4  }
0xe4: {  	v9 =	vadd.s32 v10, v4;
	v4 =	vld [tilespmem:s20+$0x13080]  }
0xe5: {  	v9 =	vadd.s32 v5, v9;
	v5 =	vld [tilespmem:s20+$0x14080]  }
0xe6: {  	v9 =	vadd.s32 v6, v9;
	v6 =	vld [tilespmem:s20+$0x15080]  }
0xe7: {  	s22 =	sadd.s32 $0x20, s22;
	v9 =	vadd.s32 v8, v9;
	v8 =	vld [tilespmem:s20+$0x16080]  }
0xe8: {  	v7 =	vadd.s32 v7, v9;
	v63 =	vld [tilespmem:s20+$0x17080]  }
0xe9: {  	v4 =	vadd.s32 v4, v7  }
0xea: {  	v4 =	vadd.s32 v5, v4  }
0xeb: {  	v4 =	vadd.s32 v6, v4  }
0xec: {  	s17 =	sadd.s32 $0x1, s17;
	v4 =	vadd.s32 v8, v4  }
0xed: {  	p0 =	sne.s32 s17, s7;
	v4 =	vadd.s32 v63, v4  }
.Ltmp5:
0xee: {  	[tilespmem:s18+$0x18080] =	vst v4;
	(pc) =	sbr.rel @p0 .LBB2_1-.Ltmp5, $4  }
0xef: {  	[hbm4b:s6+s14] =	stream.strided.scatter [tilespmem:s16], [sflag:$0x3], $0x1000, s15, s14, $0x38;
	[tilespmem:$0x19080] =	vst v63  }
0xf0: {  	_ =	swait.ge [sflag:s9], $0x1000  }
0xf1: {  	[sflag:s9] =	ssyncset.done $0x0  }
0xf2: {  	[sflag:s9] =	ssyncadd.s32 $0xFFFFF000  }
0xf3: {  	_ =	sfence.sel $0x180000  }
0xf4: {  	[bflag:$0x0] =	sbarrier.arrive $0xFFFF  }
0xf5: {  	_ =	strace $0x90000053  }
0xf6: {  	[bflag:$0x2] =	sbarrier.arrive $0xFFFF  }
0xf7: {  	p0 =	sne.s32 s0, $0x0;
	s0 =	rddreg [dreg:$0x2]  }
0xf8: {  	s0 =	sadd.s32 @!p0 $0x100000, s0  }
0xf9: {  	[sflag:s0] =	ssyncadd.tile.s32 @!p0 $0x1;
	_ =	shalt  }
.Lfunc_end2:
_tile_overlayer_lowered:
.L_overlay_start_2:
0xfa: {  	(tag) =	ssettag $0x2  }
0xfb: {  	s0 =	rddreg [dreg:$0x0];
	s2 =	stileid.u32  }
0xfc: {  	s1 =	rddreg [dreg:$0x1];
	p0 =	sne.s32 s2, $0x0  }
0xfd: {  	s3 =	rddreg [dreg:$0x2];
	[bflag:$0x3] =	sbarrier.arrive $0xFFFF;
	s2 =	simm.s32 @!p0 $0x1C03  }
0xfe: {  	[timem:s3], [sflag:s2] =	dma.local @!p0 [hbm:s0], s1  }
0xff: {  	s0 =	simm.s32 @!p0 $0x3  }
0x100: {  	_ =	swait.ge @!p0 [sflag:s0], s1  }
0x101: {  	s1 =	ssub.s32 @!p0 $0x0, s1;
	[sflag:s0] =	ssyncset.done @!p0 $0x0  }
0x102: {  	[sflag:s0] =	ssyncadd.s32 @!p0 s1  }
0x103: {  	[bflag:$0x3] =	sbarrier.arrive $0xFFFF  }
0x104: {  	_ =	shalt  }

</sc_bundles>
